<compile_context>
chip_gen: v7x
topology: tpu7x:2x2x1
jax: 0.10.2.dev20260603
libtpu: 0.0.44.dev20260713+nightly
codegen_flags: <defaults>
</compile_context>

<pallas_src>
import functools

import jax
import jax.numpy as jnp
from jax import lax
from jax.experimental import pallas as pl
from jax.experimental.pallas import tpu as pltpu
from jax.experimental.pallas import tpu_sc as plsc

N = 10000
E = 640000
IN_C = 116
HID = 128
OUT_C = 2

NC, NS = 2, 16
NW = NC * NS
EPW = E // NW
B = 80
NWIN = EPW // B
NBUF = 10
CW = 50
ROWS_BIG = 640
ROWS_LAST = N - 15 * ROWS_BIG
ZR = 80

BR = 2000
GR = N // BR

@functools.lru_cache(maxsize=None)
def _mesh():
  return plsc.VectorSubcoreMesh(
      core_axis_name="c", subcore_axis_name="s", num_cores=NC, num_subcores=NS)


def _zero_fill(zbuf, F):
  zv = jnp.zeros((16,), jnp.float32)

  @pl.loop(0, ZR)
  def _(r):
    for j in range(F // 16):
      zbuf[r, pl.ds(j * 16, 16)] = zv


def _zero_acc(zbuf, acc, s, F):
  _zero_fill(zbuf, F)
  nz = jnp.where(s == NS - 1, ROWS_LAST // ZR, ROWS_BIG // ZR)

  @pl.loop(0, nz)
  def _(k):
    pltpu.sync_copy(zbuf, acc.at[pl.ds(s * ROWS_BIG + k * ZR, ZR)])


def _readout(acc, out_hbm, c, s):
  @pl.when(s < NS - 1)
  def _():
    pltpu.sync_copy(acc.at[pl.ds(s * ROWS_BIG, ROWS_BIG)],
                    out_hbm.at[c, pl.ds(s * ROWS_BIG, ROWS_BIG)])

  @pl.when(s == NS - 1)
  def _():
    pltpu.sync_copy(acc.at[pl.ds((NS - 1) * ROWS_BIG, ROWS_LAST)],
                    out_hbm.at[c, pl.ds((NS - 1) * ROWS_BIG, ROWS_LAST)])


@functools.lru_cache(maxsize=None)
def _make_spmm(feature_split):
  if feature_split:
    fa = HID // NC
    nwin = E // NS // B
    cw, nbuf = 100, 10
  else:
    fa = 16
    nwin = E // NW // B
    cw, nbuf = 50, 10
  nch = nwin // cw
  ngrp = cw // nbuf

  scratch = [
      pltpu.VMEM((2, cw, B), jnp.int32),
      pltpu.VMEM((2, cw, B), jnp.int32),
      pltpu.VMEM_SHARED((N, fa), jnp.float32),
      pltpu.VMEM((ZR, fa), jnp.float32),
  ]
  scratch += [pltpu.VMEM((B, fa), jnp.float32) for _ in range(nbuf)]
  scratch += [pltpu.SemaphoreType.DMA for _ in range(2 * nbuf + 1)]

  @functools.partial(
      pl.kernel,
      out_type=jax.ShapeDtypeStruct((NC, N, fa), jnp.float32),
      mesh=_mesh(),
      compiler_params=pltpu.CompilerParams(use_tc_tiling_on_sc=False),
      scratch_types=scratch)
  def spmm(hs_hbm, src_hbm, dst_hbm, out_hbm, srcv, dstv, acc, zbuf, *rest):
    rows = rest[:nbuf]
    gsem = rest[nbuf:2 * nbuf]
    ssem = rest[2 * nbuf:3 * nbuf]
    isem = rest[3 * nbuf]
    c = lax.axis_index("c")
    s = lax.axis_index("s")
    iw = s if feature_split else c * NS + s
    table = hs_hbm.at[c] if feature_split else hs_hbm

    def ichunk_start(k, p):
      pltpu.async_copy(src_hbm.at[iw, pl.ds(k * cw, cw)], srcv.at[p], isem)
      pltpu.async_copy(dst_hbm.at[iw, pl.ds(k * cw, cw)], dstv.at[p], isem)

    def ichunk_wait(p):
      pltpu.make_async_copy(src_hbm.at[iw, pl.ds(0, cw)], srcv.at[p],
                            isem).wait()
      pltpu.make_async_copy(dst_hbm.at[iw, pl.ds(0, cw)], dstv.at[p],
                            isem).wait()

    def gather_start(p, w, b):
      pltpu.async_copy(table.at[srcv.at[p, w]], rows[b], gsem[b])

    def gather_wait(b):
      pltpu.make_async_copy(table.at[srcv.at[0, 0]], rows[b], gsem[b]).wait()

    def scat_start(p, w, b):
      pltpu.async_copy(rows[b], acc.at[dstv.at[p, w]], ssem[b], add=True)

    def scat_wait(b):
      pltpu.make_async_copy(rows[b], acc.at[dstv.at[0, 0]], ssem[b]).wait()

    ichunk_start(0, 0)
    _zero_acc(zbuf, acc, s, fa)
    plsc.subcore_barrier()

    @pl.loop(0, nch)
    def _(k):
      p = lax.rem(k, 2)
      ichunk_wait(p)

      @pl.when(k + 1 < nch)
      def _():
        ichunk_start(k + 1, 1 - p)

      for b in range(nbuf):
        gather_start(p, b, b)

      @pl.loop(0, ngrp)
      def _(g):
        w0 = g * nbuf
        for b in range(nbuf):
          gather_wait(b)
          scat_start(p, w0 + b, b)
        for b in range(nbuf):
          scat_wait(b)

          @pl.when(g + 1 < ngrp)
          def _():
            gather_start(p, w0 + nbuf + b, b)

    plsc.subcore_barrier()
    _readout(acc, out_hbm, c, s)

  return spmm


@functools.lru_cache(maxsize=None)
def _make_deg():
  nch = NWIN // CW
  ngrp = CW // NBUF
  scratch = [
      pltpu.VMEM((2, CW, B), jnp.int32),
      pltpu.VMEM_SHARED((N, 16), jnp.float32),
      pltpu.VMEM((ZR, 16), jnp.float32),
      pltpu.VMEM((B, 16), jnp.float32),
  ] + [pltpu.SemaphoreType.DMA for _ in range(NBUF + 1)]

  @functools.partial(
      pl.kernel,
      out_type=jax.ShapeDtypeStruct((NC, N, 16), jnp.float32),
      mesh=_mesh(),
      compiler_params=pltpu.CompilerParams(use_tc_tiling_on_sc=False),
      scratch_types=scratch)
  def deg(dst_hbm, out_hbm, dstv, acc, zbuf, ones_v, *sems):
    ssem = sems[:NBUF]
    isem = sems[NBUF]
    c = lax.axis_index("c")
    s = lax.axis_index("s")
    wid = c * NS + s

    def ichunk_start(k, p):
      pltpu.async_copy(dst_hbm.at[wid, pl.ds(k * CW, CW)], dstv.at[p], isem)

    def ichunk_wait(p):
      pltpu.make_async_copy(dst_hbm.at[wid, pl.ds(0, CW)], dstv.at[p],
                            isem).wait()

    ichunk_start(0, 0)
    ov = jnp.ones((16,), jnp.float32)

    @pl.loop(0, B)
    def _(r):
      ones_v[r, pl.ds(0, 16)] = ov

    _zero_acc(zbuf, acc, s, 16)
    plsc.subcore_barrier()

    @pl.loop(0, nch)
    def _(k):
      p = lax.rem(k, 2)
      ichunk_wait(p)

      @pl.when(k + 1 < nch)
      def _():
        ichunk_start(k + 1, 1 - p)

      @pl.loop(0, ngrp)
      def _(g):
        for b in range(NBUF):
          pltpu.async_copy(ones_v, acc.at[dstv.at[p, g * NBUF + b]], ssem[b],
                           add=True)
        for b in range(NBUF):
          pltpu.make_async_copy(ones_v, acc.at[dstv.at[0, 0]], ssem[b]).wait()

    plsc.subcore_barrier()
    _readout(acc, out_hbm, c, s)

  return deg


def _dinv_of(degp_ref):
  deg = degp_ref[0, :, 0] + degp_ref[1, :, 0] + 1.0
  return lax.rsqrt(deg)


FH = HID // NC


def _split_store(out_ref, h):
  out_ref[0] = h[:, :FH]
  out_ref[1] = h[:, FH:]


def _tc1_body(x_ref, w1_ref, degp_ref, hs1_ref):
  dinv = _dinv_of(degp_ref)
  h = jnp.dot(x_ref[...], w1_ref[...], preferred_element_type=jnp.float32)
  _split_store(hs1_ref, h * dinv[:, None])


def _tc_mid_body(p_ref, hs_ref, degp_ref, w_ref, b_ref, out_ref, *, split):
  dinv = _dinv_of(degp_ref)
  agg = jnp.concatenate([p_ref[0] + hs_ref[0], p_ref[1] + hs_ref[1]], axis=1)
  h = jnp.maximum(dinv[:, None] * agg + b_ref[...], 0.0)
  hs = jnp.dot(h, w_ref[...], preferred_element_type=jnp.float32)
  hs = hs * dinv[:, None]
  if split:
    _split_store(out_ref, hs)
  else:
    out_ref[...] = hs


def _tc4_body(p_ref, hs_ref, degp_ref, b3_ref, out_ref):
  dinv = _dinv_of(degp_ref)
  agg = dinv[:, None] * (p_ref[0] + p_ref[1] + hs_ref[...])
  out_ref[...] = agg[:, :OUT_C] + b3_ref[...]


def _deg_spec():
  return pl.BlockSpec((2, BR, 16), lambda i: (0, i, 0))


def _half_spec():
  return pl.BlockSpec((2, BR, FH), lambda i: (0, i, 0))


_tc1 = pl.pallas_call(
    _tc1_body,
    grid=(GR,),
    in_specs=[
        pl.BlockSpec((BR, IN_C), lambda i: (i, 0)),
        pl.BlockSpec((IN_C, HID), lambda i: (0, 0)),
        _deg_spec(),
    ],
    out_specs=_half_spec(),
    out_shape=jax.ShapeDtypeStruct((NC, N, FH), jnp.float32))


def _tc_mid(FW, split):
  return pl.pallas_call(
      functools.partial(_tc_mid_body, split=split),
      grid=(GR,),
      in_specs=[
          _half_spec(),
          _half_spec(),
          _deg_spec(),
          pl.BlockSpec((HID, FW), lambda i: (0, 0)),
          pl.BlockSpec((1, HID), lambda i: (0, 0)),
      ],
      out_specs=_half_spec() if split else pl.BlockSpec(
          (BR, FW), lambda i: (i, 0)),
      out_shape=jax.ShapeDtypeStruct(
          (NC, N, FH) if split else (N, FW), jnp.float32))


_tc2 = _tc_mid(HID, split=True)
_tc3 = _tc_mid(16, split=False)

_tc4 = pl.pallas_call(
    _tc4_body,
    grid=(GR,),
    in_specs=[
        pl.BlockSpec((2, BR, 16), lambda i: (0, i, 0)),
        pl.BlockSpec((BR, 16), lambda i: (i, 0)),
        _deg_spec(),
        pl.BlockSpec((1, OUT_C), lambda i: (0, 0)),
    ],
    out_specs=pl.BlockSpec((BR, OUT_C), lambda i: (i, 0)),
    out_shape=jax.ShapeDtypeStruct((N, OUT_C), jnp.float32))


def kernel(x, edge_index, W1, b1, W2, b2, W3, b3):
  src_e = edge_index[0].reshape(NW, NWIN, B)
  dst_e = edge_index[1].reshape(NW, NWIN, B)
  src_f = edge_index[0].reshape(NS, E // NS // B, B)
  dst_f = edge_index[1].reshape(NS, E // NS // B, B)

  spmm_hid = _make_spmm(True)
  spmm_16 = _make_spmm(False)

  degp = _make_deg()(dst_e)
  hs1 = _tc1(x, W1, degp)
  p1 = spmm_hid(hs1, src_f, dst_f)
  hs2 = _tc2(p1, hs1, degp, W2, b1.reshape(1, HID))
  p2 = spmm_hid(hs2, src_f, dst_f)
  W3p = jnp.pad(W3, ((0, 0), (0, 16 - OUT_C)))
  hs3 = _tc3(p2, hs2, degp, W3p, b2.reshape(1, HID))
  p3 = spmm_16(hs3, src_e, dst_e)
  out = _tc4(p3, hs3, degp, b3.reshape(1, OUT_C))
  return out

# --- scband reference (transcript-rebuilt; emitter-appended) ---
"""Pipeline reference for scband-cwe416-53618371723275 (READ-ONLY COPY).

The authoritative reference and input builder live on the scoring server;
editing this copy changes nothing except your own understanding.
"""

import jax, jax.numpy as jnp
import numpy as np

N = 10000
E = 640000
IN_C = 116
HID = 128
OUT_C = 2


def setup_inputs(seed: int = 0):
    key = jax.random.key(seed)
    ks = jax.random.split(key, 8)
    x = jax.random.normal(ks[0], (N, IN_C), dtype=jnp.float32)
    edge_index = jax.random.randint(ks[1], (2, E), 0, N, dtype=jnp.int32)
    W1 = jax.random.normal(ks[2], (IN_C, HID), dtype=jnp.float32) * 0.05
    b1 = jnp.zeros((HID,), dtype=jnp.float32)
    W2 = jax.random.normal(ks[3], (HID, HID), dtype=jnp.float32) * 0.05
    b2 = jnp.zeros((HID,), dtype=jnp.float32)
    W3 = jax.random.normal(ks[4], (HID, OUT_C), dtype=jnp.float32) * 0.05
    b3 = jnp.zeros((OUT_C,), dtype=jnp.float32)
    return {"x": x, "edge_index": edge_index, "W1": W1, "b1": b1, "W2": W2, "b2": b2, "W3": W3, "b3": b3}


def _gcn_conv(x, W, b, src, dst, dinv):
    # GCNConv: D^{-1/2} (A + I) D^{-1/2} X W + b  (self-loops already in src/dst)
    h = x @ W
    norm = (dinv[src] * dinv[dst])[:, None]
    msg = h[src] * norm
    agg = jax.ops.segment_sum(msg, dst, num_segments=N)
    return agg + b


def reference(x, edge_index, W1, b1, W2, b2, W3, b3):
    loop = jnp.arange(N, dtype=edge_index.dtype)
    src = jnp.concatenate([edge_index[0], loop])
    dst = jnp.concatenate([edge_index[1], loop])
    deg = jax.ops.segment_sum(jnp.ones(src.shape[0], dtype=jnp.float32), dst, num_segments=N)
    dinv = jnp.where(deg > 0, jax.lax.rsqrt(jnp.maximum(deg, 1e-12)), 0.0)
    h = jax.nn.relu(_gcn_conv(x, W1, b1, src, dst, dinv))
    h = jax.nn.relu(_gcn_conv(h, W2, b2, src, dst, dinv))
    out = _gcn_conv(h, W3, b3, src, dst, dinv)
    return out

if __name__ == "__main__":
    import jax
    _d = setup_inputs()
    print(jax.jit(kernel)(*tuple(_d.values())))

</pallas_src>

<mosaic_0001>
#map = affine_map<(d0, d1) -> (0, 0)>
#map1 = affine_map<(d0, d1) -> (0, 0, 0)>
module attributes {stable_mosaic.version = 14 : i64} {
  func.func @spmm(%arg0: i32, %arg1: i32, %arg2: memref<10000x16xf32, #tpu.memory_space<hbm>>, %arg3: memref<32x250x80xi32, #tpu.memory_space<hbm>>, %arg4: memref<32x250x80xi32, #tpu.memory_space<hbm>>, %arg5: memref<2x10000x16xf32, #tpu.memory_space<hbm>>, %arg6: memref<2x50x80xi32, #tpu.memory_space<vmem>>, %arg7: memref<2x50x80xi32, #tpu.memory_space<vmem>>, %arg8: memref<10000x16xf32, #tpu.memory_space<vmem_shared>>, %arg9: memref<80x16xf32, #tpu.memory_space<vmem>>, %arg10: memref<80x16xf32, #tpu.memory_space<vmem>>, %arg11: memref<80x16xf32, #tpu.memory_space<vmem>>, %arg12: memref<80x16xf32, #tpu.memory_space<vmem>>, %arg13: memref<80x16xf32, #tpu.memory_space<vmem>>, %arg14: memref<80x16xf32, #tpu.memory_space<vmem>>, %arg15: memref<80x16xf32, #tpu.memory_space<vmem>>, %arg16: memref<80x16xf32, #tpu.memory_space<vmem>>, %arg17: memref<80x16xf32, #tpu.memory_space<vmem>>, %arg18: memref<80x16xf32, #tpu.memory_space<vmem>>, %arg19: memref<80x16xf32, #tpu.memory_space<vmem>>, %arg20: memref<!tpu.dma_semaphore, #tpu.memory_space<semaphore_mem>>, %arg21: memref<!tpu.dma_semaphore, #tpu.memory_space<semaphore_mem>>, %arg22: memref<!tpu.dma_semaphore, #tpu.memory_space<semaphore_mem>>, %arg23: memref<!tpu.dma_semaphore, #tpu.memory_space<semaphore_mem>>, %arg24: memref<!tpu.dma_semaphore, #tpu.memory_space<semaphore_mem>>, %arg25: memref<!tpu.dma_semaphore, #tpu.memory_space<semaphore_mem>>, %arg26: memref<!tpu.dma_semaphore, #tpu.memory_space<semaphore_mem>>, %arg27: memref<!tpu.dma_semaphore, #tpu.memory_space<semaphore_mem>>, %arg28: memref<!tpu.dma_semaphore, #tpu.memory_space<semaphore_mem>>, %arg29: memref<!tpu.dma_semaphore, #tpu.memory_space<semaphore_mem>>, %arg30: memref<!tpu.dma_semaphore, #tpu.memory_space<semaphore_mem>>, %arg31: memref<!tpu.dma_semaphore, #tpu.memory_space<semaphore_mem>>, %arg32: memref<!tpu.dma_semaphore, #tpu.memory_space<semaphore_mem>>, %arg33: memref<!tpu.dma_semaphore, #tpu.memory_space<semaphore_mem>>, %arg34: memref<!tpu.dma_semaphore, #tpu.memory_space<semaphore_mem>>, %arg35: memref<!tpu.dma_semaphore, #tpu.memory_space<semaphore_mem>>, %arg36: memref<!tpu.dma_semaphore, #tpu.memory_space<semaphore_mem>>, %arg37: memref<!tpu.dma_semaphore, #tpu.memory_space<semaphore_mem>>, %arg38: memref<!tpu.dma_semaphore, #tpu.memory_space<semaphore_mem>>, %arg39: memref<!tpu.dma_semaphore, #tpu.memory_space<semaphore_mem>>, %arg40: memref<!tpu.dma_semaphore, #tpu.memory_space<semaphore_mem>>) attributes {dimension_semantics = [#tpu.dimension_semantics<core_parallel>, #tpu.dimension_semantics<subcore_parallel>], iteration_bounds = array<i64: 2, 16>, scalar_prefetch = 0 : i64, scratch_operands = 35 : i64, tpu.core_type = #tpu.core_type<sc_vector_subcore>, window_params = [{transform_indices = #map}, {transform_indices = #map1}, {transform_indices = #map1}, {transform_indices = #map1}]} {
    %mul3A = arith.constant 16 : i32
    %mul3A_0 = arith.muli %arg0, %mul3A : i32
    %add3A = arith.addi %mul3A_0, %arg1 : i32
    %dma_start3A = arith.constant 0 : i32
    %dma_start3A_1 = arith.constant 0 : i32
    %dma_start3A_2 = arith.constant 0 : i32
    %dma_start3A_3 = tpu.memref_slice %arg6[%dma_start3A, %dma_start3A_1, %dma_start3A_2] : memref<2x50x80xi32, #tpu.memory_space<vmem>> -> memref<1x50x80xi32, #tpu.memory_space<vmem>>
    %dma_start3A_4 = tpu.memref_squeeze %dma_start3A_3 : memref<1x50x80xi32, #tpu.memory_space<vmem>> -> memref<50x80xi32, #tpu.memory_space<vmem>>
    %dma_start3A_5 = arith.constant 0 : i32
    %dma_start3A_6 = arith.constant 0 : i32
    %dma_start3A_7 = tpu.memref_slice %arg3[%add3A, %dma_start3A_5, %dma_start3A_6] : memref<32x250x80xi32, #tpu.memory_space<hbm>> -> memref<1x50x80xi32, #tpu.memory_space<hbm>>
    %dma_start3A_8 = tpu.memref_squeeze %dma_start3A_7 : memref<1x50x80xi32, #tpu.memory_space<hbm>> -> memref<50x80xi32, #tpu.memory_space<hbm>>
    %dma_start3A_9 = arith.constant 0 : i32
    %dma_start3A_10 = arith.constant 0 : i32
    %dma_start3A_11 = tpu.memref_slice %arg6[%dma_start3A, %dma_start3A_9, %dma_start3A_10] : memref<2x50x80xi32, #tpu.memory_space<vmem>> -> memref<1x50x80xi32, #tpu.memory_space<vmem>>
    %dma_start3A_12 = tpu.memref_squeeze %dma_start3A_11 : memref<1x50x80xi32, #tpu.memory_space<vmem>> -> memref<50x80xi32, #tpu.memory_space<vmem>>
    %dma_start3A_13 = arith.constant 0 : i32
    %dma_start3A_14 = arith.constant 0 : i32
    %dma_start3A_15 = tpu.memref_slice %arg3[%add3A, %dma_start3A_13, %dma_start3A_14] : memref<32x250x80xi32, #tpu.memory_space<hbm>> -> memref<1x50x80xi32, #tpu.memory_space<hbm>>
    %dma_start3A_16 = tpu.memref_squeeze %dma_start3A_15 : memref<1x50x80xi32, #tpu.memory_space<hbm>> -> memref<50x80xi32, #tpu.memory_space<hbm>>
    tpu.enqueue_dma source(%dma_start3A_16 : memref<50x80xi32, #tpu.memory_space<hbm>>) target(%dma_start3A_12 : memref<50x80xi32, #tpu.memory_space<vmem>>) target_semaphore(%arg40 : memref<!tpu.dma_semaphore, #tpu.memory_space<semaphore_mem>>)
    %dma_start3A_17 = arith.constant 0 : i32
    %dma_start3A_18 = arith.constant 0 : i32
    %dma_start3A_19 = arith.constant 0 : i32
    %dma_start3A_20 = tpu.memref_slice %arg7[%dma_start3A_17, %dma_start3A_18, %dma_start3A_19] : memref<2x50x80xi32, #tpu.memory_space<vmem>> -> memref<1x50x80xi32, #tpu.memory_space<vmem>>
    %dma_start3A_21 = tpu.memref_squeeze %dma_start3A_20 : memref<1x50x80xi32, #tpu.memory_space<vmem>> -> memref<50x80xi32, #tpu.memory_space<vmem>>
    %dma_start3A_22 = arith.constant 0 : i32
    %dma_start3A_23 = arith.constant 0 : i32
    %dma_start3A_24 = tpu.memref_slice %arg4[%add3A, %dma_start3A_22, %dma_start3A_23] : memref<32x250x80xi32, #tpu.memory_space<hbm>> -> memref<1x50x80xi32, #tpu.memory_space<hbm>>
    %dma_start3A_25 = tpu.memref_squeeze %dma_start3A_24 : memref<1x50x80xi32, #tpu.memory_space<hbm>> -> memref<50x80xi32, #tpu.memory_space<hbm>>
    %dma_start3A_26 = arith.constant 0 : i32
    %dma_start3A_27 = arith.constant 0 : i32
    %dma_start3A_28 = tpu.memref_slice %arg7[%dma_start3A_17, %dma_start3A_26, %dma_start3A_27] : memref<2x50x80xi32, #tpu.memory_space<vmem>> -> memref<1x50x80xi32, #tpu.memory_space<vmem>>
    %dma_start3A_29 = tpu.memref_squeeze %dma_start3A_28 : memref<1x50x80xi32, #tpu.memory_space<vmem>> -> memref<50x80xi32, #tpu.memory_space<vmem>>
    %dma_start3A_30 = arith.constant 0 : i32
    %dma_start3A_31 = arith.constant 0 : i32
    %dma_start3A_32 = tpu.memref_slice %arg4[%add3A, %dma_start3A_30, %dma_start3A_31] : memref<32x250x80xi32, #tpu.memory_space<hbm>> -> memref<1x50x80xi32, #tpu.memory_space<hbm>>
    %dma_start3A_33 = tpu.memref_squeeze %dma_start3A_32 : memref<1x50x80xi32, #tpu.memory_space<hbm>> -> memref<50x80xi32, #tpu.memory_space<hbm>>
    tpu.enqueue_dma source(%dma_start3A_33 : memref<50x80xi32, #tpu.memory_space<hbm>>) target(%dma_start3A_29 : memref<50x80xi32, #tpu.memory_space<vmem>>) target_semaphore(%arg40 : memref<!tpu.dma_semaphore, #tpu.memory_space<semaphore_mem>>)
    %broadcast_in_dim3A = arith.constant 0.000000e+00 : f32
    %broadcast_in_dim3A_34 = vector.broadcast %broadcast_in_dim3A : f32 to vector<16xf32>
    %scan3A = arith.constant 0 : i32
    %scan3A_35 = arith.constant 80 : i32
    %scan3A_36 = arith.addi %scan3A, %scan3A_35 : i32
    %scan3A_37 = arith.constant 1 : i32
    scf.for %scan3A_70 = %scan3A to %scan3A_36 step %scan3A_37  : i32 {
      %mul3A_71 = arith.constant 1 : i32
      %mul3A_72 = arith.muli %scan3A_70, %mul3A_71 : i32
      %add3A_73 = arith.constant 0 : i32
      %add3A_74 = arith.addi %add3A_73, %mul3A_72 : i32
      %swap3A = arith.index_cast %add3A_74 : i32 to index
      %swap3A_75 = arith.constant 0 : index
      %swap3A_76 = tpu.vector_load %arg9[%swap3A, %swap3A_75] {strides = array<i32>} : memref<80x16xf32, #tpu.memory_space<vmem>>, vector<1x16xf32>,
      %swap3A_77 = vector.shape_cast %swap3A_76 : vector<1x16xf32> to vector<16xf32>
      %swap3A_78 = vector.shape_cast %broadcast_in_dim3A_34 : vector<16xf32> to vector<1x16xf32>
      tpu.vector_store %arg9[%swap3A, %swap3A_75], %swap3A_78 {strides = array<i32>} : memref<80x16xf32, #tpu.memory_space<vmem>>, vector<1x16xf32>,
    }
    %scan3A_38 = arith.constant 80 : i32
    %eq3A = arith.constant 15 : i32
    %eq3A_39 = arith.cmpi eq, %arg1, %eq3A : i32
    %jit3A = arith.constant 5 : i32
    %jit3A_40 = arith.constant 8 : i32
    %select_n3A = arith.select %eq3A_39, %jit3A, %jit3A_40 : i32
    %sub3A = arith.constant 0 : i32
    %sub3A_41 = arith.subi %select_n3A, %sub3A : i32
    %sub3A_42 = arith.constant 1 : i32
    %sub3A_43 = arith.constant 1 : i32
    %sub3A_44 = arith.subi %sub3A_42, %sub3A_43 : i32
    %add3A_45 = arith.addi %sub3A_41, %sub3A_44 : i32
    %div3A = arith.constant 1 : i32
    %div3A_46 = arith.divsi %add3A_45, %div3A : i32
    %while3A = arith.constant 1 : i32
    %while3A_47 = arith.constant 0 : i32
    %while3A_48 = arith.constant 0 : i32
    %while3A_49 = arith.subi %div3A_46, %while3A_48 : i32
    %while3A_50 = arith.addi %while3A_48, %while3A_49 : i32
    %while3A_51 = arith.constant 1 : i32
    %while3A_52 = arith.divsi %while3A_49, %while3A_51 : i32
    %while3A_53 = arith.muli %while3A_52, %while3A_51 : i32
    %while3A_54 = arith.addi %while3A_48, %while3A_53 : i32
    %while3A_55 = arith.constant 1 : i32
    scf.for %while3A_70 = %while3A_48 to %while3A_54 step %while3A_55  : i32 {
      %mul3A_71 = arith.muli %while3A_70, %while3A : i32
      %add3A_72 = arith.addi %while3A_47, %mul3A_71 : i32
      %mul3A_73 = arith.constant 640 : i32
      %mul3A_74 = arith.muli %arg1, %mul3A_73 : i32
      %mul3A_75 = arith.constant 80 : i32
      %mul3A_76 = arith.muli %add3A_72, %mul3A_75 : i32
      %add3A_77 = arith.addi %mul3A_74, %mul3A_76 : i32
      "tpu.region"() ({
        %run_scoped3A = tpu.sem_alloc : memref<!tpu.dma_semaphore, #tpu.memory_space<semaphore_mem>>
        %dma_start3A_78 = arith.constant 0 : i32
        %dma_start3A_79 = tpu.memref_slice %arg8[%add3A_77, %dma_start3A_78] : memref<10000x16xf32, #tpu.memory_space<vmem_shared>> -> memref<80x16xf32, #tpu.memory_space<vmem_shared>>
        %dma_start3A_80 = arith.constant 0 : i32
        %dma_start3A_81 = tpu.memref_slice %arg8[%add3A_77, %dma_start3A_80] : memref<10000x16xf32, #tpu.memory_space<vmem_shared>> -> memref<80x16xf32, #tpu.memory_space<vmem_shared>>
        tpu.enqueue_dma source(%arg9 : memref<80x16xf32, #tpu.memory_space<vmem>>) target(%dma_start3A_81 : memref<80x16xf32, #tpu.memory_space<vmem_shared>>) target_semaphore(%run_scoped3A : memref<!tpu.dma_semaphore, #tpu.memory_space<semaphore_mem>>)
        %dma_wait3A = arith.constant 0 : i32
        %dma_wait3A_82 = tpu.memref_slice %arg8[%add3A_77, %dma_wait3A] : memref<10000x16xf32, #tpu.memory_space<vmem_shared>> -> memref<80x16xf32, #tpu.memory_space<vmem_shared>>
        %dma_wait3A_83 = arith.constant 0 : i32
        %dma_wait3A_84 = tpu.memref_slice %arg8[%add3A_77, %dma_wait3A_83] : memref<10000x16xf32, #tpu.memory_space<vmem_shared>> -> memref<80x16xf32, #tpu.memory_space<vmem_shared>>
        tpu.wait_dma2 semaphore(%run_scoped3A : memref<!tpu.dma_semaphore, #tpu.memory_space<semaphore_mem>>) src(%arg9 : memref<80x16xf32, #tpu.memory_space<vmem>>) dst(%dma_wait3A_84 : memref<80x16xf32, #tpu.memory_space<vmem_shared>>)
        tpu.yield
      }) : () -> ()
    }
    %while3A_56 = arith.constant 1 : i32
    scf.for %while3A_70 = %while3A_54 to %while3A_50 step %while3A_56  : i32 {
      %mul3A_71 = arith.muli %while3A_70, %while3A : i32
      %add3A_72 = arith.addi %while3A_47, %mul3A_71 : i32
      %mul3A_73 = arith.constant 640 : i32
      %mul3A_74 = arith.muli %arg1, %mul3A_73 : i32
      %mul3A_75 = arith.constant 80 : i32
      %mul3A_76 = arith.muli %add3A_72, %mul3A_75 : i32
      %add3A_77 = arith.addi %mul3A_74, %mul3A_76 : i32
      "tpu.region"() ({
        %run_scoped3A = tpu.sem_alloc : memref<!tpu.dma_semaphore, #tpu.memory_space<semaphore_mem>>
        %dma_start3A_78 = arith.constant 0 : i32
        %dma_start3A_79 = tpu.memref_slice %arg8[%add3A_77, %dma_start3A_78] : memref<10000x16xf32, #tpu.memory_space<vmem_shared>> -> memref<80x16xf32, #tpu.memory_space<vmem_shared>>
        %dma_start3A_80 = arith.constant 0 : i32
        %dma_start3A_81 = tpu.memref_slice %arg8[%add3A_77, %dma_start3A_80] : memref<10000x16xf32, #tpu.memory_space<vmem_shared>> -> memref<80x16xf32, #tpu.memory_space<vmem_shared>>
        tpu.enqueue_dma source(%arg9 : memref<80x16xf32, #tpu.memory_space<vmem>>) target(%dma_start3A_81 : memref<80x16xf32, #tpu.memory_space<vmem_shared>>) target_semaphore(%run_scoped3A : memref<!tpu.dma_semaphore, #tpu.memory_space<semaphore_mem>>)
        %dma_wait3A = arith.constant 0 : i32
        %dma_wait3A_82 = tpu.memref_slice %arg8[%add3A_77, %dma_wait3A] : memref<10000x16xf32, #tpu.memory_space<vmem_shared>> -> memref<80x16xf32, #tpu.memory_space<vmem_shared>>
        %dma_wait3A_83 = arith.constant 0 : i32
        %dma_wait3A_84 = tpu.memref_slice %arg8[%add3A_77, %dma_wait3A_83] : memref<10000x16xf32, #tpu.memory_space<vmem_shared>> -> memref<80x16xf32, #tpu.memory_space<vmem_shared>>
        tpu.wait_dma2 semaphore(%run_scoped3A : memref<!tpu.dma_semaphore, #tpu.memory_space<semaphore_mem>>) src(%arg9 : memref<80x16xf32, #tpu.memory_space<vmem>>) dst(%dma_wait3A_84 : memref<80x16xf32, #tpu.memory_space<vmem_shared>>)
        tpu.yield
      }) : () -> ()
    }
    %barrier3A = arith.constant 0 : index
    tpu.barrier barrier_id(%barrier3A)
    %scan3A_57 = arith.constant 0 : i32
    %scan3A_58 = arith.constant 5 : i32
    %scan3A_59 = arith.addi %scan3A_57, %scan3A_58 : i32
    %scan3A_60 = arith.constant 1 : i32
    scf.for %scan3A_70 = %scan3A_57 to %scan3A_59 step %scan3A_60  : i32 {
      %mul3A_71 = arith.constant 1 : i32
      %mul3A_72 = arith.muli %scan3A_70, %mul3A_71 : i32
      %add3A_73 = arith.constant 0 : i32
      %add3A_74 = arith.addi %add3A_73, %mul3A_72 : i32
      %rem3A = arith.constant 2 : i32
      %rem3A_75 = arith.remsi %add3A_74, %rem3A : i32
      %dma_wait3A = arith.constant 0 : i32
      %dma_wait3A_76 = arith.constant 0 : i32
      %dma_wait3A_77 = tpu.memref_slice %arg6[%rem3A_75, %dma_wait3A, %dma_wait3A_76] : memref<2x50x80xi32, #tpu.memory_space<vmem>> -> memref<1x50x80xi32, #tpu.memory_space<vmem>>
      %dma_wait3A_78 = tpu.memref_squeeze %dma_wait3A_77 : memref<1x50x80xi32, #tpu.memory_space<vmem>> -> memref<50x80xi32, #tpu.memory_space<vmem>>
      %dma_wait3A_79 = arith.constant 0 : i32
      %dma_wait3A_80 = arith.constant 0 : i32
      %dma_wait3A_81 = tpu.memref_slice %arg3[%add3A, %dma_wait3A_79, %dma_wait3A_80] : memref<32x250x80xi32, #tpu.memory_space<hbm>> -> memref<1x50x80xi32, #tpu.memory_space<hbm>>
      %dma_wait3A_82 = tpu.memref_squeeze %dma_wait3A_81 : memref<1x50x80xi32, #tpu.memory_space<hbm>> -> memref<50x80xi32, #tpu.memory_space<hbm>>
      %dma_wait3A_83 = arith.constant 0 : i32
      %dma_wait3A_84 = arith.constant 0 : i32
      %dma_wait3A_85 = tpu.memref_slice %arg6[%rem3A_75, %dma_wait3A_83, %dma_wait3A_84] : memref<2x50x80xi32, #tpu.memory_space<vmem>> -> memref<1x50x80xi32, #tpu.memory_space<vmem>>
      %dma_wait3A_86 = tpu.memref_squeeze %dma_wait3A_85 : memref<1x50x80xi32, #tpu.memory_space<vmem>> -> memref<50x80xi32, #tpu.memory_space<vmem>>
      %dma_wait3A_87 = arith.constant 0 : i32
      %dma_wait3A_88 = arith.constant 0 : i32
      %dma_wait3A_89 = tpu.memref_slice %arg3[%add3A, %dma_wait3A_87, %dma_wait3A_88] : memref<32x250x80xi32, #tpu.memory_space<hbm>> -> memref<1x50x80xi32, #tpu.memory_space<hbm>>
      %dma_wait3A_90 = tpu.memref_squeeze %dma_wait3A_89 : memref<1x50x80xi32, #tpu.memory_space<hbm>> -> memref<50x80xi32, #tpu.memory_space<hbm>>
      tpu.wait_dma2 semaphore(%arg40 : memref<!tpu.dma_semaphore, #tpu.memory_space<semaphore_mem>>) src(%dma_wait3A_90 : memref<50x80xi32, #tpu.memory_space<hbm>>) dst(%dma_wait3A_86 : memref<50x80xi32, #tpu.memory_space<vmem>>)
      %dma_wait3A_91 = arith.constant 0 : i32
      %dma_wait3A_92 = arith.constant 0 : i32
      %dma_wait3A_93 = tpu.memref_slice %arg7[%rem3A_75, %dma_wait3A_91, %dma_wait3A_92] : memref<2x50x80xi32, #tpu.memory_space<vmem>> -> memref<1x50x80xi32, #tpu.memory_space<vmem>>
      %dma_wait3A_94 = tpu.memref_squeeze %dma_wait3A_93 : memref<1x50x80xi32, #tpu.memory_space<vmem>> -> memref<50x80xi32, #tpu.memory_space<vmem>>
      %dma_wait3A_95 = arith.constant 0 : i32
      %dma_wait3A_96 = arith.constant 0 : i32
      %dma_wait3A_97 = tpu.memref_slice %arg4[%add3A, %dma_wait3A_95, %dma_wait3A_96] : memref<32x250x80xi32, #tpu.memory_space<hbm>> -> memref<1x50x80xi32, #tpu.memory_space<hbm>>
      %dma_wait3A_98 = tpu.memref_squeeze %dma_wait3A_97 : memref<1x50x80xi32, #tpu.memory_space<hbm>> -> memref<50x80xi32, #tpu.memory_space<hbm>>
      %dma_wait3A_99 = arith.constant 0 : i32
      %dma_wait3A_100 = arith.constant 0 : i32
      %dma_wait3A_101 = tpu.memref_slice %arg7[%rem3A_75, %dma_wait3A_99, %dma_wait3A_100] : memref<2x50x80xi32, #tpu.memory_space<vmem>> -> memref<1x50x80xi32, #tpu.memory_space<vmem>>
      %dma_wait3A_102 = tpu.memref_squeeze %dma_wait3A_101 : memref<1x50x80xi32, #tpu.memory_space<vmem>> -> memref<50x80xi32, #tpu.memory_space<vmem>>
      %dma_wait3A_103 = arith.constant 0 : i32
      %dma_wait3A_104 = arith.constant 0 : i32
      %dma_wait3A_105 = tpu.memref_slice %arg4[%add3A, %dma_wait3A_103, %dma_wait3A_104] : memref<32x250x80xi32, #tpu.memory_space<hbm>> -> memref<1x50x80xi32, #tpu.memory_space<hbm>>
      %dma_wait3A_106 = tpu.memref_squeeze %dma_wait3A_105 : memref<1x50x80xi32, #tpu.memory_space<hbm>> -> memref<50x80xi32, #tpu.memory_space<hbm>>
      tpu.wait_dma2 semaphore(%arg40 : memref<!tpu.dma_semaphore, #tpu.memory_space<semaphore_mem>>) src(%dma_wait3A_106 : memref<50x80xi32, #tpu.memory_space<hbm>>) dst(%dma_wait3A_102 : memref<50x80xi32, #tpu.memory_space<vmem>>)
      %add3A_107 = arith.constant 1 : i32
      %add3A_108 = arith.addi %add3A_74, %add3A_107 : i32
      %lt3A_109 = arith.constant 5 : i32
      %lt3A_110 = arith.cmpi slt, %add3A_108, %lt3A_109 : i32
      %convert_element_type3A_111 = arith.extui %lt3A_110 : i1 to i32
      %cond3A_112 = arith.constant 0 : i32
      %cond3A_113 = arith.cmpi ne, %convert_element_type3A_111, %cond3A_112 : i32
      scf.if %cond3A_113 {
        %add3A_189 = arith.constant 1 : i32
        %add3A_190 = arith.addi %add3A_74, %add3A_189 : i32
        %sub3A_191 = arith.constant 1 : i32
        %sub3A_192 = arith.subi %sub3A_191, %rem3A_75 : i32
        %mul3A_193 = arith.constant 50 : i32
        %mul3A_194 = arith.muli %add3A_190, %mul3A_193 : i32
        %dma_start3A_195 = arith.constant 0 : i32
        %dma_start3A_196 = arith.constant 0 : i32
        %dma_start3A_197 = tpu.memref_slice %arg6[%sub3A_192, %dma_start3A_195, %dma_start3A_196] : memref<2x50x80xi32, #tpu.memory_space<vmem>> -> memref<1x50x80xi32, #tpu.memory_space<vmem>>
        %dma_start3A_198 = tpu.memref_squeeze %dma_start3A_197 : memref<1x50x80xi32, #tpu.memory_space<vmem>> -> memref<50x80xi32, #tpu.memory_space<vmem>>
        %dma_start3A_199 = arith.constant 0 : i32
        %dma_start3A_200 = tpu.memref_slice %arg3[%add3A, %mul3A_194, %dma_start3A_199] : memref<32x250x80xi32, #tpu.memory_space<hbm>> -> memref<1x50x80xi32, #tpu.memory_space<hbm>>
        %dma_start3A_201 = tpu.memref_squeeze %dma_start3A_200 : memref<1x50x80xi32, #tpu.memory_space<hbm>> -> memref<50x80xi32, #tpu.memory_space<hbm>>
        %dma_start3A_202 = arith.constant 0 : i32
        %dma_start3A_203 = arith.constant 0 : i32
        %dma_start3A_204 = tpu.memref_slice %arg6[%sub3A_192, %dma_start3A_202, %dma_start3A_203] : memref<2x50x80xi32, #tpu.memory_space<vmem>> -> memref<1x50x80xi32, #tpu.memory_space<vmem>>
        %dma_start3A_205 = tpu.memref_squeeze %dma_start3A_204 : memref<1x50x80xi32, #tpu.memory_space<vmem>> -> memref<50x80xi32, #tpu.memory_space<vmem>>
        %dma_start3A_206 = arith.constant 0 : i32
        %dma_start3A_207 = tpu.memref_slice %arg3[%add3A, %mul3A_194, %dma_start3A_206] : memref<32x250x80xi32, #tpu.memory_space<hbm>> -> memref<1x50x80xi32, #tpu.memory_space<hbm>>
        %dma_start3A_208 = tpu.memref_squeeze %dma_start3A_207 : memref<1x50x80xi32, #tpu.memory_space<hbm>> -> memref<50x80xi32, #tpu.memory_space<hbm>>
        tpu.enqueue_dma source(%dma_start3A_208 : memref<50x80xi32, #tpu.memory_space<hbm>>) target(%dma_start3A_205 : memref<50x80xi32, #tpu.memory_space<vmem>>) target_semaphore(%arg40 : memref<!tpu.dma_semaphore, #tpu.memory_space<semaphore_mem>>)
        %mul3A_209 = arith.constant 50 : i32
        %mul3A_210 = arith.muli %add3A_190, %mul3A_209 : i32
        %dma_start3A_211 = arith.constant 0 : i32
        %dma_start3A_212 = arith.constant 0 : i32
        %dma_start3A_213 = tpu.memref_slice %arg7[%sub3A_192, %dma_start3A_211, %dma_start3A_212] : memref<2x50x80xi32, #tpu.memory_space<vmem>> -> memref<1x50x80xi32, #tpu.memory_space<vmem>>
        %dma_start3A_214 = tpu.memref_squeeze %dma_start3A_213 : memref<1x50x80xi32, #tpu.memory_space<vmem>> -> memref<50x80xi32, #tpu.memory_space<vmem>>
        %dma_start3A_215 = arith.constant 0 : i32
        %dma_start3A_216 = tpu.memref_slice %arg4[%add3A, %mul3A_210, %dma_start3A_215] : memref<32x250x80xi32, #tpu.memory_space<hbm>> -> memref<1x50x80xi32, #tpu.memory_space<hbm>>
        %dma_start3A_217 = tpu.memref_squeeze %dma_start3A_216 : memref<1x50x80xi32, #tpu.memory_space<hbm>> -> memref<50x80xi32, #tpu.memory_space<hbm>>
        %dma_start3A_218 = arith.constant 0 : i32
        %dma_start3A_219 = arith.constant 0 : i32
        %dma_start3A_220 = tpu.memref_slice %arg7[%sub3A_192, %dma_start3A_218, %dma_start3A_219] : memref<2x50x80xi32, #tpu.memory_space<vmem>> -> memref<1x50x80xi32, #tpu.memory_space<vmem>>
        %dma_start3A_221 = tpu.memref_squeeze %dma_start3A_220 : memref<1x50x80xi32, #tpu.memory_space<vmem>> -> memref<50x80xi32, #tpu.memory_space<vmem>>
        %dma_start3A_222 = arith.constant 0 : i32
        %dma_start3A_223 = tpu.memref_slice %arg4[%add3A, %mul3A_210, %dma_start3A_222] : memref<32x250x80xi32, #tpu.memory_space<hbm>> -> memref<1x50x80xi32, #tpu.memory_space<hbm>>
        %dma_start3A_224 = tpu.memref_squeeze %dma_start3A_223 : memref<1x50x80xi32, #tpu.memory_space<hbm>> -> memref<50x80xi32, #tpu.memory_space<hbm>>
        tpu.enqueue_dma source(%dma_start3A_224 : memref<50x80xi32, #tpu.memory_space<hbm>>) target(%dma_start3A_221 : memref<50x80xi32, #tpu.memory_space<vmem>>) target_semaphore(%arg40 : memref<!tpu.dma_semaphore, #tpu.memory_space<semaphore_mem>>)
      } else {
      }
      %dma_start3A_114 = arith.constant 0 : i32
      %dma_start3A_115 = arith.constant 0 : i32
      %dma_start3A_116 = tpu.memref_slice %arg6[%rem3A_75, %dma_start3A_114, %dma_start3A_115] : memref<2x50x80xi32, #tpu.memory_space<vmem>> -> memref<1x1x80xi32, #tpu.memory_space<vmem>>
      %dma_start3A_117 = tpu.memref_squeeze %dma_start3A_116 : memref<1x1x80xi32, #tpu.memory_space<vmem>> -> memref<80xi32, #tpu.memory_space<vmem>>
      %dma_start3A_118 = arith.constant 0 : i32
      %dma_start3A_119 = arith.constant 0 : i32
      %dma_start3A_120 = tpu.memref_slice %arg2[%dma_start3A_118, %dma_start3A_119] : memref<10000x16xf32, #tpu.memory_space<hbm>> -> memref<10000x16xf32, #tpu.memory_space<hbm>>
      tpu.enqueue_indirect_dma source(%dma_start3A_120 : memref<10000x16xf32, #tpu.memory_space<hbm>>) target(%arg10 : memref<80x16xf32, #tpu.memory_space<vmem>>) offsets(%dma_start3A_117 : memref<80xi32, #tpu.memory_space<vmem>>) semaphore(%arg20 : memref<!tpu.dma_semaphore, #tpu.memory_space<semaphore_mem>>)
      %dma_start3A_121 = arith.constant 1 : i32
      %dma_start3A_122 = arith.constant 0 : i32
      %dma_start3A_123 = tpu.memref_slice %arg6[%rem3A_75, %dma_start3A_121, %dma_start3A_122] : memref<2x50x80xi32, #tpu.memory_space<vmem>> -> memref<1x1x80xi32, #tpu.memory_space<vmem>>
      %dma_start3A_124 = tpu.memref_squeeze %dma_start3A_123 : memref<1x1x80xi32, #tpu.memory_space<vmem>> -> memref<80xi32, #tpu.memory_space<vmem>>
      %dma_start3A_125 = arith.constant 0 : i32
      %dma_start3A_126 = arith.constant 0 : i32
      %dma_start3A_127 = tpu.memref_slice %arg2[%dma_start3A_125, %dma_start3A_126] : memref<10000x16xf32, #tpu.memory_space<hbm>> -> memref<10000x16xf32, #tpu.memory_space<hbm>>
      tpu.enqueue_indirect_dma source(%dma_start3A_127 : memref<10000x16xf32, #tpu.memory_space<hbm>>) target(%arg11 : memref<80x16xf32, #tpu.memory_space<vmem>>) offsets(%dma_start3A_124 : memref<80xi32, #tpu.memory_space<vmem>>) semaphore(%arg21 : memref<!tpu.dma_semaphore, #tpu.memory_space<semaphore_mem>>)
      %dma_start3A_128 = arith.constant 2 : i32
      %dma_start3A_129 = arith.constant 0 : i32
      %dma_start3A_130 = tpu.memref_slice %arg6[%rem3A_75, %dma_start3A_128, %dma_start3A_129] : memref<2x50x80xi32, #tpu.memory_space<vmem>> -> memref<1x1x80xi32, #tpu.memory_space<vmem>>
      %dma_start3A_131 = tpu.memref_squeeze %dma_start3A_130 : memref<1x1x80xi32, #tpu.memory_space<vmem>> -> memref<80xi32, #tpu.memory_space<vmem>>
      %dma_start3A_132 = arith.constant 0 : i32
      %dma_start3A_133 = arith.constant 0 : i32
      %dma_start3A_134 = tpu.memref_slice %arg2[%dma_start3A_132, %dma_start3A_133] : memref<10000x16xf32, #tpu.memory_space<hbm>> -> memref<10000x16xf32, #tpu.memory_space<hbm>>
      tpu.enqueue_indirect_dma source(%dma_start3A_134 : memref<10000x16xf32, #tpu.memory_space<hbm>>) target(%arg12 : memref<80x16xf32, #tpu.memory_space<vmem>>) offsets(%dma_start3A_131 : memref<80xi32, #tpu.memory_space<vmem>>) semaphore(%arg22 : memref<!tpu.dma_semaphore, #tpu.memory_space<semaphore_mem>>)
      %dma_start3A_135 = arith.constant 3 : i32
      %dma_start3A_136 = arith.constant 0 : i32
      %dma_start3A_137 = tpu.memref_slice %arg6[%rem3A_75, %dma_start3A_135, %dma_start3A_136] : memref<2x50x80xi32, #tpu.memory_space<vmem>> -> memref<1x1x80xi32, #tpu.memory_space<vmem>>
      %dma_start3A_138 = tpu.memref_squeeze %dma_start3A_137 : memref<1x1x80xi32, #tpu.memory_space<vmem>> -> memref<80xi32, #tpu.memory_space<vmem>>
      %dma_start3A_139 = arith.constant 0 : i32
      %dma_start3A_140 = arith.constant 0 : i32
      %dma_start3A_141 = tpu.memref_slice %arg2[%dma_start3A_139, %dma_start3A_140] : memref<10000x16xf32, #tpu.memory_space<hbm>> -> memref<10000x16xf32, #tpu.memory_space<hbm>>
      tpu.enqueue_indirect_dma source(%dma_start3A_141 : memref<10000x16xf32, #tpu.memory_space<hbm>>) target(%arg13 : memref<80x16xf32, #tpu.memory_space<vmem>>) offsets(%dma_start3A_138 : memref<80xi32, #tpu.memory_space<vmem>>) semaphore(%arg23 : memref<!tpu.dma_semaphore, #tpu.memory_space<semaphore_mem>>)
      %dma_start3A_142 = arith.constant 4 : i32
      %dma_start3A_143 = arith.constant 0 : i32
      %dma_start3A_144 = tpu.memref_slice %arg6[%rem3A_75, %dma_start3A_142, %dma_start3A_143] : memref<2x50x80xi32, #tpu.memory_space<vmem>> -> memref<1x1x80xi32, #tpu.memory_space<vmem>>
      %dma_start3A_145 = tpu.memref_squeeze %dma_start3A_144 : memref<1x1x80xi32, #tpu.memory_space<vmem>> -> memref<80xi32, #tpu.memory_space<vmem>>
      %dma_start3A_146 = arith.constant 0 : i32
      %dma_start3A_147 = arith.constant 0 : i32
      %dma_start3A_148 = tpu.memref_slice %arg2[%dma_start3A_146, %dma_start3A_147] : memref<10000x16xf32, #tpu.memory_space<hbm>> -> memref<10000x16xf32, #tpu.memory_space<hbm>>
      tpu.enqueue_indirect_dma source(%dma_start3A_148 : memref<10000x16xf32, #tpu.memory_space<hbm>>) target(%arg14 : memref<80x16xf32, #tpu.memory_space<vmem>>) offsets(%dma_start3A_145 : memref<80xi32, #tpu.memory_space<vmem>>) semaphore(%arg24 : memref<!tpu.dma_semaphore, #tpu.memory_space<semaphore_mem>>)
      %dma_start3A_149 = arith.constant 5 : i32
      %dma_start3A_150 = arith.constant 0 : i32
      %dma_start3A_151 = tpu.memref_slice %arg6[%rem3A_75, %dma_start3A_149, %dma_start3A_150] : memref<2x50x80xi32, #tpu.memory_space<vmem>> -> memref<1x1x80xi32, #tpu.memory_space<vmem>>
      %dma_start3A_152 = tpu.memref_squeeze %dma_start3A_151 : memref<1x1x80xi32, #tpu.memory_space<vmem>> -> memref<80xi32, #tpu.memory_space<vmem>>
      %dma_start3A_153 = arith.constant 0 : i32
      %dma_start3A_154 = arith.constant 0 : i32
      %dma_start3A_155 = tpu.memref_slice %arg2[%dma_start3A_153, %dma_start3A_154] : memref<10000x16xf32, #tpu.memory_space<hbm>> -> memref<10000x16xf32, #tpu.memory_space<hbm>>
      tpu.enqueue_indirect_dma source(%dma_start3A_155 : memref<10000x16xf32, #tpu.memory_space<hbm>>) target(%arg15 : memref<80x16xf32, #tpu.memory_space<vmem>>) offsets(%dma_start3A_152 : memref<80xi32, #tpu.memory_space<vmem>>) semaphore(%arg25 : memref<!tpu.dma_semaphore, #tpu.memory_space<semaphore_mem>>)
      %dma_start3A_156 = arith.constant 6 : i32
      %dma_start3A_157 = arith.constant 0 : i32
      %dma_start3A_158 = tpu.memref_slice %arg6[%rem3A_75, %dma_start3A_156, %dma_start3A_157] : memref<2x50x80xi32, #tpu.memory_space<vmem>> -> memref<1x1x80xi32, #tpu.memory_space<vmem>>
      %dma_start3A_159 = tpu.memref_squeeze %dma_start3A_158 : memref<1x1x80xi32, #tpu.memory_space<vmem>> -> memref<80xi32, #tpu.memory_space<vmem>>
      %dma_start3A_160 = arith.constant 0 : i32
      %dma_start3A_161 = arith.constant 0 : i32
      %dma_start3A_162 = tpu.memref_slice %arg2[%dma_start3A_160, %dma_start3A_161] : memref<10000x16xf32, #tpu.memory_space<hbm>> -> memref<10000x16xf32, #tpu.memory_space<hbm>>
      tpu.enqueue_indirect_dma source(%dma_start3A_162 : memref<10000x16xf32, #tpu.memory_space<hbm>>) target(%arg16 : memref<80x16xf32, #tpu.memory_space<vmem>>) offsets(%dma_start3A_159 : memref<80xi32, #tpu.memory_space<vmem>>) semaphore(%arg26 : memref<!tpu.dma_semaphore, #tpu.memory_space<semaphore_mem>>)
      %dma_start3A_163 = arith.constant 7 : i32
      %dma_start3A_164 = arith.constant 0 : i32
      %dma_start3A_165 = tpu.memref_slice %arg6[%rem3A_75, %dma_start3A_163, %dma_start3A_164] : memref<2x50x80xi32, #tpu.memory_space<vmem>> -> memref<1x1x80xi32, #tpu.memory_space<vmem>>
      %dma_start3A_166 = tpu.memref_squeeze %dma_start3A_165 : memref<1x1x80xi32, #tpu.memory_space<vmem>> -> memref<80xi32, #tpu.memory_space<vmem>>
      %dma_start3A_167 = arith.constant 0 : i32
      %dma_start3A_168 = arith.constant 0 : i32
      %dma_start3A_169 = tpu.memref_slice %arg2[%dma_start3A_167, %dma_start3A_168] : memref<10000x16xf32, #tpu.memory_space<hbm>> -> memref<10000x16xf32, #tpu.memory_space<hbm>>
      tpu.enqueue_indirect_dma source(%dma_start3A_169 : memref<10000x16xf32, #tpu.memory_space<hbm>>) target(%arg17 : memref<80x16xf32, #tpu.memory_space<vmem>>) offsets(%dma_start3A_166 : memref<80xi32, #tpu.memory_space<vmem>>) semaphore(%arg27 : memref<!tpu.dma_semaphore, #tpu.memory_space<semaphore_mem>>)
      %dma_start3A_170 = arith.constant 8 : i32
      %dma_start3A_171 = arith.constant 0 : i32
      %dma_start3A_172 = tpu.memref_slice %arg6[%rem3A_75, %dma_start3A_170, %dma_start3A_171] : memref<2x50x80xi32, #tpu.memory_space<vmem>> -> memref<1x1x80xi32, #tpu.memory_space<vmem>>
      %dma_start3A_173 = tpu.memref_squeeze %dma_start3A_172 : memref<1x1x80xi32, #tpu.memory_space<vmem>> -> memref<80xi32, #tpu.memory_space<vmem>>
      %dma_start3A_174 = arith.constant 0 : i32
      %dma_start3A_175 = arith.constant 0 : i32
      %dma_start3A_176 = tpu.memref_slice %arg2[%dma_start3A_174, %dma_start3A_175] : memref<10000x16xf32, #tpu.memory_space<hbm>> -> memref<10000x16xf32, #tpu.memory_space<hbm>>
      tpu.enqueue_indirect_dma source(%dma_start3A_176 : memref<10000x16xf32, #tpu.memory_space<hbm>>) target(%arg18 : memref<80x16xf32, #tpu.memory_space<vmem>>) offsets(%dma_start3A_173 : memref<80xi32, #tpu.memory_space<vmem>>) semaphore(%arg28 : memref<!tpu.dma_semaphore, #tpu.memory_space<semaphore_mem>>)
      %dma_start3A_177 = arith.constant 9 : i32
      %dma_start3A_178 = arith.constant 0 : i32
      %dma_start3A_179 = tpu.memref_slice %arg6[%rem3A_75, %dma_start3A_177, %dma_start3A_178] : memref<2x50x80xi32, #tpu.memory_space<vmem>> -> memref<1x1x80xi32, #tpu.memory_space<vmem>>
      %dma_start3A_180 = tpu.memref_squeeze %dma_start3A_179 : memref<1x1x80xi32, #tpu.memory_space<vmem>> -> memref<80xi32, #tpu.memory_space<vmem>>
      %dma_start3A_181 = arith.constant 0 : i32
      %dma_start3A_182 = arith.constant 0 : i32
      %dma_start3A_183 = tpu.memref_slice %arg2[%dma_start3A_181, %dma_start3A_182] : memref<10000x16xf32, #tpu.memory_space<hbm>> -> memref<10000x16xf32, #tpu.memory_space<hbm>>
      tpu.enqueue_indirect_dma source(%dma_start3A_183 : memref<10000x16xf32, #tpu.memory_space<hbm>>) target(%arg19 : memref<80x16xf32, #tpu.memory_space<vmem>>) offsets(%dma_start3A_180 : memref<80xi32, #tpu.memory_space<vmem>>) semaphore(%arg29 : memref<!tpu.dma_semaphore, #tpu.memory_space<semaphore_mem>>)
      %scan3A_184 = arith.constant 0 : i32
      %scan3A_185 = arith.constant 5 : i32
      %scan3A_186 = arith.addi %scan3A_184, %scan3A_185 : i32
      %scan3A_187 = arith.constant 1 : i32
      scf.for %scan3A_189 = %scan3A_184 to %scan3A_186 step %scan3A_187  : i32 {
        %mul3A_190 = arith.constant 1 : i32
        %mul3A_191 = arith.muli %scan3A_189, %mul3A_190 : i32
        %add3A_192 = arith.constant 0 : i32
        %add3A_193 = arith.addi %add3A_192, %mul3A_191 : i32
        %mul3A_194 = arith.constant 10 : i32
        %mul3A_195 = arith.muli %add3A_193, %mul3A_194 : i32
        %dma_wait3A_196 = arith.constant 0 : i32
        %dma_wait3A_197 = arith.constant 0 : i32
        %dma_wait3A_198 = arith.constant 0 : i32
        %dma_wait3A_199 = tpu.memref_slice %arg6[%dma_wait3A_196, %dma_wait3A_197, %dma_wait3A_198] : memref<2x50x80xi32, #tpu.memory_space<vmem>> -> memref<1x1x80xi32, #tpu.memory_space<vmem>>
        %dma_wait3A_200 = tpu.memref_squeeze %dma_wait3A_199 : memref<1x1x80xi32, #tpu.memory_space<vmem>> -> memref<80xi32, #tpu.memory_space<vmem>>
        %dma_wait3A_201 = arith.constant 0 : i32
        %dma_wait3A_202 = arith.constant 0 : i32
        %dma_wait3A_203 = tpu.memref_slice %arg2[%dma_wait3A_201, %dma_wait3A_202] : memref<10000x16xf32, #tpu.memory_space<hbm>> -> memref<10000x16xf32, #tpu.memory_space<hbm>>
        tpu.wait_indirect_dma semaphore(%arg20 : memref<!tpu.dma_semaphore, #tpu.memory_space<semaphore_mem>>) src(%dma_wait3A_203 : memref<10000x16xf32, #tpu.memory_space<hbm>>) dst(%arg10 : memref<80x16xf32, #tpu.memory_space<vmem>>)
        %add3A_204 = arith.constant 0 : i32
        %add3A_205 = arith.addi %mul3A_195, %add3A_204 : i32
        %dma_start3A_206 = arith.constant 0 : i32
        %dma_start3A_207 = tpu.memref_slice %arg7[%rem3A_75, %add3A_205, %dma_start3A_206] : memref<2x50x80xi32, #tpu.memory_space<vmem>> -> memref<1x1x80xi32, #tpu.memory_space<vmem>>
        %dma_start3A_208 = tpu.memref_squeeze %dma_start3A_207 : memref<1x1x80xi32, #tpu.memory_space<vmem>> -> memref<80xi32, #tpu.memory_space<vmem>>
        %dma_start3A_209 = arith.constant 0 : i32
        %dma_start3A_210 = arith.constant 0 : i32
        %dma_start3A_211 = tpu.memref_slice %arg8[%dma_start3A_209, %dma_start3A_210] : memref<10000x16xf32, #tpu.memory_space<vmem_shared>> -> memref<10000x16xf32, #tpu.memory_space<vmem_shared>>
        tpu.enqueue_indirect_dma source(%arg10 : memref<80x16xf32, #tpu.memory_space<vmem>>) target(%dma_start3A_211 : memref<10000x16xf32, #tpu.memory_space<vmem_shared>>) offsets(%dma_start3A_208 : memref<80xi32, #tpu.memory_space<vmem>>) semaphore(%arg30 : memref<!tpu.dma_semaphore, #tpu.memory_space<semaphore_mem>>) {add = true}
        %dma_wait3A_212 = arith.constant 0 : i32
        %dma_wait3A_213 = arith.constant 0 : i32
        %dma_wait3A_214 = arith.constant 0 : i32
        %dma_wait3A_215 = tpu.memref_slice %arg6[%dma_wait3A_212, %dma_wait3A_213, %dma_wait3A_214] : memref<2x50x80xi32, #tpu.memory_space<vmem>> -> memref<1x1x80xi32, #tpu.memory_space<vmem>>
        %dma_wait3A_216 = tpu.memref_squeeze %dma_wait3A_215 : memref<1x1x80xi32, #tpu.memory_space<vmem>> -> memref<80xi32, #tpu.memory_space<vmem>>
        %dma_wait3A_217 = arith.constant 0 : i32
        %dma_wait3A_218 = arith.constant 0 : i32
        %dma_wait3A_219 = tpu.memref_slice %arg2[%dma_wait3A_217, %dma_wait3A_218] : memref<10000x16xf32, #tpu.memory_space<hbm>> -> memref<10000x16xf32, #tpu.memory_space<hbm>>
        tpu.wait_indirect_dma semaphore(%arg21 : memref<!tpu.dma_semaphore, #tpu.memory_space<semaphore_mem>>) src(%dma_wait3A_219 : memref<10000x16xf32, #tpu.memory_space<hbm>>) dst(%arg11 : memref<80x16xf32, #tpu.memory_space<vmem>>)
        %add3A_220 = arith.constant 1 : i32
        %add3A_221 = arith.addi %mul3A_195, %add3A_220 : i32
        %dma_start3A_222 = arith.constant 0 : i32
        %dma_start3A_223 = tpu.memref_slice %arg7[%rem3A_75, %add3A_221, %dma_start3A_222] : memref<2x50x80xi32, #tpu.memory_space<vmem>> -> memref<1x1x80xi32, #tpu.memory_space<vmem>>
        %dma_start3A_224 = tpu.memref_squeeze %dma_start3A_223 : memref<1x1x80xi32, #tpu.memory_space<vmem>> -> memref<80xi32, #tpu.memory_space<vmem>>
        %dma_start3A_225 = arith.constant 0 : i32
        %dma_start3A_226 = arith.constant 0 : i32
        %dma_start3A_227 = tpu.memref_slice %arg8[%dma_start3A_225, %dma_start3A_226] : memref<10000x16xf32, #tpu.memory_space<vmem_shared>> -> memref<10000x16xf32, #tpu.memory_space<vmem_shared>>
        tpu.enqueue_indirect_dma source(%arg11 : memref<80x16xf32, #tpu.memory_space<vmem>>) target(%dma_start3A_227 : memref<10000x16xf32, #tpu.memory_space<vmem_shared>>) offsets(%dma_start3A_224 : memref<80xi32, #tpu.memory_space<vmem>>) semaphore(%arg31 : memref<!tpu.dma_semaphore, #tpu.memory_space<semaphore_mem>>) {add = true}
        %dma_wait3A_228 = arith.constant 0 : i32
        %dma_wait3A_229 = arith.constant 0 : i32
        %dma_wait3A_230 = arith.constant 0 : i32
        %dma_wait3A_231 = tpu.memref_slice %arg6[%dma_wait3A_228, %dma_wait3A_229, %dma_wait3A_230] : memref<2x50x80xi32, #tpu.memory_space<vmem>> -> memref<1x1x80xi32, #tpu.memory_space<vmem>>
        %dma_wait3A_232 = tpu.memref_squeeze %dma_wait3A_231 : memref<1x1x80xi32, #tpu.memory_space<vmem>> -> memref<80xi32, #tpu.memory_space<vmem>>
        %dma_wait3A_233 = arith.constant 0 : i32
        %dma_wait3A_234 = arith.constant 0 : i32
        %dma_wait3A_235 = tpu.memref_slice %arg2[%dma_wait3A_233, %dma_wait3A_234] : memref<10000x16xf32, #tpu.memory_space<hbm>> -> memref<10000x16xf32, #tpu.memory_space<hbm>>
        tpu.wait_indirect_dma semaphore(%arg22 : memref<!tpu.dma_semaphore, #tpu.memory_space<semaphore_mem>>) src(%dma_wait3A_235 : memref<10000x16xf32, #tpu.memory_space<hbm>>) dst(%arg12 : memref<80x16xf32, #tpu.memory_space<vmem>>)
        %add3A_236 = arith.constant 2 : i32
        %add3A_237 = arith.addi %mul3A_195, %add3A_236 : i32
        %dma_start3A_238 = arith.constant 0 : i32
        %dma_start3A_239 = tpu.memref_slice %arg7[%rem3A_75, %add3A_237, %dma_start3A_238] : memref<2x50x80xi32, #tpu.memory_space<vmem>> -> memref<1x1x80xi32, #tpu.memory_space<vmem>>
        %dma_start3A_240 = tpu.memref_squeeze %dma_start3A_239 : memref<1x1x80xi32, #tpu.memory_space<vmem>> -> memref<80xi32, #tpu.memory_space<vmem>>
        %dma_start3A_241 = arith.constant 0 : i32
        %dma_start3A_242 = arith.constant 0 : i32
        %dma_start3A_243 = tpu.memref_slice %arg8[%dma_start3A_241, %dma_start3A_242] : memref<10000x16xf32, #tpu.memory_space<vmem_shared>> -> memref<10000x16xf32, #tpu.memory_space<vmem_shared>>
        tpu.enqueue_indirect_dma source(%arg12 : memref<80x16xf32, #tpu.memory_space<vmem>>) target(%dma_start3A_243 : memref<10000x16xf32, #tpu.memory_space<vmem_shared>>) offsets(%dma_start3A_240 : memref<80xi32, #tpu.memory_space<vmem>>) semaphore(%arg32 : memref<!tpu.dma_semaphore, #tpu.memory_space<semaphore_mem>>) {add = true}
        %dma_wait3A_244 = arith.constant 0 : i32
        %dma_wait3A_245 = arith.constant 0 : i32
        %dma_wait3A_246 = arith.constant 0 : i32
        %dma_wait3A_247 = tpu.memref_slice %arg6[%dma_wait3A_244, %dma_wait3A_245, %dma_wait3A_246] : memref<2x50x80xi32, #tpu.memory_space<vmem>> -> memref<1x1x80xi32, #tpu.memory_space<vmem>>
        %dma_wait3A_248 = tpu.memref_squeeze %dma_wait3A_247 : memref<1x1x80xi32, #tpu.memory_space<vmem>> -> memref<80xi32, #tpu.memory_space<vmem>>
        %dma_wait3A_249 = arith.constant 0 : i32
        %dma_wait3A_250 = arith.constant 0 : i32
        %dma_wait3A_251 = tpu.memref_slice %arg2[%dma_wait3A_249, %dma_wait3A_250] : memref<10000x16xf32, #tpu.memory_space<hbm>> -> memref<10000x16xf32, #tpu.memory_space<hbm>>
        tpu.wait_indirect_dma semaphore(%arg23 : memref<!tpu.dma_semaphore, #tpu.memory_space<semaphore_mem>>) src(%dma_wait3A_251 : memref<10000x16xf32, #tpu.memory_space<hbm>>) dst(%arg13 : memref<80x16xf32, #tpu.memory_space<vmem>>)
        %add3A_252 = arith.constant 3 : i32
        %add3A_253 = arith.addi %mul3A_195, %add3A_252 : i32
        %dma_start3A_254 = arith.constant 0 : i32
        %dma_start3A_255 = tpu.memref_slice %arg7[%rem3A_75, %add3A_253, %dma_start3A_254] : memref<2x50x80xi32, #tpu.memory_space<vmem>> -> memref<1x1x80xi32, #tpu.memory_space<vmem>>
        %dma_start3A_256 = tpu.memref_squeeze %dma_start3A_255 : memref<1x1x80xi32, #tpu.memory_space<vmem>> -> memref<80xi32, #tpu.memory_space<vmem>>
        %dma_start3A_257 = arith.constant 0 : i32
        %dma_start3A_258 = arith.constant 0 : i32
        %dma_start3A_259 = tpu.memref_slice %arg8[%dma_start3A_257, %dma_start3A_258] : memref<10000x16xf32, #tpu.memory_space<vmem_shared>> -> memref<10000x16xf32, #tpu.memory_space<vmem_shared>>
        tpu.enqueue_indirect_dma source(%arg13 : memref<80x16xf32, #tpu.memory_space<vmem>>) target(%dma_start3A_259 : memref<10000x16xf32, #tpu.memory_space<vmem_shared>>) offsets(%dma_start3A_256 : memref<80xi32, #tpu.memory_space<vmem>>) semaphore(%arg33 : memref<!tpu.dma_semaphore, #tpu.memory_space<semaphore_mem>>) {add = true}
        %dma_wait3A_260 = arith.constant 0 : i32
        %dma_wait3A_261 = arith.constant 0 : i32
        %dma_wait3A_262 = arith.constant 0 : i32
        %dma_wait3A_263 = tpu.memref_slice %arg6[%dma_wait3A_260, %dma_wait3A_261, %dma_wait3A_262] : memref<2x50x80xi32, #tpu.memory_space<vmem>> -> memref<1x1x80xi32, #tpu.memory_space<vmem>>
        %dma_wait3A_264 = tpu.memref_squeeze %dma_wait3A_263 : memref<1x1x80xi32, #tpu.memory_space<vmem>> -> memref<80xi32, #tpu.memory_space<vmem>>
        %dma_wait3A_265 = arith.constant 0 : i32
        %dma_wait3A_266 = arith.constant 0 : i32
        %dma_wait3A_267 = tpu.memref_slice %arg2[%dma_wait3A_265, %dma_wait3A_266] : memref<10000x16xf32, #tpu.memory_space<hbm>> -> memref<10000x16xf32, #tpu.memory_space<hbm>>
        tpu.wait_indirect_dma semaphore(%arg24 : memref<!tpu.dma_semaphore, #tpu.memory_space<semaphore_mem>>) src(%dma_wait3A_267 : memref<10000x16xf32, #tpu.memory_space<hbm>>) dst(%arg14 : memref<80x16xf32, #tpu.memory_space<vmem>>)
        %add3A_268 = arith.constant 4 : i32
        %add3A_269 = arith.addi %mul3A_195, %add3A_268 : i32
        %dma_start3A_270 = arith.constant 0 : i32
        %dma_start3A_271 = tpu.memref_slice %arg7[%rem3A_75, %add3A_269, %dma_start3A_270] : memref<2x50x80xi32, #tpu.memory_space<vmem>> -> memref<1x1x80xi32, #tpu.memory_space<vmem>>
        %dma_start3A_272 = tpu.memref_squeeze %dma_start3A_271 : memref<1x1x80xi32, #tpu.memory_space<vmem>> -> memref<80xi32, #tpu.memory_space<vmem>>
        %dma_start3A_273 = arith.constant 0 : i32
        %dma_start3A_274 = arith.constant 0 : i32
        %dma_start3A_275 = tpu.memref_slice %arg8[%dma_start3A_273, %dma_start3A_274] : memref<10000x16xf32, #tpu.memory_space<vmem_shared>> -> memref<10000x16xf32, #tpu.memory_space<vmem_shared>>
        tpu.enqueue_indirect_dma source(%arg14 : memref<80x16xf32, #tpu.memory_space<vmem>>) target(%dma_start3A_275 : memref<10000x16xf32, #tpu.memory_space<vmem_shared>>) offsets(%dma_start3A_272 : memref<80xi32, #tpu.memory_space<vmem>>) semaphore(%arg34 : memref<!tpu.dma_semaphore, #tpu.memory_space<semaphore_mem>>) {add = true}
        %dma_wait3A_276 = arith.constant 0 : i32
        %dma_wait3A_277 = arith.constant 0 : i32
        %dma_wait3A_278 = arith.constant 0 : i32
        %dma_wait3A_279 = tpu.memref_slice %arg6[%dma_wait3A_276, %dma_wait3A_277, %dma_wait3A_278] : memref<2x50x80xi32, #tpu.memory_space<vmem>> -> memref<1x1x80xi32, #tpu.memory_space<vmem>>
        %dma_wait3A_280 = tpu.memref_squeeze %dma_wait3A_279 : memref<1x1x80xi32, #tpu.memory_space<vmem>> -> memref<80xi32, #tpu.memory_space<vmem>>
        %dma_wait3A_281 = arith.constant 0 : i32
        %dma_wait3A_282 = arith.constant 0 : i32
        %dma_wait3A_283 = tpu.memref_slice %arg2[%dma_wait3A_281, %dma_wait3A_282] : memref<10000x16xf32, #tpu.memory_space<hbm>> -> memref<10000x16xf32, #tpu.memory_space<hbm>>
        tpu.wait_indirect_dma semaphore(%arg25 : memref<!tpu.dma_semaphore, #tpu.memory_space<semaphore_mem>>) src(%dma_wait3A_283 : memref<10000x16xf32, #tpu.memory_space<hbm>>) dst(%arg15 : memref<80x16xf32, #tpu.memory_space<vmem>>)
        %add3A_284 = arith.constant 5 : i32
        %add3A_285 = arith.addi %mul3A_195, %add3A_284 : i32
        %dma_start3A_286 = arith.constant 0 : i32
        %dma_start3A_287 = tpu.memref_slice %arg7[%rem3A_75, %add3A_285, %dma_start3A_286] : memref<2x50x80xi32, #tpu.memory_space<vmem>> -> memref<1x1x80xi32, #tpu.memory_space<vmem>>
        %dma_start3A_288 = tpu.memref_squeeze %dma_start3A_287 : memref<1x1x80xi32, #tpu.memory_space<vmem>> -> memref<80xi32, #tpu.memory_space<vmem>>
        %dma_start3A_289 = arith.constant 0 : i32
        %dma_start3A_290 = arith.constant 0 : i32
        %dma_start3A_291 = tpu.memref_slice %arg8[%dma_start3A_289, %dma_start3A_290] : memref<10000x16xf32, #tpu.memory_space<vmem_shared>> -> memref<10000x16xf32, #tpu.memory_space<vmem_shared>>
        tpu.enqueue_indirect_dma source(%arg15 : memref<80x16xf32, #tpu.memory_space<vmem>>) target(%dma_start3A_291 : memref<10000x16xf32, #tpu.memory_space<vmem_shared>>) offsets(%dma_start3A_288 : memref<80xi32, #tpu.memory_space<vmem>>) semaphore(%arg35 : memref<!tpu.dma_semaphore, #tpu.memory_space<semaphore_mem>>) {add = true}
        %dma_wait3A_292 = arith.constant 0 : i32
        %dma_wait3A_293 = arith.constant 0 : i32
        %dma_wait3A_294 = arith.constant 0 : i32
        %dma_wait3A_295 = tpu.memref_slice %arg6[%dma_wait3A_292, %dma_wait3A_293, %dma_wait3A_294] : memref<2x50x80xi32, #tpu.memory_space<vmem>> -> memref<1x1x80xi32, #tpu.memory_space<vmem>>
        %dma_wait3A_296 = tpu.memref_squeeze %dma_wait3A_295 : memref<1x1x80xi32, #tpu.memory_space<vmem>> -> memref<80xi32, #tpu.memory_space<vmem>>
        %dma_wait3A_297 = arith.constant 0 : i32
        %dma_wait3A_298 = arith.constant 0 : i32
        %dma_wait3A_299 = tpu.memref_slice %arg2[%dma_wait3A_297, %dma_wait3A_298] : memref<10000x16xf32, #tpu.memory_space<hbm>> -> memref<10000x16xf32, #tpu.memory_space<hbm>>
        tpu.wait_indirect_dma semaphore(%arg26 : memref<!tpu.dma_semaphore, #tpu.memory_space<semaphore_mem>>) src(%dma_wait3A_299 : memref<10000x16xf32, #tpu.memory_space<hbm>>) dst(%arg16 : memref<80x16xf32, #tpu.memory_space<vmem>>)
        %add3A_300 = arith.constant 6 : i32
        %add3A_301 = arith.addi %mul3A_195, %add3A_300 : i32
        %dma_start3A_302 = arith.constant 0 : i32
        %dma_start3A_303 = tpu.memref_slice %arg7[%rem3A_75, %add3A_301, %dma_start3A_302] : memref<2x50x80xi32, #tpu.memory_space<vmem>> -> memref<1x1x80xi32, #tpu.memory_space<vmem>>
        %dma_start3A_304 = tpu.memref_squeeze %dma_start3A_303 : memref<1x1x80xi32, #tpu.memory_space<vmem>> -> memref<80xi32, #tpu.memory_space<vmem>>
        %dma_start3A_305 = arith.constant 0 : i32
        %dma_start3A_306 = arith.constant 0 : i32
        %dma_start3A_307 = tpu.memref_slice %arg8[%dma_start3A_305, %dma_start3A_306] : memref<10000x16xf32, #tpu.memory_space<vmem_shared>> -> memref<10000x16xf32, #tpu.memory_space<vmem_shared>>
        tpu.enqueue_indirect_dma source(%arg16 : memref<80x16xf32, #tpu.memory_space<vmem>>) target(%dma_start3A_307 : memref<10000x16xf32, #tpu.memory_space<vmem_shared>>) offsets(%dma_start3A_304 : memref<80xi32, #tpu.memory_space<vmem>>) semaphore(%arg36 : memref<!tpu.dma_semaphore, #tpu.memory_space<semaphore_mem>>) {add = true}
        %dma_wait3A_308 = arith.constant 0 : i32
        %dma_wait3A_309 = arith.constant 0 : i32
        %dma_wait3A_310 = arith.constant 0 : i32
        %dma_wait3A_311 = tpu.memref_slice %arg6[%dma_wait3A_308, %dma_wait3A_309, %dma_wait3A_310] : memref<2x50x80xi32, #tpu.memory_space<vmem>> -> memref<1x1x80xi32, #tpu.memory_space<vmem>>
        %dma_wait3A_312 = tpu.memref_squeeze %dma_wait3A_311 : memref<1x1x80xi32, #tpu.memory_space<vmem>> -> memref<80xi32, #tpu.memory_space<vmem>>
        %dma_wait3A_313 = arith.constant 0 : i32
        %dma_wait3A_314 = arith.constant 0 : i32
        %dma_wait3A_315 = tpu.memref_slice %arg2[%dma_wait3A_313, %dma_wait3A_314] : memref<10000x16xf32, #tpu.memory_space<hbm>> -> memref<10000x16xf32, #tpu.memory_space<hbm>>
        tpu.wait_indirect_dma semaphore(%arg27 : memref<!tpu.dma_semaphore, #tpu.memory_space<semaphore_mem>>) src(%dma_wait3A_315 : memref<10000x16xf32, #tpu.memory_space<hbm>>) dst(%arg17 : memref<80x16xf32, #tpu.memory_space<vmem>>)
        %add3A_316 = arith.constant 7 : i32
        %add3A_317 = arith.addi %mul3A_195, %add3A_316 : i32
        %dma_start3A_318 = arith.constant 0 : i32
        %dma_start3A_319 = tpu.memref_slice %arg7[%rem3A_75, %add3A_317, %dma_start3A_318] : memref<2x50x80xi32, #tpu.memory_space<vmem>> -> memref<1x1x80xi32, #tpu.memory_space<vmem>>
        %dma_start3A_320 = tpu.memref_squeeze %dma_start3A_319 : memref<1x1x80xi32, #tpu.memory_space<vmem>> -> memref<80xi32, #tpu.memory_space<vmem>>
        %dma_start3A_321 = arith.constant 0 : i32
        %dma_start3A_322 = arith.constant 0 : i32
        %dma_start3A_323 = tpu.memref_slice %arg8[%dma_start3A_321, %dma_start3A_322] : memref<10000x16xf32, #tpu.memory_space<vmem_shared>> -> memref<10000x16xf32, #tpu.memory_space<vmem_shared>>
        tpu.enqueue_indirect_dma source(%arg17 : memref<80x16xf32, #tpu.memory_space<vmem>>) target(%dma_start3A_323 : memref<10000x16xf32, #tpu.memory_space<vmem_shared>>) offsets(%dma_start3A_320 : memref<80xi32, #tpu.memory_space<vmem>>) semaphore(%arg37 : memref<!tpu.dma_semaphore, #tpu.memory_space<semaphore_mem>>) {add = true}
        %dma_wait3A_324 = arith.constant 0 : i32
        %dma_wait3A_325 = arith.constant 0 : i32
        %dma_wait3A_326 = arith.constant 0 : i32
        %dma_wait3A_327 = tpu.memref_slice %arg6[%dma_wait3A_324, %dma_wait3A_325, %dma_wait3A_326] : memref<2x50x80xi32, #tpu.memory_space<vmem>> -> memref<1x1x80xi32, #tpu.memory_space<vmem>>
        %dma_wait3A_328 = tpu.memref_squeeze %dma_wait3A_327 : memref<1x1x80xi32, #tpu.memory_space<vmem>> -> memref<80xi32, #tpu.memory_space<vmem>>
        %dma_wait3A_329 = arith.constant 0 : i32
        %dma_wait3A_330 = arith.constant 0 : i32
        %dma_wait3A_331 = tpu.memref_slice %arg2[%dma_wait3A_329, %dma_wait3A_330] : memref<10000x16xf32, #tpu.memory_space<hbm>> -> memref<10000x16xf32, #tpu.memory_space<hbm>>
        tpu.wait_indirect_dma semaphore(%arg28 : memref<!tpu.dma_semaphore, #tpu.memory_space<semaphore_mem>>) src(%dma_wait3A_331 : memref<10000x16xf32, #tpu.memory_space<hbm>>) dst(%arg18 : memref<80x16xf32, #tpu.memory_space<vmem>>)
        %add3A_332 = arith.constant 8 : i32
        %add3A_333 = arith.addi %mul3A_195, %add3A_332 : i32
        %dma_start3A_334 = arith.constant 0 : i32
        %dma_start3A_335 = tpu.memref_slice %arg7[%rem3A_75, %add3A_333, %dma_start3A_334] : memref<2x50x80xi32, #tpu.memory_space<vmem>> -> memref<1x1x80xi32, #tpu.memory_space<vmem>>
        %dma_start3A_336 = tpu.memref_squeeze %dma_start3A_335 : memref<1x1x80xi32, #tpu.memory_space<vmem>> -> memref<80xi32, #tpu.memory_space<vmem>>
        %dma_start3A_337 = arith.constant 0 : i32
        %dma_start3A_338 = arith.constant 0 : i32
        %dma_start3A_339 = tpu.memref_slice %arg8[%dma_start3A_337, %dma_start3A_338] : memref<10000x16xf32, #tpu.memory_space<vmem_shared>> -> memref<10000x16xf32, #tpu.memory_space<vmem_shared>>
        tpu.enqueue_indirect_dma source(%arg18 : memref<80x16xf32, #tpu.memory_space<vmem>>) target(%dma_start3A_339 : memref<10000x16xf32, #tpu.memory_space<vmem_shared>>) offsets(%dma_start3A_336 : memref<80xi32, #tpu.memory_space<vmem>>) semaphore(%arg38 : memref<!tpu.dma_semaphore, #tpu.memory_space<semaphore_mem>>) {add = true}
        %dma_wait3A_340 = arith.constant 0 : i32
        %dma_wait3A_341 = arith.constant 0 : i32
        %dma_wait3A_342 = arith.constant 0 : i32
        %dma_wait3A_343 = tpu.memref_slice %arg6[%dma_wait3A_340, %dma_wait3A_341, %dma_wait3A_342] : memref<2x50x80xi32, #tpu.memory_space<vmem>> -> memref<1x1x80xi32, #tpu.memory_space<vmem>>
        %dma_wait3A_344 = tpu.memref_squeeze %dma_wait3A_343 : memref<1x1x80xi32, #tpu.memory_space<vmem>> -> memref<80xi32, #tpu.memory_space<vmem>>
        %dma_wait3A_345 = arith.constant 0 : i32
        %dma_wait3A_346 = arith.constant 0 : i32
        %dma_wait3A_347 = tpu.memref_slice %arg2[%dma_wait3A_345, %dma_wait3A_346] : memref<10000x16xf32, #tpu.memory_space<hbm>> -> memref<10000x16xf32, #tpu.memory_space<hbm>>
        tpu.wait_indirect_dma semaphore(%arg29 : memref<!tpu.dma_semaphore, #tpu.memory_space<semaphore_mem>>) src(%dma_wait3A_347 : memref<10000x16xf32, #tpu.memory_space<hbm>>) dst(%arg19 : memref<80x16xf32, #tpu.memory_space<vmem>>)
        %add3A_348 = arith.constant 9 : i32
        %add3A_349 = arith.addi %mul3A_195, %add3A_348 : i32
        %dma_start3A_350 = arith.constant 0 : i32
        %dma_start3A_351 = tpu.memref_slice %arg7[%rem3A_75, %add3A_349, %dma_start3A_350] : memref<2x50x80xi32, #tpu.memory_space<vmem>> -> memref<1x1x80xi32, #tpu.memory_space<vmem>>
        %dma_start3A_352 = tpu.memref_squeeze %dma_start3A_351 : memref<1x1x80xi32, #tpu.memory_space<vmem>> -> memref<80xi32, #tpu.memory_space<vmem>>
        %dma_start3A_353 = arith.constant 0 : i32
        %dma_start3A_354 = arith.constant 0 : i32
        %dma_start3A_355 = tpu.memref_slice %arg8[%dma_start3A_353, %dma_start3A_354] : memref<10000x16xf32, #tpu.memory_space<vmem_shared>> -> memref<10000x16xf32, #tpu.memory_space<vmem_shared>>
        tpu.enqueue_indirect_dma source(%arg19 : memref<80x16xf32, #tpu.memory_space<vmem>>) target(%dma_start3A_355 : memref<10000x16xf32, #tpu.memory_space<vmem_shared>>) offsets(%dma_start3A_352 : memref<80xi32, #tpu.memory_space<vmem>>) semaphore(%arg39 : memref<!tpu.dma_semaphore, #tpu.memory_space<semaphore_mem>>) {add = true}
        %dma_wait3A_356 = arith.constant 0 : i32
        %dma_wait3A_357 = arith.constant 0 : i32
        %dma_wait3A_358 = arith.constant 0 : i32
        %dma_wait3A_359 = tpu.memref_slice %arg7[%dma_wait3A_356, %dma_wait3A_357, %dma_wait3A_358] : memref<2x50x80xi32, #tpu.memory_space<vmem>> -> memref<1x1x80xi32, #tpu.memory_space<vmem>>
        %dma_wait3A_360 = tpu.memref_squeeze %dma_wait3A_359 : memref<1x1x80xi32, #tpu.memory_space<vmem>> -> memref<80xi32, #tpu.memory_space<vmem>>
        %dma_wait3A_361 = arith.constant 0 : i32
        %dma_wait3A_362 = arith.constant 0 : i32
        %dma_wait3A_363 = tpu.memref_slice %arg8[%dma_wait3A_361, %dma_wait3A_362] : memref<10000x16xf32, #tpu.memory_space<vmem_shared>> -> memref<10000x16xf32, #tpu.memory_space<vmem_shared>>
        tpu.wait_indirect_dma semaphore(%arg30 : memref<!tpu.dma_semaphore, #tpu.memory_space<semaphore_mem>>) src(%arg10 : memref<80x16xf32, #tpu.memory_space<vmem>>) dst(%dma_wait3A_363 : memref<10000x16xf32, #tpu.memory_space<vmem_shared>>)
        %add3A_364 = arith.constant 1 : i32
        %add3A_365 = arith.addi %add3A_193, %add3A_364 : i32
        %lt3A_366 = arith.constant 5 : i32
        %lt3A_367 = arith.cmpi slt, %add3A_365, %lt3A_366 : i32
        %convert_element_type3A_368 = arith.extui %lt3A_367 : i1 to i32
        %cond3A_369 = arith.constant 0 : i32
        %cond3A_370 = arith.cmpi ne, %convert_element_type3A_368, %cond3A_369 : i32
        scf.if %cond3A_370 {
          %add3A_506 = arith.constant 10 : i32
          %add3A_507 = arith.addi %mul3A_195, %add3A_506 : i32
          %add3A_508 = arith.constant 0 : i32
          %add3A_509 = arith.addi %add3A_507, %add3A_508 : i32
          %dma_start3A_510 = arith.constant 0 : i32
          %dma_start3A_511 = tpu.memref_slice %arg6[%rem3A_75, %add3A_509, %dma_start3A_510] : memref<2x50x80xi32, #tpu.memory_space<vmem>> -> memref<1x1x80xi32, #tpu.memory_space<vmem>>
          %dma_start3A_512 = tpu.memref_squeeze %dma_start3A_511 : memref<1x1x80xi32, #tpu.memory_space<vmem>> -> memref<80xi32, #tpu.memory_space<vmem>>
          %dma_start3A_513 = arith.constant 0 : i32
          %dma_start3A_514 = arith.constant 0 : i32
          %dma_start3A_515 = tpu.memref_slice %arg2[%dma_start3A_513, %dma_start3A_514] : memref<10000x16xf32, #tpu.memory_space<hbm>> -> memref<10000x16xf32, #tpu.memory_space<hbm>>
          tpu.enqueue_indirect_dma source(%dma_start3A_515 : memref<10000x16xf32, #tpu.memory_space<hbm>>) target(%arg10 : memref<80x16xf32, #tpu.memory_space<vmem>>) offsets(%dma_start3A_512 : memref<80xi32, #tpu.memory_space<vmem>>) semaphore(%arg20 : memref<!tpu.dma_semaphore, #tpu.memory_space<semaphore_mem>>)
        } else {
        }
        %dma_wait3A_371 = arith.constant 0 : i32
        %dma_wait3A_372 = arith.constant 0 : i32
        %dma_wait3A_373 = arith.constant 0 : i32
        %dma_wait3A_374 = tpu.memref_slice %arg7[%dma_wait3A_371, %dma_wait3A_372, %dma_wait3A_373] : memref<2x50x80xi32, #tpu.memory_space<vmem>> -> memref<1x1x80xi32, #tpu.memory_space<vmem>>
        %dma_wait3A_375 = tpu.memref_squeeze %dma_wait3A_374 : memref<1x1x80xi32, #tpu.memory_space<vmem>> -> memref<80xi32, #tpu.memory_space<vmem>>
        %dma_wait3A_376 = arith.constant 0 : i32
        %dma_wait3A_377 = arith.constant 0 : i32
        %dma_wait3A_378 = tpu.memref_slice %arg8[%dma_wait3A_376, %dma_wait3A_377] : memref<10000x16xf32, #tpu.memory_space<vmem_shared>> -> memref<10000x16xf32, #tpu.memory_space<vmem_shared>>
        tpu.wait_indirect_dma semaphore(%arg31 : memref<!tpu.dma_semaphore, #tpu.memory_space<semaphore_mem>>) src(%arg11 : memref<80x16xf32, #tpu.memory_space<vmem>>) dst(%dma_wait3A_378 : memref<10000x16xf32, #tpu.memory_space<vmem_shared>>)
        %add3A_379 = arith.constant 1 : i32
        %add3A_380 = arith.addi %add3A_193, %add3A_379 : i32
        %lt3A_381 = arith.constant 5 : i32
        %lt3A_382 = arith.cmpi slt, %add3A_380, %lt3A_381 : i32
        %convert_element_type3A_383 = arith.extui %lt3A_382 : i1 to i32
        %cond3A_384 = arith.constant 0 : i32
        %cond3A_385 = arith.cmpi ne, %convert_element_type3A_383, %cond3A_384 : i32
        scf.if %cond3A_385 {
          %add3A_506 = arith.constant 10 : i32
          %add3A_507 = arith.addi %mul3A_195, %add3A_506 : i32
          %add3A_508 = arith.constant 1 : i32
          %add3A_509 = arith.addi %add3A_507, %add3A_508 : i32
          %dma_start3A_510 = arith.constant 0 : i32
          %dma_start3A_511 = tpu.memref_slice %arg6[%rem3A_75, %add3A_509, %dma_start3A_510] : memref<2x50x80xi32, #tpu.memory_space<vmem>> -> memref<1x1x80xi32, #tpu.memory_space<vmem>>
          %dma_start3A_512 = tpu.memref_squeeze %dma_start3A_511 : memref<1x1x80xi32, #tpu.memory_space<vmem>> -> memref<80xi32, #tpu.memory_space<vmem>>
          %dma_start3A_513 = arith.constant 0 : i32
          %dma_start3A_514 = arith.constant 0 : i32
          %dma_start3A_515 = tpu.memref_slice %arg2[%dma_start3A_513, %dma_start3A_514] : memref<10000x16xf32, #tpu.memory_space<hbm>> -> memref<10000x16xf32, #tpu.memory_space<hbm>>
          tpu.enqueue_indirect_dma source(%dma_start3A_515 : memref<10000x16xf32, #tpu.memory_space<hbm>>) target(%arg11 : memref<80x16xf32, #tpu.memory_space<vmem>>) offsets(%dma_start3A_512 : memref<80xi32, #tpu.memory_space<vmem>>) semaphore(%arg21 : memref<!tpu.dma_semaphore, #tpu.memory_space<semaphore_mem>>)
        } else {
        }
        %dma_wait3A_386 = arith.constant 0 : i32
        %dma_wait3A_387 = arith.constant 0 : i32
        %dma_wait3A_388 = arith.constant 0 : i32
        %dma_wait3A_389 = tpu.memref_slice %arg7[%dma_wait3A_386, %dma_wait3A_387, %dma_wait3A_388] : memref<2x50x80xi32, #tpu.memory_space<vmem>> -> memref<1x1x80xi32, #tpu.memory_space<vmem>>
        %dma_wait3A_390 = tpu.memref_squeeze %dma_wait3A_389 : memref<1x1x80xi32, #tpu.memory_space<vmem>> -> memref<80xi32, #tpu.memory_space<vmem>>
        %dma_wait3A_391 = arith.constant 0 : i32
        %dma_wait3A_392 = arith.constant 0 : i32
        %dma_wait3A_393 = tpu.memref_slice %arg8[%dma_wait3A_391, %dma_wait3A_392] : memref<10000x16xf32, #tpu.memory_space<vmem_shared>> -> memref<10000x16xf32, #tpu.memory_space<vmem_shared>>
        tpu.wait_indirect_dma semaphore(%arg32 : memref<!tpu.dma_semaphore, #tpu.memory_space<semaphore_mem>>) src(%arg12 : memref<80x16xf32, #tpu.memory_space<vmem>>) dst(%dma_wait3A_393 : memref<10000x16xf32, #tpu.memory_space<vmem_shared>>)
        %add3A_394 = arith.constant 1 : i32
        %add3A_395 = arith.addi %add3A_193, %add3A_394 : i32
        %lt3A_396 = arith.constant 5 : i32
        %lt3A_397 = arith.cmpi slt, %add3A_395, %lt3A_396 : i32
        %convert_element_type3A_398 = arith.extui %lt3A_397 : i1 to i32
        %cond3A_399 = arith.constant 0 : i32
        %cond3A_400 = arith.cmpi ne, %convert_element_type3A_398, %cond3A_399 : i32
        scf.if %cond3A_400 {
          %add3A_506 = arith.constant 10 : i32
          %add3A_507 = arith.addi %mul3A_195, %add3A_506 : i32
          %add3A_508 = arith.constant 2 : i32
          %add3A_509 = arith.addi %add3A_507, %add3A_508 : i32
          %dma_start3A_510 = arith.constant 0 : i32
          %dma_start3A_511 = tpu.memref_slice %arg6[%rem3A_75, %add3A_509, %dma_start3A_510] : memref<2x50x80xi32, #tpu.memory_space<vmem>> -> memref<1x1x80xi32, #tpu.memory_space<vmem>>
          %dma_start3A_512 = tpu.memref_squeeze %dma_start3A_511 : memref<1x1x80xi32, #tpu.memory_space<vmem>> -> memref<80xi32, #tpu.memory_space<vmem>>
          %dma_start3A_513 = arith.constant 0 : i32
          %dma_start3A_514 = arith.constant 0 : i32
          %dma_start3A_515 = tpu.memref_slice %arg2[%dma_start3A_513, %dma_start3A_514] : memref<10000x16xf32, #tpu.memory_space<hbm>> -> memref<10000x16xf32, #tpu.memory_space<hbm>>
          tpu.enqueue_indirect_dma source(%dma_start3A_515 : memref<10000x16xf32, #tpu.memory_space<hbm>>) target(%arg12 : memref<80x16xf32, #tpu.memory_space<vmem>>) offsets(%dma_start3A_512 : memref<80xi32, #tpu.memory_space<vmem>>) semaphore(%arg22 : memref<!tpu.dma_semaphore, #tpu.memory_space<semaphore_mem>>)
        } else {
        }
        %dma_wait3A_401 = arith.constant 0 : i32
        %dma_wait3A_402 = arith.constant 0 : i32
        %dma_wait3A_403 = arith.constant 0 : i32
        %dma_wait3A_404 = tpu.memref_slice %arg7[%dma_wait3A_401, %dma_wait3A_402, %dma_wait3A_403] : memref<2x50x80xi32, #tpu.memory_space<vmem>> -> memref<1x1x80xi32, #tpu.memory_space<vmem>>
        %dma_wait3A_405 = tpu.memref_squeeze %dma_wait3A_404 : memref<1x1x80xi32, #tpu.memory_space<vmem>> -> memref<80xi32, #tpu.memory_space<vmem>>
        %dma_wait3A_406 = arith.constant 0 : i32
        %dma_wait3A_407 = arith.constant 0 : i32
        %dma_wait3A_408 = tpu.memref_slice %arg8[%dma_wait3A_406, %dma_wait3A_407] : memref<10000x16xf32, #tpu.memory_space<vmem_shared>> -> memref<10000x16xf32, #tpu.memory_space<vmem_shared>>
        tpu.wait_indirect_dma semaphore(%arg33 : memref<!tpu.dma_semaphore, #tpu.memory_space<semaphore_mem>>) src(%arg13 : memref<80x16xf32, #tpu.memory_space<vmem>>) dst(%dma_wait3A_408 : memref<10000x16xf32, #tpu.memory_space<vmem_shared>>)
        %add3A_409 = arith.constant 1 : i32
        %add3A_410 = arith.addi %add3A_193, %add3A_409 : i32
        %lt3A_411 = arith.constant 5 : i32
        %lt3A_412 = arith.cmpi slt, %add3A_410, %lt3A_411 : i32
        %convert_element_type3A_413 = arith.extui %lt3A_412 : i1 to i32
        %cond3A_414 = arith.constant 0 : i32
        %cond3A_415 = arith.cmpi ne, %convert_element_type3A_413, %cond3A_414 : i32
        scf.if %cond3A_415 {
          %add3A_506 = arith.constant 10 : i32
          %add3A_507 = arith.addi %mul3A_195, %add3A_506 : i32
          %add3A_508 = arith.constant 3 : i32
          %add3A_509 = arith.addi %add3A_507, %add3A_508 : i32
          %dma_start3A_510 = arith.constant 0 : i32
          %dma_start3A_511 = tpu.memref_slice %arg6[%rem3A_75, %add3A_509, %dma_start3A_510] : memref<2x50x80xi32, #tpu.memory_space<vmem>> -> memref<1x1x80xi32, #tpu.memory_space<vmem>>
          %dma_start3A_512 = tpu.memref_squeeze %dma_start3A_511 : memref<1x1x80xi32, #tpu.memory_space<vmem>> -> memref<80xi32, #tpu.memory_space<vmem>>
          %dma_start3A_513 = arith.constant 0 : i32
          %dma_start3A_514 = arith.constant 0 : i32
          %dma_start3A_515 = tpu.memref_slice %arg2[%dma_start3A_513, %dma_start3A_514] : memref<10000x16xf32, #tpu.memory_space<hbm>> -> memref<10000x16xf32, #tpu.memory_space<hbm>>
          tpu.enqueue_indirect_dma source(%dma_start3A_515 : memref<10000x16xf32, #tpu.memory_space<hbm>>) target(%arg13 : memref<80x16xf32, #tpu.memory_space<vmem>>) offsets(%dma_start3A_512 : memref<80xi32, #tpu.memory_space<vmem>>) semaphore(%arg23 : memref<!tpu.dma_semaphore, #tpu.memory_space<semaphore_mem>>)
        } else {
        }
        %dma_wait3A_416 = arith.constant 0 : i32
        %dma_wait3A_417 = arith.constant 0 : i32
        %dma_wait3A_418 = arith.constant 0 : i32
        %dma_wait3A_419 = tpu.memref_slice %arg7[%dma_wait3A_416, %dma_wait3A_417, %dma_wait3A_418] : memref<2x50x80xi32, #tpu.memory_space<vmem>> -> memref<1x1x80xi32, #tpu.memory_space<vmem>>
        %dma_wait3A_420 = tpu.memref_squeeze %dma_wait3A_419 : memref<1x1x80xi32, #tpu.memory_space<vmem>> -> memref<80xi32, #tpu.memory_space<vmem>>
        %dma_wait3A_421 = arith.constant 0 : i32
        %dma_wait3A_422 = arith.constant 0 : i32
        %dma_wait3A_423 = tpu.memref_slice %arg8[%dma_wait3A_421, %dma_wait3A_422] : memref<10000x16xf32, #tpu.memory_space<vmem_shared>> -> memref<10000x16xf32, #tpu.memory_space<vmem_shared>>
        tpu.wait_indirect_dma semaphore(%arg34 : memref<!tpu.dma_semaphore, #tpu.memory_space<semaphore_mem>>) src(%arg14 : memref<80x16xf32, #tpu.memory_space<vmem>>) dst(%dma_wait3A_423 : memref<10000x16xf32, #tpu.memory_space<vmem_shared>>)
        %add3A_424 = arith.constant 1 : i32
        %add3A_425 = arith.addi %add3A_193, %add3A_424 : i32
        %lt3A_426 = arith.constant 5 : i32
        %lt3A_427 = arith.cmpi slt, %add3A_425, %lt3A_426 : i32
        %convert_element_type3A_428 = arith.extui %lt3A_427 : i1 to i32
        %cond3A_429 = arith.constant 0 : i32
        %cond3A_430 = arith.cmpi ne, %convert_element_type3A_428, %cond3A_429 : i32
        scf.if %cond3A_430 {
          %add3A_506 = arith.constant 10 : i32
          %add3A_507 = arith.addi %mul3A_195, %add3A_506 : i32
          %add3A_508 = arith.constant 4 : i32
          %add3A_509 = arith.addi %add3A_507, %add3A_508 : i32
          %dma_start3A_510 = arith.constant 0 : i32
          %dma_start3A_511 = tpu.memref_slice %arg6[%rem3A_75, %add3A_509, %dma_start3A_510] : memref<2x50x80xi32, #tpu.memory_space<vmem>> -> memref<1x1x80xi32, #tpu.memory_space<vmem>>
          %dma_start3A_512 = tpu.memref_squeeze %dma_start3A_511 : memref<1x1x80xi32, #tpu.memory_space<vmem>> -> memref<80xi32, #tpu.memory_space<vmem>>
          %dma_start3A_513 = arith.constant 0 : i32
          %dma_start3A_514 = arith.constant 0 : i32
          %dma_start3A_515 = tpu.memref_slice %arg2[%dma_start3A_513, %dma_start3A_514] : memref<10000x16xf32, #tpu.memory_space<hbm>> -> memref<10000x16xf32, #tpu.memory_space<hbm>>
          tpu.enqueue_indirect_dma source(%dma_start3A_515 : memref<10000x16xf32, #tpu.memory_space<hbm>>) target(%arg14 : memref<80x16xf32, #tpu.memory_space<vmem>>) offsets(%dma_start3A_512 : memref<80xi32, #tpu.memory_space<vmem>>) semaphore(%arg24 : memref<!tpu.dma_semaphore, #tpu.memory_space<semaphore_mem>>)
        } else {
        }
        %dma_wait3A_431 = arith.constant 0 : i32
        %dma_wait3A_432 = arith.constant 0 : i32
        %dma_wait3A_433 = arith.constant 0 : i32
        %dma_wait3A_434 = tpu.memref_slice %arg7[%dma_wait3A_431, %dma_wait3A_432, %dma_wait3A_433] : memref<2x50x80xi32, #tpu.memory_space<vmem>> -> memref<1x1x80xi32, #tpu.memory_space<vmem>>
        %dma_wait3A_435 = tpu.memref_squeeze %dma_wait3A_434 : memref<1x1x80xi32, #tpu.memory_space<vmem>> -> memref<80xi32, #tpu.memory_space<vmem>>
        %dma_wait3A_436 = arith.constant 0 : i32
        %dma_wait3A_437 = arith.constant 0 : i32
        %dma_wait3A_438 = tpu.memref_slice %arg8[%dma_wait3A_436, %dma_wait3A_437] : memref<10000x16xf32, #tpu.memory_space<vmem_shared>> -> memref<10000x16xf32, #tpu.memory_space<vmem_shared>>
        tpu.wait_indirect_dma semaphore(%arg35 : memref<!tpu.dma_semaphore, #tpu.memory_space<semaphore_mem>>) src(%arg15 : memref<80x16xf32, #tpu.memory_space<vmem>>) dst(%dma_wait3A_438 : memref<10000x16xf32, #tpu.memory_space<vmem_shared>>)
        %add3A_439 = arith.constant 1 : i32
        %add3A_440 = arith.addi %add3A_193, %add3A_439 : i32
        %lt3A_441 = arith.constant 5 : i32
        %lt3A_442 = arith.cmpi slt, %add3A_440, %lt3A_441 : i32
        %convert_element_type3A_443 = arith.extui %lt3A_442 : i1 to i32
        %cond3A_444 = arith.constant 0 : i32
        %cond3A_445 = arith.cmpi ne, %convert_element_type3A_443, %cond3A_444 : i32
        scf.if %cond3A_445 {
          %add3A_506 = arith.constant 10 : i32
          %add3A_507 = arith.addi %mul3A_195, %add3A_506 : i32
          %add3A_508 = arith.constant 5 : i32
          %add3A_509 = arith.addi %add3A_507, %add3A_508 : i32
          %dma_start3A_510 = arith.constant 0 : i32
          %dma_start3A_511 = tpu.memref_slice %arg6[%rem3A_75, %add3A_509, %dma_start3A_510] : memref<2x50x80xi32, #tpu.memory_space<vmem>> -> memref<1x1x80xi32, #tpu.memory_space<vmem>>
          %dma_start3A_512 = tpu.memref_squeeze %dma_start3A_511 : memref<1x1x80xi32, #tpu.memory_space<vmem>> -> memref<80xi32, #tpu.memory_space<vmem>>
          %dma_start3A_513 = arith.constant 0 : i32
          %dma_start3A_514 = arith.constant 0 : i32
          %dma_start3A_515 = tpu.memref_slice %arg2[%dma_start3A_513, %dma_start3A_514] : memref<10000x16xf32, #tpu.memory_space<hbm>> -> memref<10000x16xf32, #tpu.memory_space<hbm>>
          tpu.enqueue_indirect_dma source(%dma_start3A_515 : memref<10000x16xf32, #tpu.memory_space<hbm>>) target(%arg15 : memref<80x16xf32, #tpu.memory_space<vmem>>) offsets(%dma_start3A_512 : memref<80xi32, #tpu.memory_space<vmem>>) semaphore(%arg25 : memref<!tpu.dma_semaphore, #tpu.memory_space<semaphore_mem>>)
        } else {
        }
        %dma_wait3A_446 = arith.constant 0 : i32
        %dma_wait3A_447 = arith.constant 0 : i32
        %dma_wait3A_448 = arith.constant 0 : i32
        %dma_wait3A_449 = tpu.memref_slice %arg7[%dma_wait3A_446, %dma_wait3A_447, %dma_wait3A_448] : memref<2x50x80xi32, #tpu.memory_space<vmem>> -> memref<1x1x80xi32, #tpu.memory_space<vmem>>
        %dma_wait3A_450 = tpu.memref_squeeze %dma_wait3A_449 : memref<1x1x80xi32, #tpu.memory_space<vmem>> -> memref<80xi32, #tpu.memory_space<vmem>>
        %dma_wait3A_451 = arith.constant 0 : i32
        %dma_wait3A_452 = arith.constant 0 : i32
        %dma_wait3A_453 = tpu.memref_slice %arg8[%dma_wait3A_451, %dma_wait3A_452] : memref<10000x16xf32, #tpu.memory_space<vmem_shared>> -> memref<10000x16xf32, #tpu.memory_space<vmem_shared>>
        tpu.wait_indirect_dma semaphore(%arg36 : memref<!tpu.dma_semaphore, #tpu.memory_space<semaphore_mem>>) src(%arg16 : memref<80x16xf32, #tpu.memory_space<vmem>>) dst(%dma_wait3A_453 : memref<10000x16xf32, #tpu.memory_space<vmem_shared>>)
        %add3A_454 = arith.constant 1 : i32
        %add3A_455 = arith.addi %add3A_193, %add3A_454 : i32
        %lt3A_456 = arith.constant 5 : i32
        %lt3A_457 = arith.cmpi slt, %add3A_455, %lt3A_456 : i32
        %convert_element_type3A_458 = arith.extui %lt3A_457 : i1 to i32
        %cond3A_459 = arith.constant 0 : i32
        %cond3A_460 = arith.cmpi ne, %convert_element_type3A_458, %cond3A_459 : i32
        scf.if %cond3A_460 {
          %add3A_506 = arith.constant 10 : i32
          %add3A_507 = arith.addi %mul3A_195, %add3A_506 : i32
          %add3A_508 = arith.constant 6 : i32
          %add3A_509 = arith.addi %add3A_507, %add3A_508 : i32
          %dma_start3A_510 = arith.constant 0 : i32
          %dma_start3A_511 = tpu.memref_slice %arg6[%rem3A_75, %add3A_509, %dma_start3A_510] : memref<2x50x80xi32, #tpu.memory_space<vmem>> -> memref<1x1x80xi32, #tpu.memory_space<vmem>>
          %dma_start3A_512 = tpu.memref_squeeze %dma_start3A_511 : memref<1x1x80xi32, #tpu.memory_space<vmem>> -> memref<80xi32, #tpu.memory_space<vmem>>
          %dma_start3A_513 = arith.constant 0 : i32
          %dma_start3A_514 = arith.constant 0 : i32
          %dma_start3A_515 = tpu.memref_slice %arg2[%dma_start3A_513, %dma_start3A_514] : memref<10000x16xf32, #tpu.memory_space<hbm>> -> memref<10000x16xf32, #tpu.memory_space<hbm>>
          tpu.enqueue_indirect_dma source(%dma_start3A_515 : memref<10000x16xf32, #tpu.memory_space<hbm>>) target(%arg16 : memref<80x16xf32, #tpu.memory_space<vmem>>) offsets(%dma_start3A_512 : memref<80xi32, #tpu.memory_space<vmem>>) semaphore(%arg26 : memref<!tpu.dma_semaphore, #tpu.memory_space<semaphore_mem>>)
        } else {
        }
        %dma_wait3A_461 = arith.constant 0 : i32
        %dma_wait3A_462 = arith.constant 0 : i32
        %dma_wait3A_463 = arith.constant 0 : i32
        %dma_wait3A_464 = tpu.memref_slice %arg7[%dma_wait3A_461, %dma_wait3A_462, %dma_wait3A_463] : memref<2x50x80xi32, #tpu.memory_space<vmem>> -> memref<1x1x80xi32, #tpu.memory_space<vmem>>
        %dma_wait3A_465 = tpu.memref_squeeze %dma_wait3A_464 : memref<1x1x80xi32, #tpu.memory_space<vmem>> -> memref<80xi32, #tpu.memory_space<vmem>>
        %dma_wait3A_466 = arith.constant 0 : i32
        %dma_wait3A_467 = arith.constant 0 : i32
        %dma_wait3A_468 = tpu.memref_slice %arg8[%dma_wait3A_466, %dma_wait3A_467] : memref<10000x16xf32, #tpu.memory_space<vmem_shared>> -> memref<10000x16xf32, #tpu.memory_space<vmem_shared>>
        tpu.wait_indirect_dma semaphore(%arg37 : memref<!tpu.dma_semaphore, #tpu.memory_space<semaphore_mem>>) src(%arg17 : memref<80x16xf32, #tpu.memory_space<vmem>>) dst(%dma_wait3A_468 : memref<10000x16xf32, #tpu.memory_space<vmem_shared>>)
        %add3A_469 = arith.constant 1 : i32
        %add3A_470 = arith.addi %add3A_193, %add3A_469 : i32
        %lt3A_471 = arith.constant 5 : i32
        %lt3A_472 = arith.cmpi slt, %add3A_470, %lt3A_471 : i32
        %convert_element_type3A_473 = arith.extui %lt3A_472 : i1 to i32
        %cond3A_474 = arith.constant 0 : i32
        %cond3A_475 = arith.cmpi ne, %convert_element_type3A_473, %cond3A_474 : i32
        scf.if %cond3A_475 {
          %add3A_506 = arith.constant 10 : i32
          %add3A_507 = arith.addi %mul3A_195, %add3A_506 : i32
          %add3A_508 = arith.constant 7 : i32
          %add3A_509 = arith.addi %add3A_507, %add3A_508 : i32
          %dma_start3A_510 = arith.constant 0 : i32
          %dma_start3A_511 = tpu.memref_slice %arg6[%rem3A_75, %add3A_509, %dma_start3A_510] : memref<2x50x80xi32, #tpu.memory_space<vmem>> -> memref<1x1x80xi32, #tpu.memory_space<vmem>>
          %dma_start3A_512 = tpu.memref_squeeze %dma_start3A_511 : memref<1x1x80xi32, #tpu.memory_space<vmem>> -> memref<80xi32, #tpu.memory_space<vmem>>
          %dma_start3A_513 = arith.constant 0 : i32
          %dma_start3A_514 = arith.constant 0 : i32
          %dma_start3A_515 = tpu.memref_slice %arg2[%dma_start3A_513, %dma_start3A_514] : memref<10000x16xf32, #tpu.memory_space<hbm>> -> memref<10000x16xf32, #tpu.memory_space<hbm>>
          tpu.enqueue_indirect_dma source(%dma_start3A_515 : memref<10000x16xf32, #tpu.memory_space<hbm>>) target(%arg17 : memref<80x16xf32, #tpu.memory_space<vmem>>) offsets(%dma_start3A_512 : memref<80xi32, #tpu.memory_space<vmem>>) semaphore(%arg27 : memref<!tpu.dma_semaphore, #tpu.memory_space<semaphore_mem>>)
        } else {
        }
        %dma_wait3A_476 = arith.constant 0 : i32
        %dma_wait3A_477 = arith.constant 0 : i32
        %dma_wait3A_478 = arith.constant 0 : i32
        %dma_wait3A_479 = tpu.memref_slice %arg7[%dma_wait3A_476, %dma_wait3A_477, %dma_wait3A_478] : memref<2x50x80xi32, #tpu.memory_space<vmem>> -> memref<1x1x80xi32, #tpu.memory_space<vmem>>
        %dma_wait3A_480 = tpu.memref_squeeze %dma_wait3A_479 : memref<1x1x80xi32, #tpu.memory_space<vmem>> -> memref<80xi32, #tpu.memory_space<vmem>>
        %dma_wait3A_481 = arith.constant 0 : i32
        %dma_wait3A_482 = arith.constant 0 : i32
        %dma_wait3A_483 = tpu.memref_slice %arg8[%dma_wait3A_481, %dma_wait3A_482] : memref<10000x16xf32, #tpu.memory_space<vmem_shared>> -> memref<10000x16xf32, #tpu.memory_space<vmem_shared>>
        tpu.wait_indirect_dma semaphore(%arg38 : memref<!tpu.dma_semaphore, #tpu.memory_space<semaphore_mem>>) src(%arg18 : memref<80x16xf32, #tpu.memory_space<vmem>>) dst(%dma_wait3A_483 : memref<10000x16xf32, #tpu.memory_space<vmem_shared>>)
        %add3A_484 = arith.constant 1 : i32
        %add3A_485 = arith.addi %add3A_193, %add3A_484 : i32
        %lt3A_486 = arith.constant 5 : i32
        %lt3A_487 = arith.cmpi slt, %add3A_485, %lt3A_486 : i32
        %convert_element_type3A_488 = arith.extui %lt3A_487 : i1 to i32
        %cond3A_489 = arith.constant 0 : i32
        %cond3A_490 = arith.cmpi ne, %convert_element_type3A_488, %cond3A_489 : i32
        scf.if %cond3A_490 {
          %add3A_506 = arith.constant 10 : i32
          %add3A_507 = arith.addi %mul3A_195, %add3A_506 : i32
          %add3A_508 = arith.constant 8 : i32
          %add3A_509 = arith.addi %add3A_507, %add3A_508 : i32
          %dma_start3A_510 = arith.constant 0 : i32
          %dma_start3A_511 = tpu.memref_slice %arg6[%rem3A_75, %add3A_509, %dma_start3A_510] : memref<2x50x80xi32, #tpu.memory_space<vmem>> -> memref<1x1x80xi32, #tpu.memory_space<vmem>>
          %dma_start3A_512 = tpu.memref_squeeze %dma_start3A_511 : memref<1x1x80xi32, #tpu.memory_space<vmem>> -> memref<80xi32, #tpu.memory_space<vmem>>
          %dma_start3A_513 = arith.constant 0 : i32
          %dma_start3A_514 = arith.constant 0 : i32
          %dma_start3A_515 = tpu.memref_slice %arg2[%dma_start3A_513, %dma_start3A_514] : memref<10000x16xf32, #tpu.memory_space<hbm>> -> memref<10000x16xf32, #tpu.memory_space<hbm>>
          tpu.enqueue_indirect_dma source(%dma_start3A_515 : memref<10000x16xf32, #tpu.memory_space<hbm>>) target(%arg18 : memref<80x16xf32, #tpu.memory_space<vmem>>) offsets(%dma_start3A_512 : memref<80xi32, #tpu.memory_space<vmem>>) semaphore(%arg28 : memref<!tpu.dma_semaphore, #tpu.memory_space<semaphore_mem>>)
        } else {
        }
        %dma_wait3A_491 = arith.constant 0 : i32
        %dma_wait3A_492 = arith.constant 0 : i32
        %dma_wait3A_493 = arith.constant 0 : i32
        %dma_wait3A_494 = tpu.memref_slice %arg7[%dma_wait3A_491, %dma_wait3A_492, %dma_wait3A_493] : memref<2x50x80xi32, #tpu.memory_space<vmem>> -> memref<1x1x80xi32, #tpu.memory_space<vmem>>
        %dma_wait3A_495 = tpu.memref_squeeze %dma_wait3A_494 : memref<1x1x80xi32, #tpu.memory_space<vmem>> -> memref<80xi32, #tpu.memory_space<vmem>>
        %dma_wait3A_496 = arith.constant 0 : i32
        %dma_wait3A_497 = arith.constant 0 : i32
        %dma_wait3A_498 = tpu.memref_slice %arg8[%dma_wait3A_496, %dma_wait3A_497] : memref<10000x16xf32, #tpu.memory_space<vmem_shared>> -> memref<10000x16xf32, #tpu.memory_space<vmem_shared>>
        tpu.wait_indirect_dma semaphore(%arg39 : memref<!tpu.dma_semaphore, #tpu.memory_space<semaphore_mem>>) src(%arg19 : memref<80x16xf32, #tpu.memory_space<vmem>>) dst(%dma_wait3A_498 : memref<10000x16xf32, #tpu.memory_space<vmem_shared>>)
        %add3A_499 = arith.constant 1 : i32
        %add3A_500 = arith.addi %add3A_193, %add3A_499 : i32
        %lt3A_501 = arith.constant 5 : i32
        %lt3A_502 = arith.cmpi slt, %add3A_500, %lt3A_501 : i32
        %convert_element_type3A_503 = arith.extui %lt3A_502 : i1 to i32
        %cond3A_504 = arith.constant 0 : i32
        %cond3A_505 = arith.cmpi ne, %convert_element_type3A_503, %cond3A_504 : i32
        scf.if %cond3A_505 {
          %add3A_506 = arith.constant 10 : i32
          %add3A_507 = arith.addi %mul3A_195, %add3A_506 : i32
          %add3A_508 = arith.constant 9 : i32
          %add3A_509 = arith.addi %add3A_507, %add3A_508 : i32
          %dma_start3A_510 = arith.constant 0 : i32
          %dma_start3A_511 = tpu.memref_slice %arg6[%rem3A_75, %add3A_509, %dma_start3A_510] : memref<2x50x80xi32, #tpu.memory_space<vmem>> -> memref<1x1x80xi32, #tpu.memory_space<vmem>>
          %dma_start3A_512 = tpu.memref_squeeze %dma_start3A_511 : memref<1x1x80xi32, #tpu.memory_space<vmem>> -> memref<80xi32, #tpu.memory_space<vmem>>
          %dma_start3A_513 = arith.constant 0 : i32
          %dma_start3A_514 = arith.constant 0 : i32
          %dma_start3A_515 = tpu.memref_slice %arg2[%dma_start3A_513, %dma_start3A_514] : memref<10000x16xf32, #tpu.memory_space<hbm>> -> memref<10000x16xf32, #tpu.memory_space<hbm>>
          tpu.enqueue_indirect_dma source(%dma_start3A_515 : memref<10000x16xf32, #tpu.memory_space<hbm>>) target(%arg19 : memref<80x16xf32, #tpu.memory_space<vmem>>) offsets(%dma_start3A_512 : memref<80xi32, #tpu.memory_space<vmem>>) semaphore(%arg29 : memref<!tpu.dma_semaphore, #tpu.memory_space<semaphore_mem>>)
        } else {
        }
      }
      %scan3A_188 = arith.constant 5 : i32
    }
    %scan3A_61 = arith.constant 5 : i32
    %barrier3A_62 = arith.constant 0 : index
    tpu.barrier barrier_id(%barrier3A_62)
    %lt3A = arith.constant 15 : i32
    %lt3A_63 = arith.cmpi slt, %arg1, %lt3A : i32
    %convert_element_type3A = arith.extui %lt3A_63 : i1 to i32
    %cond3A = arith.constant 0 : i32
    %cond3A_64 = arith.cmpi ne, %convert_element_type3A, %cond3A : i32
    scf.if %cond3A_64 {
      %mul3A_70 = arith.constant 640 : i32
      %mul3A_71 = arith.muli %arg1, %mul3A_70 : i32
      %mul3A_72 = arith.constant 640 : i32
      %mul3A_73 = arith.muli %arg1, %mul3A_72 : i32
      "tpu.region"() ({
        %run_scoped3A = tpu.sem_alloc : memref<!tpu.dma_semaphore, #tpu.memory_space<semaphore_mem>>
        %dma_start3A_74 = arith.constant 0 : i32
        %dma_start3A_75 = tpu.memref_slice %arg5[%arg0, %mul3A_73, %dma_start3A_74] : memref<2x10000x16xf32, #tpu.memory_space<hbm>> -> memref<1x640x16xf32, #tpu.memory_space<hbm>>
        %dma_start3A_76 = tpu.memref_squeeze %dma_start3A_75 : memref<1x640x16xf32, #tpu.memory_space<hbm>> -> memref<640x16xf32, #tpu.memory_space<hbm>>
        %dma_start3A_77 = arith.constant 0 : i32
        %dma_start3A_78 = tpu.memref_slice %arg8[%mul3A_71, %dma_start3A_77] : memref<10000x16xf32, #tpu.memory_space<vmem_shared>> -> memref<640x16xf32, #tpu.memory_space<vmem_shared>>
        tpu.enqueue_dma source(%dma_start3A_78 : memref<640x16xf32, #tpu.memory_space<vmem_shared>>) target(%dma_start3A_76 : memref<640x16xf32, #tpu.memory_space<hbm>>) target_semaphore(%run_scoped3A : memref<!tpu.dma_semaphore, #tpu.memory_space<semaphore_mem>>)
        %dma_wait3A = arith.constant 0 : i32
        %dma_wait3A_79 = tpu.memref_slice %arg5[%arg0, %mul3A_73, %dma_wait3A] : memref<2x10000x16xf32, #tpu.memory_space<hbm>> -> memref<1x640x16xf32, #tpu.memory_space<hbm>>
        %dma_wait3A_80 = tpu.memref_squeeze %dma_wait3A_79 : memref<1x640x16xf32, #tpu.memory_space<hbm>> -> memref<640x16xf32, #tpu.memory_space<hbm>>
        %dma_wait3A_81 = arith.constant 0 : i32
        %dma_wait3A_82 = tpu.memref_slice %arg8[%mul3A_71, %dma_wait3A_81] : memref<10000x16xf32, #tpu.memory_space<vmem_shared>> -> memref<640x16xf32, #tpu.memory_space<vmem_shared>>
        tpu.wait_dma2 semaphore(%run_scoped3A : memref<!tpu.dma_semaphore, #tpu.memory_space<semaphore_mem>>) src(%dma_wait3A_82 : memref<640x16xf32, #tpu.memory_space<vmem_shared>>) dst(%dma_wait3A_80 : memref<640x16xf32, #tpu.memory_space<hbm>>)
        tpu.yield
      }) : () -> ()
    } else {
    }
    %eq3A_65 = arith.constant 15 : i32
    %eq3A_66 = arith.cmpi eq, %arg1, %eq3A_65 : i32
    %convert_element_type3A_67 = arith.extui %eq3A_66 : i1 to i32
    %cond3A_68 = arith.constant 0 : i32
    %cond3A_69 = arith.cmpi ne, %convert_element_type3A_67, %cond3A_68 : i32
    scf.if %cond3A_69 {
      "tpu.region"() ({
        %run_scoped3A = tpu.sem_alloc : memref<!tpu.dma_semaphore, #tpu.memory_space<semaphore_mem>>
        %dma_start3A_70 = arith.constant 9600 : i32
        %dma_start3A_71 = arith.constant 0 : i32
        %dma_start3A_72 = tpu.memref_slice %arg5[%arg0, %dma_start3A_70, %dma_start3A_71] : memref<2x10000x16xf32, #tpu.memory_space<hbm>> -> memref<1x400x16xf32, #tpu.memory_space<hbm>>
        %dma_start3A_73 = tpu.memref_squeeze %dma_start3A_72 : memref<1x400x16xf32, #tpu.memory_space<hbm>> -> memref<400x16xf32, #tpu.memory_space<hbm>>
        %dma_start3A_74 = arith.constant 9600 : i32
        %dma_start3A_75 = arith.constant 0 : i32
        %dma_start3A_76 = tpu.memref_slice %arg8[%dma_start3A_74, %dma_start3A_75] : memref<10000x16xf32, #tpu.memory_space<vmem_shared>> -> memref<400x16xf32, #tpu.memory_space<vmem_shared>>
        tpu.enqueue_dma source(%dma_start3A_76 : memref<400x16xf32, #tpu.memory_space<vmem_shared>>) target(%dma_start3A_73 : memref<400x16xf32, #tpu.memory_space<hbm>>) target_semaphore(%run_scoped3A : memref<!tpu.dma_semaphore, #tpu.memory_space<semaphore_mem>>)
        %dma_wait3A = arith.constant 9600 : i32
        %dma_wait3A_77 = arith.constant 0 : i32
        %dma_wait3A_78 = tpu.memref_slice %arg5[%arg0, %dma_wait3A, %dma_wait3A_77] : memref<2x10000x16xf32, #tpu.memory_space<hbm>> -> memref<1x400x16xf32, #tpu.memory_space<hbm>>
        %dma_wait3A_79 = tpu.memref_squeeze %dma_wait3A_78 : memref<1x400x16xf32, #tpu.memory_space<hbm>> -> memref<400x16xf32, #tpu.memory_space<hbm>>
        %dma_wait3A_80 = arith.constant 9600 : i32
        %dma_wait3A_81 = arith.constant 0 : i32
        %dma_wait3A_82 = tpu.memref_slice %arg8[%dma_wait3A_80, %dma_wait3A_81] : memref<10000x16xf32, #tpu.memory_space<vmem_shared>> -> memref<400x16xf32, #tpu.memory_space<vmem_shared>>
        tpu.wait_dma2 semaphore(%run_scoped3A : memref<!tpu.dma_semaphore, #tpu.memory_space<semaphore_mem>>) src(%dma_wait3A_82 : memref<400x16xf32, #tpu.memory_space<vmem_shared>>) dst(%dma_wait3A_79 : memref<400x16xf32, #tpu.memory_space<hbm>>)
        tpu.yield
      }) : () -> ()
    } else {
    }
    return
  }
}

#map = affine_map<(d0, d1) -> (0, 0, 0)>
module attributes {stable_mosaic.version = 14 : i64} {
  func.func @spmm(%arg0: i32, %arg1: i32, %arg2: memref<2x10000x64xf32, #tpu.memory_space<hbm>>, %arg3: memref<16x500x80xi32, #tpu.memory_space<hbm>>, %arg4: memref<16x500x80xi32, #tpu.memory_space<hbm>>, %arg5: memref<2x10000x64xf32, #tpu.memory_space<hbm>>, %arg6: memref<2x100x80xi32, #tpu.memory_space<vmem>>, %arg7: memref<2x100x80xi32, #tpu.memory_space<vmem>>, %arg8: memref<10000x64xf32, #tpu.memory_space<vmem_shared>>, %arg9: memref<80x64xf32, #tpu.memory_space<vmem>>, %arg10: memref<80x64xf32, #tpu.memory_space<vmem>>, %arg11: memref<80x64xf32, #tpu.memory_space<vmem>>, %arg12: memref<80x64xf32, #tpu.memory_space<vmem>>, %arg13: memref<80x64xf32, #tpu.memory_space<vmem>>, %arg14: memref<80x64xf32, #tpu.memory_space<vmem>>, %arg15: memref<80x64xf32, #tpu.memory_space<vmem>>, %arg16: memref<80x64xf32, #tpu.memory_space<vmem>>, %arg17: memref<80x64xf32, #tpu.memory_space<vmem>>, %arg18: memref<80x64xf32, #tpu.memory_space<vmem>>, %arg19: memref<80x64xf32, #tpu.memory_space<vmem>>, %arg20: memref<!tpu.dma_semaphore, #tpu.memory_space<semaphore_mem>>, %arg21: memref<!tpu.dma_semaphore, #tpu.memory_space<semaphore_mem>>, %arg22: memref<!tpu.dma_semaphore, #tpu.memory_space<semaphore_mem>>, %arg23: memref<!tpu.dma_semaphore, #tpu.memory_space<semaphore_mem>>, %arg24: memref<!tpu.dma_semaphore, #tpu.memory_space<semaphore_mem>>, %arg25: memref<!tpu.dma_semaphore, #tpu.memory_space<semaphore_mem>>, %arg26: memref<!tpu.dma_semaphore, #tpu.memory_space<semaphore_mem>>, %arg27: memref<!tpu.dma_semaphore, #tpu.memory_space<semaphore_mem>>, %arg28: memref<!tpu.dma_semaphore, #tpu.memory_space<semaphore_mem>>, %arg29: memref<!tpu.dma_semaphore, #tpu.memory_space<semaphore_mem>>, %arg30: memref<!tpu.dma_semaphore, #tpu.memory_space<semaphore_mem>>, %arg31: memref<!tpu.dma_semaphore, #tpu.memory_space<semaphore_mem>>, %arg32: memref<!tpu.dma_semaphore, #tpu.memory_space<semaphore_mem>>, %arg33: memref<!tpu.dma_semaphore, #tpu.memory_space<semaphore_mem>>, %arg34: memref<!tpu.dma_semaphore, #tpu.memory_space<semaphore_mem>>, %arg35: memref<!tpu.dma_semaphore, #tpu.memory_space<semaphore_mem>>, %arg36: memref<!tpu.dma_semaphore, #tpu.memory_space<semaphore_mem>>, %arg37: memref<!tpu.dma_semaphore, #tpu.memory_space<semaphore_mem>>, %arg38: memref<!tpu.dma_semaphore, #tpu.memory_space<semaphore_mem>>, %arg39: memref<!tpu.dma_semaphore, #tpu.memory_space<semaphore_mem>>, %arg40: memref<!tpu.dma_semaphore, #tpu.memory_space<semaphore_mem>>) attributes {dimension_semantics = [#tpu.dimension_semantics<core_parallel>, #tpu.dimension_semantics<subcore_parallel>], iteration_bounds = array<i64: 2, 16>, scalar_prefetch = 0 : i64, scratch_operands = 35 : i64, tpu.core_type = #tpu.core_type<sc_vector_subcore>, window_params = [{transform_indices = #map}, {transform_indices = #map}, {transform_indices = #map}, {transform_indices = #map}]} {
    %dma_start3A = arith.constant 0 : i32
    %dma_start3A_0 = arith.constant 0 : i32
    %dma_start3A_1 = arith.constant 0 : i32
    %dma_start3A_2 = tpu.memref_slice %arg6[%dma_start3A, %dma_start3A_0, %dma_start3A_1] : memref<2x100x80xi32, #tpu.memory_space<vmem>> -> memref<1x100x80xi32, #tpu.memory_space<vmem>>
    %dma_start3A_3 = tpu.memref_squeeze %dma_start3A_2 : memref<1x100x80xi32, #tpu.memory_space<vmem>> -> memref<100x80xi32, #tpu.memory_space<vmem>>
    %dma_start3A_4 = arith.constant 0 : i32
    %dma_start3A_5 = arith.constant 0 : i32
    %dma_start3A_6 = tpu.memref_slice %arg3[%arg1, %dma_start3A_4, %dma_start3A_5] : memref<16x500x80xi32, #tpu.memory_space<hbm>> -> memref<1x100x80xi32, #tpu.memory_space<hbm>>
    %dma_start3A_7 = tpu.memref_squeeze %dma_start3A_6 : memref<1x100x80xi32, #tpu.memory_space<hbm>> -> memref<100x80xi32, #tpu.memory_space<hbm>>
    %dma_start3A_8 = arith.constant 0 : i32
    %dma_start3A_9 = arith.constant 0 : i32
    %dma_start3A_10 = tpu.memref_slice %arg6[%dma_start3A, %dma_start3A_8, %dma_start3A_9] : memref<2x100x80xi32, #tpu.memory_space<vmem>> -> memref<1x100x80xi32, #tpu.memory_space<vmem>>
    %dma_start3A_11 = tpu.memref_squeeze %dma_start3A_10 : memref<1x100x80xi32, #tpu.memory_space<vmem>> -> memref<100x80xi32, #tpu.memory_space<vmem>>
    %dma_start3A_12 = arith.constant 0 : i32
    %dma_start3A_13 = arith.constant 0 : i32
    %dma_start3A_14 = tpu.memref_slice %arg3[%arg1, %dma_start3A_12, %dma_start3A_13] : memref<16x500x80xi32, #tpu.memory_space<hbm>> -> memref<1x100x80xi32, #tpu.memory_space<hbm>>
    %dma_start3A_15 = tpu.memref_squeeze %dma_start3A_14 : memref<1x100x80xi32, #tpu.memory_space<hbm>> -> memref<100x80xi32, #tpu.memory_space<hbm>>
    tpu.enqueue_dma source(%dma_start3A_15 : memref<100x80xi32, #tpu.memory_space<hbm>>) target(%dma_start3A_11 : memref<100x80xi32, #tpu.memory_space<vmem>>) target_semaphore(%arg40 : memref<!tpu.dma_semaphore, #tpu.memory_space<semaphore_mem>>)
    %dma_start3A_16 = arith.constant 0 : i32
    %dma_start3A_17 = arith.constant 0 : i32
    %dma_start3A_18 = arith.constant 0 : i32
    %dma_start3A_19 = tpu.memref_slice %arg7[%dma_start3A_16, %dma_start3A_17, %dma_start3A_18] : memref<2x100x80xi32, #tpu.memory_space<vmem>> -> memref<1x100x80xi32, #tpu.memory_space<vmem>>
    %dma_start3A_20 = tpu.memref_squeeze %dma_start3A_19 : memref<1x100x80xi32, #tpu.memory_space<vmem>> -> memref<100x80xi32, #tpu.memory_space<vmem>>
    %dma_start3A_21 = arith.constant 0 : i32
    %dma_start3A_22 = arith.constant 0 : i32
    %dma_start3A_23 = tpu.memref_slice %arg4[%arg1, %dma_start3A_21, %dma_start3A_22] : memref<16x500x80xi32, #tpu.memory_space<hbm>> -> memref<1x100x80xi32, #tpu.memory_space<hbm>>
    %dma_start3A_24 = tpu.memref_squeeze %dma_start3A_23 : memref<1x100x80xi32, #tpu.memory_space<hbm>> -> memref<100x80xi32, #tpu.memory_space<hbm>>
    %dma_start3A_25 = arith.constant 0 : i32
    %dma_start3A_26 = arith.constant 0 : i32
    %dma_start3A_27 = tpu.memref_slice %arg7[%dma_start3A_16, %dma_start3A_25, %dma_start3A_26] : memref<2x100x80xi32, #tpu.memory_space<vmem>> -> memref<1x100x80xi32, #tpu.memory_space<vmem>>
    %dma_start3A_28 = tpu.memref_squeeze %dma_start3A_27 : memref<1x100x80xi32, #tpu.memory_space<vmem>> -> memref<100x80xi32, #tpu.memory_space<vmem>>
    %dma_start3A_29 = arith.constant 0 : i32
    %dma_start3A_30 = arith.constant 0 : i32
    %dma_start3A_31 = tpu.memref_slice %arg4[%arg1, %dma_start3A_29, %dma_start3A_30] : memref<16x500x80xi32, #tpu.memory_space<hbm>> -> memref<1x100x80xi32, #tpu.memory_space<hbm>>
    %dma_start3A_32 = tpu.memref_squeeze %dma_start3A_31 : memref<1x100x80xi32, #tpu.memory_space<hbm>> -> memref<100x80xi32, #tpu.memory_space<hbm>>
    tpu.enqueue_dma source(%dma_start3A_32 : memref<100x80xi32, #tpu.memory_space<hbm>>) target(%dma_start3A_28 : memref<100x80xi32, #tpu.memory_space<vmem>>) target_semaphore(%arg40 : memref<!tpu.dma_semaphore, #tpu.memory_space<semaphore_mem>>)
    %broadcast_in_dim3A = arith.constant 0.000000e+00 : f32
    %broadcast_in_dim3A_33 = vector.broadcast %broadcast_in_dim3A : f32 to vector<16xf32>
    %scan3A = arith.constant 0 : i32
    %scan3A_34 = arith.constant 80 : i32
    %scan3A_35 = arith.addi %scan3A, %scan3A_34 : i32
    %scan3A_36 = arith.constant 1 : i32
    scf.for %scan3A_68 = %scan3A to %scan3A_35 step %scan3A_36  : i32 {
      %mul3A = arith.constant 1 : i32
      %mul3A_69 = arith.muli %scan3A_68, %mul3A : i32
      %add3A_70 = arith.constant 0 : i32
      %add3A_71 = arith.addi %add3A_70, %mul3A_69 : i32
      %swap3A = arith.index_cast %add3A_71 : i32 to index
      %swap3A_72 = arith.constant 0 : index
      %swap3A_73 = tpu.vector_load %arg9[%swap3A, %swap3A_72] {strides = array<i32>} : memref<80x64xf32, #tpu.memory_space<vmem>>, vector<1x16xf32>,
      %swap3A_74 = vector.shape_cast %swap3A_73 : vector<1x16xf32> to vector<16xf32>
      %swap3A_75 = vector.shape_cast %broadcast_in_dim3A_33 : vector<16xf32> to vector<1x16xf32>
      tpu.vector_store %arg9[%swap3A, %swap3A_72], %swap3A_75 {strides = array<i32>} : memref<80x64xf32, #tpu.memory_space<vmem>>, vector<1x16xf32>,
      %swap3A_76 = arith.index_cast %add3A_71 : i32 to index
      %swap3A_77 = arith.constant 16 : index
      %swap3A_78 = tpu.vector_load %arg9[%swap3A_76, %swap3A_77] {strides = array<i32>} : memref<80x64xf32, #tpu.memory_space<vmem>>, vector<1x16xf32>,
      %swap3A_79 = vector.shape_cast %swap3A_78 : vector<1x16xf32> to vector<16xf32>
      %swap3A_80 = vector.shape_cast %broadcast_in_dim3A_33 : vector<16xf32> to vector<1x16xf32>
      tpu.vector_store %arg9[%swap3A_76, %swap3A_77], %swap3A_80 {strides = array<i32>} : memref<80x64xf32, #tpu.memory_space<vmem>>, vector<1x16xf32>,
      %swap3A_81 = arith.index_cast %add3A_71 : i32 to index
      %swap3A_82 = arith.constant 32 : index
      %swap3A_83 = tpu.vector_load %arg9[%swap3A_81, %swap3A_82] {strides = array<i32>} : memref<80x64xf32, #tpu.memory_space<vmem>>, vector<1x16xf32>,
      %swap3A_84 = vector.shape_cast %swap3A_83 : vector<1x16xf32> to vector<16xf32>
      %swap3A_85 = vector.shape_cast %broadcast_in_dim3A_33 : vector<16xf32> to vector<1x16xf32>
      tpu.vector_store %arg9[%swap3A_81, %swap3A_82], %swap3A_85 {strides = array<i32>} : memref<80x64xf32, #tpu.memory_space<vmem>>, vector<1x16xf32>,
      %swap3A_86 = arith.index_cast %add3A_71 : i32 to index
      %swap3A_87 = arith.constant 48 : index
      %swap3A_88 = tpu.vector_load %arg9[%swap3A_86, %swap3A_87] {strides = array<i32>} : memref<80x64xf32, #tpu.memory_space<vmem>>, vector<1x16xf32>,
      %swap3A_89 = vector.shape_cast %swap3A_88 : vector<1x16xf32> to vector<16xf32>
      %swap3A_90 = vector.shape_cast %broadcast_in_dim3A_33 : vector<16xf32> to vector<1x16xf32>
      tpu.vector_store %arg9[%swap3A_86, %swap3A_87], %swap3A_90 {strides = array<i32>} : memref<80x64xf32, #tpu.memory_space<vmem>>, vector<1x16xf32>,
    }
    %scan3A_37 = arith.constant 80 : i32
    %eq3A = arith.constant 15 : i32
    %eq3A_38 = arith.cmpi eq, %arg1, %eq3A : i32
    %jit3A = arith.constant 5 : i32
    %jit3A_39 = arith.constant 8 : i32
    %select_n3A = arith.select %eq3A_38, %jit3A, %jit3A_39 : i32
    %sub3A = arith.constant 0 : i32
    %sub3A_40 = arith.subi %select_n3A, %sub3A : i32
    %sub3A_41 = arith.constant 1 : i32
    %sub3A_42 = arith.constant 1 : i32
    %sub3A_43 = arith.subi %sub3A_41, %sub3A_42 : i32
    %add3A = arith.addi %sub3A_40, %sub3A_43 : i32
    %div3A = arith.constant 1 : i32
    %div3A_44 = arith.divsi %add3A, %div3A : i32
    %while3A = arith.constant 1 : i32
    %while3A_45 = arith.constant 0 : i32
    %while3A_46 = arith.constant 0 : i32
    %while3A_47 = arith.subi %div3A_44, %while3A_46 : i32
    %while3A_48 = arith.addi %while3A_46, %while3A_47 : i32
    %while3A_49 = arith.constant 1 : i32
    %while3A_50 = arith.divsi %while3A_47, %while3A_49 : i32
    %while3A_51 = arith.muli %while3A_50, %while3A_49 : i32
    %while3A_52 = arith.addi %while3A_46, %while3A_51 : i32
    %while3A_53 = arith.constant 1 : i32
    scf.for %while3A_68 = %while3A_46 to %while3A_52 step %while3A_53  : i32 {
      %mul3A = arith.muli %while3A_68, %while3A : i32
      %add3A_69 = arith.addi %while3A_45, %mul3A : i32
      %mul3A_70 = arith.constant 640 : i32
      %mul3A_71 = arith.muli %arg1, %mul3A_70 : i32
      %mul3A_72 = arith.constant 80 : i32
      %mul3A_73 = arith.muli %add3A_69, %mul3A_72 : i32
      %add3A_74 = arith.addi %mul3A_71, %mul3A_73 : i32
      "tpu.region"() ({
        %run_scoped3A = tpu.sem_alloc : memref<!tpu.dma_semaphore, #tpu.memory_space<semaphore_mem>>
        %dma_start3A_75 = arith.constant 0 : i32
        %dma_start3A_76 = tpu.memref_slice %arg8[%add3A_74, %dma_start3A_75] : memref<10000x64xf32, #tpu.memory_space<vmem_shared>> -> memref<80x64xf32, #tpu.memory_space<vmem_shared>>
        %dma_start3A_77 = arith.constant 0 : i32
        %dma_start3A_78 = tpu.memref_slice %arg8[%add3A_74, %dma_start3A_77] : memref<10000x64xf32, #tpu.memory_space<vmem_shared>> -> memref<80x64xf32, #tpu.memory_space<vmem_shared>>
        tpu.enqueue_dma source(%arg9 : memref<80x64xf32, #tpu.memory_space<vmem>>) target(%dma_start3A_78 : memref<80x64xf32, #tpu.memory_space<vmem_shared>>) target_semaphore(%run_scoped3A : memref<!tpu.dma_semaphore, #tpu.memory_space<semaphore_mem>>)
        %dma_wait3A = arith.constant 0 : i32
        %dma_wait3A_79 = tpu.memref_slice %arg8[%add3A_74, %dma_wait3A] : memref<10000x64xf32, #tpu.memory_space<vmem_shared>> -> memref<80x64xf32, #tpu.memory_space<vmem_shared>>
        %dma_wait3A_80 = arith.constant 0 : i32
        %dma_wait3A_81 = tpu.memref_slice %arg8[%add3A_74, %dma_wait3A_80] : memref<10000x64xf32, #tpu.memory_space<vmem_shared>> -> memref<80x64xf32, #tpu.memory_space<vmem_shared>>
        tpu.wait_dma2 semaphore(%run_scoped3A : memref<!tpu.dma_semaphore, #tpu.memory_space<semaphore_mem>>) src(%arg9 : memref<80x64xf32, #tpu.memory_space<vmem>>) dst(%dma_wait3A_81 : memref<80x64xf32, #tpu.memory_space<vmem_shared>>)
        tpu.yield
      }) : () -> ()
    }
    %while3A_54 = arith.constant 1 : i32
    scf.for %while3A_68 = %while3A_52 to %while3A_48 step %while3A_54  : i32 {
      %mul3A = arith.muli %while3A_68, %while3A : i32
      %add3A_69 = arith.addi %while3A_45, %mul3A : i32
      %mul3A_70 = arith.constant 640 : i32
      %mul3A_71 = arith.muli %arg1, %mul3A_70 : i32
      %mul3A_72 = arith.constant 80 : i32
      %mul3A_73 = arith.muli %add3A_69, %mul3A_72 : i32
      %add3A_74 = arith.addi %mul3A_71, %mul3A_73 : i32
      "tpu.region"() ({
        %run_scoped3A = tpu.sem_alloc : memref<!tpu.dma_semaphore, #tpu.memory_space<semaphore_mem>>
        %dma_start3A_75 = arith.constant 0 : i32
        %dma_start3A_76 = tpu.memref_slice %arg8[%add3A_74, %dma_start3A_75] : memref<10000x64xf32, #tpu.memory_space<vmem_shared>> -> memref<80x64xf32, #tpu.memory_space<vmem_shared>>
        %dma_start3A_77 = arith.constant 0 : i32
        %dma_start3A_78 = tpu.memref_slice %arg8[%add3A_74, %dma_start3A_77] : memref<10000x64xf32, #tpu.memory_space<vmem_shared>> -> memref<80x64xf32, #tpu.memory_space<vmem_shared>>
        tpu.enqueue_dma source(%arg9 : memref<80x64xf32, #tpu.memory_space<vmem>>) target(%dma_start3A_78 : memref<80x64xf32, #tpu.memory_space<vmem_shared>>) target_semaphore(%run_scoped3A : memref<!tpu.dma_semaphore, #tpu.memory_space<semaphore_mem>>)
        %dma_wait3A = arith.constant 0 : i32
        %dma_wait3A_79 = tpu.memref_slice %arg8[%add3A_74, %dma_wait3A] : memref<10000x64xf32, #tpu.memory_space<vmem_shared>> -> memref<80x64xf32, #tpu.memory_space<vmem_shared>>
        %dma_wait3A_80 = arith.constant 0 : i32
        %dma_wait3A_81 = tpu.memref_slice %arg8[%add3A_74, %dma_wait3A_80] : memref<10000x64xf32, #tpu.memory_space<vmem_shared>> -> memref<80x64xf32, #tpu.memory_space<vmem_shared>>
        tpu.wait_dma2 semaphore(%run_scoped3A : memref<!tpu.dma_semaphore, #tpu.memory_space<semaphore_mem>>) src(%arg9 : memref<80x64xf32, #tpu.memory_space<vmem>>) dst(%dma_wait3A_81 : memref<80x64xf32, #tpu.memory_space<vmem_shared>>)
        tpu.yield
      }) : () -> ()
    }
    %barrier3A = arith.constant 0 : index
    tpu.barrier barrier_id(%barrier3A)
    %scan3A_55 = arith.constant 0 : i32
    %scan3A_56 = arith.constant 5 : i32
    %scan3A_57 = arith.addi %scan3A_55, %scan3A_56 : i32
    %scan3A_58 = arith.constant 1 : i32
    scf.for %scan3A_68 = %scan3A_55 to %scan3A_57 step %scan3A_58  : i32 {
      %mul3A = arith.constant 1 : i32
      %mul3A_69 = arith.muli %scan3A_68, %mul3A : i32
      %add3A_70 = arith.constant 0 : i32
      %add3A_71 = arith.addi %add3A_70, %mul3A_69 : i32
      %rem3A = arith.constant 2 : i32
      %rem3A_72 = arith.remsi %add3A_71, %rem3A : i32
      %dma_wait3A = arith.constant 0 : i32
      %dma_wait3A_73 = arith.constant 0 : i32
      %dma_wait3A_74 = tpu.memref_slice %arg6[%rem3A_72, %dma_wait3A, %dma_wait3A_73] : memref<2x100x80xi32, #tpu.memory_space<vmem>> -> memref<1x100x80xi32, #tpu.memory_space<vmem>>
      %dma_wait3A_75 = tpu.memref_squeeze %dma_wait3A_74 : memref<1x100x80xi32, #tpu.memory_space<vmem>> -> memref<100x80xi32, #tpu.memory_space<vmem>>
      %dma_wait3A_76 = arith.constant 0 : i32
      %dma_wait3A_77 = arith.constant 0 : i32
      %dma_wait3A_78 = tpu.memref_slice %arg3[%arg1, %dma_wait3A_76, %dma_wait3A_77] : memref<16x500x80xi32, #tpu.memory_space<hbm>> -> memref<1x100x80xi32, #tpu.memory_space<hbm>>
      %dma_wait3A_79 = tpu.memref_squeeze %dma_wait3A_78 : memref<1x100x80xi32, #tpu.memory_space<hbm>> -> memref<100x80xi32, #tpu.memory_space<hbm>>
      %dma_wait3A_80 = arith.constant 0 : i32
      %dma_wait3A_81 = arith.constant 0 : i32
      %dma_wait3A_82 = tpu.memref_slice %arg6[%rem3A_72, %dma_wait3A_80, %dma_wait3A_81] : memref<2x100x80xi32, #tpu.memory_space<vmem>> -> memref<1x100x80xi32, #tpu.memory_space<vmem>>
      %dma_wait3A_83 = tpu.memref_squeeze %dma_wait3A_82 : memref<1x100x80xi32, #tpu.memory_space<vmem>> -> memref<100x80xi32, #tpu.memory_space<vmem>>
      %dma_wait3A_84 = arith.constant 0 : i32
      %dma_wait3A_85 = arith.constant 0 : i32
      %dma_wait3A_86 = tpu.memref_slice %arg3[%arg1, %dma_wait3A_84, %dma_wait3A_85] : memref<16x500x80xi32, #tpu.memory_space<hbm>> -> memref<1x100x80xi32, #tpu.memory_space<hbm>>
      %dma_wait3A_87 = tpu.memref_squeeze %dma_wait3A_86 : memref<1x100x80xi32, #tpu.memory_space<hbm>> -> memref<100x80xi32, #tpu.memory_space<hbm>>
      tpu.wait_dma2 semaphore(%arg40 : memref<!tpu.dma_semaphore, #tpu.memory_space<semaphore_mem>>) src(%dma_wait3A_87 : memref<100x80xi32, #tpu.memory_space<hbm>>) dst(%dma_wait3A_83 : memref<100x80xi32, #tpu.memory_space<vmem>>)
      %dma_wait3A_88 = arith.constant 0 : i32
      %dma_wait3A_89 = arith.constant 0 : i32
      %dma_wait3A_90 = tpu.memref_slice %arg7[%rem3A_72, %dma_wait3A_88, %dma_wait3A_89] : memref<2x100x80xi32, #tpu.memory_space<vmem>> -> memref<1x100x80xi32, #tpu.memory_space<vmem>>
      %dma_wait3A_91 = tpu.memref_squeeze %dma_wait3A_90 : memref<1x100x80xi32, #tpu.memory_space<vmem>> -> memref<100x80xi32, #tpu.memory_space<vmem>>
      %dma_wait3A_92 = arith.constant 0 : i32
      %dma_wait3A_93 = arith.constant 0 : i32
      %dma_wait3A_94 = tpu.memref_slice %arg4[%arg1, %dma_wait3A_92, %dma_wait3A_93] : memref<16x500x80xi32, #tpu.memory_space<hbm>> -> memref<1x100x80xi32, #tpu.memory_space<hbm>>
      %dma_wait3A_95 = tpu.memref_squeeze %dma_wait3A_94 : memref<1x100x80xi32, #tpu.memory_space<hbm>> -> memref<100x80xi32, #tpu.memory_space<hbm>>
      %dma_wait3A_96 = arith.constant 0 : i32
      %dma_wait3A_97 = arith.constant 0 : i32
      %dma_wait3A_98 = tpu.memref_slice %arg7[%rem3A_72, %dma_wait3A_96, %dma_wait3A_97] : memref<2x100x80xi32, #tpu.memory_space<vmem>> -> memref<1x100x80xi32, #tpu.memory_space<vmem>>
      %dma_wait3A_99 = tpu.memref_squeeze %dma_wait3A_98 : memref<1x100x80xi32, #tpu.memory_space<vmem>> -> memref<100x80xi32, #tpu.memory_space<vmem>>
      %dma_wait3A_100 = arith.constant 0 : i32
      %dma_wait3A_101 = arith.constant 0 : i32
      %dma_wait3A_102 = tpu.memref_slice %arg4[%arg1, %dma_wait3A_100, %dma_wait3A_101] : memref<16x500x80xi32, #tpu.memory_space<hbm>> -> memref<1x100x80xi32, #tpu.memory_space<hbm>>
      %dma_wait3A_103 = tpu.memref_squeeze %dma_wait3A_102 : memref<1x100x80xi32, #tpu.memory_space<hbm>> -> memref<100x80xi32, #tpu.memory_space<hbm>>
      tpu.wait_dma2 semaphore(%arg40 : memref<!tpu.dma_semaphore, #tpu.memory_space<semaphore_mem>>) src(%dma_wait3A_103 : memref<100x80xi32, #tpu.memory_space<hbm>>) dst(%dma_wait3A_99 : memref<100x80xi32, #tpu.memory_space<vmem>>)
      %add3A_104 = arith.constant 1 : i32
      %add3A_105 = arith.addi %add3A_71, %add3A_104 : i32
      %lt3A_106 = arith.constant 5 : i32
      %lt3A_107 = arith.cmpi slt, %add3A_105, %lt3A_106 : i32
      %convert_element_type3A_108 = arith.extui %lt3A_107 : i1 to i32
      %cond3A_109 = arith.constant 0 : i32
      %cond3A_110 = arith.cmpi ne, %convert_element_type3A_108, %cond3A_109 : i32
      scf.if %cond3A_110 {
        %add3A_226 = arith.constant 1 : i32
        %add3A_227 = arith.addi %add3A_71, %add3A_226 : i32
        %sub3A_228 = arith.constant 1 : i32
        %sub3A_229 = arith.subi %sub3A_228, %rem3A_72 : i32
        %mul3A_230 = arith.constant 100 : i32
        %mul3A_231 = arith.muli %add3A_227, %mul3A_230 : i32
        %dma_start3A_232 = arith.constant 0 : i32
        %dma_start3A_233 = arith.constant 0 : i32
        %dma_start3A_234 = tpu.memref_slice %arg6[%sub3A_229, %dma_start3A_232, %dma_start3A_233] : memref<2x100x80xi32, #tpu.memory_space<vmem>> -> memref<1x100x80xi32, #tpu.memory_space<vmem>>
        %dma_start3A_235 = tpu.memref_squeeze %dma_start3A_234 : memref<1x100x80xi32, #tpu.memory_space<vmem>> -> memref<100x80xi32, #tpu.memory_space<vmem>>
        %dma_start3A_236 = arith.constant 0 : i32
        %dma_start3A_237 = tpu.memref_slice %arg3[%arg1, %mul3A_231, %dma_start3A_236] : memref<16x500x80xi32, #tpu.memory_space<hbm>> -> memref<1x100x80xi32, #tpu.memory_space<hbm>>
        %dma_start3A_238 = tpu.memref_squeeze %dma_start3A_237 : memref<1x100x80xi32, #tpu.memory_space<hbm>> -> memref<100x80xi32, #tpu.memory_space<hbm>>
        %dma_start3A_239 = arith.constant 0 : i32
        %dma_start3A_240 = arith.constant 0 : i32
        %dma_start3A_241 = tpu.memref_slice %arg6[%sub3A_229, %dma_start3A_239, %dma_start3A_240] : memref<2x100x80xi32, #tpu.memory_space<vmem>> -> memref<1x100x80xi32, #tpu.memory_space<vmem>>
        %dma_start3A_242 = tpu.memref_squeeze %dma_start3A_241 : memref<1x100x80xi32, #tpu.memory_space<vmem>> -> memref<100x80xi32, #tpu.memory_space<vmem>>
        %dma_start3A_243 = arith.constant 0 : i32
        %dma_start3A_244 = tpu.memref_slice %arg3[%arg1, %mul3A_231, %dma_start3A_243] : memref<16x500x80xi32, #tpu.memory_space<hbm>> -> memref<1x100x80xi32, #tpu.memory_space<hbm>>
        %dma_start3A_245 = tpu.memref_squeeze %dma_start3A_244 : memref<1x100x80xi32, #tpu.memory_space<hbm>> -> memref<100x80xi32, #tpu.memory_space<hbm>>
        tpu.enqueue_dma source(%dma_start3A_245 : memref<100x80xi32, #tpu.memory_space<hbm>>) target(%dma_start3A_242 : memref<100x80xi32, #tpu.memory_space<vmem>>) target_semaphore(%arg40 : memref<!tpu.dma_semaphore, #tpu.memory_space<semaphore_mem>>)
        %mul3A_246 = arith.constant 100 : i32
        %mul3A_247 = arith.muli %add3A_227, %mul3A_246 : i32
        %dma_start3A_248 = arith.constant 0 : i32
        %dma_start3A_249 = arith.constant 0 : i32
        %dma_start3A_250 = tpu.memref_slice %arg7[%sub3A_229, %dma_start3A_248, %dma_start3A_249] : memref<2x100x80xi32, #tpu.memory_space<vmem>> -> memref<1x100x80xi32, #tpu.memory_space<vmem>>
        %dma_start3A_251 = tpu.memref_squeeze %dma_start3A_250 : memref<1x100x80xi32, #tpu.memory_space<vmem>> -> memref<100x80xi32, #tpu.memory_space<vmem>>
        %dma_start3A_252 = arith.constant 0 : i32
        %dma_start3A_253 = tpu.memref_slice %arg4[%arg1, %mul3A_247, %dma_start3A_252] : memref<16x500x80xi32, #tpu.memory_space<hbm>> -> memref<1x100x80xi32, #tpu.memory_space<hbm>>
        %dma_start3A_254 = tpu.memref_squeeze %dma_start3A_253 : memref<1x100x80xi32, #tpu.memory_space<hbm>> -> memref<100x80xi32, #tpu.memory_space<hbm>>
        %dma_start3A_255 = arith.constant 0 : i32
        %dma_start3A_256 = arith.constant 0 : i32
        %dma_start3A_257 = tpu.memref_slice %arg7[%sub3A_229, %dma_start3A_255, %dma_start3A_256] : memref<2x100x80xi32, #tpu.memory_space<vmem>> -> memref<1x100x80xi32, #tpu.memory_space<vmem>>
        %dma_start3A_258 = tpu.memref_squeeze %dma_start3A_257 : memref<1x100x80xi32, #tpu.memory_space<vmem>> -> memref<100x80xi32, #tpu.memory_space<vmem>>
        %dma_start3A_259 = arith.constant 0 : i32
        %dma_start3A_260 = tpu.memref_slice %arg4[%arg1, %mul3A_247, %dma_start3A_259] : memref<16x500x80xi32, #tpu.memory_space<hbm>> -> memref<1x100x80xi32, #tpu.memory_space<hbm>>
        %dma_start3A_261 = tpu.memref_squeeze %dma_start3A_260 : memref<1x100x80xi32, #tpu.memory_space<hbm>> -> memref<100x80xi32, #tpu.memory_space<hbm>>
        tpu.enqueue_dma source(%dma_start3A_261 : memref<100x80xi32, #tpu.memory_space<hbm>>) target(%dma_start3A_258 : memref<100x80xi32, #tpu.memory_space<vmem>>) target_semaphore(%arg40 : memref<!tpu.dma_semaphore, #tpu.memory_space<semaphore_mem>>)
      } else {
      }
      %dma_start3A_111 = arith.constant 0 : i32
      %dma_start3A_112 = arith.constant 0 : i32
      %dma_start3A_113 = tpu.memref_slice %arg6[%rem3A_72, %dma_start3A_111, %dma_start3A_112] : memref<2x100x80xi32, #tpu.memory_space<vmem>> -> memref<1x1x80xi32, #tpu.memory_space<vmem>>
      %dma_start3A_114 = tpu.memref_squeeze %dma_start3A_113 : memref<1x1x80xi32, #tpu.memory_space<vmem>> -> memref<80xi32, #tpu.memory_space<vmem>>
      %dma_start3A_115 = arith.constant 0 : i32
      %dma_start3A_116 = arith.constant 0 : i32
      %dma_start3A_117 = tpu.memref_slice %arg2[%arg0, %dma_start3A_115, %dma_start3A_116] : memref<2x10000x64xf32, #tpu.memory_space<hbm>> -> memref<1x10000x64xf32, #tpu.memory_space<hbm>>
      %dma_start3A_118 = tpu.memref_squeeze %dma_start3A_117 : memref<1x10000x64xf32, #tpu.memory_space<hbm>> -> memref<10000x64xf32, #tpu.memory_space<hbm>>
      %dma_start3A_119 = arith.constant 0 : i32
      %dma_start3A_120 = arith.constant 0 : i32
      %dma_start3A_121 = tpu.memref_slice %dma_start3A_118[%dma_start3A_119, %dma_start3A_120] : memref<10000x64xf32, #tpu.memory_space<hbm>> -> memref<10000x64xf32, #tpu.memory_space<hbm>>
      tpu.enqueue_indirect_dma source(%dma_start3A_121 : memref<10000x64xf32, #tpu.memory_space<hbm>>) target(%arg10 : memref<80x64xf32, #tpu.memory_space<vmem>>) offsets(%dma_start3A_114 : memref<80xi32, #tpu.memory_space<vmem>>) semaphore(%arg20 : memref<!tpu.dma_semaphore, #tpu.memory_space<semaphore_mem>>)
      %dma_start3A_122 = arith.constant 1 : i32
      %dma_start3A_123 = arith.constant 0 : i32
      %dma_start3A_124 = tpu.memref_slice %arg6[%rem3A_72, %dma_start3A_122, %dma_start3A_123] : memref<2x100x80xi32, #tpu.memory_space<vmem>> -> memref<1x1x80xi32, #tpu.memory_space<vmem>>
      %dma_start3A_125 = tpu.memref_squeeze %dma_start3A_124 : memref<1x1x80xi32, #tpu.memory_space<vmem>> -> memref<80xi32, #tpu.memory_space<vmem>>
      %dma_start3A_126 = arith.constant 0 : i32
      %dma_start3A_127 = arith.constant 0 : i32
      %dma_start3A_128 = tpu.memref_slice %arg2[%arg0, %dma_start3A_126, %dma_start3A_127] : memref<2x10000x64xf32, #tpu.memory_space<hbm>> -> memref<1x10000x64xf32, #tpu.memory_space<hbm>>
      %dma_start3A_129 = tpu.memref_squeeze %dma_start3A_128 : memref<1x10000x64xf32, #tpu.memory_space<hbm>> -> memref<10000x64xf32, #tpu.memory_space<hbm>>
      %dma_start3A_130 = arith.constant 0 : i32
      %dma_start3A_131 = arith.constant 0 : i32
      %dma_start3A_132 = tpu.memref_slice %dma_start3A_129[%dma_start3A_130, %dma_start3A_131] : memref<10000x64xf32, #tpu.memory_space<hbm>> -> memref<10000x64xf32, #tpu.memory_space<hbm>>
      tpu.enqueue_indirect_dma source(%dma_start3A_132 : memref<10000x64xf32, #tpu.memory_space<hbm>>) target(%arg11 : memref<80x64xf32, #tpu.memory_space<vmem>>) offsets(%dma_start3A_125 : memref<80xi32, #tpu.memory_space<vmem>>) semaphore(%arg21 : memref<!tpu.dma_semaphore, #tpu.memory_space<semaphore_mem>>)
      %dma_start3A_133 = arith.constant 2 : i32
      %dma_start3A_134 = arith.constant 0 : i32
      %dma_start3A_135 = tpu.memref_slice %arg6[%rem3A_72, %dma_start3A_133, %dma_start3A_134] : memref<2x100x80xi32, #tpu.memory_space<vmem>> -> memref<1x1x80xi32, #tpu.memory_space<vmem>>
      %dma_start3A_136 = tpu.memref_squeeze %dma_start3A_135 : memref<1x1x80xi32, #tpu.memory_space<vmem>> -> memref<80xi32, #tpu.memory_space<vmem>>
      %dma_start3A_137 = arith.constant 0 : i32
      %dma_start3A_138 = arith.constant 0 : i32
      %dma_start3A_139 = tpu.memref_slice %arg2[%arg0, %dma_start3A_137, %dma_start3A_138] : memref<2x10000x64xf32, #tpu.memory_space<hbm>> -> memref<1x10000x64xf32, #tpu.memory_space<hbm>>
      %dma_start3A_140 = tpu.memref_squeeze %dma_start3A_139 : memref<1x10000x64xf32, #tpu.memory_space<hbm>> -> memref<10000x64xf32, #tpu.memory_space<hbm>>
      %dma_start3A_141 = arith.constant 0 : i32
      %dma_start3A_142 = arith.constant 0 : i32
      %dma_start3A_143 = tpu.memref_slice %dma_start3A_140[%dma_start3A_141, %dma_start3A_142] : memref<10000x64xf32, #tpu.memory_space<hbm>> -> memref<10000x64xf32, #tpu.memory_space<hbm>>
      tpu.enqueue_indirect_dma source(%dma_start3A_143 : memref<10000x64xf32, #tpu.memory_space<hbm>>) target(%arg12 : memref<80x64xf32, #tpu.memory_space<vmem>>) offsets(%dma_start3A_136 : memref<80xi32, #tpu.memory_space<vmem>>) semaphore(%arg22 : memref<!tpu.dma_semaphore, #tpu.memory_space<semaphore_mem>>)
      %dma_start3A_144 = arith.constant 3 : i32
      %dma_start3A_145 = arith.constant 0 : i32
      %dma_start3A_146 = tpu.memref_slice %arg6[%rem3A_72, %dma_start3A_144, %dma_start3A_145] : memref<2x100x80xi32, #tpu.memory_space<vmem>> -> memref<1x1x80xi32, #tpu.memory_space<vmem>>
      %dma_start3A_147 = tpu.memref_squeeze %dma_start3A_146 : memref<1x1x80xi32, #tpu.memory_space<vmem>> -> memref<80xi32, #tpu.memory_space<vmem>>
      %dma_start3A_148 = arith.constant 0 : i32
      %dma_start3A_149 = arith.constant 0 : i32
      %dma_start3A_150 = tpu.memref_slice %arg2[%arg0, %dma_start3A_148, %dma_start3A_149] : memref<2x10000x64xf32, #tpu.memory_space<hbm>> -> memref<1x10000x64xf32, #tpu.memory_space<hbm>>
      %dma_start3A_151 = tpu.memref_squeeze %dma_start3A_150 : memref<1x10000x64xf32, #tpu.memory_space<hbm>> -> memref<10000x64xf32, #tpu.memory_space<hbm>>
      %dma_start3A_152 = arith.constant 0 : i32
      %dma_start3A_153 = arith.constant 0 : i32
      %dma_start3A_154 = tpu.memref_slice %dma_start3A_151[%dma_start3A_152, %dma_start3A_153] : memref<10000x64xf32, #tpu.memory_space<hbm>> -> memref<10000x64xf32, #tpu.memory_space<hbm>>
      tpu.enqueue_indirect_dma source(%dma_start3A_154 : memref<10000x64xf32, #tpu.memory_space<hbm>>) target(%arg13 : memref<80x64xf32, #tpu.memory_space<vmem>>) offsets(%dma_start3A_147 : memref<80xi32, #tpu.memory_space<vmem>>) semaphore(%arg23 : memref<!tpu.dma_semaphore, #tpu.memory_space<semaphore_mem>>)
      %dma_start3A_155 = arith.constant 4 : i32
      %dma_start3A_156 = arith.constant 0 : i32
      %dma_start3A_157 = tpu.memref_slice %arg6[%rem3A_72, %dma_start3A_155, %dma_start3A_156] : memref<2x100x80xi32, #tpu.memory_space<vmem>> -> memref<1x1x80xi32, #tpu.memory_space<vmem>>
      %dma_start3A_158 = tpu.memref_squeeze %dma_start3A_157 : memref<1x1x80xi32, #tpu.memory_space<vmem>> -> memref<80xi32, #tpu.memory_space<vmem>>
      %dma_start3A_159 = arith.constant 0 : i32
      %dma_start3A_160 = arith.constant 0 : i32
      %dma_start3A_161 = tpu.memref_slice %arg2[%arg0, %dma_start3A_159, %dma_start3A_160] : memref<2x10000x64xf32, #tpu.memory_space<hbm>> -> memref<1x10000x64xf32, #tpu.memory_space<hbm>>
      %dma_start3A_162 = tpu.memref_squeeze %dma_start3A_161 : memref<1x10000x64xf32, #tpu.memory_space<hbm>> -> memref<10000x64xf32, #tpu.memory_space<hbm>>
      %dma_start3A_163 = arith.constant 0 : i32
      %dma_start3A_164 = arith.constant 0 : i32
      %dma_start3A_165 = tpu.memref_slice %dma_start3A_162[%dma_start3A_163, %dma_start3A_164] : memref<10000x64xf32, #tpu.memory_space<hbm>> -> memref<10000x64xf32, #tpu.memory_space<hbm>>
      tpu.enqueue_indirect_dma source(%dma_start3A_165 : memref<10000x64xf32, #tpu.memory_space<hbm>>) target(%arg14 : memref<80x64xf32, #tpu.memory_space<vmem>>) offsets(%dma_start3A_158 : memref<80xi32, #tpu.memory_space<vmem>>) semaphore(%arg24 : memref<!tpu.dma_semaphore, #tpu.memory_space<semaphore_mem>>)
      %dma_start3A_166 = arith.constant 5 : i32
      %dma_start3A_167 = arith.constant 0 : i32
      %dma_start3A_168 = tpu.memref_slice %arg6[%rem3A_72, %dma_start3A_166, %dma_start3A_167] : memref<2x100x80xi32, #tpu.memory_space<vmem>> -> memref<1x1x80xi32, #tpu.memory_space<vmem>>
      %dma_start3A_169 = tpu.memref_squeeze %dma_start3A_168 : memref<1x1x80xi32, #tpu.memory_space<vmem>> -> memref<80xi32, #tpu.memory_space<vmem>>
      %dma_start3A_170 = arith.constant 0 : i32
      %dma_start3A_171 = arith.constant 0 : i32
      %dma_start3A_172 = tpu.memref_slice %arg2[%arg0, %dma_start3A_170, %dma_start3A_171] : memref<2x10000x64xf32, #tpu.memory_space<hbm>> -> memref<1x10000x64xf32, #tpu.memory_space<hbm>>
      %dma_start3A_173 = tpu.memref_squeeze %dma_start3A_172 : memref<1x10000x64xf32, #tpu.memory_space<hbm>> -> memref<10000x64xf32, #tpu.memory_space<hbm>>
      %dma_start3A_174 = arith.constant 0 : i32
      %dma_start3A_175 = arith.constant 0 : i32
      %dma_start3A_176 = tpu.memref_slice %dma_start3A_173[%dma_start3A_174, %dma_start3A_175] : memref<10000x64xf32, #tpu.memory_space<hbm>> -> memref<10000x64xf32, #tpu.memory_space<hbm>>
      tpu.enqueue_indirect_dma source(%dma_start3A_176 : memref<10000x64xf32, #tpu.memory_space<hbm>>) target(%arg15 : memref<80x64xf32, #tpu.memory_space<vmem>>) offsets(%dma_start3A_169 : memref<80xi32, #tpu.memory_space<vmem>>) semaphore(%arg25 : memref<!tpu.dma_semaphore, #tpu.memory_space<semaphore_mem>>)
      %dma_start3A_177 = arith.constant 6 : i32
      %dma_start3A_178 = arith.constant 0 : i32
      %dma_start3A_179 = tpu.memref_slice %arg6[%rem3A_72, %dma_start3A_177, %dma_start3A_178] : memref<2x100x80xi32, #tpu.memory_space<vmem>> -> memref<1x1x80xi32, #tpu.memory_space<vmem>>
      %dma_start3A_180 = tpu.memref_squeeze %dma_start3A_179 : memref<1x1x80xi32, #tpu.memory_space<vmem>> -> memref<80xi32, #tpu.memory_space<vmem>>
      %dma_start3A_181 = arith.constant 0 : i32
      %dma_start3A_182 = arith.constant 0 : i32
      %dma_start3A_183 = tpu.memref_slice %arg2[%arg0, %dma_start3A_181, %dma_start3A_182] : memref<2x10000x64xf32, #tpu.memory_space<hbm>> -> memref<1x10000x64xf32, #tpu.memory_space<hbm>>
      %dma_start3A_184 = tpu.memref_squeeze %dma_start3A_183 : memref<1x10000x64xf32, #tpu.memory_space<hbm>> -> memref<10000x64xf32, #tpu.memory_space<hbm>>
      %dma_start3A_185 = arith.constant 0 : i32
      %dma_start3A_186 = arith.constant 0 : i32
      %dma_start3A_187 = tpu.memref_slice %dma_start3A_184[%dma_start3A_185, %dma_start3A_186] : memref<10000x64xf32, #tpu.memory_space<hbm>> -> memref<10000x64xf32, #tpu.memory_space<hbm>>
      tpu.enqueue_indirect_dma source(%dma_start3A_187 : memref<10000x64xf32, #tpu.memory_space<hbm>>) target(%arg16 : memref<80x64xf32, #tpu.memory_space<vmem>>) offsets(%dma_start3A_180 : memref<80xi32, #tpu.memory_space<vmem>>) semaphore(%arg26 : memref<!tpu.dma_semaphore, #tpu.memory_space<semaphore_mem>>)
      %dma_start3A_188 = arith.constant 7 : i32
      %dma_start3A_189 = arith.constant 0 : i32
      %dma_start3A_190 = tpu.memref_slice %arg6[%rem3A_72, %dma_start3A_188, %dma_start3A_189] : memref<2x100x80xi32, #tpu.memory_space<vmem>> -> memref<1x1x80xi32, #tpu.memory_space<vmem>>
      %dma_start3A_191 = tpu.memref_squeeze %dma_start3A_190 : memref<1x1x80xi32, #tpu.memory_space<vmem>> -> memref<80xi32, #tpu.memory_space<vmem>>
      %dma_start3A_192 = arith.constant 0 : i32
      %dma_start3A_193 = arith.constant 0 : i32
      %dma_start3A_194 = tpu.memref_slice %arg2[%arg0, %dma_start3A_192, %dma_start3A_193] : memref<2x10000x64xf32, #tpu.memory_space<hbm>> -> memref<1x10000x64xf32, #tpu.memory_space<hbm>>
      %dma_start3A_195 = tpu.memref_squeeze %dma_start3A_194 : memref<1x10000x64xf32, #tpu.memory_space<hbm>> -> memref<10000x64xf32, #tpu.memory_space<hbm>>
      %dma_start3A_196 = arith.constant 0 : i32
      %dma_start3A_197 = arith.constant 0 : i32
      %dma_start3A_198 = tpu.memref_slice %dma_start3A_195[%dma_start3A_196, %dma_start3A_197] : memref<10000x64xf32, #tpu.memory_space<hbm>> -> memref<10000x64xf32, #tpu.memory_space<hbm>>
      tpu.enqueue_indirect_dma source(%dma_start3A_198 : memref<10000x64xf32, #tpu.memory_space<hbm>>) target(%arg17 : memref<80x64xf32, #tpu.memory_space<vmem>>) offsets(%dma_start3A_191 : memref<80xi32, #tpu.memory_space<vmem>>) semaphore(%arg27 : memref<!tpu.dma_semaphore, #tpu.memory_space<semaphore_mem>>)
      %dma_start3A_199 = arith.constant 8 : i32
      %dma_start3A_200 = arith.constant 0 : i32
      %dma_start3A_201 = tpu.memref_slice %arg6[%rem3A_72, %dma_start3A_199, %dma_start3A_200] : memref<2x100x80xi32, #tpu.memory_space<vmem>> -> memref<1x1x80xi32, #tpu.memory_space<vmem>>
      %dma_start3A_202 = tpu.memref_squeeze %dma_start3A_201 : memref<1x1x80xi32, #tpu.memory_space<vmem>> -> memref<80xi32, #tpu.memory_space<vmem>>
      %dma_start3A_203 = arith.constant 0 : i32
      %dma_start3A_204 = arith.constant 0 : i32
      %dma_start3A_205 = tpu.memref_slice %arg2[%arg0, %dma_start3A_203, %dma_start3A_204] : memref<2x10000x64xf32, #tpu.memory_space<hbm>> -> memref<1x10000x64xf32, #tpu.memory_space<hbm>>
      %dma_start3A_206 = tpu.memref_squeeze %dma_start3A_205 : memref<1x10000x64xf32, #tpu.memory_space<hbm>> -> memref<10000x64xf32, #tpu.memory_space<hbm>>
      %dma_start3A_207 = arith.constant 0 : i32
      %dma_start3A_208 = arith.constant 0 : i32
      %dma_start3A_209 = tpu.memref_slice %dma_start3A_206[%dma_start3A_207, %dma_start3A_208] : memref<10000x64xf32, #tpu.memory_space<hbm>> -> memref<10000x64xf32, #tpu.memory_space<hbm>>
      tpu.enqueue_indirect_dma source(%dma_start3A_209 : memref<10000x64xf32, #tpu.memory_space<hbm>>) target(%arg18 : memref<80x64xf32, #tpu.memory_space<vmem>>) offsets(%dma_start3A_202 : memref<80xi32, #tpu.memory_space<vmem>>) semaphore(%arg28 : memref<!tpu.dma_semaphore, #tpu.memory_space<semaphore_mem>>)
      %dma_start3A_210 = arith.constant 9 : i32
      %dma_start3A_211 = arith.constant 0 : i32
      %dma_start3A_212 = tpu.memref_slice %arg6[%rem3A_72, %dma_start3A_210, %dma_start3A_211] : memref<2x100x80xi32, #tpu.memory_space<vmem>> -> memref<1x1x80xi32, #tpu.memory_space<vmem>>
      %dma_start3A_213 = tpu.memref_squeeze %dma_start3A_212 : memref<1x1x80xi32, #tpu.memory_space<vmem>> -> memref<80xi32, #tpu.memory_space<vmem>>
      %dma_start3A_214 = arith.constant 0 : i32
      %dma_start3A_215 = arith.constant 0 : i32
      %dma_start3A_216 = tpu.memref_slice %arg2[%arg0, %dma_start3A_214, %dma_start3A_215] : memref<2x10000x64xf32, #tpu.memory_space<hbm>> -> memref<1x10000x64xf32, #tpu.memory_space<hbm>>
      %dma_start3A_217 = tpu.memref_squeeze %dma_start3A_216 : memref<1x10000x64xf32, #tpu.memory_space<hbm>> -> memref<10000x64xf32, #tpu.memory_space<hbm>>
      %dma_start3A_218 = arith.constant 0 : i32
      %dma_start3A_219 = arith.constant 0 : i32
      %dma_start3A_220 = tpu.memref_slice %dma_start3A_217[%dma_start3A_218, %dma_start3A_219] : memref<10000x64xf32, #tpu.memory_space<hbm>> -> memref<10000x64xf32, #tpu.memory_space<hbm>>
      tpu.enqueue_indirect_dma source(%dma_start3A_220 : memref<10000x64xf32, #tpu.memory_space<hbm>>) target(%arg19 : memref<80x64xf32, #tpu.memory_space<vmem>>) offsets(%dma_start3A_213 : memref<80xi32, #tpu.memory_space<vmem>>) semaphore(%arg29 : memref<!tpu.dma_semaphore, #tpu.memory_space<semaphore_mem>>)
      %scan3A_221 = arith.constant 0 : i32
      %scan3A_222 = arith.constant 10 : i32
      %scan3A_223 = arith.addi %scan3A_221, %scan3A_222 : i32
      %scan3A_224 = arith.constant 1 : i32
      scf.for %scan3A_226 = %scan3A_221 to %scan3A_223 step %scan3A_224  : i32 {
        %mul3A_227 = arith.constant 1 : i32
        %mul3A_228 = arith.muli %scan3A_226, %mul3A_227 : i32
        %add3A_229 = arith.constant 0 : i32
        %add3A_230 = arith.addi %add3A_229, %mul3A_228 : i32
        %mul3A_231 = arith.constant 10 : i32
        %mul3A_232 = arith.muli %add3A_230, %mul3A_231 : i32
        %dma_wait3A_233 = arith.constant 0 : i32
        %dma_wait3A_234 = arith.constant 0 : i32
        %dma_wait3A_235 = arith.constant 0 : i32
        %dma_wait3A_236 = tpu.memref_slice %arg6[%dma_wait3A_233, %dma_wait3A_234, %dma_wait3A_235] : memref<2x100x80xi32, #tpu.memory_space<vmem>> -> memref<1x1x80xi32, #tpu.memory_space<vmem>>
        %dma_wait3A_237 = tpu.memref_squeeze %dma_wait3A_236 : memref<1x1x80xi32, #tpu.memory_space<vmem>> -> memref<80xi32, #tpu.memory_space<vmem>>
        %dma_wait3A_238 = arith.constant 0 : i32
        %dma_wait3A_239 = arith.constant 0 : i32
        %dma_wait3A_240 = tpu.memref_slice %arg2[%arg0, %dma_wait3A_238, %dma_wait3A_239] : memref<2x10000x64xf32, #tpu.memory_space<hbm>> -> memref<1x10000x64xf32, #tpu.memory_space<hbm>>
        %dma_wait3A_241 = tpu.memref_squeeze %dma_wait3A_240 : memref<1x10000x64xf32, #tpu.memory_space<hbm>> -> memref<10000x64xf32, #tpu.memory_space<hbm>>
        %dma_wait3A_242 = arith.constant 0 : i32
        %dma_wait3A_243 = arith.constant 0 : i32
        %dma_wait3A_244 = tpu.memref_slice %dma_wait3A_241[%dma_wait3A_242, %dma_wait3A_243] : memref<10000x64xf32, #tpu.memory_space<hbm>> -> memref<10000x64xf32, #tpu.memory_space<hbm>>
        tpu.wait_indirect_dma semaphore(%arg20 : memref<!tpu.dma_semaphore, #tpu.memory_space<semaphore_mem>>) src(%dma_wait3A_244 : memref<10000x64xf32, #tpu.memory_space<hbm>>) dst(%arg10 : memref<80x64xf32, #tpu.memory_space<vmem>>)
        %add3A_245 = arith.constant 0 : i32
        %add3A_246 = arith.addi %mul3A_232, %add3A_245 : i32
        %dma_start3A_247 = arith.constant 0 : i32
        %dma_start3A_248 = tpu.memref_slice %arg7[%rem3A_72, %add3A_246, %dma_start3A_247] : memref<2x100x80xi32, #tpu.memory_space<vmem>> -> memref<1x1x80xi32, #tpu.memory_space<vmem>>
        %dma_start3A_249 = tpu.memref_squeeze %dma_start3A_248 : memref<1x1x80xi32, #tpu.memory_space<vmem>> -> memref<80xi32, #tpu.memory_space<vmem>>
        %dma_start3A_250 = arith.constant 0 : i32
        %dma_start3A_251 = arith.constant 0 : i32
        %dma_start3A_252 = tpu.memref_slice %arg8[%dma_start3A_250, %dma_start3A_251] : memref<10000x64xf32, #tpu.memory_space<vmem_shared>> -> memref<10000x64xf32, #tpu.memory_space<vmem_shared>>
        tpu.enqueue_indirect_dma source(%arg10 : memref<80x64xf32, #tpu.memory_space<vmem>>) target(%dma_start3A_252 : memref<10000x64xf32, #tpu.memory_space<vmem_shared>>) offsets(%dma_start3A_249 : memref<80xi32, #tpu.memory_space<vmem>>) semaphore(%arg30 : memref<!tpu.dma_semaphore, #tpu.memory_space<semaphore_mem>>) {add = true}
        %dma_wait3A_253 = arith.constant 0 : i32
        %dma_wait3A_254 = arith.constant 0 : i32
        %dma_wait3A_255 = arith.constant 0 : i32
        %dma_wait3A_256 = tpu.memref_slice %arg6[%dma_wait3A_253, %dma_wait3A_254, %dma_wait3A_255] : memref<2x100x80xi32, #tpu.memory_space<vmem>> -> memref<1x1x80xi32, #tpu.memory_space<vmem>>
        %dma_wait3A_257 = tpu.memref_squeeze %dma_wait3A_256 : memref<1x1x80xi32, #tpu.memory_space<vmem>> -> memref<80xi32, #tpu.memory_space<vmem>>
        %dma_wait3A_258 = arith.constant 0 : i32
        %dma_wait3A_259 = arith.constant 0 : i32
        %dma_wait3A_260 = tpu.memref_slice %arg2[%arg0, %dma_wait3A_258, %dma_wait3A_259] : memref<2x10000x64xf32, #tpu.memory_space<hbm>> -> memref<1x10000x64xf32, #tpu.memory_space<hbm>>
        %dma_wait3A_261 = tpu.memref_squeeze %dma_wait3A_260 : memref<1x10000x64xf32, #tpu.memory_space<hbm>> -> memref<10000x64xf32, #tpu.memory_space<hbm>>
        %dma_wait3A_262 = arith.constant 0 : i32
        %dma_wait3A_263 = arith.constant 0 : i32
        %dma_wait3A_264 = tpu.memref_slice %dma_wait3A_261[%dma_wait3A_262, %dma_wait3A_263] : memref<10000x64xf32, #tpu.memory_space<hbm>> -> memref<10000x64xf32, #tpu.memory_space<hbm>>
        tpu.wait_indirect_dma semaphore(%arg21 : memref<!tpu.dma_semaphore, #tpu.memory_space<semaphore_mem>>) src(%dma_wait3A_264 : memref<10000x64xf32, #tpu.memory_space<hbm>>) dst(%arg11 : memref<80x64xf32, #tpu.memory_space<vmem>>)
        %add3A_265 = arith.constant 1 : i32
        %add3A_266 = arith.addi %mul3A_232, %add3A_265 : i32
        %dma_start3A_267 = arith.constant 0 : i32
        %dma_start3A_268 = tpu.memref_slice %arg7[%rem3A_72, %add3A_266, %dma_start3A_267] : memref<2x100x80xi32, #tpu.memory_space<vmem>> -> memref<1x1x80xi32, #tpu.memory_space<vmem>>
        %dma_start3A_269 = tpu.memref_squeeze %dma_start3A_268 : memref<1x1x80xi32, #tpu.memory_space<vmem>> -> memref<80xi32, #tpu.memory_space<vmem>>
        %dma_start3A_270 = arith.constant 0 : i32
        %dma_start3A_271 = arith.constant 0 : i32
        %dma_start3A_272 = tpu.memref_slice %arg8[%dma_start3A_270, %dma_start3A_271] : memref<10000x64xf32, #tpu.memory_space<vmem_shared>> -> memref<10000x64xf32, #tpu.memory_space<vmem_shared>>
        tpu.enqueue_indirect_dma source(%arg11 : memref<80x64xf32, #tpu.memory_space<vmem>>) target(%dma_start3A_272 : memref<10000x64xf32, #tpu.memory_space<vmem_shared>>) offsets(%dma_start3A_269 : memref<80xi32, #tpu.memory_space<vmem>>) semaphore(%arg31 : memref<!tpu.dma_semaphore, #tpu.memory_space<semaphore_mem>>) {add = true}
        %dma_wait3A_273 = arith.constant 0 : i32
        %dma_wait3A_274 = arith.constant 0 : i32
        %dma_wait3A_275 = arith.constant 0 : i32
        %dma_wait3A_276 = tpu.memref_slice %arg6[%dma_wait3A_273, %dma_wait3A_274, %dma_wait3A_275] : memref<2x100x80xi32, #tpu.memory_space<vmem>> -> memref<1x1x80xi32, #tpu.memory_space<vmem>>
        %dma_wait3A_277 = tpu.memref_squeeze %dma_wait3A_276 : memref<1x1x80xi32, #tpu.memory_space<vmem>> -> memref<80xi32, #tpu.memory_space<vmem>>
        %dma_wait3A_278 = arith.constant 0 : i32
        %dma_wait3A_279 = arith.constant 0 : i32
        %dma_wait3A_280 = tpu.memref_slice %arg2[%arg0, %dma_wait3A_278, %dma_wait3A_279] : memref<2x10000x64xf32, #tpu.memory_space<hbm>> -> memref<1x10000x64xf32, #tpu.memory_space<hbm>>
        %dma_wait3A_281 = tpu.memref_squeeze %dma_wait3A_280 : memref<1x10000x64xf32, #tpu.memory_space<hbm>> -> memref<10000x64xf32, #tpu.memory_space<hbm>>
        %dma_wait3A_282 = arith.constant 0 : i32
        %dma_wait3A_283 = arith.constant 0 : i32
        %dma_wait3A_284 = tpu.memref_slice %dma_wait3A_281[%dma_wait3A_282, %dma_wait3A_283] : memref<10000x64xf32, #tpu.memory_space<hbm>> -> memref<10000x64xf32, #tpu.memory_space<hbm>>
        tpu.wait_indirect_dma semaphore(%arg22 : memref<!tpu.dma_semaphore, #tpu.memory_space<semaphore_mem>>) src(%dma_wait3A_284 : memref<10000x64xf32, #tpu.memory_space<hbm>>) dst(%arg12 : memref<80x64xf32, #tpu.memory_space<vmem>>)
        %add3A_285 = arith.constant 2 : i32
        %add3A_286 = arith.addi %mul3A_232, %add3A_285 : i32
        %dma_start3A_287 = arith.constant 0 : i32
        %dma_start3A_288 = tpu.memref_slice %arg7[%rem3A_72, %add3A_286, %dma_start3A_287] : memref<2x100x80xi32, #tpu.memory_space<vmem>> -> memref<1x1x80xi32, #tpu.memory_space<vmem>>
        %dma_start3A_289 = tpu.memref_squeeze %dma_start3A_288 : memref<1x1x80xi32, #tpu.memory_space<vmem>> -> memref<80xi32, #tpu.memory_space<vmem>>
        %dma_start3A_290 = arith.constant 0 : i32
        %dma_start3A_291 = arith.constant 0 : i32
        %dma_start3A_292 = tpu.memref_slice %arg8[%dma_start3A_290, %dma_start3A_291] : memref<10000x64xf32, #tpu.memory_space<vmem_shared>> -> memref<10000x64xf32, #tpu.memory_space<vmem_shared>>
        tpu.enqueue_indirect_dma source(%arg12 : memref<80x64xf32, #tpu.memory_space<vmem>>) target(%dma_start3A_292 : memref<10000x64xf32, #tpu.memory_space<vmem_shared>>) offsets(%dma_start3A_289 : memref<80xi32, #tpu.memory_space<vmem>>) semaphore(%arg32 : memref<!tpu.dma_semaphore, #tpu.memory_space<semaphore_mem>>) {add = true}
        %dma_wait3A_293 = arith.constant 0 : i32
        %dma_wait3A_294 = arith.constant 0 : i32
        %dma_wait3A_295 = arith.constant 0 : i32
        %dma_wait3A_296 = tpu.memref_slice %arg6[%dma_wait3A_293, %dma_wait3A_294, %dma_wait3A_295] : memref<2x100x80xi32, #tpu.memory_space<vmem>> -> memref<1x1x80xi32, #tpu.memory_space<vmem>>
        %dma_wait3A_297 = tpu.memref_squeeze %dma_wait3A_296 : memref<1x1x80xi32, #tpu.memory_space<vmem>> -> memref<80xi32, #tpu.memory_space<vmem>>
        %dma_wait3A_298 = arith.constant 0 : i32
        %dma_wait3A_299 = arith.constant 0 : i32
        %dma_wait3A_300 = tpu.memref_slice %arg2[%arg0, %dma_wait3A_298, %dma_wait3A_299] : memref<2x10000x64xf32, #tpu.memory_space<hbm>> -> memref<1x10000x64xf32, #tpu.memory_space<hbm>>
        %dma_wait3A_301 = tpu.memref_squeeze %dma_wait3A_300 : memref<1x10000x64xf32, #tpu.memory_space<hbm>> -> memref<10000x64xf32, #tpu.memory_space<hbm>>
        %dma_wait3A_302 = arith.constant 0 : i32
        %dma_wait3A_303 = arith.constant 0 : i32
        %dma_wait3A_304 = tpu.memref_slice %dma_wait3A_301[%dma_wait3A_302, %dma_wait3A_303] : memref<10000x64xf32, #tpu.memory_space<hbm>> -> memref<10000x64xf32, #tpu.memory_space<hbm>>
        tpu.wait_indirect_dma semaphore(%arg23 : memref<!tpu.dma_semaphore, #tpu.memory_space<semaphore_mem>>) src(%dma_wait3A_304 : memref<10000x64xf32, #tpu.memory_space<hbm>>) dst(%arg13 : memref<80x64xf32, #tpu.memory_space<vmem>>)
        %add3A_305 = arith.constant 3 : i32
        %add3A_306 = arith.addi %mul3A_232, %add3A_305 : i32
        %dma_start3A_307 = arith.constant 0 : i32
        %dma_start3A_308 = tpu.memref_slice %arg7[%rem3A_72, %add3A_306, %dma_start3A_307] : memref<2x100x80xi32, #tpu.memory_space<vmem>> -> memref<1x1x80xi32, #tpu.memory_space<vmem>>
        %dma_start3A_309 = tpu.memref_squeeze %dma_start3A_308 : memref<1x1x80xi32, #tpu.memory_space<vmem>> -> memref<80xi32, #tpu.memory_space<vmem>>
        %dma_start3A_310 = arith.constant 0 : i32
        %dma_start3A_311 = arith.constant 0 : i32
        %dma_start3A_312 = tpu.memref_slice %arg8[%dma_start3A_310, %dma_start3A_311] : memref<10000x64xf32, #tpu.memory_space<vmem_shared>> -> memref<10000x64xf32, #tpu.memory_space<vmem_shared>>
        tpu.enqueue_indirect_dma source(%arg13 : memref<80x64xf32, #tpu.memory_space<vmem>>) target(%dma_start3A_312 : memref<10000x64xf32, #tpu.memory_space<vmem_shared>>) offsets(%dma_start3A_309 : memref<80xi32, #tpu.memory_space<vmem>>) semaphore(%arg33 : memref<!tpu.dma_semaphore, #tpu.memory_space<semaphore_mem>>) {add = true}
        %dma_wait3A_313 = arith.constant 0 : i32
        %dma_wait3A_314 = arith.constant 0 : i32
        %dma_wait3A_315 = arith.constant 0 : i32
        %dma_wait3A_316 = tpu.memref_slice %arg6[%dma_wait3A_313, %dma_wait3A_314, %dma_wait3A_315] : memref<2x100x80xi32, #tpu.memory_space<vmem>> -> memref<1x1x80xi32, #tpu.memory_space<vmem>>
        %dma_wait3A_317 = tpu.memref_squeeze %dma_wait3A_316 : memref<1x1x80xi32, #tpu.memory_space<vmem>> -> memref<80xi32, #tpu.memory_space<vmem>>
        %dma_wait3A_318 = arith.constant 0 : i32
        %dma_wait3A_319 = arith.constant 0 : i32
        %dma_wait3A_320 = tpu.memref_slice %arg2[%arg0, %dma_wait3A_318, %dma_wait3A_319] : memref<2x10000x64xf32, #tpu.memory_space<hbm>> -> memref<1x10000x64xf32, #tpu.memory_space<hbm>>
        %dma_wait3A_321 = tpu.memref_squeeze %dma_wait3A_320 : memref<1x10000x64xf32, #tpu.memory_space<hbm>> -> memref<10000x64xf32, #tpu.memory_space<hbm>>
        %dma_wait3A_322 = arith.constant 0 : i32
        %dma_wait3A_323 = arith.constant 0 : i32
        %dma_wait3A_324 = tpu.memref_slice %dma_wait3A_321[%dma_wait3A_322, %dma_wait3A_323] : memref<10000x64xf32, #tpu.memory_space<hbm>> -> memref<10000x64xf32, #tpu.memory_space<hbm>>
        tpu.wait_indirect_dma semaphore(%arg24 : memref<!tpu.dma_semaphore, #tpu.memory_space<semaphore_mem>>) src(%dma_wait3A_324 : memref<10000x64xf32, #tpu.memory_space<hbm>>) dst(%arg14 : memref<80x64xf32, #tpu.memory_space<vmem>>)
        %add3A_325 = arith.constant 4 : i32
        %add3A_326 = arith.addi %mul3A_232, %add3A_325 : i32
        %dma_start3A_327 = arith.constant 0 : i32
        %dma_start3A_328 = tpu.memref_slice %arg7[%rem3A_72, %add3A_326, %dma_start3A_327] : memref<2x100x80xi32, #tpu.memory_space<vmem>> -> memref<1x1x80xi32, #tpu.memory_space<vmem>>
        %dma_start3A_329 = tpu.memref_squeeze %dma_start3A_328 : memref<1x1x80xi32, #tpu.memory_space<vmem>> -> memref<80xi32, #tpu.memory_space<vmem>>
        %dma_start3A_330 = arith.constant 0 : i32
        %dma_start3A_331 = arith.constant 0 : i32
        %dma_start3A_332 = tpu.memref_slice %arg8[%dma_start3A_330, %dma_start3A_331] : memref<10000x64xf32, #tpu.memory_space<vmem_shared>> -> memref<10000x64xf32, #tpu.memory_space<vmem_shared>>
        tpu.enqueue_indirect_dma source(%arg14 : memref<80x64xf32, #tpu.memory_space<vmem>>) target(%dma_start3A_332 : memref<10000x64xf32, #tpu.memory_space<vmem_shared>>) offsets(%dma_start3A_329 : memref<80xi32, #tpu.memory_space<vmem>>) semaphore(%arg34 : memref<!tpu.dma_semaphore, #tpu.memory_space<semaphore_mem>>) {add = true}
        %dma_wait3A_333 = arith.constant 0 : i32
        %dma_wait3A_334 = arith.constant 0 : i32
        %dma_wait3A_335 = arith.constant 0 : i32
        %dma_wait3A_336 = tpu.memref_slice %arg6[%dma_wait3A_333, %dma_wait3A_334, %dma_wait3A_335] : memref<2x100x80xi32, #tpu.memory_space<vmem>> -> memref<1x1x80xi32, #tpu.memory_space<vmem>>
        %dma_wait3A_337 = tpu.memref_squeeze %dma_wait3A_336 : memref<1x1x80xi32, #tpu.memory_space<vmem>> -> memref<80xi32, #tpu.memory_space<vmem>>
        %dma_wait3A_338 = arith.constant 0 : i32
        %dma_wait3A_339 = arith.constant 0 : i32
        %dma_wait3A_340 = tpu.memref_slice %arg2[%arg0, %dma_wait3A_338, %dma_wait3A_339] : memref<2x10000x64xf32, #tpu.memory_space<hbm>> -> memref<1x10000x64xf32, #tpu.memory_space<hbm>>
        %dma_wait3A_341 = tpu.memref_squeeze %dma_wait3A_340 : memref<1x10000x64xf32, #tpu.memory_space<hbm>> -> memref<10000x64xf32, #tpu.memory_space<hbm>>
        %dma_wait3A_342 = arith.constant 0 : i32
        %dma_wait3A_343 = arith.constant 0 : i32
        %dma_wait3A_344 = tpu.memref_slice %dma_wait3A_341[%dma_wait3A_342, %dma_wait3A_343] : memref<10000x64xf32, #tpu.memory_space<hbm>> -> memref<10000x64xf32, #tpu.memory_space<hbm>>
        tpu.wait_indirect_dma semaphore(%arg25 : memref<!tpu.dma_semaphore, #tpu.memory_space<semaphore_mem>>) src(%dma_wait3A_344 : memref<10000x64xf32, #tpu.memory_space<hbm>>) dst(%arg15 : memref<80x64xf32, #tpu.memory_space<vmem>>)
        %add3A_345 = arith.constant 5 : i32
        %add3A_346 = arith.addi %mul3A_232, %add3A_345 : i32
        %dma_start3A_347 = arith.constant 0 : i32
        %dma_start3A_348 = tpu.memref_slice %arg7[%rem3A_72, %add3A_346, %dma_start3A_347] : memref<2x100x80xi32, #tpu.memory_space<vmem>> -> memref<1x1x80xi32, #tpu.memory_space<vmem>>
        %dma_start3A_349 = tpu.memref_squeeze %dma_start3A_348 : memref<1x1x80xi32, #tpu.memory_space<vmem>> -> memref<80xi32, #tpu.memory_space<vmem>>
        %dma_start3A_350 = arith.constant 0 : i32
        %dma_start3A_351 = arith.constant 0 : i32
        %dma_start3A_352 = tpu.memref_slice %arg8[%dma_start3A_350, %dma_start3A_351] : memref<10000x64xf32, #tpu.memory_space<vmem_shared>> -> memref<10000x64xf32, #tpu.memory_space<vmem_shared>>
        tpu.enqueue_indirect_dma source(%arg15 : memref<80x64xf32, #tpu.memory_space<vmem>>) target(%dma_start3A_352 : memref<10000x64xf32, #tpu.memory_space<vmem_shared>>) offsets(%dma_start3A_349 : memref<80xi32, #tpu.memory_space<vmem>>) semaphore(%arg35 : memref<!tpu.dma_semaphore, #tpu.memory_space<semaphore_mem>>) {add = true}
        %dma_wait3A_353 = arith.constant 0 : i32
        %dma_wait3A_354 = arith.constant 0 : i32
        %dma_wait3A_355 = arith.constant 0 : i32
        %dma_wait3A_356 = tpu.memref_slice %arg6[%dma_wait3A_353, %dma_wait3A_354, %dma_wait3A_355] : memref<2x100x80xi32, #tpu.memory_space<vmem>> -> memref<1x1x80xi32, #tpu.memory_space<vmem>>
        %dma_wait3A_357 = tpu.memref_squeeze %dma_wait3A_356 : memref<1x1x80xi32, #tpu.memory_space<vmem>> -> memref<80xi32, #tpu.memory_space<vmem>>
        %dma_wait3A_358 = arith.constant 0 : i32
        %dma_wait3A_359 = arith.constant 0 : i32
        %dma_wait3A_360 = tpu.memref_slice %arg2[%arg0, %dma_wait3A_358, %dma_wait3A_359] : memref<2x10000x64xf32, #tpu.memory_space<hbm>> -> memref<1x10000x64xf32, #tpu.memory_space<hbm>>
        %dma_wait3A_361 = tpu.memref_squeeze %dma_wait3A_360 : memref<1x10000x64xf32, #tpu.memory_space<hbm>> -> memref<10000x64xf32, #tpu.memory_space<hbm>>
        %dma_wait3A_362 = arith.constant 0 : i32
        %dma_wait3A_363 = arith.constant 0 : i32
        %dma_wait3A_364 = tpu.memref_slice %dma_wait3A_361[%dma_wait3A_362, %dma_wait3A_363] : memref<10000x64xf32, #tpu.memory_space<hbm>> -> memref<10000x64xf32, #tpu.memory_space<hbm>>
        tpu.wait_indirect_dma semaphore(%arg26 : memref<!tpu.dma_semaphore, #tpu.memory_space<semaphore_mem>>) src(%dma_wait3A_364 : memref<10000x64xf32, #tpu.memory_space<hbm>>) dst(%arg16 : memref<80x64xf32, #tpu.memory_space<vmem>>)
        %add3A_365 = arith.constant 6 : i32
        %add3A_366 = arith.addi %mul3A_232, %add3A_365 : i32
        %dma_start3A_367 = arith.constant 0 : i32
        %dma_start3A_368 = tpu.memref_slice %arg7[%rem3A_72, %add3A_366, %dma_start3A_367] : memref<2x100x80xi32, #tpu.memory_space<vmem>> -> memref<1x1x80xi32, #tpu.memory_space<vmem>>
        %dma_start3A_369 = tpu.memref_squeeze %dma_start3A_368 : memref<1x1x80xi32, #tpu.memory_space<vmem>> -> memref<80xi32, #tpu.memory_space<vmem>>
        %dma_start3A_370 = arith.constant 0 : i32
        %dma_start3A_371 = arith.constant 0 : i32
        %dma_start3A_372 = tpu.memref_slice %arg8[%dma_start3A_370, %dma_start3A_371] : memref<10000x64xf32, #tpu.memory_space<vmem_shared>> -> memref<10000x64xf32, #tpu.memory_space<vmem_shared>>
        tpu.enqueue_indirect_dma source(%arg16 : memref<80x64xf32, #tpu.memory_space<vmem>>) target(%dma_start3A_372 : memref<10000x64xf32, #tpu.memory_space<vmem_shared>>) offsets(%dma_start3A_369 : memref<80xi32, #tpu.memory_space<vmem>>) semaphore(%arg36 : memref<!tpu.dma_semaphore, #tpu.memory_space<semaphore_mem>>) {add = true}
        %dma_wait3A_373 = arith.constant 0 : i32
        %dma_wait3A_374 = arith.constant 0 : i32
        %dma_wait3A_375 = arith.constant 0 : i32
        %dma_wait3A_376 = tpu.memref_slice %arg6[%dma_wait3A_373, %dma_wait3A_374, %dma_wait3A_375] : memref<2x100x80xi32, #tpu.memory_space<vmem>> -> memref<1x1x80xi32, #tpu.memory_space<vmem>>
        %dma_wait3A_377 = tpu.memref_squeeze %dma_wait3A_376 : memref<1x1x80xi32, #tpu.memory_space<vmem>> -> memref<80xi32, #tpu.memory_space<vmem>>
        %dma_wait3A_378 = arith.constant 0 : i32
        %dma_wait3A_379 = arith.constant 0 : i32
        %dma_wait3A_380 = tpu.memref_slice %arg2[%arg0, %dma_wait3A_378, %dma_wait3A_379] : memref<2x10000x64xf32, #tpu.memory_space<hbm>> -> memref<1x10000x64xf32, #tpu.memory_space<hbm>>
        %dma_wait3A_381 = tpu.memref_squeeze %dma_wait3A_380 : memref<1x10000x64xf32, #tpu.memory_space<hbm>> -> memref<10000x64xf32, #tpu.memory_space<hbm>>
        %dma_wait3A_382 = arith.constant 0 : i32
        %dma_wait3A_383 = arith.constant 0 : i32
        %dma_wait3A_384 = tpu.memref_slice %dma_wait3A_381[%dma_wait3A_382, %dma_wait3A_383] : memref<10000x64xf32, #tpu.memory_space<hbm>> -> memref<10000x64xf32, #tpu.memory_space<hbm>>
        tpu.wait_indirect_dma semaphore(%arg27 : memref<!tpu.dma_semaphore, #tpu.memory_space<semaphore_mem>>) src(%dma_wait3A_384 : memref<10000x64xf32, #tpu.memory_space<hbm>>) dst(%arg17 : memref<80x64xf32, #tpu.memory_space<vmem>>)
        %add3A_385 = arith.constant 7 : i32
        %add3A_386 = arith.addi %mul3A_232, %add3A_385 : i32
        %dma_start3A_387 = arith.constant 0 : i32
        %dma_start3A_388 = tpu.memref_slice %arg7[%rem3A_72, %add3A_386, %dma_start3A_387] : memref<2x100x80xi32, #tpu.memory_space<vmem>> -> memref<1x1x80xi32, #tpu.memory_space<vmem>>
        %dma_start3A_389 = tpu.memref_squeeze %dma_start3A_388 : memref<1x1x80xi32, #tpu.memory_space<vmem>> -> memref<80xi32, #tpu.memory_space<vmem>>
        %dma_start3A_390 = arith.constant 0 : i32
        %dma_start3A_391 = arith.constant 0 : i32
        %dma_start3A_392 = tpu.memref_slice %arg8[%dma_start3A_390, %dma_start3A_391] : memref<10000x64xf32, #tpu.memory_space<vmem_shared>> -> memref<10000x64xf32, #tpu.memory_space<vmem_shared>>
        tpu.enqueue_indirect_dma source(%arg17 : memref<80x64xf32, #tpu.memory_space<vmem>>) target(%dma_start3A_392 : memref<10000x64xf32, #tpu.memory_space<vmem_shared>>) offsets(%dma_start3A_389 : memref<80xi32, #tpu.memory_space<vmem>>) semaphore(%arg37 : memref<!tpu.dma_semaphore, #tpu.memory_space<semaphore_mem>>) {add = true}
        %dma_wait3A_393 = arith.constant 0 : i32
        %dma_wait3A_394 = arith.constant 0 : i32
        %dma_wait3A_395 = arith.constant 0 : i32
        %dma_wait3A_396 = tpu.memref_slice %arg6[%dma_wait3A_393, %dma_wait3A_394, %dma_wait3A_395] : memref<2x100x80xi32, #tpu.memory_space<vmem>> -> memref<1x1x80xi32, #tpu.memory_space<vmem>>
        %dma_wait3A_397 = tpu.memref_squeeze %dma_wait3A_396 : memref<1x1x80xi32, #tpu.memory_space<vmem>> -> memref<80xi32, #tpu.memory_space<vmem>>
        %dma_wait3A_398 = arith.constant 0 : i32
        %dma_wait3A_399 = arith.constant 0 : i32
        %dma_wait3A_400 = tpu.memref_slice %arg2[%arg0, %dma_wait3A_398, %dma_wait3A_399] : memref<2x10000x64xf32, #tpu.memory_space<hbm>> -> memref<1x10000x64xf32, #tpu.memory_space<hbm>>
        %dma_wait3A_401 = tpu.memref_squeeze %dma_wait3A_400 : memref<1x10000x64xf32, #tpu.memory_space<hbm>> -> memref<10000x64xf32, #tpu.memory_space<hbm>>
        %dma_wait3A_402 = arith.constant 0 : i32
        %dma_wait3A_403 = arith.constant 0 : i32
        %dma_wait3A_404 = tpu.memref_slice %dma_wait3A_401[%dma_wait3A_402, %dma_wait3A_403] : memref<10000x64xf32, #tpu.memory_space<hbm>> -> memref<10000x64xf32, #tpu.memory_space<hbm>>
        tpu.wait_indirect_dma semaphore(%arg28 : memref<!tpu.dma_semaphore, #tpu.memory_space<semaphore_mem>>) src(%dma_wait3A_404 : memref<10000x64xf32, #tpu.memory_space<hbm>>) dst(%arg18 : memref<80x64xf32, #tpu.memory_space<vmem>>)
        %add3A_405 = arith.constant 8 : i32
        %add3A_406 = arith.addi %mul3A_232, %add3A_405 : i32
        %dma_start3A_407 = arith.constant 0 : i32
        %dma_start3A_408 = tpu.memref_slice %arg7[%rem3A_72, %add3A_406, %dma_start3A_407] : memref<2x100x80xi32, #tpu.memory_space<vmem>> -> memref<1x1x80xi32, #tpu.memory_space<vmem>>
        %dma_start3A_409 = tpu.memref_squeeze %dma_start3A_408 : memref<1x1x80xi32, #tpu.memory_space<vmem>> -> memref<80xi32, #tpu.memory_space<vmem>>
        %dma_start3A_410 = arith.constant 0 : i32
        %dma_start3A_411 = arith.constant 0 : i32
        %dma_start3A_412 = tpu.memref_slice %arg8[%dma_start3A_410, %dma_start3A_411] : memref<10000x64xf32, #tpu.memory_space<vmem_shared>> -> memref<10000x64xf32, #tpu.memory_space<vmem_shared>>
        tpu.enqueue_indirect_dma source(%arg18 : memref<80x64xf32, #tpu.memory_space<vmem>>) target(%dma_start3A_412 : memref<10000x64xf32, #tpu.memory_space<vmem_shared>>) offsets(%dma_start3A_409 : memref<80xi32, #tpu.memory_space<vmem>>) semaphore(%arg38 : memref<!tpu.dma_semaphore, #tpu.memory_space<semaphore_mem>>) {add = true}
        %dma_wait3A_413 = arith.constant 0 : i32
        %dma_wait3A_414 = arith.constant 0 : i32
        %dma_wait3A_415 = arith.constant 0 : i32
        %dma_wait3A_416 = tpu.memref_slice %arg6[%dma_wait3A_413, %dma_wait3A_414, %dma_wait3A_415] : memref<2x100x80xi32, #tpu.memory_space<vmem>> -> memref<1x1x80xi32, #tpu.memory_space<vmem>>
        %dma_wait3A_417 = tpu.memref_squeeze %dma_wait3A_416 : memref<1x1x80xi32, #tpu.memory_space<vmem>> -> memref<80xi32, #tpu.memory_space<vmem>>
        %dma_wait3A_418 = arith.constant 0 : i32
        %dma_wait3A_419 = arith.constant 0 : i32
        %dma_wait3A_420 = tpu.memref_slice %arg2[%arg0, %dma_wait3A_418, %dma_wait3A_419] : memref<2x10000x64xf32, #tpu.memory_space<hbm>> -> memref<1x10000x64xf32, #tpu.memory_space<hbm>>
        %dma_wait3A_421 = tpu.memref_squeeze %dma_wait3A_420 : memref<1x10000x64xf32, #tpu.memory_space<hbm>> -> memref<10000x64xf32, #tpu.memory_space<hbm>>
        %dma_wait3A_422 = arith.constant 0 : i32
        %dma_wait3A_423 = arith.constant 0 : i32
        %dma_wait3A_424 = tpu.memref_slice %dma_wait3A_421[%dma_wait3A_422, %dma_wait3A_423] : memref<10000x64xf32, #tpu.memory_space<hbm>> -> memref<10000x64xf32, #tpu.memory_space<hbm>>
        tpu.wait_indirect_dma semaphore(%arg29 : memref<!tpu.dma_semaphore, #tpu.memory_space<semaphore_mem>>) src(%dma_wait3A_424 : memref<10000x64xf32, #tpu.memory_space<hbm>>) dst(%arg19 : memref<80x64xf32, #tpu.memory_space<vmem>>)
        %add3A_425 = arith.constant 9 : i32
        %add3A_426 = arith.addi %mul3A_232, %add3A_425 : i32
        %dma_start3A_427 = arith.constant 0 : i32
        %dma_start3A_428 = tpu.memref_slice %arg7[%rem3A_72, %add3A_426, %dma_start3A_427] : memref<2x100x80xi32, #tpu.memory_space<vmem>> -> memref<1x1x80xi32, #tpu.memory_space<vmem>>
        %dma_start3A_429 = tpu.memref_squeeze %dma_start3A_428 : memref<1x1x80xi32, #tpu.memory_space<vmem>> -> memref<80xi32, #tpu.memory_space<vmem>>
        %dma_start3A_430 = arith.constant 0 : i32
        %dma_start3A_431 = arith.constant 0 : i32
        %dma_start3A_432 = tpu.memref_slice %arg8[%dma_start3A_430, %dma_start3A_431] : memref<10000x64xf32, #tpu.memory_space<vmem_shared>> -> memref<10000x64xf32, #tpu.memory_space<vmem_shared>>
        tpu.enqueue_indirect_dma source(%arg19 : memref<80x64xf32, #tpu.memory_space<vmem>>) target(%dma_start3A_432 : memref<10000x64xf32, #tpu.memory_space<vmem_shared>>) offsets(%dma_start3A_429 : memref<80xi32, #tpu.memory_space<vmem>>) semaphore(%arg39 : memref<!tpu.dma_semaphore, #tpu.memory_space<semaphore_mem>>) {add = true}
        %dma_wait3A_433 = arith.constant 0 : i32
        %dma_wait3A_434 = arith.constant 0 : i32
        %dma_wait3A_435 = arith.constant 0 : i32
        %dma_wait3A_436 = tpu.memref_slice %arg7[%dma_wait3A_433, %dma_wait3A_434, %dma_wait3A_435] : memref<2x100x80xi32, #tpu.memory_space<vmem>> -> memref<1x1x80xi32, #tpu.memory_space<vmem>>
        %dma_wait3A_437 = tpu.memref_squeeze %dma_wait3A_436 : memref<1x1x80xi32, #tpu.memory_space<vmem>> -> memref<80xi32, #tpu.memory_space<vmem>>
        %dma_wait3A_438 = arith.constant 0 : i32
        %dma_wait3A_439 = arith.constant 0 : i32
        %dma_wait3A_440 = tpu.memref_slice %arg8[%dma_wait3A_438, %dma_wait3A_439] : memref<10000x64xf32, #tpu.memory_space<vmem_shared>> -> memref<10000x64xf32, #tpu.memory_space<vmem_shared>>
        tpu.wait_indirect_dma semaphore(%arg30 : memref<!tpu.dma_semaphore, #tpu.memory_space<semaphore_mem>>) src(%arg10 : memref<80x64xf32, #tpu.memory_space<vmem>>) dst(%dma_wait3A_440 : memref<10000x64xf32, #tpu.memory_space<vmem_shared>>)
        %add3A_441 = arith.constant 1 : i32
        %add3A_442 = arith.addi %add3A_230, %add3A_441 : i32
        %lt3A_443 = arith.constant 10 : i32
        %lt3A_444 = arith.cmpi slt, %add3A_442, %lt3A_443 : i32
        %convert_element_type3A_445 = arith.extui %lt3A_444 : i1 to i32
        %cond3A_446 = arith.constant 0 : i32
        %cond3A_447 = arith.cmpi ne, %convert_element_type3A_445, %cond3A_446 : i32
        scf.if %cond3A_447 {
          %add3A_583 = arith.constant 10 : i32
          %add3A_584 = arith.addi %mul3A_232, %add3A_583 : i32
          %add3A_585 = arith.constant 0 : i32
          %add3A_586 = arith.addi %add3A_584, %add3A_585 : i32
          %dma_start3A_587 = arith.constant 0 : i32
          %dma_start3A_588 = tpu.memref_slice %arg6[%rem3A_72, %add3A_586, %dma_start3A_587] : memref<2x100x80xi32, #tpu.memory_space<vmem>> -> memref<1x1x80xi32, #tpu.memory_space<vmem>>
          %dma_start3A_589 = tpu.memref_squeeze %dma_start3A_588 : memref<1x1x80xi32, #tpu.memory_space<vmem>> -> memref<80xi32, #tpu.memory_space<vmem>>
          %dma_start3A_590 = arith.constant 0 : i32
          %dma_start3A_591 = arith.constant 0 : i32
          %dma_start3A_592 = tpu.memref_slice %arg2[%arg0, %dma_start3A_590, %dma_start3A_591] : memref<2x10000x64xf32, #tpu.memory_space<hbm>> -> memref<1x10000x64xf32, #tpu.memory_space<hbm>>
          %dma_start3A_593 = tpu.memref_squeeze %dma_start3A_592 : memref<1x10000x64xf32, #tpu.memory_space<hbm>> -> memref<10000x64xf32, #tpu.memory_space<hbm>>
          %dma_start3A_594 = arith.constant 0 : i32
          %dma_start3A_595 = arith.constant 0 : i32
          %dma_start3A_596 = tpu.memref_slice %dma_start3A_593[%dma_start3A_594, %dma_start3A_595] : memref<10000x64xf32, #tpu.memory_space<hbm>> -> memref<10000x64xf32, #tpu.memory_space<hbm>>
          tpu.enqueue_indirect_dma source(%dma_start3A_596 : memref<10000x64xf32, #tpu.memory_space<hbm>>) target(%arg10 : memref<80x64xf32, #tpu.memory_space<vmem>>) offsets(%dma_start3A_589 : memref<80xi32, #tpu.memory_space<vmem>>) semaphore(%arg20 : memref<!tpu.dma_semaphore, #tpu.memory_space<semaphore_mem>>)
        } else {
        }
        %dma_wait3A_448 = arith.constant 0 : i32
        %dma_wait3A_449 = arith.constant 0 : i32
        %dma_wait3A_450 = arith.constant 0 : i32
        %dma_wait3A_451 = tpu.memref_slice %arg7[%dma_wait3A_448, %dma_wait3A_449, %dma_wait3A_450] : memref<2x100x80xi32, #tpu.memory_space<vmem>> -> memref<1x1x80xi32, #tpu.memory_space<vmem>>
        %dma_wait3A_452 = tpu.memref_squeeze %dma_wait3A_451 : memref<1x1x80xi32, #tpu.memory_space<vmem>> -> memref<80xi32, #tpu.memory_space<vmem>>
        %dma_wait3A_453 = arith.constant 0 : i32
        %dma_wait3A_454 = arith.constant 0 : i32
        %dma_wait3A_455 = tpu.memref_slice %arg8[%dma_wait3A_453, %dma_wait3A_454] : memref<10000x64xf32, #tpu.memory_space<vmem_shared>> -> memref<10000x64xf32, #tpu.memory_space<vmem_shared>>
        tpu.wait_indirect_dma semaphore(%arg31 : memref<!tpu.dma_semaphore, #tpu.memory_space<semaphore_mem>>) src(%arg11 : memref<80x64xf32, #tpu.memory_space<vmem>>) dst(%dma_wait3A_455 : memref<10000x64xf32, #tpu.memory_space<vmem_shared>>)
        %add3A_456 = arith.constant 1 : i32
        %add3A_457 = arith.addi %add3A_230, %add3A_456 : i32
        %lt3A_458 = arith.constant 10 : i32
        %lt3A_459 = arith.cmpi slt, %add3A_457, %lt3A_458 : i32
        %convert_element_type3A_460 = arith.extui %lt3A_459 : i1 to i32
        %cond3A_461 = arith.constant 0 : i32
        %cond3A_462 = arith.cmpi ne, %convert_element_type3A_460, %cond3A_461 : i32
        scf.if %cond3A_462 {
          %add3A_583 = arith.constant 10 : i32
          %add3A_584 = arith.addi %mul3A_232, %add3A_583 : i32
          %add3A_585 = arith.constant 1 : i32
          %add3A_586 = arith.addi %add3A_584, %add3A_585 : i32
          %dma_start3A_587 = arith.constant 0 : i32
          %dma_start3A_588 = tpu.memref_slice %arg6[%rem3A_72, %add3A_586, %dma_start3A_587] : memref<2x100x80xi32, #tpu.memory_space<vmem>> -> memref<1x1x80xi32, #tpu.memory_space<vmem>>
          %dma_start3A_589 = tpu.memref_squeeze %dma_start3A_588 : memref<1x1x80xi32, #tpu.memory_space<vmem>> -> memref<80xi32, #tpu.memory_space<vmem>>
          %dma_start3A_590 = arith.constant 0 : i32
          %dma_start3A_591 = arith.constant 0 : i32
          %dma_start3A_592 = tpu.memref_slice %arg2[%arg0, %dma_start3A_590, %dma_start3A_591] : memref<2x10000x64xf32, #tpu.memory_space<hbm>> -> memref<1x10000x64xf32, #tpu.memory_space<hbm>>
          %dma_start3A_593 = tpu.memref_squeeze %dma_start3A_592 : memref<1x10000x64xf32, #tpu.memory_space<hbm>> -> memref<10000x64xf32, #tpu.memory_space<hbm>>
          %dma_start3A_594 = arith.constant 0 : i32
          %dma_start3A_595 = arith.constant 0 : i32
          %dma_start3A_596 = tpu.memref_slice %dma_start3A_593[%dma_start3A_594, %dma_start3A_595] : memref<10000x64xf32, #tpu.memory_space<hbm>> -> memref<10000x64xf32, #tpu.memory_space<hbm>>
          tpu.enqueue_indirect_dma source(%dma_start3A_596 : memref<10000x64xf32, #tpu.memory_space<hbm>>) target(%arg11 : memref<80x64xf32, #tpu.memory_space<vmem>>) offsets(%dma_start3A_589 : memref<80xi32, #tpu.memory_space<vmem>>) semaphore(%arg21 : memref<!tpu.dma_semaphore, #tpu.memory_space<semaphore_mem>>)
        } else {
        }
        %dma_wait3A_463 = arith.constant 0 : i32
        %dma_wait3A_464 = arith.constant 0 : i32
        %dma_wait3A_465 = arith.constant 0 : i32
        %dma_wait3A_466 = tpu.memref_slice %arg7[%dma_wait3A_463, %dma_wait3A_464, %dma_wait3A_465] : memref<2x100x80xi32, #tpu.memory_space<vmem>> -> memref<1x1x80xi32, #tpu.memory_space<vmem>>
        %dma_wait3A_467 = tpu.memref_squeeze %dma_wait3A_466 : memref<1x1x80xi32, #tpu.memory_space<vmem>> -> memref<80xi32, #tpu.memory_space<vmem>>
        %dma_wait3A_468 = arith.constant 0 : i32
        %dma_wait3A_469 = arith.constant 0 : i32
        %dma_wait3A_470 = tpu.memref_slice %arg8[%dma_wait3A_468, %dma_wait3A_469] : memref<10000x64xf32, #tpu.memory_space<vmem_shared>> -> memref<10000x64xf32, #tpu.memory_space<vmem_shared>>
        tpu.wait_indirect_dma semaphore(%arg32 : memref<!tpu.dma_semaphore, #tpu.memory_space<semaphore_mem>>) src(%arg12 : memref<80x64xf32, #tpu.memory_space<vmem>>) dst(%dma_wait3A_470 : memref<10000x64xf32, #tpu.memory_space<vmem_shared>>)
        %add3A_471 = arith.constant 1 : i32
        %add3A_472 = arith.addi %add3A_230, %add3A_471 : i32
        %lt3A_473 = arith.constant 10 : i32
        %lt3A_474 = arith.cmpi slt, %add3A_472, %lt3A_473 : i32
        %convert_element_type3A_475 = arith.extui %lt3A_474 : i1 to i32
        %cond3A_476 = arith.constant 0 : i32
        %cond3A_477 = arith.cmpi ne, %convert_element_type3A_475, %cond3A_476 : i32
        scf.if %cond3A_477 {
          %add3A_583 = arith.constant 10 : i32
          %add3A_584 = arith.addi %mul3A_232, %add3A_583 : i32
          %add3A_585 = arith.constant 2 : i32
          %add3A_586 = arith.addi %add3A_584, %add3A_585 : i32
          %dma_start3A_587 = arith.constant 0 : i32
          %dma_start3A_588 = tpu.memref_slice %arg6[%rem3A_72, %add3A_586, %dma_start3A_587] : memref<2x100x80xi32, #tpu.memory_space<vmem>> -> memref<1x1x80xi32, #tpu.memory_space<vmem>>
          %dma_start3A_589 = tpu.memref_squeeze %dma_start3A_588 : memref<1x1x80xi32, #tpu.memory_space<vmem>> -> memref<80xi32, #tpu.memory_space<vmem>>
          %dma_start3A_590 = arith.constant 0 : i32
          %dma_start3A_591 = arith.constant 0 : i32
          %dma_start3A_592 = tpu.memref_slice %arg2[%arg0, %dma_start3A_590, %dma_start3A_591] : memref<2x10000x64xf32, #tpu.memory_space<hbm>> -> memref<1x10000x64xf32, #tpu.memory_space<hbm>>
          %dma_start3A_593 = tpu.memref_squeeze %dma_start3A_592 : memref<1x10000x64xf32, #tpu.memory_space<hbm>> -> memref<10000x64xf32, #tpu.memory_space<hbm>>
          %dma_start3A_594 = arith.constant 0 : i32
          %dma_start3A_595 = arith.constant 0 : i32
          %dma_start3A_596 = tpu.memref_slice %dma_start3A_593[%dma_start3A_594, %dma_start3A_595] : memref<10000x64xf32, #tpu.memory_space<hbm>> -> memref<10000x64xf32, #tpu.memory_space<hbm>>
          tpu.enqueue_indirect_dma source(%dma_start3A_596 : memref<10000x64xf32, #tpu.memory_space<hbm>>) target(%arg12 : memref<80x64xf32, #tpu.memory_space<vmem>>) offsets(%dma_start3A_589 : memref<80xi32, #tpu.memory_space<vmem>>) semaphore(%arg22 : memref<!tpu.dma_semaphore, #tpu.memory_space<semaphore_mem>>)
        } else {
        }
        %dma_wait3A_478 = arith.constant 0 : i32
        %dma_wait3A_479 = arith.constant 0 : i32
        %dma_wait3A_480 = arith.constant 0 : i32
        %dma_wait3A_481 = tpu.memref_slice %arg7[%dma_wait3A_478, %dma_wait3A_479, %dma_wait3A_480] : memref<2x100x80xi32, #tpu.memory_space<vmem>> -> memref<1x1x80xi32, #tpu.memory_space<vmem>>
        %dma_wait3A_482 = tpu.memref_squeeze %dma_wait3A_481 : memref<1x1x80xi32, #tpu.memory_space<vmem>> -> memref<80xi32, #tpu.memory_space<vmem>>
        %dma_wait3A_483 = arith.constant 0 : i32
        %dma_wait3A_484 = arith.constant 0 : i32
        %dma_wait3A_485 = tpu.memref_slice %arg8[%dma_wait3A_483, %dma_wait3A_484] : memref<10000x64xf32, #tpu.memory_space<vmem_shared>> -> memref<10000x64xf32, #tpu.memory_space<vmem_shared>>
        tpu.wait_indirect_dma semaphore(%arg33 : memref<!tpu.dma_semaphore, #tpu.memory_space<semaphore_mem>>) src(%arg13 : memref<80x64xf32, #tpu.memory_space<vmem>>) dst(%dma_wait3A_485 : memref<10000x64xf32, #tpu.memory_space<vmem_shared>>)
        %add3A_486 = arith.constant 1 : i32
        %add3A_487 = arith.addi %add3A_230, %add3A_486 : i32
        %lt3A_488 = arith.constant 10 : i32
        %lt3A_489 = arith.cmpi slt, %add3A_487, %lt3A_488 : i32
        %convert_element_type3A_490 = arith.extui %lt3A_489 : i1 to i32
        %cond3A_491 = arith.constant 0 : i32
        %cond3A_492 = arith.cmpi ne, %convert_element_type3A_490, %cond3A_491 : i32
        scf.if %cond3A_492 {
          %add3A_583 = arith.constant 10 : i32
          %add3A_584 = arith.addi %mul3A_232, %add3A_583 : i32
          %add3A_585 = arith.constant 3 : i32
          %add3A_586 = arith.addi %add3A_584, %add3A_585 : i32
          %dma_start3A_587 = arith.constant 0 : i32
          %dma_start3A_588 = tpu.memref_slice %arg6[%rem3A_72, %add3A_586, %dma_start3A_587] : memref<2x100x80xi32, #tpu.memory_space<vmem>> -> memref<1x1x80xi32, #tpu.memory_space<vmem>>
          %dma_start3A_589 = tpu.memref_squeeze %dma_start3A_588 : memref<1x1x80xi32, #tpu.memory_space<vmem>> -> memref<80xi32, #tpu.memory_space<vmem>>
          %dma_start3A_590 = arith.constant 0 : i32
          %dma_start3A_591 = arith.constant 0 : i32
          %dma_start3A_592 = tpu.memref_slice %arg2[%arg0, %dma_start3A_590, %dma_start3A_591] : memref<2x10000x64xf32, #tpu.memory_space<hbm>> -> memref<1x10000x64xf32, #tpu.memory_space<hbm>>
          %dma_start3A_593 = tpu.memref_squeeze %dma_start3A_592 : memref<1x10000x64xf32, #tpu.memory_space<hbm>> -> memref<10000x64xf32, #tpu.memory_space<hbm>>
          %dma_start3A_594 = arith.constant 0 : i32
          %dma_start3A_595 = arith.constant 0 : i32
          %dma_start3A_596 = tpu.memref_slice %dma_start3A_593[%dma_start3A_594, %dma_start3A_595] : memref<10000x64xf32, #tpu.memory_space<hbm>> -> memref<10000x64xf32, #tpu.memory_space<hbm>>
          tpu.enqueue_indirect_dma source(%dma_start3A_596 : memref<10000x64xf32, #tpu.memory_space<hbm>>) target(%arg13 : memref<80x64xf32, #tpu.memory_space<vmem>>) offsets(%dma_start3A_589 : memref<80xi32, #tpu.memory_space<vmem>>) semaphore(%arg23 : memref<!tpu.dma_semaphore, #tpu.memory_space<semaphore_mem>>)
        } else {
        }
        %dma_wait3A_493 = arith.constant 0 : i32
        %dma_wait3A_494 = arith.constant 0 : i32
        %dma_wait3A_495 = arith.constant 0 : i32
        %dma_wait3A_496 = tpu.memref_slice %arg7[%dma_wait3A_493, %dma_wait3A_494, %dma_wait3A_495] : memref<2x100x80xi32, #tpu.memory_space<vmem>> -> memref<1x1x80xi32, #tpu.memory_space<vmem>>
        %dma_wait3A_497 = tpu.memref_squeeze %dma_wait3A_496 : memref<1x1x80xi32, #tpu.memory_space<vmem>> -> memref<80xi32, #tpu.memory_space<vmem>>
        %dma_wait3A_498 = arith.constant 0 : i32
        %dma_wait3A_499 = arith.constant 0 : i32
        %dma_wait3A_500 = tpu.memref_slice %arg8[%dma_wait3A_498, %dma_wait3A_499] : memref<10000x64xf32, #tpu.memory_space<vmem_shared>> -> memref<10000x64xf32, #tpu.memory_space<vmem_shared>>
        tpu.wait_indirect_dma semaphore(%arg34 : memref<!tpu.dma_semaphore, #tpu.memory_space<semaphore_mem>>) src(%arg14 : memref<80x64xf32, #tpu.memory_space<vmem>>) dst(%dma_wait3A_500 : memref<10000x64xf32, #tpu.memory_space<vmem_shared>>)
        %add3A_501 = arith.constant 1 : i32
        %add3A_502 = arith.addi %add3A_230, %add3A_501 : i32
        %lt3A_503 = arith.constant 10 : i32
        %lt3A_504 = arith.cmpi slt, %add3A_502, %lt3A_503 : i32
        %convert_element_type3A_505 = arith.extui %lt3A_504 : i1 to i32
        %cond3A_506 = arith.constant 0 : i32
        %cond3A_507 = arith.cmpi ne, %convert_element_type3A_505, %cond3A_506 : i32
        scf.if %cond3A_507 {
          %add3A_583 = arith.constant 10 : i32
          %add3A_584 = arith.addi %mul3A_232, %add3A_583 : i32
          %add3A_585 = arith.constant 4 : i32
          %add3A_586 = arith.addi %add3A_584, %add3A_585 : i32
          %dma_start3A_587 = arith.constant 0 : i32
          %dma_start3A_588 = tpu.memref_slice %arg6[%rem3A_72, %add3A_586, %dma_start3A_587] : memref<2x100x80xi32, #tpu.memory_space<vmem>> -> memref<1x1x80xi32, #tpu.memory_space<vmem>>
          %dma_start3A_589 = tpu.memref_squeeze %dma_start3A_588 : memref<1x1x80xi32, #tpu.memory_space<vmem>> -> memref<80xi32, #tpu.memory_space<vmem>>
          %dma_start3A_590 = arith.constant 0 : i32
          %dma_start3A_591 = arith.constant 0 : i32
          %dma_start3A_592 = tpu.memref_slice %arg2[%arg0, %dma_start3A_590, %dma_start3A_591] : memref<2x10000x64xf32, #tpu.memory_space<hbm>> -> memref<1x10000x64xf32, #tpu.memory_space<hbm>>
          %dma_start3A_593 = tpu.memref_squeeze %dma_start3A_592 : memref<1x10000x64xf32, #tpu.memory_space<hbm>> -> memref<10000x64xf32, #tpu.memory_space<hbm>>
          %dma_start3A_594 = arith.constant 0 : i32
          %dma_start3A_595 = arith.constant 0 : i32
          %dma_start3A_596 = tpu.memref_slice %dma_start3A_593[%dma_start3A_594, %dma_start3A_595] : memref<10000x64xf32, #tpu.memory_space<hbm>> -> memref<10000x64xf32, #tpu.memory_space<hbm>>
          tpu.enqueue_indirect_dma source(%dma_start3A_596 : memref<10000x64xf32, #tpu.memory_space<hbm>>) target(%arg14 : memref<80x64xf32, #tpu.memory_space<vmem>>) offsets(%dma_start3A_589 : memref<80xi32, #tpu.memory_space<vmem>>) semaphore(%arg24 : memref<!tpu.dma_semaphore, #tpu.memory_space<semaphore_mem>>)
        } else {
        }
        %dma_wait3A_508 = arith.constant 0 : i32
        %dma_wait3A_509 = arith.constant 0 : i32
        %dma_wait3A_510 = arith.constant 0 : i32
        %dma_wait3A_511 = tpu.memref_slice %arg7[%dma_wait3A_508, %dma_wait3A_509, %dma_wait3A_510] : memref<2x100x80xi32, #tpu.memory_space<vmem>> -> memref<1x1x80xi32, #tpu.memory_space<vmem>>
        %dma_wait3A_512 = tpu.memref_squeeze %dma_wait3A_511 : memref<1x1x80xi32, #tpu.memory_space<vmem>> -> memref<80xi32, #tpu.memory_space<vmem>>
        %dma_wait3A_513 = arith.constant 0 : i32
        %dma_wait3A_514 = arith.constant 0 : i32
        %dma_wait3A_515 = tpu.memref_slice %arg8[%dma_wait3A_513, %dma_wait3A_514] : memref<10000x64xf32, #tpu.memory_space<vmem_shared>> -> memref<10000x64xf32, #tpu.memory_space<vmem_shared>>
        tpu.wait_indirect_dma semaphore(%arg35 : memref<!tpu.dma_semaphore, #tpu.memory_space<semaphore_mem>>) src(%arg15 : memref<80x64xf32, #tpu.memory_space<vmem>>) dst(%dma_wait3A_515 : memref<10000x64xf32, #tpu.memory_space<vmem_shared>>)
        %add3A_516 = arith.constant 1 : i32
        %add3A_517 = arith.addi %add3A_230, %add3A_516 : i32
        %lt3A_518 = arith.constant 10 : i32
        %lt3A_519 = arith.cmpi slt, %add3A_517, %lt3A_518 : i32
        %convert_element_type3A_520 = arith.extui %lt3A_519 : i1 to i32
        %cond3A_521 = arith.constant 0 : i32
        %cond3A_522 = arith.cmpi ne, %convert_element_type3A_520, %cond3A_521 : i32
        scf.if %cond3A_522 {
          %add3A_583 = arith.constant 10 : i32
          %add3A_584 = arith.addi %mul3A_232, %add3A_583 : i32
          %add3A_585 = arith.constant 5 : i32
          %add3A_586 = arith.addi %add3A_584, %add3A_585 : i32
          %dma_start3A_587 = arith.constant 0 : i32
          %dma_start3A_588 = tpu.memref_slice %arg6[%rem3A_72, %add3A_586, %dma_start3A_587] : memref<2x100x80xi32, #tpu.memory_space<vmem>> -> memref<1x1x80xi32, #tpu.memory_space<vmem>>
          %dma_start3A_589 = tpu.memref_squeeze %dma_start3A_588 : memref<1x1x80xi32, #tpu.memory_space<vmem>> -> memref<80xi32, #tpu.memory_space<vmem>>
          %dma_start3A_590 = arith.constant 0 : i32
          %dma_start3A_591 = arith.constant 0 : i32
          %dma_start3A_592 = tpu.memref_slice %arg2[%arg0, %dma_start3A_590, %dma_start3A_591] : memref<2x10000x64xf32, #tpu.memory_space<hbm>> -> memref<1x10000x64xf32, #tpu.memory_space<hbm>>
          %dma_start3A_593 = tpu.memref_squeeze %dma_start3A_592 : memref<1x10000x64xf32, #tpu.memory_space<hbm>> -> memref<10000x64xf32, #tpu.memory_space<hbm>>
          %dma_start3A_594 = arith.constant 0 : i32
          %dma_start3A_595 = arith.constant 0 : i32
          %dma_start3A_596 = tpu.memref_slice %dma_start3A_593[%dma_start3A_594, %dma_start3A_595] : memref<10000x64xf32, #tpu.memory_space<hbm>> -> memref<10000x64xf32, #tpu.memory_space<hbm>>
          tpu.enqueue_indirect_dma source(%dma_start3A_596 : memref<10000x64xf32, #tpu.memory_space<hbm>>) target(%arg15 : memref<80x64xf32, #tpu.memory_space<vmem>>) offsets(%dma_start3A_589 : memref<80xi32, #tpu.memory_space<vmem>>) semaphore(%arg25 : memref<!tpu.dma_semaphore, #tpu.memory_space<semaphore_mem>>)
        } else {
        }
        %dma_wait3A_523 = arith.constant 0 : i32
        %dma_wait3A_524 = arith.constant 0 : i32
        %dma_wait3A_525 = arith.constant 0 : i32
        %dma_wait3A_526 = tpu.memref_slice %arg7[%dma_wait3A_523, %dma_wait3A_524, %dma_wait3A_525] : memref<2x100x80xi32, #tpu.memory_space<vmem>> -> memref<1x1x80xi32, #tpu.memory_space<vmem>>
        %dma_wait3A_527 = tpu.memref_squeeze %dma_wait3A_526 : memref<1x1x80xi32, #tpu.memory_space<vmem>> -> memref<80xi32, #tpu.memory_space<vmem>>
        %dma_wait3A_528 = arith.constant 0 : i32
        %dma_wait3A_529 = arith.constant 0 : i32
        %dma_wait3A_530 = tpu.memref_slice %arg8[%dma_wait3A_528, %dma_wait3A_529] : memref<10000x64xf32, #tpu.memory_space<vmem_shared>> -> memref<10000x64xf32, #tpu.memory_space<vmem_shared>>
        tpu.wait_indirect_dma semaphore(%arg36 : memref<!tpu.dma_semaphore, #tpu.memory_space<semaphore_mem>>) src(%arg16 : memref<80x64xf32, #tpu.memory_space<vmem>>) dst(%dma_wait3A_530 : memref<10000x64xf32, #tpu.memory_space<vmem_shared>>)
        %add3A_531 = arith.constant 1 : i32
        %add3A_532 = arith.addi %add3A_230, %add3A_531 : i32
        %lt3A_533 = arith.constant 10 : i32
        %lt3A_534 = arith.cmpi slt, %add3A_532, %lt3A_533 : i32
        %convert_element_type3A_535 = arith.extui %lt3A_534 : i1 to i32
        %cond3A_536 = arith.constant 0 : i32
        %cond3A_537 = arith.cmpi ne, %convert_element_type3A_535, %cond3A_536 : i32
        scf.if %cond3A_537 {
          %add3A_583 = arith.constant 10 : i32
          %add3A_584 = arith.addi %mul3A_232, %add3A_583 : i32
          %add3A_585 = arith.constant 6 : i32
          %add3A_586 = arith.addi %add3A_584, %add3A_585 : i32
          %dma_start3A_587 = arith.constant 0 : i32
          %dma_start3A_588 = tpu.memref_slice %arg6[%rem3A_72, %add3A_586, %dma_start3A_587] : memref<2x100x80xi32, #tpu.memory_space<vmem>> -> memref<1x1x80xi32, #tpu.memory_space<vmem>>
          %dma_start3A_589 = tpu.memref_squeeze %dma_start3A_588 : memref<1x1x80xi32, #tpu.memory_space<vmem>> -> memref<80xi32, #tpu.memory_space<vmem>>
          %dma_start3A_590 = arith.constant 0 : i32
          %dma_start3A_591 = arith.constant 0 : i32
          %dma_start3A_592 = tpu.memref_slice %arg2[%arg0, %dma_start3A_590, %dma_start3A_591] : memref<2x10000x64xf32, #tpu.memory_space<hbm>> -> memref<1x10000x64xf32, #tpu.memory_space<hbm>>
          %dma_start3A_593 = tpu.memref_squeeze %dma_start3A_592 : memref<1x10000x64xf32, #tpu.memory_space<hbm>> -> memref<10000x64xf32, #tpu.memory_space<hbm>>
          %dma_start3A_594 = arith.constant 0 : i32
          %dma_start3A_595 = arith.constant 0 : i32
          %dma_start3A_596 = tpu.memref_slice %dma_start3A_593[%dma_start3A_594, %dma_start3A_595] : memref<10000x64xf32, #tpu.memory_space<hbm>> -> memref<10000x64xf32, #tpu.memory_space<hbm>>
          tpu.enqueue_indirect_dma source(%dma_start3A_596 : memref<10000x64xf32, #tpu.memory_space<hbm>>) target(%arg16 : memref<80x64xf32, #tpu.memory_space<vmem>>) offsets(%dma_start3A_589 : memref<80xi32, #tpu.memory_space<vmem>>) semaphore(%arg26 : memref<!tpu.dma_semaphore, #tpu.memory_space<semaphore_mem>>)
        } else {
        }
        %dma_wait3A_538 = arith.constant 0 : i32
        %dma_wait3A_539 = arith.constant 0 : i32
        %dma_wait3A_540 = arith.constant 0 : i32
        %dma_wait3A_541 = tpu.memref_slice %arg7[%dma_wait3A_538, %dma_wait3A_539, %dma_wait3A_540] : memref<2x100x80xi32, #tpu.memory_space<vmem>> -> memref<1x1x80xi32, #tpu.memory_space<vmem>>
        %dma_wait3A_542 = tpu.memref_squeeze %dma_wait3A_541 : memref<1x1x80xi32, #tpu.memory_space<vmem>> -> memref<80xi32, #tpu.memory_space<vmem>>
        %dma_wait3A_543 = arith.constant 0 : i32
        %dma_wait3A_544 = arith.constant 0 : i32
        %dma_wait3A_545 = tpu.memref_slice %arg8[%dma_wait3A_543, %dma_wait3A_544] : memref<10000x64xf32, #tpu.memory_space<vmem_shared>> -> memref<10000x64xf32, #tpu.memory_space<vmem_shared>>
        tpu.wait_indirect_dma semaphore(%arg37 : memref<!tpu.dma_semaphore, #tpu.memory_space<semaphore_mem>>) src(%arg17 : memref<80x64xf32, #tpu.memory_space<vmem>>) dst(%dma_wait3A_545 : memref<10000x64xf32, #tpu.memory_space<vmem_shared>>)
        %add3A_546 = arith.constant 1 : i32
        %add3A_547 = arith.addi %add3A_230, %add3A_546 : i32
        %lt3A_548 = arith.constant 10 : i32
        %lt3A_549 = arith.cmpi slt, %add3A_547, %lt3A_548 : i32
        %convert_element_type3A_550 = arith.extui %lt3A_549 : i1 to i32
        %cond3A_551 = arith.constant 0 : i32
        %cond3A_552 = arith.cmpi ne, %convert_element_type3A_550, %cond3A_551 : i32
        scf.if %cond3A_552 {
          %add3A_583 = arith.constant 10 : i32
          %add3A_584 = arith.addi %mul3A_232, %add3A_583 : i32
          %add3A_585 = arith.constant 7 : i32
          %add3A_586 = arith.addi %add3A_584, %add3A_585 : i32
          %dma_start3A_587 = arith.constant 0 : i32
          %dma_start3A_588 = tpu.memref_slice %arg6[%rem3A_72, %add3A_586, %dma_start3A_587] : memref<2x100x80xi32, #tpu.memory_space<vmem>> -> memref<1x1x80xi32, #tpu.memory_space<vmem>>
          %dma_start3A_589 = tpu.memref_squeeze %dma_start3A_588 : memref<1x1x80xi32, #tpu.memory_space<vmem>> -> memref<80xi32, #tpu.memory_space<vmem>>
          %dma_start3A_590 = arith.constant 0 : i32
          %dma_start3A_591 = arith.constant 0 : i32
          %dma_start3A_592 = tpu.memref_slice %arg2[%arg0, %dma_start3A_590, %dma_start3A_591] : memref<2x10000x64xf32, #tpu.memory_space<hbm>> -> memref<1x10000x64xf32, #tpu.memory_space<hbm>>
          %dma_start3A_593 = tpu.memref_squeeze %dma_start3A_592 : memref<1x10000x64xf32, #tpu.memory_space<hbm>> -> memref<10000x64xf32, #tpu.memory_space<hbm>>
          %dma_start3A_594 = arith.constant 0 : i32
          %dma_start3A_595 = arith.constant 0 : i32
          %dma_start3A_596 = tpu.memref_slice %dma_start3A_593[%dma_start3A_594, %dma_start3A_595] : memref<10000x64xf32, #tpu.memory_space<hbm>> -> memref<10000x64xf32, #tpu.memory_space<hbm>>
          tpu.enqueue_indirect_dma source(%dma_start3A_596 : memref<10000x64xf32, #tpu.memory_space<hbm>>) target(%arg17 : memref<80x64xf32, #tpu.memory_space<vmem>>) offsets(%dma_start3A_589 : memref<80xi32, #tpu.memory_space<vmem>>) semaphore(%arg27 : memref<!tpu.dma_semaphore, #tpu.memory_space<semaphore_mem>>)
        } else {
        }
        %dma_wait3A_553 = arith.constant 0 : i32
        %dma_wait3A_554 = arith.constant 0 : i32
        %dma_wait3A_555 = arith.constant 0 : i32
        %dma_wait3A_556 = tpu.memref_slice %arg7[%dma_wait3A_553, %dma_wait3A_554, %dma_wait3A_555] : memref<2x100x80xi32, #tpu.memory_space<vmem>> -> memref<1x1x80xi32, #tpu.memory_space<vmem>>
        %dma_wait3A_557 = tpu.memref_squeeze %dma_wait3A_556 : memref<1x1x80xi32, #tpu.memory_space<vmem>> -> memref<80xi32, #tpu.memory_space<vmem>>
        %dma_wait3A_558 = arith.constant 0 : i32
        %dma_wait3A_559 = arith.constant 0 : i32
        %dma_wait3A_560 = tpu.memref_slice %arg8[%dma_wait3A_558, %dma_wait3A_559] : memref<10000x64xf32, #tpu.memory_space<vmem_shared>> -> memref<10000x64xf32, #tpu.memory_space<vmem_shared>>
        tpu.wait_indirect_dma semaphore(%arg38 : memref<!tpu.dma_semaphore, #tpu.memory_space<semaphore_mem>>) src(%arg18 : memref<80x64xf32, #tpu.memory_space<vmem>>) dst(%dma_wait3A_560 : memref<10000x64xf32, #tpu.memory_space<vmem_shared>>)
        %add3A_561 = arith.constant 1 : i32
        %add3A_562 = arith.addi %add3A_230, %add3A_561 : i32
        %lt3A_563 = arith.constant 10 : i32
        %lt3A_564 = arith.cmpi slt, %add3A_562, %lt3A_563 : i32
        %convert_element_type3A_565 = arith.extui %lt3A_564 : i1 to i32
        %cond3A_566 = arith.constant 0 : i32
        %cond3A_567 = arith.cmpi ne, %convert_element_type3A_565, %cond3A_566 : i32
        scf.if %cond3A_567 {
          %add3A_583 = arith.constant 10 : i32
          %add3A_584 = arith.addi %mul3A_232, %add3A_583 : i32
          %add3A_585 = arith.constant 8 : i32
          %add3A_586 = arith.addi %add3A_584, %add3A_585 : i32
          %dma_start3A_587 = arith.constant 0 : i32
          %dma_start3A_588 = tpu.memref_slice %arg6[%rem3A_72, %add3A_586, %dma_start3A_587] : memref<2x100x80xi32, #tpu.memory_space<vmem>> -> memref<1x1x80xi32, #tpu.memory_space<vmem>>
          %dma_start3A_589 = tpu.memref_squeeze %dma_start3A_588 : memref<1x1x80xi32, #tpu.memory_space<vmem>> -> memref<80xi32, #tpu.memory_space<vmem>>
          %dma_start3A_590 = arith.constant 0 : i32
          %dma_start3A_591 = arith.constant 0 : i32
          %dma_start3A_592 = tpu.memref_slice %arg2[%arg0, %dma_start3A_590, %dma_start3A_591] : memref<2x10000x64xf32, #tpu.memory_space<hbm>> -> memref<1x10000x64xf32, #tpu.memory_space<hbm>>
          %dma_start3A_593 = tpu.memref_squeeze %dma_start3A_592 : memref<1x10000x64xf32, #tpu.memory_space<hbm>> -> memref<10000x64xf32, #tpu.memory_space<hbm>>
          %dma_start3A_594 = arith.constant 0 : i32
          %dma_start3A_595 = arith.constant 0 : i32
          %dma_start3A_596 = tpu.memref_slice %dma_start3A_593[%dma_start3A_594, %dma_start3A_595] : memref<10000x64xf32, #tpu.memory_space<hbm>> -> memref<10000x64xf32, #tpu.memory_space<hbm>>
          tpu.enqueue_indirect_dma source(%dma_start3A_596 : memref<10000x64xf32, #tpu.memory_space<hbm>>) target(%arg18 : memref<80x64xf32, #tpu.memory_space<vmem>>) offsets(%dma_start3A_589 : memref<80xi32, #tpu.memory_space<vmem>>) semaphore(%arg28 : memref<!tpu.dma_semaphore, #tpu.memory_space<semaphore_mem>>)
        } else {
        }
        %dma_wait3A_568 = arith.constant 0 : i32
        %dma_wait3A_569 = arith.constant 0 : i32
        %dma_wait3A_570 = arith.constant 0 : i32
        %dma_wait3A_571 = tpu.memref_slice %arg7[%dma_wait3A_568, %dma_wait3A_569, %dma_wait3A_570] : memref<2x100x80xi32, #tpu.memory_space<vmem>> -> memref<1x1x80xi32, #tpu.memory_space<vmem>>
        %dma_wait3A_572 = tpu.memref_squeeze %dma_wait3A_571 : memref<1x1x80xi32, #tpu.memory_space<vmem>> -> memref<80xi32, #tpu.memory_space<vmem>>
        %dma_wait3A_573 = arith.constant 0 : i32
        %dma_wait3A_574 = arith.constant 0 : i32
        %dma_wait3A_575 = tpu.memref_slice %arg8[%dma_wait3A_573, %dma_wait3A_574] : memref<10000x64xf32, #tpu.memory_space<vmem_shared>> -> memref<10000x64xf32, #tpu.memory_space<vmem_shared>>
        tpu.wait_indirect_dma semaphore(%arg39 : memref<!tpu.dma_semaphore, #tpu.memory_space<semaphore_mem>>) src(%arg19 : memref<80x64xf32, #tpu.memory_space<vmem>>) dst(%dma_wait3A_575 : memref<10000x64xf32, #tpu.memory_space<vmem_shared>>)
        %add3A_576 = arith.constant 1 : i32
        %add3A_577 = arith.addi %add3A_230, %add3A_576 : i32
        %lt3A_578 = arith.constant 10 : i32
        %lt3A_579 = arith.cmpi slt, %add3A_577, %lt3A_578 : i32
        %convert_element_type3A_580 = arith.extui %lt3A_579 : i1 to i32
        %cond3A_581 = arith.constant 0 : i32
        %cond3A_582 = arith.cmpi ne, %convert_element_type3A_580, %cond3A_581 : i32
        scf.if %cond3A_582 {
          %add3A_583 = arith.constant 10 : i32
          %add3A_584 = arith.addi %mul3A_232, %add3A_583 : i32
          %add3A_585 = arith.constant 9 : i32
          %add3A_586 = arith.addi %add3A_584, %add3A_585 : i32
          %dma_start3A_587 = arith.constant 0 : i32
          %dma_start3A_588 = tpu.memref_slice %arg6[%rem3A_72, %add3A_586, %dma_start3A_587] : memref<2x100x80xi32, #tpu.memory_space<vmem>> -> memref<1x1x80xi32, #tpu.memory_space<vmem>>
          %dma_start3A_589 = tpu.memref_squeeze %dma_start3A_588 : memref<1x1x80xi32, #tpu.memory_space<vmem>> -> memref<80xi32, #tpu.memory_space<vmem>>
          %dma_start3A_590 = arith.constant 0 : i32
          %dma_start3A_591 = arith.constant 0 : i32
          %dma_start3A_592 = tpu.memref_slice %arg2[%arg0, %dma_start3A_590, %dma_start3A_591] : memref<2x10000x64xf32, #tpu.memory_space<hbm>> -> memref<1x10000x64xf32, #tpu.memory_space<hbm>>
          %dma_start3A_593 = tpu.memref_squeeze %dma_start3A_592 : memref<1x10000x64xf32, #tpu.memory_space<hbm>> -> memref<10000x64xf32, #tpu.memory_space<hbm>>
          %dma_start3A_594 = arith.constant 0 : i32
          %dma_start3A_595 = arith.constant 0 : i32
          %dma_start3A_596 = tpu.memref_slice %dma_start3A_593[%dma_start3A_594, %dma_start3A_595] : memref<10000x64xf32, #tpu.memory_space<hbm>> -> memref<10000x64xf32, #tpu.memory_space<hbm>>
          tpu.enqueue_indirect_dma source(%dma_start3A_596 : memref<10000x64xf32, #tpu.memory_space<hbm>>) target(%arg19 : memref<80x64xf32, #tpu.memory_space<vmem>>) offsets(%dma_start3A_589 : memref<80xi32, #tpu.memory_space<vmem>>) semaphore(%arg29 : memref<!tpu.dma_semaphore, #tpu.memory_space<semaphore_mem>>)
        } else {
        }
      }
      %scan3A_225 = arith.constant 10 : i32
    }
    %scan3A_59 = arith.constant 5 : i32
    %barrier3A_60 = arith.constant 0 : index
    tpu.barrier barrier_id(%barrier3A_60)
    %lt3A = arith.constant 15 : i32
    %lt3A_61 = arith.cmpi slt, %arg1, %lt3A : i32
    %convert_element_type3A = arith.extui %lt3A_61 : i1 to i32
    %cond3A = arith.constant 0 : i32
    %cond3A_62 = arith.cmpi ne, %convert_element_type3A, %cond3A : i32
    scf.if %cond3A_62 {
      %mul3A = arith.constant 640 : i32
      %mul3A_68 = arith.muli %arg1, %mul3A : i32
      %mul3A_69 = arith.constant 640 : i32
      %mul3A_70 = arith.muli %arg1, %mul3A_69 : i32
      "tpu.region"() ({
        %run_scoped3A = tpu.sem_alloc : memref<!tpu.dma_semaphore, #tpu.memory_space<semaphore_mem>>
        %dma_start3A_71 = arith.constant 0 : i32
        %dma_start3A_72 = tpu.memref_slice %arg5[%arg0, %mul3A_70, %dma_start3A_71] : memref<2x10000x64xf32, #tpu.memory_space<hbm>> -> memref<1x640x64xf32, #tpu.memory_space<hbm>>
        %dma_start3A_73 = tpu.memref_squeeze %dma_start3A_72 : memref<1x640x64xf32, #tpu.memory_space<hbm>> -> memref<640x64xf32, #tpu.memory_space<hbm>>
        %dma_start3A_74 = arith.constant 0 : i32
        %dma_start3A_75 = tpu.memref_slice %arg8[%mul3A_68, %dma_start3A_74] : memref<10000x64xf32, #tpu.memory_space<vmem_shared>> -> memref<640x64xf32, #tpu.memory_space<vmem_shared>>
        tpu.enqueue_dma source(%dma_start3A_75 : memref<640x64xf32, #tpu.memory_space<vmem_shared>>) target(%dma_start3A_73 : memref<640x64xf32, #tpu.memory_space<hbm>>) target_semaphore(%run_scoped3A : memref<!tpu.dma_semaphore, #tpu.memory_space<semaphore_mem>>)
        %dma_wait3A = arith.constant 0 : i32
        %dma_wait3A_76 = tpu.memref_slice %arg5[%arg0, %mul3A_70, %dma_wait3A] : memref<2x10000x64xf32, #tpu.memory_space<hbm>> -> memref<1x640x64xf32, #tpu.memory_space<hbm>>
        %dma_wait3A_77 = tpu.memref_squeeze %dma_wait3A_76 : memref<1x640x64xf32, #tpu.memory_space<hbm>> -> memref<640x64xf32, #tpu.memory_space<hbm>>
        %dma_wait3A_78 = arith.constant 0 : i32
        %dma_wait3A_79 = tpu.memref_slice %arg8[%mul3A_68, %dma_wait3A_78] : memref<10000x64xf32, #tpu.memory_space<vmem_shared>> -> memref<640x64xf32, #tpu.memory_space<vmem_shared>>
        tpu.wait_dma2 semaphore(%run_scoped3A : memref<!tpu.dma_semaphore, #tpu.memory_space<semaphore_mem>>) src(%dma_wait3A_79 : memref<640x64xf32, #tpu.memory_space<vmem_shared>>) dst(%dma_wait3A_77 : memref<640x64xf32, #tpu.memory_space<hbm>>)
        tpu.yield
      }) : () -> ()
    } else {
    }
    %eq3A_63 = arith.constant 15 : i32
    %eq3A_64 = arith.cmpi eq, %arg1, %eq3A_63 : i32
    %convert_element_type3A_65 = arith.extui %eq3A_64 : i1 to i32
    %cond3A_66 = arith.constant 0 : i32
    %cond3A_67 = arith.cmpi ne, %convert_element_type3A_65, %cond3A_66 : i32
    scf.if %cond3A_67 {
      "tpu.region"() ({
        %run_scoped3A = tpu.sem_alloc : memref<!tpu.dma_semaphore, #tpu.memory_space<semaphore_mem>>
        %dma_start3A_68 = arith.constant 9600 : i32
        %dma_start3A_69 = arith.constant 0 : i32
        %dma_start3A_70 = tpu.memref_slice %arg5[%arg0, %dma_start3A_68, %dma_start3A_69] : memref<2x10000x64xf32, #tpu.memory_space<hbm>> -> memref<1x400x64xf32, #tpu.memory_space<hbm>>
        %dma_start3A_71 = tpu.memref_squeeze %dma_start3A_70 : memref<1x400x64xf32, #tpu.memory_space<hbm>> -> memref<400x64xf32, #tpu.memory_space<hbm>>
        %dma_start3A_72 = arith.constant 9600 : i32
        %dma_start3A_73 = arith.constant 0 : i32
        %dma_start3A_74 = tpu.memref_slice %arg8[%dma_start3A_72, %dma_start3A_73] : memref<10000x64xf32, #tpu.memory_space<vmem_shared>> -> memref<400x64xf32, #tpu.memory_space<vmem_shared>>
        tpu.enqueue_dma source(%dma_start3A_74 : memref<400x64xf32, #tpu.memory_space<vmem_shared>>) target(%dma_start3A_71 : memref<400x64xf32, #tpu.memory_space<hbm>>) target_semaphore(%run_scoped3A : memref<!tpu.dma_semaphore, #tpu.memory_space<semaphore_mem>>)
        %dma_wait3A = arith.constant 9600 : i32
        %dma_wait3A_75 = arith.constant 0 : i32
        %dma_wait3A_76 = tpu.memref_slice %arg5[%arg0, %dma_wait3A, %dma_wait3A_75] : memref<2x10000x64xf32, #tpu.memory_space<hbm>> -> memref<1x400x64xf32, #tpu.memory_space<hbm>>
        %dma_wait3A_77 = tpu.memref_squeeze %dma_wait3A_76 : memref<1x400x64xf32, #tpu.memory_space<hbm>> -> memref<400x64xf32, #tpu.memory_space<hbm>>
        %dma_wait3A_78 = arith.constant 9600 : i32
        %dma_wait3A_79 = arith.constant 0 : i32
        %dma_wait3A_80 = tpu.memref_slice %arg8[%dma_wait3A_78, %dma_wait3A_79] : memref<10000x64xf32, #tpu.memory_space<vmem_shared>> -> memref<400x64xf32, #tpu.memory_space<vmem_shared>>
        tpu.wait_dma2 semaphore(%run_scoped3A : memref<!tpu.dma_semaphore, #tpu.memory_space<semaphore_mem>>) src(%dma_wait3A_80 : memref<400x64xf32, #tpu.memory_space<vmem_shared>>) dst(%dma_wait3A_77 : memref<400x64xf32, #tpu.memory_space<hbm>>)
        tpu.yield
      }) : () -> ()
    } else {
    }
    return
  }
}

#map = affine_map<(d0, d1) -> (0, 0, 0)>
module attributes {stable_mosaic.version = 14 : i64} {
  func.func @deg(%arg0: i32, %arg1: i32, %arg2: memref<32x250x80xi32, #tpu.memory_space<hbm>>, %arg3: memref<2x10000x16xf32, #tpu.memory_space<hbm>>, %arg4: memref<2x50x80xi32, #tpu.memory_space<vmem>>, %arg5: memref<10000x16xf32, #tpu.memory_space<vmem_shared>>, %arg6: memref<80x16xf32, #tpu.memory_space<vmem>>, %arg7: memref<80x16xf32, #tpu.memory_space<vmem>>, %arg8: memref<!tpu.dma_semaphore, #tpu.memory_space<semaphore_mem>>, %arg9: memref<!tpu.dma_semaphore, #tpu.memory_space<semaphore_mem>>, %arg10: memref<!tpu.dma_semaphore, #tpu.memory_space<semaphore_mem>>, %arg11: memref<!tpu.dma_semaphore, #tpu.memory_space<semaphore_mem>>, %arg12: memref<!tpu.dma_semaphore, #tpu.memory_space<semaphore_mem>>, %arg13: memref<!tpu.dma_semaphore, #tpu.memory_space<semaphore_mem>>, %arg14: memref<!tpu.dma_semaphore, #tpu.memory_space<semaphore_mem>>, %arg15: memref<!tpu.dma_semaphore, #tpu.memory_space<semaphore_mem>>, %arg16: memref<!tpu.dma_semaphore, #tpu.memory_space<semaphore_mem>>, %arg17: memref<!tpu.dma_semaphore, #tpu.memory_space<semaphore_mem>>, %arg18: memref<!tpu.dma_semaphore, #tpu.memory_space<semaphore_mem>>) attributes {dimension_semantics = [#tpu.dimension_semantics<core_parallel>, #tpu.dimension_semantics<subcore_parallel>], iteration_bounds = array<i64: 2, 16>, scalar_prefetch = 0 : i64, scratch_operands = 15 : i64, tpu.core_type = #tpu.core_type<sc_vector_subcore>, window_params = [{transform_indices = #map}, {transform_indices = #map}]} {
    %mul3A = arith.constant 16 : i32
    %mul3A_0 = arith.muli %arg0, %mul3A : i32
    %add3A = arith.addi %mul3A_0, %arg1 : i32
    %dma_start3A = arith.constant 0 : i32
    %dma_start3A_1 = arith.constant 0 : i32
    %dma_start3A_2 = arith.constant 0 : i32
    %dma_start3A_3 = tpu.memref_slice %arg4[%dma_start3A, %dma_start3A_1, %dma_start3A_2] : memref<2x50x80xi32, #tpu.memory_space<vmem>> -> memref<1x50x80xi32, #tpu.memory_space<vmem>>
    %dma_start3A_4 = tpu.memref_squeeze %dma_start3A_3 : memref<1x50x80xi32, #tpu.memory_space<vmem>> -> memref<50x80xi32, #tpu.memory_space<vmem>>
    %dma_start3A_5 = arith.constant 0 : i32
    %dma_start3A_6 = arith.constant 0 : i32
    %dma_start3A_7 = tpu.memref_slice %arg2[%add3A, %dma_start3A_5, %dma_start3A_6] : memref<32x250x80xi32, #tpu.memory_space<hbm>> -> memref<1x50x80xi32, #tpu.memory_space<hbm>>
    %dma_start3A_8 = tpu.memref_squeeze %dma_start3A_7 : memref<1x50x80xi32, #tpu.memory_space<hbm>> -> memref<50x80xi32, #tpu.memory_space<hbm>>
    %dma_start3A_9 = arith.constant 0 : i32
    %dma_start3A_10 = arith.constant 0 : i32
    %dma_start3A_11 = tpu.memref_slice %arg4[%dma_start3A, %dma_start3A_9, %dma_start3A_10] : memref<2x50x80xi32, #tpu.memory_space<vmem>> -> memref<1x50x80xi32, #tpu.memory_space<vmem>>
    %dma_start3A_12 = tpu.memref_squeeze %dma_start3A_11 : memref<1x50x80xi32, #tpu.memory_space<vmem>> -> memref<50x80xi32, #tpu.memory_space<vmem>>
    %dma_start3A_13 = arith.constant 0 : i32
    %dma_start3A_14 = arith.constant 0 : i32
    %dma_start3A_15 = tpu.memref_slice %arg2[%add3A, %dma_start3A_13, %dma_start3A_14] : memref<32x250x80xi32, #tpu.memory_space<hbm>> -> memref<1x50x80xi32, #tpu.memory_space<hbm>>
    %dma_start3A_16 = tpu.memref_squeeze %dma_start3A_15 : memref<1x50x80xi32, #tpu.memory_space<hbm>> -> memref<50x80xi32, #tpu.memory_space<hbm>>
    tpu.enqueue_dma source(%dma_start3A_16 : memref<50x80xi32, #tpu.memory_space<hbm>>) target(%dma_start3A_12 : memref<50x80xi32, #tpu.memory_space<vmem>>) target_semaphore(%arg18 : memref<!tpu.dma_semaphore, #tpu.memory_space<semaphore_mem>>)
    %broadcast_in_dim3A = arith.constant 1.000000e+00 : f32
    %broadcast_in_dim3A_17 = vector.broadcast %broadcast_in_dim3A : f32 to vector<16xf32>
    %scan3A = arith.constant 0 : i32
    %scan3A_18 = arith.constant 80 : i32
    %scan3A_19 = arith.addi %scan3A, %scan3A_18 : i32
    %scan3A_20 = arith.constant 1 : i32
    scf.for %scan3A_60 = %scan3A to %scan3A_19 step %scan3A_20  : i32 {
      %mul3A_61 = arith.constant 1 : i32
      %mul3A_62 = arith.muli %scan3A_60, %mul3A_61 : i32
      %add3A_63 = arith.constant 0 : i32
      %add3A_64 = arith.addi %add3A_63, %mul3A_62 : i32
      %swap3A = arith.index_cast %add3A_64 : i32 to index
      %swap3A_65 = arith.constant 0 : index
      %swap3A_66 = tpu.vector_load %arg7[%swap3A, %swap3A_65] {strides = array<i32>} : memref<80x16xf32, #tpu.memory_space<vmem>>, vector<1x16xf32>,
      %swap3A_67 = vector.shape_cast %swap3A_66 : vector<1x16xf32> to vector<16xf32>
      %swap3A_68 = vector.shape_cast %broadcast_in_dim3A_17 : vector<16xf32> to vector<1x16xf32>
      tpu.vector_store %arg7[%swap3A, %swap3A_65], %swap3A_68 {strides = array<i32>} : memref<80x16xf32, #tpu.memory_space<vmem>>, vector<1x16xf32>,
    }
    %scan3A_21 = arith.constant 80 : i32
    %broadcast_in_dim3A_22 = arith.constant 0.000000e+00 : f32
    %broadcast_in_dim3A_23 = vector.broadcast %broadcast_in_dim3A_22 : f32 to vector<16xf32>
    %scan3A_24 = arith.constant 0 : i32
    %scan3A_25 = arith.constant 80 : i32
    %scan3A_26 = arith.addi %scan3A_24, %scan3A_25 : i32
    %scan3A_27 = arith.constant 1 : i32
    scf.for %scan3A_60 = %scan3A_24 to %scan3A_26 step %scan3A_27  : i32 {
      %mul3A_61 = arith.constant 1 : i32
      %mul3A_62 = arith.muli %scan3A_60, %mul3A_61 : i32
      %add3A_63 = arith.constant 0 : i32
      %add3A_64 = arith.addi %add3A_63, %mul3A_62 : i32
      %swap3A = arith.index_cast %add3A_64 : i32 to index
      %swap3A_65 = arith.constant 0 : index
      %swap3A_66 = tpu.vector_load %arg6[%swap3A, %swap3A_65] {strides = array<i32>} : memref<80x16xf32, #tpu.memory_space<vmem>>, vector<1x16xf32>,
      %swap3A_67 = vector.shape_cast %swap3A_66 : vector<1x16xf32> to vector<16xf32>
      %swap3A_68 = vector.shape_cast %broadcast_in_dim3A_23 : vector<16xf32> to vector<1x16xf32>
      tpu.vector_store %arg6[%swap3A, %swap3A_65], %swap3A_68 {strides = array<i32>} : memref<80x16xf32, #tpu.memory_space<vmem>>, vector<1x16xf32>,
    }
    %scan3A_28 = arith.constant 80 : i32
    %eq3A = arith.constant 15 : i32
    %eq3A_29 = arith.cmpi eq, %arg1, %eq3A : i32
    %jit3A = arith.constant 5 : i32
    %jit3A_30 = arith.constant 8 : i32
    %select_n3A = arith.select %eq3A_29, %jit3A, %jit3A_30 : i32
    %sub3A = arith.constant 0 : i32
    %sub3A_31 = arith.subi %select_n3A, %sub3A : i32
    %sub3A_32 = arith.constant 1 : i32
    %sub3A_33 = arith.constant 1 : i32
    %sub3A_34 = arith.subi %sub3A_32, %sub3A_33 : i32
    %add3A_35 = arith.addi %sub3A_31, %sub3A_34 : i32
    %div3A = arith.constant 1 : i32
    %div3A_36 = arith.divsi %add3A_35, %div3A : i32
    %while3A = arith.constant 1 : i32
    %while3A_37 = arith.constant 0 : i32
    %while3A_38 = arith.constant 0 : i32
    %while3A_39 = arith.subi %div3A_36, %while3A_38 : i32
    %while3A_40 = arith.addi %while3A_38, %while3A_39 : i32
    %while3A_41 = arith.constant 1 : i32
    %while3A_42 = arith.divsi %while3A_39, %while3A_41 : i32
    %while3A_43 = arith.muli %while3A_42, %while3A_41 : i32
    %while3A_44 = arith.addi %while3A_38, %while3A_43 : i32
    %while3A_45 = arith.constant 1 : i32
    scf.for %while3A_60 = %while3A_38 to %while3A_44 step %while3A_45  : i32 {
      %mul3A_61 = arith.muli %while3A_60, %while3A : i32
      %add3A_62 = arith.addi %while3A_37, %mul3A_61 : i32
      %mul3A_63 = arith.constant 640 : i32
      %mul3A_64 = arith.muli %arg1, %mul3A_63 : i32
      %mul3A_65 = arith.constant 80 : i32
      %mul3A_66 = arith.muli %add3A_62, %mul3A_65 : i32
      %add3A_67 = arith.addi %mul3A_64, %mul3A_66 : i32
      "tpu.region"() ({
        %run_scoped3A = tpu.sem_alloc : memref<!tpu.dma_semaphore, #tpu.memory_space<semaphore_mem>>
        %dma_start3A_68 = arith.constant 0 : i32
        %dma_start3A_69 = tpu.memref_slice %arg5[%add3A_67, %dma_start3A_68] : memref<10000x16xf32, #tpu.memory_space<vmem_shared>> -> memref<80x16xf32, #tpu.memory_space<vmem_shared>>
        %dma_start3A_70 = arith.constant 0 : i32
        %dma_start3A_71 = tpu.memref_slice %arg5[%add3A_67, %dma_start3A_70] : memref<10000x16xf32, #tpu.memory_space<vmem_shared>> -> memref<80x16xf32, #tpu.memory_space<vmem_shared>>
        tpu.enqueue_dma source(%arg6 : memref<80x16xf32, #tpu.memory_space<vmem>>) target(%dma_start3A_71 : memref<80x16xf32, #tpu.memory_space<vmem_shared>>) target_semaphore(%run_scoped3A : memref<!tpu.dma_semaphore, #tpu.memory_space<semaphore_mem>>)
        %dma_wait3A = arith.constant 0 : i32
        %dma_wait3A_72 = tpu.memref_slice %arg5[%add3A_67, %dma_wait3A] : memref<10000x16xf32, #tpu.memory_space<vmem_shared>> -> memref<80x16xf32, #tpu.memory_space<vmem_shared>>
        %dma_wait3A_73 = arith.constant 0 : i32
        %dma_wait3A_74 = tpu.memref_slice %arg5[%add3A_67, %dma_wait3A_73] : memref<10000x16xf32, #tpu.memory_space<vmem_shared>> -> memref<80x16xf32, #tpu.memory_space<vmem_shared>>
        tpu.wait_dma2 semaphore(%run_scoped3A : memref<!tpu.dma_semaphore, #tpu.memory_space<semaphore_mem>>) src(%arg6 : memref<80x16xf32, #tpu.memory_space<vmem>>) dst(%dma_wait3A_74 : memref<80x16xf32, #tpu.memory_space<vmem_shared>>)
        tpu.yield
      }) : () -> ()
    }
    %while3A_46 = arith.constant 1 : i32
    scf.for %while3A_60 = %while3A_44 to %while3A_40 step %while3A_46  : i32 {
      %mul3A_61 = arith.muli %while3A_60, %while3A : i32
      %add3A_62 = arith.addi %while3A_37, %mul3A_61 : i32
      %mul3A_63 = arith.constant 640 : i32
      %mul3A_64 = arith.muli %arg1, %mul3A_63 : i32
      %mul3A_65 = arith.constant 80 : i32
      %mul3A_66 = arith.muli %add3A_62, %mul3A_65 : i32
      %add3A_67 = arith.addi %mul3A_64, %mul3A_66 : i32
      "tpu.region"() ({
        %run_scoped3A = tpu.sem_alloc : memref<!tpu.dma_semaphore, #tpu.memory_space<semaphore_mem>>
        %dma_start3A_68 = arith.constant 0 : i32
        %dma_start3A_69 = tpu.memref_slice %arg5[%add3A_67, %dma_start3A_68] : memref<10000x16xf32, #tpu.memory_space<vmem_shared>> -> memref<80x16xf32, #tpu.memory_space<vmem_shared>>
        %dma_start3A_70 = arith.constant 0 : i32
        %dma_start3A_71 = tpu.memref_slice %arg5[%add3A_67, %dma_start3A_70] : memref<10000x16xf32, #tpu.memory_space<vmem_shared>> -> memref<80x16xf32, #tpu.memory_space<vmem_shared>>
        tpu.enqueue_dma source(%arg6 : memref<80x16xf32, #tpu.memory_space<vmem>>) target(%dma_start3A_71 : memref<80x16xf32, #tpu.memory_space<vmem_shared>>) target_semaphore(%run_scoped3A : memref<!tpu.dma_semaphore, #tpu.memory_space<semaphore_mem>>)
        %dma_wait3A = arith.constant 0 : i32
        %dma_wait3A_72 = tpu.memref_slice %arg5[%add3A_67, %dma_wait3A] : memref<10000x16xf32, #tpu.memory_space<vmem_shared>> -> memref<80x16xf32, #tpu.memory_space<vmem_shared>>
        %dma_wait3A_73 = arith.constant 0 : i32
        %dma_wait3A_74 = tpu.memref_slice %arg5[%add3A_67, %dma_wait3A_73] : memref<10000x16xf32, #tpu.memory_space<vmem_shared>> -> memref<80x16xf32, #tpu.memory_space<vmem_shared>>
        tpu.wait_dma2 semaphore(%run_scoped3A : memref<!tpu.dma_semaphore, #tpu.memory_space<semaphore_mem>>) src(%arg6 : memref<80x16xf32, #tpu.memory_space<vmem>>) dst(%dma_wait3A_74 : memref<80x16xf32, #tpu.memory_space<vmem_shared>>)
        tpu.yield
      }) : () -> ()
    }
    %barrier3A = arith.constant 0 : index
    tpu.barrier barrier_id(%barrier3A)
    %scan3A_47 = arith.constant 0 : i32
    %scan3A_48 = arith.constant 5 : i32
    %scan3A_49 = arith.addi %scan3A_47, %scan3A_48 : i32
    %scan3A_50 = arith.constant 1 : i32
    scf.for %scan3A_60 = %scan3A_47 to %scan3A_49 step %scan3A_50  : i32 {
      %mul3A_61 = arith.constant 1 : i32
      %mul3A_62 = arith.muli %scan3A_60, %mul3A_61 : i32
      %add3A_63 = arith.constant 0 : i32
      %add3A_64 = arith.addi %add3A_63, %mul3A_62 : i32
      %rem3A = arith.constant 2 : i32
      %rem3A_65 = arith.remsi %add3A_64, %rem3A : i32
      %dma_wait3A = arith.constant 0 : i32
      %dma_wait3A_66 = arith.constant 0 : i32
      %dma_wait3A_67 = tpu.memref_slice %arg4[%rem3A_65, %dma_wait3A, %dma_wait3A_66] : memref<2x50x80xi32, #tpu.memory_space<vmem>> -> memref<1x50x80xi32, #tpu.memory_space<vmem>>
      %dma_wait3A_68 = tpu.memref_squeeze %dma_wait3A_67 : memref<1x50x80xi32, #tpu.memory_space<vmem>> -> memref<50x80xi32, #tpu.memory_space<vmem>>
      %dma_wait3A_69 = arith.constant 0 : i32
      %dma_wait3A_70 = arith.constant 0 : i32
      %dma_wait3A_71 = tpu.memref_slice %arg2[%add3A, %dma_wait3A_69, %dma_wait3A_70] : memref<32x250x80xi32, #tpu.memory_space<hbm>> -> memref<1x50x80xi32, #tpu.memory_space<hbm>>
      %dma_wait3A_72 = tpu.memref_squeeze %dma_wait3A_71 : memref<1x50x80xi32, #tpu.memory_space<hbm>> -> memref<50x80xi32, #tpu.memory_space<hbm>>
      %dma_wait3A_73 = arith.constant 0 : i32
      %dma_wait3A_74 = arith.constant 0 : i32
      %dma_wait3A_75 = tpu.memref_slice %arg4[%rem3A_65, %dma_wait3A_73, %dma_wait3A_74] : memref<2x50x80xi32, #tpu.memory_space<vmem>> -> memref<1x50x80xi32, #tpu.memory_space<vmem>>
      %dma_wait3A_76 = tpu.memref_squeeze %dma_wait3A_75 : memref<1x50x80xi32, #tpu.memory_space<vmem>> -> memref<50x80xi32, #tpu.memory_space<vmem>>
      %dma_wait3A_77 = arith.constant 0 : i32
      %dma_wait3A_78 = arith.constant 0 : i32
      %dma_wait3A_79 = tpu.memref_slice %arg2[%add3A, %dma_wait3A_77, %dma_wait3A_78] : memref<32x250x80xi32, #tpu.memory_space<hbm>> -> memref<1x50x80xi32, #tpu.memory_space<hbm>>
      %dma_wait3A_80 = tpu.memref_squeeze %dma_wait3A_79 : memref<1x50x80xi32, #tpu.memory_space<hbm>> -> memref<50x80xi32, #tpu.memory_space<hbm>>
      tpu.wait_dma2 semaphore(%arg18 : memref<!tpu.dma_semaphore, #tpu.memory_space<semaphore_mem>>) src(%dma_wait3A_80 : memref<50x80xi32, #tpu.memory_space<hbm>>) dst(%dma_wait3A_76 : memref<50x80xi32, #tpu.memory_space<vmem>>)
      %add3A_81 = arith.constant 1 : i32
      %add3A_82 = arith.addi %add3A_64, %add3A_81 : i32
      %lt3A_83 = arith.constant 5 : i32
      %lt3A_84 = arith.cmpi slt, %add3A_82, %lt3A_83 : i32
      %convert_element_type3A_85 = arith.extui %lt3A_84 : i1 to i32
      %cond3A_86 = arith.constant 0 : i32
      %cond3A_87 = arith.cmpi ne, %convert_element_type3A_85, %cond3A_86 : i32
      scf.if %cond3A_87 {
        %add3A_93 = arith.constant 1 : i32
        %add3A_94 = arith.addi %add3A_64, %add3A_93 : i32
        %sub3A_95 = arith.constant 1 : i32
        %sub3A_96 = arith.subi %sub3A_95, %rem3A_65 : i32
        %mul3A_97 = arith.constant 50 : i32
        %mul3A_98 = arith.muli %add3A_94, %mul3A_97 : i32
        %dma_start3A_99 = arith.constant 0 : i32
        %dma_start3A_100 = arith.constant 0 : i32
        %dma_start3A_101 = tpu.memref_slice %arg4[%sub3A_96, %dma_start3A_99, %dma_start3A_100] : memref<2x50x80xi32, #tpu.memory_space<vmem>> -> memref<1x50x80xi32, #tpu.memory_space<vmem>>
        %dma_start3A_102 = tpu.memref_squeeze %dma_start3A_101 : memref<1x50x80xi32, #tpu.memory_space<vmem>> -> memref<50x80xi32, #tpu.memory_space<vmem>>
        %dma_start3A_103 = arith.constant 0 : i32
        %dma_start3A_104 = tpu.memref_slice %arg2[%add3A, %mul3A_98, %dma_start3A_103] : memref<32x250x80xi32, #tpu.memory_space<hbm>> -> memref<1x50x80xi32, #tpu.memory_space<hbm>>
        %dma_start3A_105 = tpu.memref_squeeze %dma_start3A_104 : memref<1x50x80xi32, #tpu.memory_space<hbm>> -> memref<50x80xi32, #tpu.memory_space<hbm>>
        %dma_start3A_106 = arith.constant 0 : i32
        %dma_start3A_107 = arith.constant 0 : i32
        %dma_start3A_108 = tpu.memref_slice %arg4[%sub3A_96, %dma_start3A_106, %dma_start3A_107] : memref<2x50x80xi32, #tpu.memory_space<vmem>> -> memref<1x50x80xi32, #tpu.memory_space<vmem>>
        %dma_start3A_109 = tpu.memref_squeeze %dma_start3A_108 : memref<1x50x80xi32, #tpu.memory_space<vmem>> -> memref<50x80xi32, #tpu.memory_space<vmem>>
        %dma_start3A_110 = arith.constant 0 : i32
        %dma_start3A_111 = tpu.memref_slice %arg2[%add3A, %mul3A_98, %dma_start3A_110] : memref<32x250x80xi32, #tpu.memory_space<hbm>> -> memref<1x50x80xi32, #tpu.memory_space<hbm>>
        %dma_start3A_112 = tpu.memref_squeeze %dma_start3A_111 : memref<1x50x80xi32, #tpu.memory_space<hbm>> -> memref<50x80xi32, #tpu.memory_space<hbm>>
        tpu.enqueue_dma source(%dma_start3A_112 : memref<50x80xi32, #tpu.memory_space<hbm>>) target(%dma_start3A_109 : memref<50x80xi32, #tpu.memory_space<vmem>>) target_semaphore(%arg18 : memref<!tpu.dma_semaphore, #tpu.memory_space<semaphore_mem>>)
      } else {
      }
      %scan3A_88 = arith.constant 0 : i32
      %scan3A_89 = arith.constant 5 : i32
      %scan3A_90 = arith.addi %scan3A_88, %scan3A_89 : i32
      %scan3A_91 = arith.constant 1 : i32
      scf.for %scan3A_93 = %scan3A_88 to %scan3A_90 step %scan3A_91  : i32 {
        %mul3A_94 = arith.constant 1 : i32
        %mul3A_95 = arith.muli %scan3A_93, %mul3A_94 : i32
        %add3A_96 = arith.constant 0 : i32
        %add3A_97 = arith.addi %add3A_96, %mul3A_95 : i32
        %mul3A_98 = arith.constant 10 : i32
        %mul3A_99 = arith.muli %add3A_97, %mul3A_98 : i32
        %add3A_100 = arith.constant 0 : i32
        %add3A_101 = arith.addi %mul3A_99, %add3A_100 : i32
        %dma_start3A_102 = arith.constant 0 : i32
        %dma_start3A_103 = tpu.memref_slice %arg4[%rem3A_65, %add3A_101, %dma_start3A_102] : memref<2x50x80xi32, #tpu.memory_space<vmem>> -> memref<1x1x80xi32, #tpu.memory_space<vmem>>
        %dma_start3A_104 = tpu.memref_squeeze %dma_start3A_103 : memref<1x1x80xi32, #tpu.memory_space<vmem>> -> memref<80xi32, #tpu.memory_space<vmem>>
        %dma_start3A_105 = arith.constant 0 : i32
        %dma_start3A_106 = arith.constant 0 : i32
        %dma_start3A_107 = tpu.memref_slice %arg5[%dma_start3A_105, %dma_start3A_106] : memref<10000x16xf32, #tpu.memory_space<vmem_shared>> -> memref<10000x16xf32, #tpu.memory_space<vmem_shared>>
        tpu.enqueue_indirect_dma source(%arg7 : memref<80x16xf32, #tpu.memory_space<vmem>>) target(%dma_start3A_107 : memref<10000x16xf32, #tpu.memory_space<vmem_shared>>) offsets(%dma_start3A_104 : memref<80xi32, #tpu.memory_space<vmem>>) semaphore(%arg8 : memref<!tpu.dma_semaphore, #tpu.memory_space<semaphore_mem>>) {add = true}
        %mul3A_108 = arith.constant 10 : i32
        %mul3A_109 = arith.muli %add3A_97, %mul3A_108 : i32
        %add3A_110 = arith.constant 1 : i32
        %add3A_111 = arith.addi %mul3A_109, %add3A_110 : i32
        %dma_start3A_112 = arith.constant 0 : i32
        %dma_start3A_113 = tpu.memref_slice %arg4[%rem3A_65, %add3A_111, %dma_start3A_112] : memref<2x50x80xi32, #tpu.memory_space<vmem>> -> memref<1x1x80xi32, #tpu.memory_space<vmem>>
        %dma_start3A_114 = tpu.memref_squeeze %dma_start3A_113 : memref<1x1x80xi32, #tpu.memory_space<vmem>> -> memref<80xi32, #tpu.memory_space<vmem>>
        %dma_start3A_115 = arith.constant 0 : i32
        %dma_start3A_116 = arith.constant 0 : i32
        %dma_start3A_117 = tpu.memref_slice %arg5[%dma_start3A_115, %dma_start3A_116] : memref<10000x16xf32, #tpu.memory_space<vmem_shared>> -> memref<10000x16xf32, #tpu.memory_space<vmem_shared>>
        tpu.enqueue_indirect_dma source(%arg7 : memref<80x16xf32, #tpu.memory_space<vmem>>) target(%dma_start3A_117 : memref<10000x16xf32, #tpu.memory_space<vmem_shared>>) offsets(%dma_start3A_114 : memref<80xi32, #tpu.memory_space<vmem>>) semaphore(%arg9 : memref<!tpu.dma_semaphore, #tpu.memory_space<semaphore_mem>>) {add = true}
        %mul3A_118 = arith.constant 10 : i32
        %mul3A_119 = arith.muli %add3A_97, %mul3A_118 : i32
        %add3A_120 = arith.constant 2 : i32
        %add3A_121 = arith.addi %mul3A_119, %add3A_120 : i32
        %dma_start3A_122 = arith.constant 0 : i32
        %dma_start3A_123 = tpu.memref_slice %arg4[%rem3A_65, %add3A_121, %dma_start3A_122] : memref<2x50x80xi32, #tpu.memory_space<vmem>> -> memref<1x1x80xi32, #tpu.memory_space<vmem>>
        %dma_start3A_124 = tpu.memref_squeeze %dma_start3A_123 : memref<1x1x80xi32, #tpu.memory_space<vmem>> -> memref<80xi32, #tpu.memory_space<vmem>>
        %dma_start3A_125 = arith.constant 0 : i32
        %dma_start3A_126 = arith.constant 0 : i32
        %dma_start3A_127 = tpu.memref_slice %arg5[%dma_start3A_125, %dma_start3A_126] : memref<10000x16xf32, #tpu.memory_space<vmem_shared>> -> memref<10000x16xf32, #tpu.memory_space<vmem_shared>>
        tpu.enqueue_indirect_dma source(%arg7 : memref<80x16xf32, #tpu.memory_space<vmem>>) target(%dma_start3A_127 : memref<10000x16xf32, #tpu.memory_space<vmem_shared>>) offsets(%dma_start3A_124 : memref<80xi32, #tpu.memory_space<vmem>>) semaphore(%arg10 : memref<!tpu.dma_semaphore, #tpu.memory_space<semaphore_mem>>) {add = true}
        %mul3A_128 = arith.constant 10 : i32
        %mul3A_129 = arith.muli %add3A_97, %mul3A_128 : i32
        %add3A_130 = arith.constant 3 : i32
        %add3A_131 = arith.addi %mul3A_129, %add3A_130 : i32
        %dma_start3A_132 = arith.constant 0 : i32
        %dma_start3A_133 = tpu.memref_slice %arg4[%rem3A_65, %add3A_131, %dma_start3A_132] : memref<2x50x80xi32, #tpu.memory_space<vmem>> -> memref<1x1x80xi32, #tpu.memory_space<vmem>>
        %dma_start3A_134 = tpu.memref_squeeze %dma_start3A_133 : memref<1x1x80xi32, #tpu.memory_space<vmem>> -> memref<80xi32, #tpu.memory_space<vmem>>
        %dma_start3A_135 = arith.constant 0 : i32
        %dma_start3A_136 = arith.constant 0 : i32
        %dma_start3A_137 = tpu.memref_slice %arg5[%dma_start3A_135, %dma_start3A_136] : memref<10000x16xf32, #tpu.memory_space<vmem_shared>> -> memref<10000x16xf32, #tpu.memory_space<vmem_shared>>
        tpu.enqueue_indirect_dma source(%arg7 : memref<80x16xf32, #tpu.memory_space<vmem>>) target(%dma_start3A_137 : memref<10000x16xf32, #tpu.memory_space<vmem_shared>>) offsets(%dma_start3A_134 : memref<80xi32, #tpu.memory_space<vmem>>) semaphore(%arg11 : memref<!tpu.dma_semaphore, #tpu.memory_space<semaphore_mem>>) {add = true}
        %mul3A_138 = arith.constant 10 : i32
        %mul3A_139 = arith.muli %add3A_97, %mul3A_138 : i32
        %add3A_140 = arith.constant 4 : i32
        %add3A_141 = arith.addi %mul3A_139, %add3A_140 : i32
        %dma_start3A_142 = arith.constant 0 : i32
        %dma_start3A_143 = tpu.memref_slice %arg4[%rem3A_65, %add3A_141, %dma_start3A_142] : memref<2x50x80xi32, #tpu.memory_space<vmem>> -> memref<1x1x80xi32, #tpu.memory_space<vmem>>
        %dma_start3A_144 = tpu.memref_squeeze %dma_start3A_143 : memref<1x1x80xi32, #tpu.memory_space<vmem>> -> memref<80xi32, #tpu.memory_space<vmem>>
        %dma_start3A_145 = arith.constant 0 : i32
        %dma_start3A_146 = arith.constant 0 : i32
        %dma_start3A_147 = tpu.memref_slice %arg5[%dma_start3A_145, %dma_start3A_146] : memref<10000x16xf32, #tpu.memory_space<vmem_shared>> -> memref<10000x16xf32, #tpu.memory_space<vmem_shared>>
        tpu.enqueue_indirect_dma source(%arg7 : memref<80x16xf32, #tpu.memory_space<vmem>>) target(%dma_start3A_147 : memref<10000x16xf32, #tpu.memory_space<vmem_shared>>) offsets(%dma_start3A_144 : memref<80xi32, #tpu.memory_space<vmem>>) semaphore(%arg12 : memref<!tpu.dma_semaphore, #tpu.memory_space<semaphore_mem>>) {add = true}
        %mul3A_148 = arith.constant 10 : i32
        %mul3A_149 = arith.muli %add3A_97, %mul3A_148 : i32
        %add3A_150 = arith.constant 5 : i32
        %add3A_151 = arith.addi %mul3A_149, %add3A_150 : i32
        %dma_start3A_152 = arith.constant 0 : i32
        %dma_start3A_153 = tpu.memref_slice %arg4[%rem3A_65, %add3A_151, %dma_start3A_152] : memref<2x50x80xi32, #tpu.memory_space<vmem>> -> memref<1x1x80xi32, #tpu.memory_space<vmem>>
        %dma_start3A_154 = tpu.memref_squeeze %dma_start3A_153 : memref<1x1x80xi32, #tpu.memory_space<vmem>> -> memref<80xi32, #tpu.memory_space<vmem>>
        %dma_start3A_155 = arith.constant 0 : i32
        %dma_start3A_156 = arith.constant 0 : i32
        %dma_start3A_157 = tpu.memref_slice %arg5[%dma_start3A_155, %dma_start3A_156] : memref<10000x16xf32, #tpu.memory_space<vmem_shared>> -> memref<10000x16xf32, #tpu.memory_space<vmem_shared>>
        tpu.enqueue_indirect_dma source(%arg7 : memref<80x16xf32, #tpu.memory_space<vmem>>) target(%dma_start3A_157 : memref<10000x16xf32, #tpu.memory_space<vmem_shared>>) offsets(%dma_start3A_154 : memref<80xi32, #tpu.memory_space<vmem>>) semaphore(%arg13 : memref<!tpu.dma_semaphore, #tpu.memory_space<semaphore_mem>>) {add = true}
        %mul3A_158 = arith.constant 10 : i32
        %mul3A_159 = arith.muli %add3A_97, %mul3A_158 : i32
        %add3A_160 = arith.constant 6 : i32
        %add3A_161 = arith.addi %mul3A_159, %add3A_160 : i32
        %dma_start3A_162 = arith.constant 0 : i32
        %dma_start3A_163 = tpu.memref_slice %arg4[%rem3A_65, %add3A_161, %dma_start3A_162] : memref<2x50x80xi32, #tpu.memory_space<vmem>> -> memref<1x1x80xi32, #tpu.memory_space<vmem>>
        %dma_start3A_164 = tpu.memref_squeeze %dma_start3A_163 : memref<1x1x80xi32, #tpu.memory_space<vmem>> -> memref<80xi32, #tpu.memory_space<vmem>>
        %dma_start3A_165 = arith.constant 0 : i32
        %dma_start3A_166 = arith.constant 0 : i32
        %dma_start3A_167 = tpu.memref_slice %arg5[%dma_start3A_165, %dma_start3A_166] : memref<10000x16xf32, #tpu.memory_space<vmem_shared>> -> memref<10000x16xf32, #tpu.memory_space<vmem_shared>>
        tpu.enqueue_indirect_dma source(%arg7 : memref<80x16xf32, #tpu.memory_space<vmem>>) target(%dma_start3A_167 : memref<10000x16xf32, #tpu.memory_space<vmem_shared>>) offsets(%dma_start3A_164 : memref<80xi32, #tpu.memory_space<vmem>>) semaphore(%arg14 : memref<!tpu.dma_semaphore, #tpu.memory_space<semaphore_mem>>) {add = true}
        %mul3A_168 = arith.constant 10 : i32
        %mul3A_169 = arith.muli %add3A_97, %mul3A_168 : i32
        %add3A_170 = arith.constant 7 : i32
        %add3A_171 = arith.addi %mul3A_169, %add3A_170 : i32
        %dma_start3A_172 = arith.constant 0 : i32
        %dma_start3A_173 = tpu.memref_slice %arg4[%rem3A_65, %add3A_171, %dma_start3A_172] : memref<2x50x80xi32, #tpu.memory_space<vmem>> -> memref<1x1x80xi32, #tpu.memory_space<vmem>>
        %dma_start3A_174 = tpu.memref_squeeze %dma_start3A_173 : memref<1x1x80xi32, #tpu.memory_space<vmem>> -> memref<80xi32, #tpu.memory_space<vmem>>
        %dma_start3A_175 = arith.constant 0 : i32
        %dma_start3A_176 = arith.constant 0 : i32
        %dma_start3A_177 = tpu.memref_slice %arg5[%dma_start3A_175, %dma_start3A_176] : memref<10000x16xf32, #tpu.memory_space<vmem_shared>> -> memref<10000x16xf32, #tpu.memory_space<vmem_shared>>
        tpu.enqueue_indirect_dma source(%arg7 : memref<80x16xf32, #tpu.memory_space<vmem>>) target(%dma_start3A_177 : memref<10000x16xf32, #tpu.memory_space<vmem_shared>>) offsets(%dma_start3A_174 : memref<80xi32, #tpu.memory_space<vmem>>) semaphore(%arg15 : memref<!tpu.dma_semaphore, #tpu.memory_space<semaphore_mem>>) {add = true}
        %mul3A_178 = arith.constant 10 : i32
        %mul3A_179 = arith.muli %add3A_97, %mul3A_178 : i32
        %add3A_180 = arith.constant 8 : i32
        %add3A_181 = arith.addi %mul3A_179, %add3A_180 : i32
        %dma_start3A_182 = arith.constant 0 : i32
        %dma_start3A_183 = tpu.memref_slice %arg4[%rem3A_65, %add3A_181, %dma_start3A_182] : memref<2x50x80xi32, #tpu.memory_space<vmem>> -> memref<1x1x80xi32, #tpu.memory_space<vmem>>
        %dma_start3A_184 = tpu.memref_squeeze %dma_start3A_183 : memref<1x1x80xi32, #tpu.memory_space<vmem>> -> memref<80xi32, #tpu.memory_space<vmem>>
        %dma_start3A_185 = arith.constant 0 : i32
        %dma_start3A_186 = arith.constant 0 : i32
        %dma_start3A_187 = tpu.memref_slice %arg5[%dma_start3A_185, %dma_start3A_186] : memref<10000x16xf32, #tpu.memory_space<vmem_shared>> -> memref<10000x16xf32, #tpu.memory_space<vmem_shared>>
        tpu.enqueue_indirect_dma source(%arg7 : memref<80x16xf32, #tpu.memory_space<vmem>>) target(%dma_start3A_187 : memref<10000x16xf32, #tpu.memory_space<vmem_shared>>) offsets(%dma_start3A_184 : memref<80xi32, #tpu.memory_space<vmem>>) semaphore(%arg16 : memref<!tpu.dma_semaphore, #tpu.memory_space<semaphore_mem>>) {add = true}
        %mul3A_188 = arith.constant 10 : i32
        %mul3A_189 = arith.muli %add3A_97, %mul3A_188 : i32
        %add3A_190 = arith.constant 9 : i32
        %add3A_191 = arith.addi %mul3A_189, %add3A_190 : i32
        %dma_start3A_192 = arith.constant 0 : i32
        %dma_start3A_193 = tpu.memref_slice %arg4[%rem3A_65, %add3A_191, %dma_start3A_192] : memref<2x50x80xi32, #tpu.memory_space<vmem>> -> memref<1x1x80xi32, #tpu.memory_space<vmem>>
        %dma_start3A_194 = tpu.memref_squeeze %dma_start3A_193 : memref<1x1x80xi32, #tpu.memory_space<vmem>> -> memref<80xi32, #tpu.memory_space<vmem>>
        %dma_start3A_195 = arith.constant 0 : i32
        %dma_start3A_196 = arith.constant 0 : i32
        %dma_start3A_197 = tpu.memref_slice %arg5[%dma_start3A_195, %dma_start3A_196] : memref<10000x16xf32, #tpu.memory_space<vmem_shared>> -> memref<10000x16xf32, #tpu.memory_space<vmem_shared>>
        tpu.enqueue_indirect_dma source(%arg7 : memref<80x16xf32, #tpu.memory_space<vmem>>) target(%dma_start3A_197 : memref<10000x16xf32, #tpu.memory_space<vmem_shared>>) offsets(%dma_start3A_194 : memref<80xi32, #tpu.memory_space<vmem>>) semaphore(%arg17 : memref<!tpu.dma_semaphore, #tpu.memory_space<semaphore_mem>>) {add = true}
        %dma_wait3A_198 = arith.constant 0 : i32
        %dma_wait3A_199 = arith.constant 0 : i32
        %dma_wait3A_200 = arith.constant 0 : i32
        %dma_wait3A_201 = tpu.memref_slice %arg4[%dma_wait3A_198, %dma_wait3A_199, %dma_wait3A_200] : memref<2x50x80xi32, #tpu.memory_space<vmem>> -> memref<1x1x80xi32, #tpu.memory_space<vmem>>
        %dma_wait3A_202 = tpu.memref_squeeze %dma_wait3A_201 : memref<1x1x80xi32, #tpu.memory_space<vmem>> -> memref<80xi32, #tpu.memory_space<vmem>>
        %dma_wait3A_203 = arith.constant 0 : i32
        %dma_wait3A_204 = arith.constant 0 : i32
        %dma_wait3A_205 = tpu.memref_slice %arg5[%dma_wait3A_203, %dma_wait3A_204] : memref<10000x16xf32, #tpu.memory_space<vmem_shared>> -> memref<10000x16xf32, #tpu.memory_space<vmem_shared>>
        tpu.wait_indirect_dma semaphore(%arg8 : memref<!tpu.dma_semaphore, #tpu.memory_space<semaphore_mem>>) src(%arg7 : memref<80x16xf32, #tpu.memory_space<vmem>>) dst(%dma_wait3A_205 : memref<10000x16xf32, #tpu.memory_space<vmem_shared>>)
        %dma_wait3A_206 = arith.constant 0 : i32
        %dma_wait3A_207 = arith.constant 0 : i32
        %dma_wait3A_208 = arith.constant 0 : i32
        %dma_wait3A_209 = tpu.memref_slice %arg4[%dma_wait3A_206, %dma_wait3A_207, %dma_wait3A_208] : memref<2x50x80xi32, #tpu.memory_space<vmem>> -> memref<1x1x80xi32, #tpu.memory_space<vmem>>
        %dma_wait3A_210 = tpu.memref_squeeze %dma_wait3A_209 : memref<1x1x80xi32, #tpu.memory_space<vmem>> -> memref<80xi32, #tpu.memory_space<vmem>>
        %dma_wait3A_211 = arith.constant 0 : i32
        %dma_wait3A_212 = arith.constant 0 : i32
        %dma_wait3A_213 = tpu.memref_slice %arg5[%dma_wait3A_211, %dma_wait3A_212] : memref<10000x16xf32, #tpu.memory_space<vmem_shared>> -> memref<10000x16xf32, #tpu.memory_space<vmem_shared>>
        tpu.wait_indirect_dma semaphore(%arg9 : memref<!tpu.dma_semaphore, #tpu.memory_space<semaphore_mem>>) src(%arg7 : memref<80x16xf32, #tpu.memory_space<vmem>>) dst(%dma_wait3A_213 : memref<10000x16xf32, #tpu.memory_space<vmem_shared>>)
        %dma_wait3A_214 = arith.constant 0 : i32
        %dma_wait3A_215 = arith.constant 0 : i32
        %dma_wait3A_216 = arith.constant 0 : i32
        %dma_wait3A_217 = tpu.memref_slice %arg4[%dma_wait3A_214, %dma_wait3A_215, %dma_wait3A_216] : memref<2x50x80xi32, #tpu.memory_space<vmem>> -> memref<1x1x80xi32, #tpu.memory_space<vmem>>
        %dma_wait3A_218 = tpu.memref_squeeze %dma_wait3A_217 : memref<1x1x80xi32, #tpu.memory_space<vmem>> -> memref<80xi32, #tpu.memory_space<vmem>>
        %dma_wait3A_219 = arith.constant 0 : i32
        %dma_wait3A_220 = arith.constant 0 : i32
        %dma_wait3A_221 = tpu.memref_slice %arg5[%dma_wait3A_219, %dma_wait3A_220] : memref<10000x16xf32, #tpu.memory_space<vmem_shared>> -> memref<10000x16xf32, #tpu.memory_space<vmem_shared>>
        tpu.wait_indirect_dma semaphore(%arg10 : memref<!tpu.dma_semaphore, #tpu.memory_space<semaphore_mem>>) src(%arg7 : memref<80x16xf32, #tpu.memory_space<vmem>>) dst(%dma_wait3A_221 : memref<10000x16xf32, #tpu.memory_space<vmem_shared>>)
        %dma_wait3A_222 = arith.constant 0 : i32
        %dma_wait3A_223 = arith.constant 0 : i32
        %dma_wait3A_224 = arith.constant 0 : i32
        %dma_wait3A_225 = tpu.memref_slice %arg4[%dma_wait3A_222, %dma_wait3A_223, %dma_wait3A_224] : memref<2x50x80xi32, #tpu.memory_space<vmem>> -> memref<1x1x80xi32, #tpu.memory_space<vmem>>
        %dma_wait3A_226 = tpu.memref_squeeze %dma_wait3A_225 : memref<1x1x80xi32, #tpu.memory_space<vmem>> -> memref<80xi32, #tpu.memory_space<vmem>>
        %dma_wait3A_227 = arith.constant 0 : i32
        %dma_wait3A_228 = arith.constant 0 : i32
        %dma_wait3A_229 = tpu.memref_slice %arg5[%dma_wait3A_227, %dma_wait3A_228] : memref<10000x16xf32, #tpu.memory_space<vmem_shared>> -> memref<10000x16xf32, #tpu.memory_space<vmem_shared>>
        tpu.wait_indirect_dma semaphore(%arg11 : memref<!tpu.dma_semaphore, #tpu.memory_space<semaphore_mem>>) src(%arg7 : memref<80x16xf32, #tpu.memory_space<vmem>>) dst(%dma_wait3A_229 : memref<10000x16xf32, #tpu.memory_space<vmem_shared>>)
        %dma_wait3A_230 = arith.constant 0 : i32
        %dma_wait3A_231 = arith.constant 0 : i32
        %dma_wait3A_232 = arith.constant 0 : i32
        %dma_wait3A_233 = tpu.memref_slice %arg4[%dma_wait3A_230, %dma_wait3A_231, %dma_wait3A_232] : memref<2x50x80xi32, #tpu.memory_space<vmem>> -> memref<1x1x80xi32, #tpu.memory_space<vmem>>
        %dma_wait3A_234 = tpu.memref_squeeze %dma_wait3A_233 : memref<1x1x80xi32, #tpu.memory_space<vmem>> -> memref<80xi32, #tpu.memory_space<vmem>>
        %dma_wait3A_235 = arith.constant 0 : i32
        %dma_wait3A_236 = arith.constant 0 : i32
        %dma_wait3A_237 = tpu.memref_slice %arg5[%dma_wait3A_235, %dma_wait3A_236] : memref<10000x16xf32, #tpu.memory_space<vmem_shared>> -> memref<10000x16xf32, #tpu.memory_space<vmem_shared>>
        tpu.wait_indirect_dma semaphore(%arg12 : memref<!tpu.dma_semaphore, #tpu.memory_space<semaphore_mem>>) src(%arg7 : memref<80x16xf32, #tpu.memory_space<vmem>>) dst(%dma_wait3A_237 : memref<10000x16xf32, #tpu.memory_space<vmem_shared>>)
        %dma_wait3A_238 = arith.constant 0 : i32
        %dma_wait3A_239 = arith.constant 0 : i32
        %dma_wait3A_240 = arith.constant 0 : i32
        %dma_wait3A_241 = tpu.memref_slice %arg4[%dma_wait3A_238, %dma_wait3A_239, %dma_wait3A_240] : memref<2x50x80xi32, #tpu.memory_space<vmem>> -> memref<1x1x80xi32, #tpu.memory_space<vmem>>
        %dma_wait3A_242 = tpu.memref_squeeze %dma_wait3A_241 : memref<1x1x80xi32, #tpu.memory_space<vmem>> -> memref<80xi32, #tpu.memory_space<vmem>>
        %dma_wait3A_243 = arith.constant 0 : i32
        %dma_wait3A_244 = arith.constant 0 : i32
        %dma_wait3A_245 = tpu.memref_slice %arg5[%dma_wait3A_243, %dma_wait3A_244] : memref<10000x16xf32, #tpu.memory_space<vmem_shared>> -> memref<10000x16xf32, #tpu.memory_space<vmem_shared>>
        tpu.wait_indirect_dma semaphore(%arg13 : memref<!tpu.dma_semaphore, #tpu.memory_space<semaphore_mem>>) src(%arg7 : memref<80x16xf32, #tpu.memory_space<vmem>>) dst(%dma_wait3A_245 : memref<10000x16xf32, #tpu.memory_space<vmem_shared>>)
        %dma_wait3A_246 = arith.constant 0 : i32
        %dma_wait3A_247 = arith.constant 0 : i32
        %dma_wait3A_248 = arith.constant 0 : i32
        %dma_wait3A_249 = tpu.memref_slice %arg4[%dma_wait3A_246, %dma_wait3A_247, %dma_wait3A_248] : memref<2x50x80xi32, #tpu.memory_space<vmem>> -> memref<1x1x80xi32, #tpu.memory_space<vmem>>
        %dma_wait3A_250 = tpu.memref_squeeze %dma_wait3A_249 : memref<1x1x80xi32, #tpu.memory_space<vmem>> -> memref<80xi32, #tpu.memory_space<vmem>>
        %dma_wait3A_251 = arith.constant 0 : i32
        %dma_wait3A_252 = arith.constant 0 : i32
        %dma_wait3A_253 = tpu.memref_slice %arg5[%dma_wait3A_251, %dma_wait3A_252] : memref<10000x16xf32, #tpu.memory_space<vmem_shared>> -> memref<10000x16xf32, #tpu.memory_space<vmem_shared>>
        tpu.wait_indirect_dma semaphore(%arg14 : memref<!tpu.dma_semaphore, #tpu.memory_space<semaphore_mem>>) src(%arg7 : memref<80x16xf32, #tpu.memory_space<vmem>>) dst(%dma_wait3A_253 : memref<10000x16xf32, #tpu.memory_space<vmem_shared>>)
        %dma_wait3A_254 = arith.constant 0 : i32
        %dma_wait3A_255 = arith.constant 0 : i32
        %dma_wait3A_256 = arith.constant 0 : i32
        %dma_wait3A_257 = tpu.memref_slice %arg4[%dma_wait3A_254, %dma_wait3A_255, %dma_wait3A_256] : memref<2x50x80xi32, #tpu.memory_space<vmem>> -> memref<1x1x80xi32, #tpu.memory_space<vmem>>
        %dma_wait3A_258 = tpu.memref_squeeze %dma_wait3A_257 : memref<1x1x80xi32, #tpu.memory_space<vmem>> -> memref<80xi32, #tpu.memory_space<vmem>>
        %dma_wait3A_259 = arith.constant 0 : i32
        %dma_wait3A_260 = arith.constant 0 : i32
        %dma_wait3A_261 = tpu.memref_slice %arg5[%dma_wait3A_259, %dma_wait3A_260] : memref<10000x16xf32, #tpu.memory_space<vmem_shared>> -> memref<10000x16xf32, #tpu.memory_space<vmem_shared>>
        tpu.wait_indirect_dma semaphore(%arg15 : memref<!tpu.dma_semaphore, #tpu.memory_space<semaphore_mem>>) src(%arg7 : memref<80x16xf32, #tpu.memory_space<vmem>>) dst(%dma_wait3A_261 : memref<10000x16xf32, #tpu.memory_space<vmem_shared>>)
        %dma_wait3A_262 = arith.constant 0 : i32
        %dma_wait3A_263 = arith.constant 0 : i32
        %dma_wait3A_264 = arith.constant 0 : i32
        %dma_wait3A_265 = tpu.memref_slice %arg4[%dma_wait3A_262, %dma_wait3A_263, %dma_wait3A_264] : memref<2x50x80xi32, #tpu.memory_space<vmem>> -> memref<1x1x80xi32, #tpu.memory_space<vmem>>
        %dma_wait3A_266 = tpu.memref_squeeze %dma_wait3A_265 : memref<1x1x80xi32, #tpu.memory_space<vmem>> -> memref<80xi32, #tpu.memory_space<vmem>>
        %dma_wait3A_267 = arith.constant 0 : i32
        %dma_wait3A_268 = arith.constant 0 : i32
        %dma_wait3A_269 = tpu.memref_slice %arg5[%dma_wait3A_267, %dma_wait3A_268] : memref<10000x16xf32, #tpu.memory_space<vmem_shared>> -> memref<10000x16xf32, #tpu.memory_space<vmem_shared>>
        tpu.wait_indirect_dma semaphore(%arg16 : memref<!tpu.dma_semaphore, #tpu.memory_space<semaphore_mem>>) src(%arg7 : memref<80x16xf32, #tpu.memory_space<vmem>>) dst(%dma_wait3A_269 : memref<10000x16xf32, #tpu.memory_space<vmem_shared>>)
        %dma_wait3A_270 = arith.constant 0 : i32
        %dma_wait3A_271 = arith.constant 0 : i32
        %dma_wait3A_272 = arith.constant 0 : i32
        %dma_wait3A_273 = tpu.memref_slice %arg4[%dma_wait3A_270, %dma_wait3A_271, %dma_wait3A_272] : memref<2x50x80xi32, #tpu.memory_space<vmem>> -> memref<1x1x80xi32, #tpu.memory_space<vmem>>
        %dma_wait3A_274 = tpu.memref_squeeze %dma_wait3A_273 : memref<1x1x80xi32, #tpu.memory_space<vmem>> -> memref<80xi32, #tpu.memory_space<vmem>>
        %dma_wait3A_275 = arith.constant 0 : i32
        %dma_wait3A_276 = arith.constant 0 : i32
        %dma_wait3A_277 = tpu.memref_slice %arg5[%dma_wait3A_275, %dma_wait3A_276] : memref<10000x16xf32, #tpu.memory_space<vmem_shared>> -> memref<10000x16xf32, #tpu.memory_space<vmem_shared>>
        tpu.wait_indirect_dma semaphore(%arg17 : memref<!tpu.dma_semaphore, #tpu.memory_space<semaphore_mem>>) src(%arg7 : memref<80x16xf32, #tpu.memory_space<vmem>>) dst(%dma_wait3A_277 : memref<10000x16xf32, #tpu.memory_space<vmem_shared>>)
      }
      %scan3A_92 = arith.constant 5 : i32
    }
    %scan3A_51 = arith.constant 5 : i32
    %barrier3A_52 = arith.constant 0 : index
    tpu.barrier barrier_id(%barrier3A_52)
    %lt3A = arith.constant 15 : i32
    %lt3A_53 = arith.cmpi slt, %arg1, %lt3A : i32
    %convert_element_type3A = arith.extui %lt3A_53 : i1 to i32
    %cond3A = arith.constant 0 : i32
    %cond3A_54 = arith.cmpi ne, %convert_element_type3A, %cond3A : i32
    scf.if %cond3A_54 {
      %mul3A_60 = arith.constant 640 : i32
      %mul3A_61 = arith.muli %arg1, %mul3A_60 : i32
      %mul3A_62 = arith.constant 640 : i32
      %mul3A_63 = arith.muli %arg1, %mul3A_62 : i32
      "tpu.region"() ({
        %run_scoped3A = tpu.sem_alloc : memref<!tpu.dma_semaphore, #tpu.memory_space<semaphore_mem>>
        %dma_start3A_64 = arith.constant 0 : i32
        %dma_start3A_65 = tpu.memref_slice %arg3[%arg0, %mul3A_63, %dma_start3A_64] : memref<2x10000x16xf32, #tpu.memory_space<hbm>> -> memref<1x640x16xf32, #tpu.memory_space<hbm>>
        %dma_start3A_66 = tpu.memref_squeeze %dma_start3A_65 : memref<1x640x16xf32, #tpu.memory_space<hbm>> -> memref<640x16xf32, #tpu.memory_space<hbm>>
        %dma_start3A_67 = arith.constant 0 : i32
        %dma_start3A_68 = tpu.memref_slice %arg5[%mul3A_61, %dma_start3A_67] : memref<10000x16xf32, #tpu.memory_space<vmem_shared>> -> memref<640x16xf32, #tpu.memory_space<vmem_shared>>
        tpu.enqueue_dma source(%dma_start3A_68 : memref<640x16xf32, #tpu.memory_space<vmem_shared>>) target(%dma_start3A_66 : memref<640x16xf32, #tpu.memory_space<hbm>>) target_semaphore(%run_scoped3A : memref<!tpu.dma_semaphore, #tpu.memory_space<semaphore_mem>>)
        %dma_wait3A = arith.constant 0 : i32
        %dma_wait3A_69 = tpu.memref_slice %arg3[%arg0, %mul3A_63, %dma_wait3A] : memref<2x10000x16xf32, #tpu.memory_space<hbm>> -> memref<1x640x16xf32, #tpu.memory_space<hbm>>
        %dma_wait3A_70 = tpu.memref_squeeze %dma_wait3A_69 : memref<1x640x16xf32, #tpu.memory_space<hbm>> -> memref<640x16xf32, #tpu.memory_space<hbm>>
        %dma_wait3A_71 = arith.constant 0 : i32
        %dma_wait3A_72 = tpu.memref_slice %arg5[%mul3A_61, %dma_wait3A_71] : memref<10000x16xf32, #tpu.memory_space<vmem_shared>> -> memref<640x16xf32, #tpu.memory_space<vmem_shared>>
        tpu.wait_dma2 semaphore(%run_scoped3A : memref<!tpu.dma_semaphore, #tpu.memory_space<semaphore_mem>>) src(%dma_wait3A_72 : memref<640x16xf32, #tpu.memory_space<vmem_shared>>) dst(%dma_wait3A_70 : memref<640x16xf32, #tpu.memory_space<hbm>>)
        tpu.yield
      }) : () -> ()
    } else {
    }
    %eq3A_55 = arith.constant 15 : i32
    %eq3A_56 = arith.cmpi eq, %arg1, %eq3A_55 : i32
    %convert_element_type3A_57 = arith.extui %eq3A_56 : i1 to i32
    %cond3A_58 = arith.constant 0 : i32
    %cond3A_59 = arith.cmpi ne, %convert_element_type3A_57, %cond3A_58 : i32
    scf.if %cond3A_59 {
      "tpu.region"() ({
        %run_scoped3A = tpu.sem_alloc : memref<!tpu.dma_semaphore, #tpu.memory_space<semaphore_mem>>
        %dma_start3A_60 = arith.constant 9600 : i32
        %dma_start3A_61 = arith.constant 0 : i32
        %dma_start3A_62 = tpu.memref_slice %arg3[%arg0, %dma_start3A_60, %dma_start3A_61] : memref<2x10000x16xf32, #tpu.memory_space<hbm>> -> memref<1x400x16xf32, #tpu.memory_space<hbm>>
        %dma_start3A_63 = tpu.memref_squeeze %dma_start3A_62 : memref<1x400x16xf32, #tpu.memory_space<hbm>> -> memref<400x16xf32, #tpu.memory_space<hbm>>
        %dma_start3A_64 = arith.constant 9600 : i32
        %dma_start3A_65 = arith.constant 0 : i32
        %dma_start3A_66 = tpu.memref_slice %arg5[%dma_start3A_64, %dma_start3A_65] : memref<10000x16xf32, #tpu.memory_space<vmem_shared>> -> memref<400x16xf32, #tpu.memory_space<vmem_shared>>
        tpu.enqueue_dma source(%dma_start3A_66 : memref<400x16xf32, #tpu.memory_space<vmem_shared>>) target(%dma_start3A_63 : memref<400x16xf32, #tpu.memory_space<hbm>>) target_semaphore(%run_scoped3A : memref<!tpu.dma_semaphore, #tpu.memory_space<semaphore_mem>>)
        %dma_wait3A = arith.constant 9600 : i32
        %dma_wait3A_67 = arith.constant 0 : i32
        %dma_wait3A_68 = tpu.memref_slice %arg3[%arg0, %dma_wait3A, %dma_wait3A_67] : memref<2x10000x16xf32, #tpu.memory_space<hbm>> -> memref<1x400x16xf32, #tpu.memory_space<hbm>>
        %dma_wait3A_69 = tpu.memref_squeeze %dma_wait3A_68 : memref<1x400x16xf32, #tpu.memory_space<hbm>> -> memref<400x16xf32, #tpu.memory_space<hbm>>
        %dma_wait3A_70 = arith.constant 9600 : i32
        %dma_wait3A_71 = arith.constant 0 : i32
        %dma_wait3A_72 = tpu.memref_slice %arg5[%dma_wait3A_70, %dma_wait3A_71] : memref<10000x16xf32, #tpu.memory_space<vmem_shared>> -> memref<400x16xf32, #tpu.memory_space<vmem_shared>>
        tpu.wait_dma2 semaphore(%run_scoped3A : memref<!tpu.dma_semaphore, #tpu.memory_space<semaphore_mem>>) src(%dma_wait3A_72 : memref<400x16xf32, #tpu.memory_space<vmem_shared>>) dst(%dma_wait3A_69 : memref<400x16xf32, #tpu.memory_space<hbm>>)
        tpu.yield
      }) : () -> ()
    } else {
    }
    return
  }
}

#map = affine_map<(d0, d1) -> (0, 0, 0)>
module attributes {stable_mosaic.version = 14 : i64} {
  func.func @spmm(%arg0: i32, %arg1: i32, %arg2: memref<2x10000x64xf32, #tpu.memory_space<hbm>>, %arg3: memref<16x500x80xi32, #tpu.memory_space<hbm>>, %arg4: memref<16x500x80xi32, #tpu.memory_space<hbm>>, %arg5: memref<2x10000x64xf32, #tpu.memory_space<hbm>>, %arg6: memref<2x100x80xi32, #tpu.memory_space<vmem>>, %arg7: memref<2x100x80xi32, #tpu.memory_space<vmem>>, %arg8: memref<10000x64xf32, #tpu.memory_space<vmem_shared>>, %arg9: memref<80x64xf32, #tpu.memory_space<vmem>>, %arg10: memref<80x64xf32, #tpu.memory_space<vmem>>, %arg11: memref<80x64xf32, #tpu.memory_space<vmem>>, %arg12: memref<80x64xf32, #tpu.memory_space<vmem>>, %arg13: memref<80x64xf32, #tpu.memory_space<vmem>>, %arg14: memref<80x64xf32, #tpu.memory_space<vmem>>, %arg15: memref<80x64xf32, #tpu.memory_space<vmem>>, %arg16: memref<80x64xf32, #tpu.memory_space<vmem>>, %arg17: memref<80x64xf32, #tpu.memory_space<vmem>>, %arg18: memref<80x64xf32, #tpu.memory_space<vmem>>, %arg19: memref<80x64xf32, #tpu.memory_space<vmem>>, %arg20: memref<!tpu.dma_semaphore, #tpu.memory_space<semaphore_mem>>, %arg21: memref<!tpu.dma_semaphore, #tpu.memory_space<semaphore_mem>>, %arg22: memref<!tpu.dma_semaphore, #tpu.memory_space<semaphore_mem>>, %arg23: memref<!tpu.dma_semaphore, #tpu.memory_space<semaphore_mem>>, %arg24: memref<!tpu.dma_semaphore, #tpu.memory_space<semaphore_mem>>, %arg25: memref<!tpu.dma_semaphore, #tpu.memory_space<semaphore_mem>>, %arg26: memref<!tpu.dma_semaphore, #tpu.memory_space<semaphore_mem>>, %arg27: memref<!tpu.dma_semaphore, #tpu.memory_space<semaphore_mem>>, %arg28: memref<!tpu.dma_semaphore, #tpu.memory_space<semaphore_mem>>, %arg29: memref<!tpu.dma_semaphore, #tpu.memory_space<semaphore_mem>>, %arg30: memref<!tpu.dma_semaphore, #tpu.memory_space<semaphore_mem>>, %arg31: memref<!tpu.dma_semaphore, #tpu.memory_space<semaphore_mem>>, %arg32: memref<!tpu.dma_semaphore, #tpu.memory_space<semaphore_mem>>, %arg33: memref<!tpu.dma_semaphore, #tpu.memory_space<semaphore_mem>>, %arg34: memref<!tpu.dma_semaphore, #tpu.memory_space<semaphore_mem>>, %arg35: memref<!tpu.dma_semaphore, #tpu.memory_space<semaphore_mem>>, %arg36: memref<!tpu.dma_semaphore, #tpu.memory_space<semaphore_mem>>, %arg37: memref<!tpu.dma_semaphore, #tpu.memory_space<semaphore_mem>>, %arg38: memref<!tpu.dma_semaphore, #tpu.memory_space<semaphore_mem>>, %arg39: memref<!tpu.dma_semaphore, #tpu.memory_space<semaphore_mem>>, %arg40: memref<!tpu.dma_semaphore, #tpu.memory_space<semaphore_mem>>) attributes {dimension_semantics = [#tpu.dimension_semantics<core_parallel>, #tpu.dimension_semantics<subcore_parallel>], iteration_bounds = array<i64: 2, 16>, scalar_prefetch = 0 : i64, scratch_operands = 35 : i64, tpu.core_type = #tpu.core_type<sc_vector_subcore>, window_params = [{transform_indices = #map}, {transform_indices = #map}, {transform_indices = #map}, {transform_indices = #map}]} {
    %dma_start3A = arith.constant 0 : i32
    %dma_start3A_0 = arith.constant 0 : i32
    %dma_start3A_1 = arith.constant 0 : i32
    %dma_start3A_2 = tpu.memref_slice %arg6[%dma_start3A, %dma_start3A_0, %dma_start3A_1] : memref<2x100x80xi32, #tpu.memory_space<vmem>> -> memref<1x100x80xi32, #tpu.memory_space<vmem>>
    %dma_start3A_3 = tpu.memref_squeeze %dma_start3A_2 : memref<1x100x80xi32, #tpu.memory_space<vmem>> -> memref<100x80xi32, #tpu.memory_space<vmem>>
    %dma_start3A_4 = arith.constant 0 : i32
    %dma_start3A_5 = arith.constant 0 : i32
    %dma_start3A_6 = tpu.memref_slice %arg3[%arg1, %dma_start3A_4, %dma_start3A_5] : memref<16x500x80xi32, #tpu.memory_space<hbm>> -> memref<1x100x80xi32, #tpu.memory_space<hbm>>
    %dma_start3A_7 = tpu.memref_squeeze %dma_start3A_6 : memref<1x100x80xi32, #tpu.memory_space<hbm>> -> memref<100x80xi32, #tpu.memory_space<hbm>>
    %dma_start3A_8 = arith.constant 0 : i32
    %dma_start3A_9 = arith.constant 0 : i32
    %dma_start3A_10 = tpu.memref_slice %arg6[%dma_start3A, %dma_start3A_8, %dma_start3A_9] : memref<2x100x80xi32, #tpu.memory_space<vmem>> -> memref<1x100x80xi32, #tpu.memory_space<vmem>>
    %dma_start3A_11 = tpu.memref_squeeze %dma_start3A_10 : memref<1x100x80xi32, #tpu.memory_space<vmem>> -> memref<100x80xi32, #tpu.memory_space<vmem>>
    %dma_start3A_12 = arith.constant 0 : i32
    %dma_start3A_13 = arith.constant 0 : i32
    %dma_start3A_14 = tpu.memref_slice %arg3[%arg1, %dma_start3A_12, %dma_start3A_13] : memref<16x500x80xi32, #tpu.memory_space<hbm>> -> memref<1x100x80xi32, #tpu.memory_space<hbm>>
    %dma_start3A_15 = tpu.memref_squeeze %dma_start3A_14 : memref<1x100x80xi32, #tpu.memory_space<hbm>> -> memref<100x80xi32, #tpu.memory_space<hbm>>
    tpu.enqueue_dma source(%dma_start3A_15 : memref<100x80xi32, #tpu.memory_space<hbm>>) target(%dma_start3A_11 : memref<100x80xi32, #tpu.memory_space<vmem>>) target_semaphore(%arg40 : memref<!tpu.dma_semaphore, #tpu.memory_space<semaphore_mem>>)
    %dma_start3A_16 = arith.constant 0 : i32
    %dma_start3A_17 = arith.constant 0 : i32
    %dma_start3A_18 = arith.constant 0 : i32
    %dma_start3A_19 = tpu.memref_slice %arg7[%dma_start3A_16, %dma_start3A_17, %dma_start3A_18] : memref<2x100x80xi32, #tpu.memory_space<vmem>> -> memref<1x100x80xi32, #tpu.memory_space<vmem>>
    %dma_start3A_20 = tpu.memref_squeeze %dma_start3A_19 : memref<1x100x80xi32, #tpu.memory_space<vmem>> -> memref<100x80xi32, #tpu.memory_space<vmem>>
    %dma_start3A_21 = arith.constant 0 : i32
    %dma_start3A_22 = arith.constant 0 : i32
    %dma_start3A_23 = tpu.memref_slice %arg4[%arg1, %dma_start3A_21, %dma_start3A_22] : memref<16x500x80xi32, #tpu.memory_space<hbm>> -> memref<1x100x80xi32, #tpu.memory_space<hbm>>
    %dma_start3A_24 = tpu.memref_squeeze %dma_start3A_23 : memref<1x100x80xi32, #tpu.memory_space<hbm>> -> memref<100x80xi32, #tpu.memory_space<hbm>>
    %dma_start3A_25 = arith.constant 0 : i32
    %dma_start3A_26 = arith.constant 0 : i32
    %dma_start3A_27 = tpu.memref_slice %arg7[%dma_start3A_16, %dma_start3A_25, %dma_start3A_26] : memref<2x100x80xi32, #tpu.memory_space<vmem>> -> memref<1x100x80xi32, #tpu.memory_space<vmem>>
    %dma_start3A_28 = tpu.memref_squeeze %dma_start3A_27 : memref<1x100x80xi32, #tpu.memory_space<vmem>> -> memref<100x80xi32, #tpu.memory_space<vmem>>
    %dma_start3A_29 = arith.constant 0 : i32
    %dma_start3A_30 = arith.constant 0 : i32
    %dma_start3A_31 = tpu.memref_slice %arg4[%arg1, %dma_start3A_29, %dma_start3A_30] : memref<16x500x80xi32, #tpu.memory_space<hbm>> -> memref<1x100x80xi32, #tpu.memory_space<hbm>>
    %dma_start3A_32 = tpu.memref_squeeze %dma_start3A_31 : memref<1x100x80xi32, #tpu.memory_space<hbm>> -> memref<100x80xi32, #tpu.memory_space<hbm>>
    tpu.enqueue_dma source(%dma_start3A_32 : memref<100x80xi32, #tpu.memory_space<hbm>>) target(%dma_start3A_28 : memref<100x80xi32, #tpu.memory_space<vmem>>) target_semaphore(%arg40 : memref<!tpu.dma_semaphore, #tpu.memory_space<semaphore_mem>>)
    %broadcast_in_dim3A = arith.constant 0.000000e+00 : f32
    %broadcast_in_dim3A_33 = vector.broadcast %broadcast_in_dim3A : f32 to vector<16xf32>
    %scan3A = arith.constant 0 : i32
    %scan3A_34 = arith.constant 80 : i32
    %scan3A_35 = arith.addi %scan3A, %scan3A_34 : i32
    %scan3A_36 = arith.constant 1 : i32
    scf.for %scan3A_68 = %scan3A to %scan3A_35 step %scan3A_36  : i32 {
      %mul3A = arith.constant 1 : i32
      %mul3A_69 = arith.muli %scan3A_68, %mul3A : i32
      %add3A_70 = arith.constant 0 : i32
      %add3A_71 = arith.addi %add3A_70, %mul3A_69 : i32
      %swap3A = arith.index_cast %add3A_71 : i32 to index
      %swap3A_72 = arith.constant 0 : index
      %swap3A_73 = tpu.vector_load %arg9[%swap3A, %swap3A_72] {strides = array<i32>} : memref<80x64xf32, #tpu.memory_space<vmem>>, vector<1x16xf32>,
      %swap3A_74 = vector.shape_cast %swap3A_73 : vector<1x16xf32> to vector<16xf32>
      %swap3A_75 = vector.shape_cast %broadcast_in_dim3A_33 : vector<16xf32> to vector<1x16xf32>
      tpu.vector_store %arg9[%swap3A, %swap3A_72], %swap3A_75 {strides = array<i32>} : memref<80x64xf32, #tpu.memory_space<vmem>>, vector<1x16xf32>,
      %swap3A_76 = arith.index_cast %add3A_71 : i32 to index
      %swap3A_77 = arith.constant 16 : index
      %swap3A_78 = tpu.vector_load %arg9[%swap3A_76, %swap3A_77] {strides = array<i32>} : memref<80x64xf32, #tpu.memory_space<vmem>>, vector<1x16xf32>,
      %swap3A_79 = vector.shape_cast %swap3A_78 : vector<1x16xf32> to vector<16xf32>
      %swap3A_80 = vector.shape_cast %broadcast_in_dim3A_33 : vector<16xf32> to vector<1x16xf32>
      tpu.vector_store %arg9[%swap3A_76, %swap3A_77], %swap3A_80 {strides = array<i32>} : memref<80x64xf32, #tpu.memory_space<vmem>>, vector<1x16xf32>,
      %swap3A_81 = arith.index_cast %add3A_71 : i32 to index
      %swap3A_82 = arith.constant 32 : index
      %swap3A_83 = tpu.vector_load %arg9[%swap3A_81, %swap3A_82] {strides = array<i32>} : memref<80x64xf32, #tpu.memory_space<vmem>>, vector<1x16xf32>,
      %swap3A_84 = vector.shape_cast %swap3A_83 : vector<1x16xf32> to vector<16xf32>
      %swap3A_85 = vector.shape_cast %broadcast_in_dim3A_33 : vector<16xf32> to vector<1x16xf32>
      tpu.vector_store %arg9[%swap3A_81, %swap3A_82], %swap3A_85 {strides = array<i32>} : memref<80x64xf32, #tpu.memory_space<vmem>>, vector<1x16xf32>,
      %swap3A_86 = arith.index_cast %add3A_71 : i32 to index
      %swap3A_87 = arith.constant 48 : index
      %swap3A_88 = tpu.vector_load %arg9[%swap3A_86, %swap3A_87] {strides = array<i32>} : memref<80x64xf32, #tpu.memory_space<vmem>>, vector<1x16xf32>,
      %swap3A_89 = vector.shape_cast %swap3A_88 : vector<1x16xf32> to vector<16xf32>
      %swap3A_90 = vector.shape_cast %broadcast_in_dim3A_33 : vector<16xf32> to vector<1x16xf32>
      tpu.vector_store %arg9[%swap3A_86, %swap3A_87], %swap3A_90 {strides = array<i32>} : memref<80x64xf32, #tpu.memory_space<vmem>>, vector<1x16xf32>,
    }
    %scan3A_37 = arith.constant 80 : i32
    %eq3A = arith.constant 15 : i32
    %eq3A_38 = arith.cmpi eq, %arg1, %eq3A : i32
    %jit3A = arith.constant 5 : i32
    %jit3A_39 = arith.constant 8 : i32
    %select_n3A = arith.select %eq3A_38, %jit3A, %jit3A_39 : i32
    %sub3A = arith.constant 0 : i32
    %sub3A_40 = arith.subi %select_n3A, %sub3A : i32
    %sub3A_41 = arith.constant 1 : i32
    %sub3A_42 = arith.constant 1 : i32
    %sub3A_43 = arith.subi %sub3A_41, %sub3A_42 : i32
    %add3A = arith.addi %sub3A_40, %sub3A_43 : i32
    %div3A = arith.constant 1 : i32
    %div3A_44 = arith.divsi %add3A, %div3A : i32
    %while3A = arith.constant 1 : i32
    %while3A_45 = arith.constant 0 : i32
    %while3A_46 = arith.constant 0 : i32
    %while3A_47 = arith.subi %div3A_44, %while3A_46 : i32
    %while3A_48 = arith.addi %while3A_46, %while3A_47 : i32
    %while3A_49 = arith.constant 1 : i32
    %while3A_50 = arith.divsi %while3A_47, %while3A_49 : i32
    %while3A_51 = arith.muli %while3A_50, %while3A_49 : i32
    %while3A_52 = arith.addi %while3A_46, %while3A_51 : i32
    %while3A_53 = arith.constant 1 : i32
    scf.for %while3A_68 = %while3A_46 to %while3A_52 step %while3A_53  : i32 {
      %mul3A = arith.muli %while3A_68, %while3A : i32
      %add3A_69 = arith.addi %while3A_45, %mul3A : i32
      %mul3A_70 = arith.constant 640 : i32
      %mul3A_71 = arith.muli %arg1, %mul3A_70 : i32
      %mul3A_72 = arith.constant 80 : i32
      %mul3A_73 = arith.muli %add3A_69, %mul3A_72 : i32
      %add3A_74 = arith.addi %mul3A_71, %mul3A_73 : i32
      "tpu.region"() ({
        %run_scoped3A = tpu.sem_alloc : memref<!tpu.dma_semaphore, #tpu.memory_space<semaphore_mem>>
        %dma_start3A_75 = arith.constant 0 : i32
        %dma_start3A_76 = tpu.memref_slice %arg8[%add3A_74, %dma_start3A_75] : memref<10000x64xf32, #tpu.memory_space<vmem_shared>> -> memref<80x64xf32, #tpu.memory_space<vmem_shared>>
        %dma_start3A_77 = arith.constant 0 : i32
        %dma_start3A_78 = tpu.memref_slice %arg8[%add3A_74, %dma_start3A_77] : memref<10000x64xf32, #tpu.memory_space<vmem_shared>> -> memref<80x64xf32, #tpu.memory_space<vmem_shared>>
        tpu.enqueue_dma source(%arg9 : memref<80x64xf32, #tpu.memory_space<vmem>>) target(%dma_start3A_78 : memref<80x64xf32, #tpu.memory_space<vmem_shared>>) target_semaphore(%run_scoped3A : memref<!tpu.dma_semaphore, #tpu.memory_space<semaphore_mem>>)
        %dma_wait3A = arith.constant 0 : i32
        %dma_wait3A_79 = tpu.memref_slice %arg8[%add3A_74, %dma_wait3A] : memref<10000x64xf32, #tpu.memory_space<vmem_shared>> -> memref<80x64xf32, #tpu.memory_space<vmem_shared>>
        %dma_wait3A_80 = arith.constant 0 : i32
        %dma_wait3A_81 = tpu.memref_slice %arg8[%add3A_74, %dma_wait3A_80] : memref<10000x64xf32, #tpu.memory_space<vmem_shared>> -> memref<80x64xf32, #tpu.memory_space<vmem_shared>>
        tpu.wait_dma2 semaphore(%run_scoped3A : memref<!tpu.dma_semaphore, #tpu.memory_space<semaphore_mem>>) src(%arg9 : memref<80x64xf32, #tpu.memory_space<vmem>>) dst(%dma_wait3A_81 : memref<80x64xf32, #tpu.memory_space<vmem_shared>>)
        tpu.yield
      }) : () -> ()
    }
    %while3A_54 = arith.constant 1 : i32
    scf.for %while3A_68 = %while3A_52 to %while3A_48 step %while3A_54  : i32 {
      %mul3A = arith.muli %while3A_68, %while3A : i32
      %add3A_69 = arith.addi %while3A_45, %mul3A : i32
      %mul3A_70 = arith.constant 640 : i32
      %mul3A_71 = arith.muli %arg1, %mul3A_70 : i32
      %mul3A_72 = arith.constant 80 : i32
      %mul3A_73 = arith.muli %add3A_69, %mul3A_72 : i32
      %add3A_74 = arith.addi %mul3A_71, %mul3A_73 : i32
      "tpu.region"() ({
        %run_scoped3A = tpu.sem_alloc : memref<!tpu.dma_semaphore, #tpu.memory_space<semaphore_mem>>
        %dma_start3A_75 = arith.constant 0 : i32
        %dma_start3A_76 = tpu.memref_slice %arg8[%add3A_74, %dma_start3A_75] : memref<10000x64xf32, #tpu.memory_space<vmem_shared>> -> memref<80x64xf32, #tpu.memory_space<vmem_shared>>
        %dma_start3A_77 = arith.constant 0 : i32
        %dma_start3A_78 = tpu.memref_slice %arg8[%add3A_74, %dma_start3A_77] : memref<10000x64xf32, #tpu.memory_space<vmem_shared>> -> memref<80x64xf32, #tpu.memory_space<vmem_shared>>
        tpu.enqueue_dma source(%arg9 : memref<80x64xf32, #tpu.memory_space<vmem>>) target(%dma_start3A_78 : memref<80x64xf32, #tpu.memory_space<vmem_shared>>) target_semaphore(%run_scoped3A : memref<!tpu.dma_semaphore, #tpu.memory_space<semaphore_mem>>)
        %dma_wait3A = arith.constant 0 : i32
        %dma_wait3A_79 = tpu.memref_slice %arg8[%add3A_74, %dma_wait3A] : memref<10000x64xf32, #tpu.memory_space<vmem_shared>> -> memref<80x64xf32, #tpu.memory_space<vmem_shared>>
        %dma_wait3A_80 = arith.constant 0 : i32
        %dma_wait3A_81 = tpu.memref_slice %arg8[%add3A_74, %dma_wait3A_80] : memref<10000x64xf32, #tpu.memory_space<vmem_shared>> -> memref<80x64xf32, #tpu.memory_space<vmem_shared>>
        tpu.wait_dma2 semaphore(%run_scoped3A : memref<!tpu.dma_semaphore, #tpu.memory_space<semaphore_mem>>) src(%arg9 : memref<80x64xf32, #tpu.memory_space<vmem>>) dst(%dma_wait3A_81 : memref<80x64xf32, #tpu.memory_space<vmem_shared>>)
        tpu.yield
      }) : () -> ()
    }
    %barrier3A = arith.constant 0 : index
    tpu.barrier barrier_id(%barrier3A)
    %scan3A_55 = arith.constant 0 : i32
    %scan3A_56 = arith.constant 5 : i32
    %scan3A_57 = arith.addi %scan3A_55, %scan3A_56 : i32
    %scan3A_58 = arith.constant 1 : i32
    scf.for %scan3A_68 = %scan3A_55 to %scan3A_57 step %scan3A_58  : i32 {
      %mul3A = arith.constant 1 : i32
      %mul3A_69 = arith.muli %scan3A_68, %mul3A : i32
      %add3A_70 = arith.constant 0 : i32
      %add3A_71 = arith.addi %add3A_70, %mul3A_69 : i32
      %rem3A = arith.constant 2 : i32
      %rem3A_72 = arith.remsi %add3A_71, %rem3A : i32
      %dma_wait3A = arith.constant 0 : i32
      %dma_wait3A_73 = arith.constant 0 : i32
      %dma_wait3A_74 = tpu.memref_slice %arg6[%rem3A_72, %dma_wait3A, %dma_wait3A_73] : memref<2x100x80xi32, #tpu.memory_space<vmem>> -> memref<1x100x80xi32, #tpu.memory_space<vmem>>
      %dma_wait3A_75 = tpu.memref_squeeze %dma_wait3A_74 : memref<1x100x80xi32, #tpu.memory_space<vmem>> -> memref<100x80xi32, #tpu.memory_space<vmem>>
      %dma_wait3A_76 = arith.constant 0 : i32
      %dma_wait3A_77 = arith.constant 0 : i32
      %dma_wait3A_78 = tpu.memref_slice %arg3[%arg1, %dma_wait3A_76, %dma_wait3A_77] : memref<16x500x80xi32, #tpu.memory_space<hbm>> -> memref<1x100x80xi32, #tpu.memory_space<hbm>>
      %dma_wait3A_79 = tpu.memref_squeeze %dma_wait3A_78 : memref<1x100x80xi32, #tpu.memory_space<hbm>> -> memref<100x80xi32, #tpu.memory_space<hbm>>
      %dma_wait3A_80 = arith.constant 0 : i32
      %dma_wait3A_81 = arith.constant 0 : i32
      %dma_wait3A_82 = tpu.memref_slice %arg6[%rem3A_72, %dma_wait3A_80, %dma_wait3A_81] : memref<2x100x80xi32, #tpu.memory_space<vmem>> -> memref<1x100x80xi32, #tpu.memory_space<vmem>>
      %dma_wait3A_83 = tpu.memref_squeeze %dma_wait3A_82 : memref<1x100x80xi32, #tpu.memory_space<vmem>> -> memref<100x80xi32, #tpu.memory_space<vmem>>
      %dma_wait3A_84 = arith.constant 0 : i32
      %dma_wait3A_85 = arith.constant 0 : i32
      %dma_wait3A_86 = tpu.memref_slice %arg3[%arg1, %dma_wait3A_84, %dma_wait3A_85] : memref<16x500x80xi32, #tpu.memory_space<hbm>> -> memref<1x100x80xi32, #tpu.memory_space<hbm>>
      %dma_wait3A_87 = tpu.memref_squeeze %dma_wait3A_86 : memref<1x100x80xi32, #tpu.memory_space<hbm>> -> memref<100x80xi32, #tpu.memory_space<hbm>>
      tpu.wait_dma2 semaphore(%arg40 : memref<!tpu.dma_semaphore, #tpu.memory_space<semaphore_mem>>) src(%dma_wait3A_87 : memref<100x80xi32, #tpu.memory_space<hbm>>) dst(%dma_wait3A_83 : memref<100x80xi32, #tpu.memory_space<vmem>>)
      %dma_wait3A_88 = arith.constant 0 : i32
      %dma_wait3A_89 = arith.constant 0 : i32
      %dma_wait3A_90 = tpu.memref_slice %arg7[%rem3A_72, %dma_wait3A_88, %dma_wait3A_89] : memref<2x100x80xi32, #tpu.memory_space<vmem>> -> memref<1x100x80xi32, #tpu.memory_space<vmem>>
      %dma_wait3A_91 = tpu.memref_squeeze %dma_wait3A_90 : memref<1x100x80xi32, #tpu.memory_space<vmem>> -> memref<100x80xi32, #tpu.memory_space<vmem>>
      %dma_wait3A_92 = arith.constant 0 : i32
      %dma_wait3A_93 = arith.constant 0 : i32
      %dma_wait3A_94 = tpu.memref_slice %arg4[%arg1, %dma_wait3A_92, %dma_wait3A_93] : memref<16x500x80xi32, #tpu.memory_space<hbm>> -> memref<1x100x80xi32, #tpu.memory_space<hbm>>
      %dma_wait3A_95 = tpu.memref_squeeze %dma_wait3A_94 : memref<1x100x80xi32, #tpu.memory_space<hbm>> -> memref<100x80xi32, #tpu.memory_space<hbm>>
      %dma_wait3A_96 = arith.constant 0 : i32
      %dma_wait3A_97 = arith.constant 0 : i32
      %dma_wait3A_98 = tpu.memref_slice %arg7[%rem3A_72, %dma_wait3A_96, %dma_wait3A_97] : memref<2x100x80xi32, #tpu.memory_space<vmem>> -> memref<1x100x80xi32, #tpu.memory_space<vmem>>
      %dma_wait3A_99 = tpu.memref_squeeze %dma_wait3A_98 : memref<1x100x80xi32, #tpu.memory_space<vmem>> -> memref<100x80xi32, #tpu.memory_space<vmem>>
      %dma_wait3A_100 = arith.constant 0 : i32
      %dma_wait3A_101 = arith.constant 0 : i32
      %dma_wait3A_102 = tpu.memref_slice %arg4[%arg1, %dma_wait3A_100, %dma_wait3A_101] : memref<16x500x80xi32, #tpu.memory_space<hbm>> -> memref<1x100x80xi32, #tpu.memory_space<hbm>>
      %dma_wait3A_103 = tpu.memref_squeeze %dma_wait3A_102 : memref<1x100x80xi32, #tpu.memory_space<hbm>> -> memref<100x80xi32, #tpu.memory_space<hbm>>
      tpu.wait_dma2 semaphore(%arg40 : memref<!tpu.dma_semaphore, #tpu.memory_space<semaphore_mem>>) src(%dma_wait3A_103 : memref<100x80xi32, #tpu.memory_space<hbm>>) dst(%dma_wait3A_99 : memref<100x80xi32, #tpu.memory_space<vmem>>)
      %add3A_104 = arith.constant 1 : i32
      %add3A_105 = arith.addi %add3A_71, %add3A_104 : i32
      %lt3A_106 = arith.constant 5 : i32
      %lt3A_107 = arith.cmpi slt, %add3A_105, %lt3A_106 : i32
      %convert_element_type3A_108 = arith.extui %lt3A_107 : i1 to i32
      %cond3A_109 = arith.constant 0 : i32
      %cond3A_110 = arith.cmpi ne, %convert_element_type3A_108, %cond3A_109 : i32
      scf.if %cond3A_110 {
        %add3A_226 = arith.constant 1 : i32
        %add3A_227 = arith.addi %add3A_71, %add3A_226 : i32
        %sub3A_228 = arith.constant 1 : i32
        %sub3A_229 = arith.subi %sub3A_228, %rem3A_72 : i32
        %mul3A_230 = arith.constant 100 : i32
        %mul3A_231 = arith.muli %add3A_227, %mul3A_230 : i32
        %dma_start3A_232 = arith.constant 0 : i32
        %dma_start3A_233 = arith.constant 0 : i32
        %dma_start3A_234 = tpu.memref_slice %arg6[%sub3A_229, %dma_start3A_232, %dma_start3A_233] : memref<2x100x80xi32, #tpu.memory_space<vmem>> -> memref<1x100x80xi32, #tpu.memory_space<vmem>>
        %dma_start3A_235 = tpu.memref_squeeze %dma_start3A_234 : memref<1x100x80xi32, #tpu.memory_space<vmem>> -> memref<100x80xi32, #tpu.memory_space<vmem>>
        %dma_start3A_236 = arith.constant 0 : i32
        %dma_start3A_237 = tpu.memref_slice %arg3[%arg1, %mul3A_231, %dma_start3A_236] : memref<16x500x80xi32, #tpu.memory_space<hbm>> -> memref<1x100x80xi32, #tpu.memory_space<hbm>>
        %dma_start3A_238 = tpu.memref_squeeze %dma_start3A_237 : memref<1x100x80xi32, #tpu.memory_space<hbm>> -> memref<100x80xi32, #tpu.memory_space<hbm>>
        %dma_start3A_239 = arith.constant 0 : i32
        %dma_start3A_240 = arith.constant 0 : i32
        %dma_start3A_241 = tpu.memref_slice %arg6[%sub3A_229, %dma_start3A_239, %dma_start3A_240] : memref<2x100x80xi32, #tpu.memory_space<vmem>> -> memref<1x100x80xi32, #tpu.memory_space<vmem>>
        %dma_start3A_242 = tpu.memref_squeeze %dma_start3A_241 : memref<1x100x80xi32, #tpu.memory_space<vmem>> -> memref<100x80xi32, #tpu.memory_space<vmem>>
        %dma_start3A_243 = arith.constant 0 : i32
        %dma_start3A_244 = tpu.memref_slice %arg3[%arg1, %mul3A_231, %dma_start3A_243] : memref<16x500x80xi32, #tpu.memory_space<hbm>> -> memref<1x100x80xi32, #tpu.memory_space<hbm>>
        %dma_start3A_245 = tpu.memref_squeeze %dma_start3A_244 : memref<1x100x80xi32, #tpu.memory_space<hbm>> -> memref<100x80xi32, #tpu.memory_space<hbm>>
        tpu.enqueue_dma source(%dma_start3A_245 : memref<100x80xi32, #tpu.memory_space<hbm>>) target(%dma_start3A_242 : memref<100x80xi32, #tpu.memory_space<vmem>>) target_semaphore(%arg40 : memref<!tpu.dma_semaphore, #tpu.memory_space<semaphore_mem>>)
        %mul3A_246 = arith.constant 100 : i32
        %mul3A_247 = arith.muli %add3A_227, %mul3A_246 : i32
        %dma_start3A_248 = arith.constant 0 : i32
        %dma_start3A_249 = arith.constant 0 : i32
        %dma_start3A_250 = tpu.memref_slice %arg7[%sub3A_229, %dma_start3A_248, %dma_start3A_249] : memref<2x100x80xi32, #tpu.memory_space<vmem>> -> memref<1x100x80xi32, #tpu.memory_space<vmem>>
        %dma_start3A_251 = tpu.memref_squeeze %dma_start3A_250 : memref<1x100x80xi32, #tpu.memory_space<vmem>> -> memref<100x80xi32, #tpu.memory_space<vmem>>
        %dma_start3A_252 = arith.constant 0 : i32
        %dma_start3A_253 = tpu.memref_slice %arg4[%arg1, %mul3A_247, %dma_start3A_252] : memref<16x500x80xi32, #tpu.memory_space<hbm>> -> memref<1x100x80xi32, #tpu.memory_space<hbm>>
        %dma_start3A_254 = tpu.memref_squeeze %dma_start3A_253 : memref<1x100x80xi32, #tpu.memory_space<hbm>> -> memref<100x80xi32, #tpu.memory_space<hbm>>
        %dma_start3A_255 = arith.constant 0 : i32
        %dma_start3A_256 = arith.constant 0 : i32
        %dma_start3A_257 = tpu.memref_slice %arg7[%sub3A_229, %dma_start3A_255, %dma_start3A_256] : memref<2x100x80xi32, #tpu.memory_space<vmem>> -> memref<1x100x80xi32, #tpu.memory_space<vmem>>
        %dma_start3A_258 = tpu.memref_squeeze %dma_start3A_257 : memref<1x100x80xi32, #tpu.memory_space<vmem>> -> memref<100x80xi32, #tpu.memory_space<vmem>>
        %dma_start3A_259 = arith.constant 0 : i32
        %dma_start3A_260 = tpu.memref_slice %arg4[%arg1, %mul3A_247, %dma_start3A_259] : memref<16x500x80xi32, #tpu.memory_space<hbm>> -> memref<1x100x80xi32, #tpu.memory_space<hbm>>
        %dma_start3A_261 = tpu.memref_squeeze %dma_start3A_260 : memref<1x100x80xi32, #tpu.memory_space<hbm>> -> memref<100x80xi32, #tpu.memory_space<hbm>>
        tpu.enqueue_dma source(%dma_start3A_261 : memref<100x80xi32, #tpu.memory_space<hbm>>) target(%dma_start3A_258 : memref<100x80xi32, #tpu.memory_space<vmem>>) target_semaphore(%arg40 : memref<!tpu.dma_semaphore, #tpu.memory_space<semaphore_mem>>)
      } else {
      }
      %dma_start3A_111 = arith.constant 0 : i32
      %dma_start3A_112 = arith.constant 0 : i32
      %dma_start3A_113 = tpu.memref_slice %arg6[%rem3A_72, %dma_start3A_111, %dma_start3A_112] : memref<2x100x80xi32, #tpu.memory_space<vmem>> -> memref<1x1x80xi32, #tpu.memory_space<vmem>>
      %dma_start3A_114 = tpu.memref_squeeze %dma_start3A_113 : memref<1x1x80xi32, #tpu.memory_space<vmem>> -> memref<80xi32, #tpu.memory_space<vmem>>
      %dma_start3A_115 = arith.constant 0 : i32
      %dma_start3A_116 = arith.constant 0 : i32
      %dma_start3A_117 = tpu.memref_slice %arg2[%arg0, %dma_start3A_115, %dma_start3A_116] : memref<2x10000x64xf32, #tpu.memory_space<hbm>> -> memref<1x10000x64xf32, #tpu.memory_space<hbm>>
      %dma_start3A_118 = tpu.memref_squeeze %dma_start3A_117 : memref<1x10000x64xf32, #tpu.memory_space<hbm>> -> memref<10000x64xf32, #tpu.memory_space<hbm>>
      %dma_start3A_119 = arith.constant 0 : i32
      %dma_start3A_120 = arith.constant 0 : i32
      %dma_start3A_121 = tpu.memref_slice %dma_start3A_118[%dma_start3A_119, %dma_start3A_120] : memref<10000x64xf32, #tpu.memory_space<hbm>> -> memref<10000x64xf32, #tpu.memory_space<hbm>>
      tpu.enqueue_indirect_dma source(%dma_start3A_121 : memref<10000x64xf32, #tpu.memory_space<hbm>>) target(%arg10 : memref<80x64xf32, #tpu.memory_space<vmem>>) offsets(%dma_start3A_114 : memref<80xi32, #tpu.memory_space<vmem>>) semaphore(%arg20 : memref<!tpu.dma_semaphore, #tpu.memory_space<semaphore_mem>>)
      %dma_start3A_122 = arith.constant 1 : i32
      %dma_start3A_123 = arith.constant 0 : i32
      %dma_start3A_124 = tpu.memref_slice %arg6[%rem3A_72, %dma_start3A_122, %dma_start3A_123] : memref<2x100x80xi32, #tpu.memory_space<vmem>> -> memref<1x1x80xi32, #tpu.memory_space<vmem>>
      %dma_start3A_125 = tpu.memref_squeeze %dma_start3A_124 : memref<1x1x80xi32, #tpu.memory_space<vmem>> -> memref<80xi32, #tpu.memory_space<vmem>>
      %dma_start3A_126 = arith.constant 0 : i32
      %dma_start3A_127 = arith.constant 0 : i32
      %dma_start3A_128 = tpu.memref_slice %arg2[%arg0, %dma_start3A_126, %dma_start3A_127] : memref<2x10000x64xf32, #tpu.memory_space<hbm>> -> memref<1x10000x64xf32, #tpu.memory_space<hbm>>
      %dma_start3A_129 = tpu.memref_squeeze %dma_start3A_128 : memref<1x10000x64xf32, #tpu.memory_space<hbm>> -> memref<10000x64xf32, #tpu.memory_space<hbm>>
      %dma_start3A_130 = arith.constant 0 : i32
      %dma_start3A_131 = arith.constant 0 : i32
      %dma_start3A_132 = tpu.memref_slice %dma_start3A_129[%dma_start3A_130, %dma_start3A_131] : memref<10000x64xf32, #tpu.memory_space<hbm>> -> memref<10000x64xf32, #tpu.memory_space<hbm>>
      tpu.enqueue_indirect_dma source(%dma_start3A_132 : memref<10000x64xf32, #tpu.memory_space<hbm>>) target(%arg11 : memref<80x64xf32, #tpu.memory_space<vmem>>) offsets(%dma_start3A_125 : memref<80xi32, #tpu.memory_space<vmem>>) semaphore(%arg21 : memref<!tpu.dma_semaphore, #tpu.memory_space<semaphore_mem>>)
      %dma_start3A_133 = arith.constant 2 : i32
      %dma_start3A_134 = arith.constant 0 : i32
      %dma_start3A_135 = tpu.memref_slice %arg6[%rem3A_72, %dma_start3A_133, %dma_start3A_134] : memref<2x100x80xi32, #tpu.memory_space<vmem>> -> memref<1x1x80xi32, #tpu.memory_space<vmem>>
      %dma_start3A_136 = tpu.memref_squeeze %dma_start3A_135 : memref<1x1x80xi32, #tpu.memory_space<vmem>> -> memref<80xi32, #tpu.memory_space<vmem>>
      %dma_start3A_137 = arith.constant 0 : i32
      %dma_start3A_138 = arith.constant 0 : i32
      %dma_start3A_139 = tpu.memref_slice %arg2[%arg0, %dma_start3A_137, %dma_start3A_138] : memref<2x10000x64xf32, #tpu.memory_space<hbm>> -> memref<1x10000x64xf32, #tpu.memory_space<hbm>>
      %dma_start3A_140 = tpu.memref_squeeze %dma_start3A_139 : memref<1x10000x64xf32, #tpu.memory_space<hbm>> -> memref<10000x64xf32, #tpu.memory_space<hbm>>
      %dma_start3A_141 = arith.constant 0 : i32
      %dma_start3A_142 = arith.constant 0 : i32
      %dma_start3A_143 = tpu.memref_slice %dma_start3A_140[%dma_start3A_141, %dma_start3A_142] : memref<10000x64xf32, #tpu.memory_space<hbm>> -> memref<10000x64xf32, #tpu.memory_space<hbm>>
      tpu.enqueue_indirect_dma source(%dma_start3A_143 : memref<10000x64xf32, #tpu.memory_space<hbm>>) target(%arg12 : memref<80x64xf32, #tpu.memory_space<vmem>>) offsets(%dma_start3A_136 : memref<80xi32, #tpu.memory_space<vmem>>) semaphore(%arg22 : memref<!tpu.dma_semaphore, #tpu.memory_space<semaphore_mem>>)
      %dma_start3A_144 = arith.constant 3 : i32
      %dma_start3A_145 = arith.constant 0 : i32
      %dma_start3A_146 = tpu.memref_slice %arg6[%rem3A_72, %dma_start3A_144, %dma_start3A_145] : memref<2x100x80xi32, #tpu.memory_space<vmem>> -> memref<1x1x80xi32, #tpu.memory_space<vmem>>
      %dma_start3A_147 = tpu.memref_squeeze %dma_start3A_146 : memref<1x1x80xi32, #tpu.memory_space<vmem>> -> memref<80xi32, #tpu.memory_space<vmem>>
      %dma_start3A_148 = arith.constant 0 : i32
      %dma_start3A_149 = arith.constant 0 : i32
      %dma_start3A_150 = tpu.memref_slice %arg2[%arg0, %dma_start3A_148, %dma_start3A_149] : memref<2x10000x64xf32, #tpu.memory_space<hbm>> -> memref<1x10000x64xf32, #tpu.memory_space<hbm>>
      %dma_start3A_151 = tpu.memref_squeeze %dma_start3A_150 : memref<1x10000x64xf32, #tpu.memory_space<hbm>> -> memref<10000x64xf32, #tpu.memory_space<hbm>>
      %dma_start3A_152 = arith.constant 0 : i32
      %dma_start3A_153 = arith.constant 0 : i32
      %dma_start3A_154 = tpu.memref_slice %dma_start3A_151[%dma_start3A_152, %dma_start3A_153] : memref<10000x64xf32, #tpu.memory_space<hbm>> -> memref<10000x64xf32, #tpu.memory_space<hbm>>
      tpu.enqueue_indirect_dma source(%dma_start3A_154 : memref<10000x64xf32, #tpu.memory_space<hbm>>) target(%arg13 : memref<80x64xf32, #tpu.memory_space<vmem>>) offsets(%dma_start3A_147 : memref<80xi32, #tpu.memory_space<vmem>>) semaphore(%arg23 : memref<!tpu.dma_semaphore, #tpu.memory_space<semaphore_mem>>)
      %dma_start3A_155 = arith.constant 4 : i32
      %dma_start3A_156 = arith.constant 0 : i32
      %dma_start3A_157 = tpu.memref_slice %arg6[%rem3A_72, %dma_start3A_155, %dma_start3A_156] : memref<2x100x80xi32, #tpu.memory_space<vmem>> -> memref<1x1x80xi32, #tpu.memory_space<vmem>>
      %dma_start3A_158 = tpu.memref_squeeze %dma_start3A_157 : memref<1x1x80xi32, #tpu.memory_space<vmem>> -> memref<80xi32, #tpu.memory_space<vmem>>
      %dma_start3A_159 = arith.constant 0 : i32
      %dma_start3A_160 = arith.constant 0 : i32
      %dma_start3A_161 = tpu.memref_slice %arg2[%arg0, %dma_start3A_159, %dma_start3A_160] : memref<2x10000x64xf32, #tpu.memory_space<hbm>> -> memref<1x10000x64xf32, #tpu.memory_space<hbm>>
      %dma_start3A_162 = tpu.memref_squeeze %dma_start3A_161 : memref<1x10000x64xf32, #tpu.memory_space<hbm>> -> memref<10000x64xf32, #tpu.memory_space<hbm>>
      %dma_start3A_163 = arith.constant 0 : i32
      %dma_start3A_164 = arith.constant 0 : i32
      %dma_start3A_165 = tpu.memref_slice %dma_start3A_162[%dma_start3A_163, %dma_start3A_164] : memref<10000x64xf32, #tpu.memory_space<hbm>> -> memref<10000x64xf32, #tpu.memory_space<hbm>>
      tpu.enqueue_indirect_dma source(%dma_start3A_165 : memref<10000x64xf32, #tpu.memory_space<hbm>>) target(%arg14 : memref<80x64xf32, #tpu.memory_space<vmem>>) offsets(%dma_start3A_158 : memref<80xi32, #tpu.memory_space<vmem>>) semaphore(%arg24 : memref<!tpu.dma_semaphore, #tpu.memory_space<semaphore_mem>>)
      %dma_start3A_166 = arith.constant 5 : i32
      %dma_start3A_167 = arith.constant 0 : i32
      %dma_start3A_168 = tpu.memref_slice %arg6[%rem3A_72, %dma_start3A_166, %dma_start3A_167] : memref<2x100x80xi32, #tpu.memory_space<vmem>> -> memref<1x1x80xi32, #tpu.memory_space<vmem>>
      %dma_start3A_169 = tpu.memref_squeeze %dma_start3A_168 : memref<1x1x80xi32, #tpu.memory_space<vmem>> -> memref<80xi32, #tpu.memory_space<vmem>>
      %dma_start3A_170 = arith.constant 0 : i32
      %dma_start3A_171 = arith.constant 0 : i32
      %dma_start3A_172 = tpu.memref_slice %arg2[%arg0, %dma_start3A_170, %dma_start3A_171] : memref<2x10000x64xf32, #tpu.memory_space<hbm>> -> memref<1x10000x64xf32, #tpu.memory_space<hbm>>
      %dma_start3A_173 = tpu.memref_squeeze %dma_start3A_172 : memref<1x10000x64xf32, #tpu.memory_space<hbm>> -> memref<10000x64xf32, #tpu.memory_space<hbm>>
      %dma_start3A_174 = arith.constant 0 : i32
      %dma_start3A_175 = arith.constant 0 : i32
      %dma_start3A_176 = tpu.memref_slice %dma_start3A_173[%dma_start3A_174, %dma_start3A_175] : memref<10000x64xf32, #tpu.memory_space<hbm>> -> memref<10000x64xf32, #tpu.memory_space<hbm>>
      tpu.enqueue_indirect_dma source(%dma_start3A_176 : memref<10000x64xf32, #tpu.memory_space<hbm>>) target(%arg15 : memref<80x64xf32, #tpu.memory_space<vmem>>) offsets(%dma_start3A_169 : memref<80xi32, #tpu.memory_space<vmem>>) semaphore(%arg25 : memref<!tpu.dma_semaphore, #tpu.memory_space<semaphore_mem>>)
      %dma_start3A_177 = arith.constant 6 : i32
      %dma_start3A_178 = arith.constant 0 : i32
      %dma_start3A_179 = tpu.memref_slice %arg6[%rem3A_72, %dma_start3A_177, %dma_start3A_178] : memref<2x100x80xi32, #tpu.memory_space<vmem>> -> memref<1x1x80xi32, #tpu.memory_space<vmem>>
      %dma_start3A_180 = tpu.memref_squeeze %dma_start3A_179 : memref<1x1x80xi32, #tpu.memory_space<vmem>> -> memref<80xi32, #tpu.memory_space<vmem>>
      %dma_start3A_181 = arith.constant 0 : i32
      %dma_start3A_182 = arith.constant 0 : i32
      %dma_start3A_183 = tpu.memref_slice %arg2[%arg0, %dma_start3A_181, %dma_start3A_182] : memref<2x10000x64xf32, #tpu.memory_space<hbm>> -> memref<1x10000x64xf32, #tpu.memory_space<hbm>>
      %dma_start3A_184 = tpu.memref_squeeze %dma_start3A_183 : memref<1x10000x64xf32, #tpu.memory_space<hbm>> -> memref<10000x64xf32, #tpu.memory_space<hbm>>
      %dma_start3A_185 = arith.constant 0 : i32
      %dma_start3A_186 = arith.constant 0 : i32
      %dma_start3A_187 = tpu.memref_slice %dma_start3A_184[%dma_start3A_185, %dma_start3A_186] : memref<10000x64xf32, #tpu.memory_space<hbm>> -> memref<10000x64xf32, #tpu.memory_space<hbm>>
      tpu.enqueue_indirect_dma source(%dma_start3A_187 : memref<10000x64xf32, #tpu.memory_space<hbm>>) target(%arg16 : memref<80x64xf32, #tpu.memory_space<vmem>>) offsets(%dma_start3A_180 : memref<80xi32, #tpu.memory_space<vmem>>) semaphore(%arg26 : memref<!tpu.dma_semaphore, #tpu.memory_space<semaphore_mem>>)
      %dma_start3A_188 = arith.constant 7 : i32
      %dma_start3A_189 = arith.constant 0 : i32
      %dma_start3A_190 = tpu.memref_slice %arg6[%rem3A_72, %dma_start3A_188, %dma_start3A_189] : memref<2x100x80xi32, #tpu.memory_space<vmem>> -> memref<1x1x80xi32, #tpu.memory_space<vmem>>
      %dma_start3A_191 = tpu.memref_squeeze %dma_start3A_190 : memref<1x1x80xi32, #tpu.memory_space<vmem>> -> memref<80xi32, #tpu.memory_space<vmem>>
      %dma_start3A_192 = arith.constant 0 : i32
      %dma_start3A_193 = arith.constant 0 : i32
      %dma_start3A_194 = tpu.memref_slice %arg2[%arg0, %dma_start3A_192, %dma_start3A_193] : memref<2x10000x64xf32, #tpu.memory_space<hbm>> -> memref<1x10000x64xf32, #tpu.memory_space<hbm>>
      %dma_start3A_195 = tpu.memref_squeeze %dma_start3A_194 : memref<1x10000x64xf32, #tpu.memory_space<hbm>> -> memref<10000x64xf32, #tpu.memory_space<hbm>>
      %dma_start3A_196 = arith.constant 0 : i32
      %dma_start3A_197 = arith.constant 0 : i32
      %dma_start3A_198 = tpu.memref_slice %dma_start3A_195[%dma_start3A_196, %dma_start3A_197] : memref<10000x64xf32, #tpu.memory_space<hbm>> -> memref<10000x64xf32, #tpu.memory_space<hbm>>
      tpu.enqueue_indirect_dma source(%dma_start3A_198 : memref<10000x64xf32, #tpu.memory_space<hbm>>) target(%arg17 : memref<80x64xf32, #tpu.memory_space<vmem>>) offsets(%dma_start3A_191 : memref<80xi32, #tpu.memory_space<vmem>>) semaphore(%arg27 : memref<!tpu.dma_semaphore, #tpu.memory_space<semaphore_mem>>)
      %dma_start3A_199 = arith.constant 8 : i32
      %dma_start3A_200 = arith.constant 0 : i32
      %dma_start3A_201 = tpu.memref_slice %arg6[%rem3A_72, %dma_start3A_199, %dma_start3A_200] : memref<2x100x80xi32, #tpu.memory_space<vmem>> -> memref<1x1x80xi32, #tpu.memory_space<vmem>>
      %dma_start3A_202 = tpu.memref_squeeze %dma_start3A_201 : memref<1x1x80xi32, #tpu.memory_space<vmem>> -> memref<80xi32, #tpu.memory_space<vmem>>
      %dma_start3A_203 = arith.constant 0 : i32
      %dma_start3A_204 = arith.constant 0 : i32
      %dma_start3A_205 = tpu.memref_slice %arg2[%arg0, %dma_start3A_203, %dma_start3A_204] : memref<2x10000x64xf32, #tpu.memory_space<hbm>> -> memref<1x10000x64xf32, #tpu.memory_space<hbm>>
      %dma_start3A_206 = tpu.memref_squeeze %dma_start3A_205 : memref<1x10000x64xf32, #tpu.memory_space<hbm>> -> memref<10000x64xf32, #tpu.memory_space<hbm>>
      %dma_start3A_207 = arith.constant 0 : i32
      %dma_start3A_208 = arith.constant 0 : i32
      %dma_start3A_209 = tpu.memref_slice %dma_start3A_206[%dma_start3A_207, %dma_start3A_208] : memref<10000x64xf32, #tpu.memory_space<hbm>> -> memref<10000x64xf32, #tpu.memory_space<hbm>>
      tpu.enqueue_indirect_dma source(%dma_start3A_209 : memref<10000x64xf32, #tpu.memory_space<hbm>>) target(%arg18 : memref<80x64xf32, #tpu.memory_space<vmem>>) offsets(%dma_start3A_202 : memref<80xi32, #tpu.memory_space<vmem>>) semaphore(%arg28 : memref<!tpu.dma_semaphore, #tpu.memory_space<semaphore_mem>>)
      %dma_start3A_210 = arith.constant 9 : i32
      %dma_start3A_211 = arith.constant 0 : i32
      %dma_start3A_212 = tpu.memref_slice %arg6[%rem3A_72, %dma_start3A_210, %dma_start3A_211] : memref<2x100x80xi32, #tpu.memory_space<vmem>> -> memref<1x1x80xi32, #tpu.memory_space<vmem>>
      %dma_start3A_213 = tpu.memref_squeeze %dma_start3A_212 : memref<1x1x80xi32, #tpu.memory_space<vmem>> -> memref<80xi32, #tpu.memory_space<vmem>>
      %dma_start3A_214 = arith.constant 0 : i32
      %dma_start3A_215 = arith.constant 0 : i32
      %dma_start3A_216 = tpu.memref_slice %arg2[%arg0, %dma_start3A_214, %dma_start3A_215] : memref<2x10000x64xf32, #tpu.memory_space<hbm>> -> memref<1x10000x64xf32, #tpu.memory_space<hbm>>
      %dma_start3A_217 = tpu.memref_squeeze %dma_start3A_216 : memref<1x10000x64xf32, #tpu.memory_space<hbm>> -> memref<10000x64xf32, #tpu.memory_space<hbm>>
      %dma_start3A_218 = arith.constant 0 : i32
      %dma_start3A_219 = arith.constant 0 : i32
      %dma_start3A_220 = tpu.memref_slice %dma_start3A_217[%dma_start3A_218, %dma_start3A_219] : memref<10000x64xf32, #tpu.memory_space<hbm>> -> memref<10000x64xf32, #tpu.memory_space<hbm>>
      tpu.enqueue_indirect_dma source(%dma_start3A_220 : memref<10000x64xf32, #tpu.memory_space<hbm>>) target(%arg19 : memref<80x64xf32, #tpu.memory_space<vmem>>) offsets(%dma_start3A_213 : memref<80xi32, #tpu.memory_space<vmem>>) semaphore(%arg29 : memref<!tpu.dma_semaphore, #tpu.memory_space<semaphore_mem>>)
      %scan3A_221 = arith.constant 0 : i32
      %scan3A_222 = arith.constant 10 : i32
      %scan3A_223 = arith.addi %scan3A_221, %scan3A_222 : i32
      %scan3A_224 = arith.constant 1 : i32
      scf.for %scan3A_226 = %scan3A_221 to %scan3A_223 step %scan3A_224  : i32 {
        %mul3A_227 = arith.constant 1 : i32
        %mul3A_228 = arith.muli %scan3A_226, %mul3A_227 : i32
        %add3A_229 = arith.constant 0 : i32
        %add3A_230 = arith.addi %add3A_229, %mul3A_228 : i32
        %mul3A_231 = arith.constant 10 : i32
        %mul3A_232 = arith.muli %add3A_230, %mul3A_231 : i32
        %dma_wait3A_233 = arith.constant 0 : i32
        %dma_wait3A_234 = arith.constant 0 : i32
        %dma_wait3A_235 = arith.constant 0 : i32
        %dma_wait3A_236 = tpu.memref_slice %arg6[%dma_wait3A_233, %dma_wait3A_234, %dma_wait3A_235] : memref<2x100x80xi32, #tpu.memory_space<vmem>> -> memref<1x1x80xi32, #tpu.memory_space<vmem>>
        %dma_wait3A_237 = tpu.memref_squeeze %dma_wait3A_236 : memref<1x1x80xi32, #tpu.memory_space<vmem>> -> memref<80xi32, #tpu.memory_space<vmem>>
        %dma_wait3A_238 = arith.constant 0 : i32
        %dma_wait3A_239 = arith.constant 0 : i32
        %dma_wait3A_240 = tpu.memref_slice %arg2[%arg0, %dma_wait3A_238, %dma_wait3A_239] : memref<2x10000x64xf32, #tpu.memory_space<hbm>> -> memref<1x10000x64xf32, #tpu.memory_space<hbm>>
        %dma_wait3A_241 = tpu.memref_squeeze %dma_wait3A_240 : memref<1x10000x64xf32, #tpu.memory_space<hbm>> -> memref<10000x64xf32, #tpu.memory_space<hbm>>
        %dma_wait3A_242 = arith.constant 0 : i32
        %dma_wait3A_243 = arith.constant 0 : i32
        %dma_wait3A_244 = tpu.memref_slice %dma_wait3A_241[%dma_wait3A_242, %dma_wait3A_243] : memref<10000x64xf32, #tpu.memory_space<hbm>> -> memref<10000x64xf32, #tpu.memory_space<hbm>>
        tpu.wait_indirect_dma semaphore(%arg20 : memref<!tpu.dma_semaphore, #tpu.memory_space<semaphore_mem>>) src(%dma_wait3A_244 : memref<10000x64xf32, #tpu.memory_space<hbm>>) dst(%arg10 : memref<80x64xf32, #tpu.memory_space<vmem>>)
        %add3A_245 = arith.constant 0 : i32
        %add3A_246 = arith.addi %mul3A_232, %add3A_245 : i32
        %dma_start3A_247 = arith.constant 0 : i32
        %dma_start3A_248 = tpu.memref_slice %arg7[%rem3A_72, %add3A_246, %dma_start3A_247] : memref<2x100x80xi32, #tpu.memory_space<vmem>> -> memref<1x1x80xi32, #tpu.memory_space<vmem>>
        %dma_start3A_249 = tpu.memref_squeeze %dma_start3A_248 : memref<1x1x80xi32, #tpu.memory_space<vmem>> -> memref<80xi32, #tpu.memory_space<vmem>>
        %dma_start3A_250 = arith.constant 0 : i32
        %dma_start3A_251 = arith.constant 0 : i32
        %dma_start3A_252 = tpu.memref_slice %arg8[%dma_start3A_250, %dma_start3A_251] : memref<10000x64xf32, #tpu.memory_space<vmem_shared>> -> memref<10000x64xf32, #tpu.memory_space<vmem_shared>>
        tpu.enqueue_indirect_dma source(%arg10 : memref<80x64xf32, #tpu.memory_space<vmem>>) target(%dma_start3A_252 : memref<10000x64xf32, #tpu.memory_space<vmem_shared>>) offsets(%dma_start3A_249 : memref<80xi32, #tpu.memory_space<vmem>>) semaphore(%arg30 : memref<!tpu.dma_semaphore, #tpu.memory_space<semaphore_mem>>) {add = true}
        %dma_wait3A_253 = arith.constant 0 : i32
        %dma_wait3A_254 = arith.constant 0 : i32
        %dma_wait3A_255 = arith.constant 0 : i32
        %dma_wait3A_256 = tpu.memref_slice %arg6[%dma_wait3A_253, %dma_wait3A_254, %dma_wait3A_255] : memref<2x100x80xi32, #tpu.memory_space<vmem>> -> memref<1x1x80xi32, #tpu.memory_space<vmem>>
        %dma_wait3A_257 = tpu.memref_squeeze %dma_wait3A_256 : memref<1x1x80xi32, #tpu.memory_space<vmem>> -> memref<80xi32, #tpu.memory_space<vmem>>
        %dma_wait3A_258 = arith.constant 0 : i32
        %dma_wait3A_259 = arith.constant 0 : i32
        %dma_wait3A_260 = tpu.memref_slice %arg2[%arg0, %dma_wait3A_258, %dma_wait3A_259] : memref<2x10000x64xf32, #tpu.memory_space<hbm>> -> memref<1x10000x64xf32, #tpu.memory_space<hbm>>
        %dma_wait3A_261 = tpu.memref_squeeze %dma_wait3A_260 : memref<1x10000x64xf32, #tpu.memory_space<hbm>> -> memref<10000x64xf32, #tpu.memory_space<hbm>>
        %dma_wait3A_262 = arith.constant 0 : i32
        %dma_wait3A_263 = arith.constant 0 : i32
        %dma_wait3A_264 = tpu.memref_slice %dma_wait3A_261[%dma_wait3A_262, %dma_wait3A_263] : memref<10000x64xf32, #tpu.memory_space<hbm>> -> memref<10000x64xf32, #tpu.memory_space<hbm>>
        tpu.wait_indirect_dma semaphore(%arg21 : memref<!tpu.dma_semaphore, #tpu.memory_space<semaphore_mem>>) src(%dma_wait3A_264 : memref<10000x64xf32, #tpu.memory_space<hbm>>) dst(%arg11 : memref<80x64xf32, #tpu.memory_space<vmem>>)
        %add3A_265 = arith.constant 1 : i32
        %add3A_266 = arith.addi %mul3A_232, %add3A_265 : i32
        %dma_start3A_267 = arith.constant 0 : i32
        %dma_start3A_268 = tpu.memref_slice %arg7[%rem3A_72, %add3A_266, %dma_start3A_267] : memref<2x100x80xi32, #tpu.memory_space<vmem>> -> memref<1x1x80xi32, #tpu.memory_space<vmem>>
        %dma_start3A_269 = tpu.memref_squeeze %dma_start3A_268 : memref<1x1x80xi32, #tpu.memory_space<vmem>> -> memref<80xi32, #tpu.memory_space<vmem>>
        %dma_start3A_270 = arith.constant 0 : i32
        %dma_start3A_271 = arith.constant 0 : i32
        %dma_start3A_272 = tpu.memref_slice %arg8[%dma_start3A_270, %dma_start3A_271] : memref<10000x64xf32, #tpu.memory_space<vmem_shared>> -> memref<10000x64xf32, #tpu.memory_space<vmem_shared>>
        tpu.enqueue_indirect_dma source(%arg11 : memref<80x64xf32, #tpu.memory_space<vmem>>) target(%dma_start3A_272 : memref<10000x64xf32, #tpu.memory_space<vmem_shared>>) offsets(%dma_start3A_269 : memref<80xi32, #tpu.memory_space<vmem>>) semaphore(%arg31 : memref<!tpu.dma_semaphore, #tpu.memory_space<semaphore_mem>>) {add = true}
        %dma_wait3A_273 = arith.constant 0 : i32
        %dma_wait3A_274 = arith.constant 0 : i32
        %dma_wait3A_275 = arith.constant 0 : i32
        %dma_wait3A_276 = tpu.memref_slice %arg6[%dma_wait3A_273, %dma_wait3A_274, %dma_wait3A_275] : memref<2x100x80xi32, #tpu.memory_space<vmem>> -> memref<1x1x80xi32, #tpu.memory_space<vmem>>
        %dma_wait3A_277 = tpu.memref_squeeze %dma_wait3A_276 : memref<1x1x80xi32, #tpu.memory_space<vmem>> -> memref<80xi32, #tpu.memory_space<vmem>>
        %dma_wait3A_278 = arith.constant 0 : i32
        %dma_wait3A_279 = arith.constant 0 : i32
        %dma_wait3A_280 = tpu.memref_slice %arg2[%arg0, %dma_wait3A_278, %dma_wait3A_279] : memref<2x10000x64xf32, #tpu.memory_space<hbm>> -> memref<1x10000x64xf32, #tpu.memory_space<hbm>>
        %dma_wait3A_281 = tpu.memref_squeeze %dma_wait3A_280 : memref<1x10000x64xf32, #tpu.memory_space<hbm>> -> memref<10000x64xf32, #tpu.memory_space<hbm>>
        %dma_wait3A_282 = arith.constant 0 : i32
        %dma_wait3A_283 = arith.constant 0 : i32
        %dma_wait3A_284 = tpu.memref_slice %dma_wait3A_281[%dma_wait3A_282, %dma_wait3A_283] : memref<10000x64xf32, #tpu.memory_space<hbm>> -> memref<10000x64xf32, #tpu.memory_space<hbm>>
        tpu.wait_indirect_dma semaphore(%arg22 : memref<!tpu.dma_semaphore, #tpu.memory_space<semaphore_mem>>) src(%dma_wait3A_284 : memref<10000x64xf32, #tpu.memory_space<hbm>>) dst(%arg12 : memref<80x64xf32, #tpu.memory_space<vmem>>)
        %add3A_285 = arith.constant 2 : i32
        %add3A_286 = arith.addi %mul3A_232, %add3A_285 : i32
        %dma_start3A_287 = arith.constant 0 : i32
        %dma_start3A_288 = tpu.memref_slice %arg7[%rem3A_72, %add3A_286, %dma_start3A_287] : memref<2x100x80xi32, #tpu.memory_space<vmem>> -> memref<1x1x80xi32, #tpu.memory_space<vmem>>
        %dma_start3A_289 = tpu.memref_squeeze %dma_start3A_288 : memref<1x1x80xi32, #tpu.memory_space<vmem>> -> memref<80xi32, #tpu.memory_space<vmem>>
        %dma_start3A_290 = arith.constant 0 : i32
        %dma_start3A_291 = arith.constant 0 : i32
        %dma_start3A_292 = tpu.memref_slice %arg8[%dma_start3A_290, %dma_start3A_291] : memref<10000x64xf32, #tpu.memory_space<vmem_shared>> -> memref<10000x64xf32, #tpu.memory_space<vmem_shared>>
        tpu.enqueue_indirect_dma source(%arg12 : memref<80x64xf32, #tpu.memory_space<vmem>>) target(%dma_start3A_292 : memref<10000x64xf32, #tpu.memory_space<vmem_shared>>) offsets(%dma_start3A_289 : memref<80xi32, #tpu.memory_space<vmem>>) semaphore(%arg32 : memref<!tpu.dma_semaphore, #tpu.memory_space<semaphore_mem>>) {add = true}
        %dma_wait3A_293 = arith.constant 0 : i32
        %dma_wait3A_294 = arith.constant 0 : i32
        %dma_wait3A_295 = arith.constant 0 : i32
        %dma_wait3A_296 = tpu.memref_slice %arg6[%dma_wait3A_293, %dma_wait3A_294, %dma_wait3A_295] : memref<2x100x80xi32, #tpu.memory_space<vmem>> -> memref<1x1x80xi32, #tpu.memory_space<vmem>>
        %dma_wait3A_297 = tpu.memref_squeeze %dma_wait3A_296 : memref<1x1x80xi32, #tpu.memory_space<vmem>> -> memref<80xi32, #tpu.memory_space<vmem>>
        %dma_wait3A_298 = arith.constant 0 : i32
        %dma_wait3A_299 = arith.constant 0 : i32
        %dma_wait3A_300 = tpu.memref_slice %arg2[%arg0, %dma_wait3A_298, %dma_wait3A_299] : memref<2x10000x64xf32, #tpu.memory_space<hbm>> -> memref<1x10000x64xf32, #tpu.memory_space<hbm>>
        %dma_wait3A_301 = tpu.memref_squeeze %dma_wait3A_300 : memref<1x10000x64xf32, #tpu.memory_space<hbm>> -> memref<10000x64xf32, #tpu.memory_space<hbm>>
        %dma_wait3A_302 = arith.constant 0 : i32
        %dma_wait3A_303 = arith.constant 0 : i32
        %dma_wait3A_304 = tpu.memref_slice %dma_wait3A_301[%dma_wait3A_302, %dma_wait3A_303] : memref<10000x64xf32, #tpu.memory_space<hbm>> -> memref<10000x64xf32, #tpu.memory_space<hbm>>
        tpu.wait_indirect_dma semaphore(%arg23 : memref<!tpu.dma_semaphore, #tpu.memory_space<semaphore_mem>>) src(%dma_wait3A_304 : memref<10000x64xf32, #tpu.memory_space<hbm>>) dst(%arg13 : memref<80x64xf32, #tpu.memory_space<vmem>>)
        %add3A_305 = arith.constant 3 : i32
        %add3A_306 = arith.addi %mul3A_232, %add3A_305 : i32
        %dma_start3A_307 = arith.constant 0 : i32
        %dma_start3A_308 = tpu.memref_slice %arg7[%rem3A_72, %add3A_306, %dma_start3A_307] : memref<2x100x80xi32, #tpu.memory_space<vmem>> -> memref<1x1x80xi32, #tpu.memory_space<vmem>>
        %dma_start3A_309 = tpu.memref_squeeze %dma_start3A_308 : memref<1x1x80xi32, #tpu.memory_space<vmem>> -> memref<80xi32, #tpu.memory_space<vmem>>
        %dma_start3A_310 = arith.constant 0 : i32
        %dma_start3A_311 = arith.constant 0 : i32
        %dma_start3A_312 = tpu.memref_slice %arg8[%dma_start3A_310, %dma_start3A_311] : memref<10000x64xf32, #tpu.memory_space<vmem_shared>> -> memref<10000x64xf32, #tpu.memory_space<vmem_shared>>
        tpu.enqueue_indirect_dma source(%arg13 : memref<80x64xf32, #tpu.memory_space<vmem>>) target(%dma_start3A_312 : memref<10000x64xf32, #tpu.memory_space<vmem_shared>>) offsets(%dma_start3A_309 : memref<80xi32, #tpu.memory_space<vmem>>) semaphore(%arg33 : memref<!tpu.dma_semaphore, #tpu.memory_space<semaphore_mem>>) {add = true}
        %dma_wait3A_313 = arith.constant 0 : i32
        %dma_wait3A_314 = arith.constant 0 : i32
        %dma_wait3A_315 = arith.constant 0 : i32
        %dma_wait3A_316 = tpu.memref_slice %arg6[%dma_wait3A_313, %dma_wait3A_314, %dma_wait3A_315] : memref<2x100x80xi32, #tpu.memory_space<vmem>> -> memref<1x1x80xi32, #tpu.memory_space<vmem>>
        %dma_wait3A_317 = tpu.memref_squeeze %dma_wait3A_316 : memref<1x1x80xi32, #tpu.memory_space<vmem>> -> memref<80xi32, #tpu.memory_space<vmem>>
        %dma_wait3A_318 = arith.constant 0 : i32
        %dma_wait3A_319 = arith.constant 0 : i32
        %dma_wait3A_320 = tpu.memref_slice %arg2[%arg0, %dma_wait3A_318, %dma_wait3A_319] : memref<2x10000x64xf32, #tpu.memory_space<hbm>> -> memref<1x10000x64xf32, #tpu.memory_space<hbm>>
        %dma_wait3A_321 = tpu.memref_squeeze %dma_wait3A_320 : memref<1x10000x64xf32, #tpu.memory_space<hbm>> -> memref<10000x64xf32, #tpu.memory_space<hbm>>
        %dma_wait3A_322 = arith.constant 0 : i32
        %dma_wait3A_323 = arith.constant 0 : i32
        %dma_wait3A_324 = tpu.memref_slice %dma_wait3A_321[%dma_wait3A_322, %dma_wait3A_323] : memref<10000x64xf32, #tpu.memory_space<hbm>> -> memref<10000x64xf32, #tpu.memory_space<hbm>>
        tpu.wait_indirect_dma semaphore(%arg24 : memref<!tpu.dma_semaphore, #tpu.memory_space<semaphore_mem>>) src(%dma_wait3A_324 : memref<10000x64xf32, #tpu.memory_space<hbm>>) dst(%arg14 : memref<80x64xf32, #tpu.memory_space<vmem>>)
        %add3A_325 = arith.constant 4 : i32
        %add3A_326 = arith.addi %mul3A_232, %add3A_325 : i32
        %dma_start3A_327 = arith.constant 0 : i32
        %dma_start3A_328 = tpu.memref_slice %arg7[%rem3A_72, %add3A_326, %dma_start3A_327] : memref<2x100x80xi32, #tpu.memory_space<vmem>> -> memref<1x1x80xi32, #tpu.memory_space<vmem>>
        %dma_start3A_329 = tpu.memref_squeeze %dma_start3A_328 : memref<1x1x80xi32, #tpu.memory_space<vmem>> -> memref<80xi32, #tpu.memory_space<vmem>>
        %dma_start3A_330 = arith.constant 0 : i32
        %dma_start3A_331 = arith.constant 0 : i32
        %dma_start3A_332 = tpu.memref_slice %arg8[%dma_start3A_330, %dma_start3A_331] : memref<10000x64xf32, #tpu.memory_space<vmem_shared>> -> memref<10000x64xf32, #tpu.memory_space<vmem_shared>>
        tpu.enqueue_indirect_dma source(%arg14 : memref<80x64xf32, #tpu.memory_space<vmem>>) target(%dma_start3A_332 : memref<10000x64xf32, #tpu.memory_space<vmem_shared>>) offsets(%dma_start3A_329 : memref<80xi32, #tpu.memory_space<vmem>>) semaphore(%arg34 : memref<!tpu.dma_semaphore, #tpu.memory_space<semaphore_mem>>) {add = true}
        %dma_wait3A_333 = arith.constant 0 : i32
        %dma_wait3A_334 = arith.constant 0 : i32
        %dma_wait3A_335 = arith.constant 0 : i32
        %dma_wait3A_336 = tpu.memref_slice %arg6[%dma_wait3A_333, %dma_wait3A_334, %dma_wait3A_335] : memref<2x100x80xi32, #tpu.memory_space<vmem>> -> memref<1x1x80xi32, #tpu.memory_space<vmem>>
        %dma_wait3A_337 = tpu.memref_squeeze %dma_wait3A_336 : memref<1x1x80xi32, #tpu.memory_space<vmem>> -> memref<80xi32, #tpu.memory_space<vmem>>
        %dma_wait3A_338 = arith.constant 0 : i32
        %dma_wait3A_339 = arith.constant 0 : i32
        %dma_wait3A_340 = tpu.memref_slice %arg2[%arg0, %dma_wait3A_338, %dma_wait3A_339] : memref<2x10000x64xf32, #tpu.memory_space<hbm>> -> memref<1x10000x64xf32, #tpu.memory_space<hbm>>
        %dma_wait3A_341 = tpu.memref_squeeze %dma_wait3A_340 : memref<1x10000x64xf32, #tpu.memory_space<hbm>> -> memref<10000x64xf32, #tpu.memory_space<hbm>>
        %dma_wait3A_342 = arith.constant 0 : i32
        %dma_wait3A_343 = arith.constant 0 : i32
        %dma_wait3A_344 = tpu.memref_slice %dma_wait3A_341[%dma_wait3A_342, %dma_wait3A_343] : memref<10000x64xf32, #tpu.memory_space<hbm>> -> memref<10000x64xf32, #tpu.memory_space<hbm>>
        tpu.wait_indirect_dma semaphore(%arg25 : memref<!tpu.dma_semaphore, #tpu.memory_space<semaphore_mem>>) src(%dma_wait3A_344 : memref<10000x64xf32, #tpu.memory_space<hbm>>) dst(%arg15 : memref<80x64xf32, #tpu.memory_space<vmem>>)
        %add3A_345 = arith.constant 5 : i32
        %add3A_346 = arith.addi %mul3A_232, %add3A_345 : i32
        %dma_start3A_347 = arith.constant 0 : i32
        %dma_start3A_348 = tpu.memref_slice %arg7[%rem3A_72, %add3A_346, %dma_start3A_347] : memref<2x100x80xi32, #tpu.memory_space<vmem>> -> memref<1x1x80xi32, #tpu.memory_space<vmem>>
        %dma_start3A_349 = tpu.memref_squeeze %dma_start3A_348 : memref<1x1x80xi32, #tpu.memory_space<vmem>> -> memref<80xi32, #tpu.memory_space<vmem>>
        %dma_start3A_350 = arith.constant 0 : i32
        %dma_start3A_351 = arith.constant 0 : i32
        %dma_start3A_352 = tpu.memref_slice %arg8[%dma_start3A_350, %dma_start3A_351] : memref<10000x64xf32, #tpu.memory_space<vmem_shared>> -> memref<10000x64xf32, #tpu.memory_space<vmem_shared>>
        tpu.enqueue_indirect_dma source(%arg15 : memref<80x64xf32, #tpu.memory_space<vmem>>) target(%dma_start3A_352 : memref<10000x64xf32, #tpu.memory_space<vmem_shared>>) offsets(%dma_start3A_349 : memref<80xi32, #tpu.memory_space<vmem>>) semaphore(%arg35 : memref<!tpu.dma_semaphore, #tpu.memory_space<semaphore_mem>>) {add = true}
        %dma_wait3A_353 = arith.constant 0 : i32
        %dma_wait3A_354 = arith.constant 0 : i32
        %dma_wait3A_355 = arith.constant 0 : i32
        %dma_wait3A_356 = tpu.memref_slice %arg6[%dma_wait3A_353, %dma_wait3A_354, %dma_wait3A_355] : memref<2x100x80xi32, #tpu.memory_space<vmem>> -> memref<1x1x80xi32, #tpu.memory_space<vmem>>
        %dma_wait3A_357 = tpu.memref_squeeze %dma_wait3A_356 : memref<1x1x80xi32, #tpu.memory_space<vmem>> -> memref<80xi32, #tpu.memory_space<vmem>>
        %dma_wait3A_358 = arith.constant 0 : i32
        %dma_wait3A_359 = arith.constant 0 : i32
        %dma_wait3A_360 = tpu.memref_slice %arg2[%arg0, %dma_wait3A_358, %dma_wait3A_359] : memref<2x10000x64xf32, #tpu.memory_space<hbm>> -> memref<1x10000x64xf32, #tpu.memory_space<hbm>>
        %dma_wait3A_361 = tpu.memref_squeeze %dma_wait3A_360 : memref<1x10000x64xf32, #tpu.memory_space<hbm>> -> memref<10000x64xf32, #tpu.memory_space<hbm>>
        %dma_wait3A_362 = arith.constant 0 : i32
        %dma_wait3A_363 = arith.constant 0 : i32
        %dma_wait3A_364 = tpu.memref_slice %dma_wait3A_361[%dma_wait3A_362, %dma_wait3A_363] : memref<10000x64xf32, #tpu.memory_space<hbm>> -> memref<10000x64xf32, #tpu.memory_space<hbm>>
        tpu.wait_indirect_dma semaphore(%arg26 : memref<!tpu.dma_semaphore, #tpu.memory_space<semaphore_mem>>) src(%dma_wait3A_364 : memref<10000x64xf32, #tpu.memory_space<hbm>>) dst(%arg16 : memref<80x64xf32, #tpu.memory_space<vmem>>)
        %add3A_365 = arith.constant 6 : i32
        %add3A_366 = arith.addi %mul3A_232, %add3A_365 : i32
        %dma_start3A_367 = arith.constant 0 : i32
        %dma_start3A_368 = tpu.memref_slice %arg7[%rem3A_72, %add3A_366, %dma_start3A_367] : memref<2x100x80xi32, #tpu.memory_space<vmem>> -> memref<1x1x80xi32, #tpu.memory_space<vmem>>
        %dma_start3A_369 = tpu.memref_squeeze %dma_start3A_368 : memref<1x1x80xi32, #tpu.memory_space<vmem>> -> memref<80xi32, #tpu.memory_space<vmem>>
        %dma_start3A_370 = arith.constant 0 : i32
        %dma_start3A_371 = arith.constant 0 : i32
        %dma_start3A_372 = tpu.memref_slice %arg8[%dma_start3A_370, %dma_start3A_371] : memref<10000x64xf32, #tpu.memory_space<vmem_shared>> -> memref<10000x64xf32, #tpu.memory_space<vmem_shared>>
        tpu.enqueue_indirect_dma source(%arg16 : memref<80x64xf32, #tpu.memory_space<vmem>>) target(%dma_start3A_372 : memref<10000x64xf32, #tpu.memory_space<vmem_shared>>) offsets(%dma_start3A_369 : memref<80xi32, #tpu.memory_space<vmem>>) semaphore(%arg36 : memref<!tpu.dma_semaphore, #tpu.memory_space<semaphore_mem>>) {add = true}
        %dma_wait3A_373 = arith.constant 0 : i32
        %dma_wait3A_374 = arith.constant 0 : i32
        %dma_wait3A_375 = arith.constant 0 : i32
        %dma_wait3A_376 = tpu.memref_slice %arg6[%dma_wait3A_373, %dma_wait3A_374, %dma_wait3A_375] : memref<2x100x80xi32, #tpu.memory_space<vmem>> -> memref<1x1x80xi32, #tpu.memory_space<vmem>>
        %dma_wait3A_377 = tpu.memref_squeeze %dma_wait3A_376 : memref<1x1x80xi32, #tpu.memory_space<vmem>> -> memref<80xi32, #tpu.memory_space<vmem>>
        %dma_wait3A_378 = arith.constant 0 : i32
        %dma_wait3A_379 = arith.constant 0 : i32
        %dma_wait3A_380 = tpu.memref_slice %arg2[%arg0, %dma_wait3A_378, %dma_wait3A_379] : memref<2x10000x64xf32, #tpu.memory_space<hbm>> -> memref<1x10000x64xf32, #tpu.memory_space<hbm>>
        %dma_wait3A_381 = tpu.memref_squeeze %dma_wait3A_380 : memref<1x10000x64xf32, #tpu.memory_space<hbm>> -> memref<10000x64xf32, #tpu.memory_space<hbm>>
        %dma_wait3A_382 = arith.constant 0 : i32
        %dma_wait3A_383 = arith.constant 0 : i32
        %dma_wait3A_384 = tpu.memref_slice %dma_wait3A_381[%dma_wait3A_382, %dma_wait3A_383] : memref<10000x64xf32, #tpu.memory_space<hbm>> -> memref<10000x64xf32, #tpu.memory_space<hbm>>
        tpu.wait_indirect_dma semaphore(%arg27 : memref<!tpu.dma_semaphore, #tpu.memory_space<semaphore_mem>>) src(%dma_wait3A_384 : memref<10000x64xf32, #tpu.memory_space<hbm>>) dst(%arg17 : memref<80x64xf32, #tpu.memory_space<vmem>>)
        %add3A_385 = arith.constant 7 : i32
        %add3A_386 = arith.addi %mul3A_232, %add3A_385 : i32
        %dma_start3A_387 = arith.constant 0 : i32
        %dma_start3A_388 = tpu.memref_slice %arg7[%rem3A_72, %add3A_386, %dma_start3A_387] : memref<2x100x80xi32, #tpu.memory_space<vmem>> -> memref<1x1x80xi32, #tpu.memory_space<vmem>>
        %dma_start3A_389 = tpu.memref_squeeze %dma_start3A_388 : memref<1x1x80xi32, #tpu.memory_space<vmem>> -> memref<80xi32, #tpu.memory_space<vmem>>
        %dma_start3A_390 = arith.constant 0 : i32
        %dma_start3A_391 = arith.constant 0 : i32
        %dma_start3A_392 = tpu.memref_slice %arg8[%dma_start3A_390, %dma_start3A_391] : memref<10000x64xf32, #tpu.memory_space<vmem_shared>> -> memref<10000x64xf32, #tpu.memory_space<vmem_shared>>
        tpu.enqueue_indirect_dma source(%arg17 : memref<80x64xf32, #tpu.memory_space<vmem>>) target(%dma_start3A_392 : memref<10000x64xf32, #tpu.memory_space<vmem_shared>>) offsets(%dma_start3A_389 : memref<80xi32, #tpu.memory_space<vmem>>) semaphore(%arg37 : memref<!tpu.dma_semaphore, #tpu.memory_space<semaphore_mem>>) {add = true}
        %dma_wait3A_393 = arith.constant 0 : i32
        %dma_wait3A_394 = arith.constant 0 : i32
        %dma_wait3A_395 = arith.constant 0 : i32
        %dma_wait3A_396 = tpu.memref_slice %arg6[%dma_wait3A_393, %dma_wait3A_394, %dma_wait3A_395] : memref<2x100x80xi32, #tpu.memory_space<vmem>> -> memref<1x1x80xi32, #tpu.memory_space<vmem>>
        %dma_wait3A_397 = tpu.memref_squeeze %dma_wait3A_396 : memref<1x1x80xi32, #tpu.memory_space<vmem>> -> memref<80xi32, #tpu.memory_space<vmem>>
        %dma_wait3A_398 = arith.constant 0 : i32
        %dma_wait3A_399 = arith.constant 0 : i32
        %dma_wait3A_400 = tpu.memref_slice %arg2[%arg0, %dma_wait3A_398, %dma_wait3A_399] : memref<2x10000x64xf32, #tpu.memory_space<hbm>> -> memref<1x10000x64xf32, #tpu.memory_space<hbm>>
        %dma_wait3A_401 = tpu.memref_squeeze %dma_wait3A_400 : memref<1x10000x64xf32, #tpu.memory_space<hbm>> -> memref<10000x64xf32, #tpu.memory_space<hbm>>
        %dma_wait3A_402 = arith.constant 0 : i32
        %dma_wait3A_403 = arith.constant 0 : i32
        %dma_wait3A_404 = tpu.memref_slice %dma_wait3A_401[%dma_wait3A_402, %dma_wait3A_403] : memref<10000x64xf32, #tpu.memory_space<hbm>> -> memref<10000x64xf32, #tpu.memory_space<hbm>>
        tpu.wait_indirect_dma semaphore(%arg28 : memref<!tpu.dma_semaphore, #tpu.memory_space<semaphore_mem>>) src(%dma_wait3A_404 : memref<10000x64xf32, #tpu.memory_space<hbm>>) dst(%arg18 : memref<80x64xf32, #tpu.memory_space<vmem>>)
        %add3A_405 = arith.constant 8 : i32
        %add3A_406 = arith.addi %mul3A_232, %add3A_405 : i32
        %dma_start3A_407 = arith.constant 0 : i32
        %dma_start3A_408 = tpu.memref_slice %arg7[%rem3A_72, %add3A_406, %dma_start3A_407] : memref<2x100x80xi32, #tpu.memory_space<vmem>> -> memref<1x1x80xi32, #tpu.memory_space<vmem>>
        %dma_start3A_409 = tpu.memref_squeeze %dma_start3A_408 : memref<1x1x80xi32, #tpu.memory_space<vmem>> -> memref<80xi32, #tpu.memory_space<vmem>>
        %dma_start3A_410 = arith.constant 0 : i32
        %dma_start3A_411 = arith.constant 0 : i32
        %dma_start3A_412 = tpu.memref_slice %arg8[%dma_start3A_410, %dma_start3A_411] : memref<10000x64xf32, #tpu.memory_space<vmem_shared>> -> memref<10000x64xf32, #tpu.memory_space<vmem_shared>>
        tpu.enqueue_indirect_dma source(%arg18 : memref<80x64xf32, #tpu.memory_space<vmem>>) target(%dma_start3A_412 : memref<10000x64xf32, #tpu.memory_space<vmem_shared>>) offsets(%dma_start3A_409 : memref<80xi32, #tpu.memory_space<vmem>>) semaphore(%arg38 : memref<!tpu.dma_semaphore, #tpu.memory_space<semaphore_mem>>) {add = true}
        %dma_wait3A_413 = arith.constant 0 : i32
        %dma_wait3A_414 = arith.constant 0 : i32
        %dma_wait3A_415 = arith.constant 0 : i32
        %dma_wait3A_416 = tpu.memref_slice %arg6[%dma_wait3A_413, %dma_wait3A_414, %dma_wait3A_415] : memref<2x100x80xi32, #tpu.memory_space<vmem>> -> memref<1x1x80xi32, #tpu.memory_space<vmem>>
        %dma_wait3A_417 = tpu.memref_squeeze %dma_wait3A_416 : memref<1x1x80xi32, #tpu.memory_space<vmem>> -> memref<80xi32, #tpu.memory_space<vmem>>
        %dma_wait3A_418 = arith.constant 0 : i32
        %dma_wait3A_419 = arith.constant 0 : i32
        %dma_wait3A_420 = tpu.memref_slice %arg2[%arg0, %dma_wait3A_418, %dma_wait3A_419] : memref<2x10000x64xf32, #tpu.memory_space<hbm>> -> memref<1x10000x64xf32, #tpu.memory_space<hbm>>
        %dma_wait3A_421 = tpu.memref_squeeze %dma_wait3A_420 : memref<1x10000x64xf32, #tpu.memory_space<hbm>> -> memref<10000x64xf32, #tpu.memory_space<hbm>>
        %dma_wait3A_422 = arith.constant 0 : i32
        %dma_wait3A_423 = arith.constant 0 : i32
        %dma_wait3A_424 = tpu.memref_slice %dma_wait3A_421[%dma_wait3A_422, %dma_wait3A_423] : memref<10000x64xf32, #tpu.memory_space<hbm>> -> memref<10000x64xf32, #tpu.memory_space<hbm>>
        tpu.wait_indirect_dma semaphore(%arg29 : memref<!tpu.dma_semaphore, #tpu.memory_space<semaphore_mem>>) src(%dma_wait3A_424 : memref<10000x64xf32, #tpu.memory_space<hbm>>) dst(%arg19 : memref<80x64xf32, #tpu.memory_space<vmem>>)
        %add3A_425 = arith.constant 9 : i32
        %add3A_426 = arith.addi %mul3A_232, %add3A_425 : i32
        %dma_start3A_427 = arith.constant 0 : i32
        %dma_start3A_428 = tpu.memref_slice %arg7[%rem3A_72, %add3A_426, %dma_start3A_427] : memref<2x100x80xi32, #tpu.memory_space<vmem>> -> memref<1x1x80xi32, #tpu.memory_space<vmem>>
        %dma_start3A_429 = tpu.memref_squeeze %dma_start3A_428 : memref<1x1x80xi32, #tpu.memory_space<vmem>> -> memref<80xi32, #tpu.memory_space<vmem>>
        %dma_start3A_430 = arith.constant 0 : i32
        %dma_start3A_431 = arith.constant 0 : i32
        %dma_start3A_432 = tpu.memref_slice %arg8[%dma_start3A_430, %dma_start3A_431] : memref<10000x64xf32, #tpu.memory_space<vmem_shared>> -> memref<10000x64xf32, #tpu.memory_space<vmem_shared>>
        tpu.enqueue_indirect_dma source(%arg19 : memref<80x64xf32, #tpu.memory_space<vmem>>) target(%dma_start3A_432 : memref<10000x64xf32, #tpu.memory_space<vmem_shared>>) offsets(%dma_start3A_429 : memref<80xi32, #tpu.memory_space<vmem>>) semaphore(%arg39 : memref<!tpu.dma_semaphore, #tpu.memory_space<semaphore_mem>>) {add = true}
        %dma_wait3A_433 = arith.constant 0 : i32
        %dma_wait3A_434 = arith.constant 0 : i32
        %dma_wait3A_435 = arith.constant 0 : i32
        %dma_wait3A_436 = tpu.memref_slice %arg7[%dma_wait3A_433, %dma_wait3A_434, %dma_wait3A_435] : memref<2x100x80xi32, #tpu.memory_space<vmem>> -> memref<1x1x80xi32, #tpu.memory_space<vmem>>
        %dma_wait3A_437 = tpu.memref_squeeze %dma_wait3A_436 : memref<1x1x80xi32, #tpu.memory_space<vmem>> -> memref<80xi32, #tpu.memory_space<vmem>>
        %dma_wait3A_438 = arith.constant 0 : i32
        %dma_wait3A_439 = arith.constant 0 : i32
        %dma_wait3A_440 = tpu.memref_slice %arg8[%dma_wait3A_438, %dma_wait3A_439] : memref<10000x64xf32, #tpu.memory_space<vmem_shared>> -> memref<10000x64xf32, #tpu.memory_space<vmem_shared>>
        tpu.wait_indirect_dma semaphore(%arg30 : memref<!tpu.dma_semaphore, #tpu.memory_space<semaphore_mem>>) src(%arg10 : memref<80x64xf32, #tpu.memory_space<vmem>>) dst(%dma_wait3A_440 : memref<10000x64xf32, #tpu.memory_space<vmem_shared>>)
        %add3A_441 = arith.constant 1 : i32
        %add3A_442 = arith.addi %add3A_230, %add3A_441 : i32
        %lt3A_443 = arith.constant 10 : i32
        %lt3A_444 = arith.cmpi slt, %add3A_442, %lt3A_443 : i32
        %convert_element_type3A_445 = arith.extui %lt3A_444 : i1 to i32
        %cond3A_446 = arith.constant 0 : i32
        %cond3A_447 = arith.cmpi ne, %convert_element_type3A_445, %cond3A_446 : i32
        scf.if %cond3A_447 {
          %add3A_583 = arith.constant 10 : i32
          %add3A_584 = arith.addi %mul3A_232, %add3A_583 : i32
          %add3A_585 = arith.constant 0 : i32
          %add3A_586 = arith.addi %add3A_584, %add3A_585 : i32
          %dma_start3A_587 = arith.constant 0 : i32
          %dma_start3A_588 = tpu.memref_slice %arg6[%rem3A_72, %add3A_586, %dma_start3A_587] : memref<2x100x80xi32, #tpu.memory_space<vmem>> -> memref<1x1x80xi32, #tpu.memory_space<vmem>>
          %dma_start3A_589 = tpu.memref_squeeze %dma_start3A_588 : memref<1x1x80xi32, #tpu.memory_space<vmem>> -> memref<80xi32, #tpu.memory_space<vmem>>
          %dma_start3A_590 = arith.constant 0 : i32
          %dma_start3A_591 = arith.constant 0 : i32
          %dma_start3A_592 = tpu.memref_slice %arg2[%arg0, %dma_start3A_590, %dma_start3A_591] : memref<2x10000x64xf32, #tpu.memory_space<hbm>> -> memref<1x10000x64xf32, #tpu.memory_space<hbm>>
          %dma_start3A_593 = tpu.memref_squeeze %dma_start3A_592 : memref<1x10000x64xf32, #tpu.memory_space<hbm>> -> memref<10000x64xf32, #tpu.memory_space<hbm>>
          %dma_start3A_594 = arith.constant 0 : i32
          %dma_start3A_595 = arith.constant 0 : i32
          %dma_start3A_596 = tpu.memref_slice %dma_start3A_593[%dma_start3A_594, %dma_start3A_595] : memref<10000x64xf32, #tpu.memory_space<hbm>> -> memref<10000x64xf32, #tpu.memory_space<hbm>>
          tpu.enqueue_indirect_dma source(%dma_start3A_596 : memref<10000x64xf32, #tpu.memory_space<hbm>>) target(%arg10 : memref<80x64xf32, #tpu.memory_space<vmem>>) offsets(%dma_start3A_589 : memref<80xi32, #tpu.memory_space<vmem>>) semaphore(%arg20 : memref<!tpu.dma_semaphore, #tpu.memory_space<semaphore_mem>>)
        } else {
        }
        %dma_wait3A_448 = arith.constant 0 : i32
        %dma_wait3A_449 = arith.constant 0 : i32
        %dma_wait3A_450 = arith.constant 0 : i32
        %dma_wait3A_451 = tpu.memref_slice %arg7[%dma_wait3A_448, %dma_wait3A_449, %dma_wait3A_450] : memref<2x100x80xi32, #tpu.memory_space<vmem>> -> memref<1x1x80xi32, #tpu.memory_space<vmem>>
        %dma_wait3A_452 = tpu.memref_squeeze %dma_wait3A_451 : memref<1x1x80xi32, #tpu.memory_space<vmem>> -> memref<80xi32, #tpu.memory_space<vmem>>
        %dma_wait3A_453 = arith.constant 0 : i32
        %dma_wait3A_454 = arith.constant 0 : i32
        %dma_wait3A_455 = tpu.memref_slice %arg8[%dma_wait3A_453, %dma_wait3A_454] : memref<10000x64xf32, #tpu.memory_space<vmem_shared>> -> memref<10000x64xf32, #tpu.memory_space<vmem_shared>>
        tpu.wait_indirect_dma semaphore(%arg31 : memref<!tpu.dma_semaphore, #tpu.memory_space<semaphore_mem>>) src(%arg11 : memref<80x64xf32, #tpu.memory_space<vmem>>) dst(%dma_wait3A_455 : memref<10000x64xf32, #tpu.memory_space<vmem_shared>>)
        %add3A_456 = arith.constant 1 : i32
        %add3A_457 = arith.addi %add3A_230, %add3A_456 : i32
        %lt3A_458 = arith.constant 10 : i32
        %lt3A_459 = arith.cmpi slt, %add3A_457, %lt3A_458 : i32
        %convert_element_type3A_460 = arith.extui %lt3A_459 : i1 to i32
        %cond3A_461 = arith.constant 0 : i32
        %cond3A_462 = arith.cmpi ne, %convert_element_type3A_460, %cond3A_461 : i32
        scf.if %cond3A_462 {
          %add3A_583 = arith.constant 10 : i32
          %add3A_584 = arith.addi %mul3A_232, %add3A_583 : i32
          %add3A_585 = arith.constant 1 : i32
          %add3A_586 = arith.addi %add3A_584, %add3A_585 : i32
          %dma_start3A_587 = arith.constant 0 : i32
          %dma_start3A_588 = tpu.memref_slice %arg6[%rem3A_72, %add3A_586, %dma_start3A_587] : memref<2x100x80xi32, #tpu.memory_space<vmem>> -> memref<1x1x80xi32, #tpu.memory_space<vmem>>
          %dma_start3A_589 = tpu.memref_squeeze %dma_start3A_588 : memref<1x1x80xi32, #tpu.memory_space<vmem>> -> memref<80xi32, #tpu.memory_space<vmem>>
          %dma_start3A_590 = arith.constant 0 : i32
          %dma_start3A_591 = arith.constant 0 : i32
          %dma_start3A_592 = tpu.memref_slice %arg2[%arg0, %dma_start3A_590, %dma_start3A_591] : memref<2x10000x64xf32, #tpu.memory_space<hbm>> -> memref<1x10000x64xf32, #tpu.memory_space<hbm>>
          %dma_start3A_593 = tpu.memref_squeeze %dma_start3A_592 : memref<1x10000x64xf32, #tpu.memory_space<hbm>> -> memref<10000x64xf32, #tpu.memory_space<hbm>>
          %dma_start3A_594 = arith.constant 0 : i32
          %dma_start3A_595 = arith.constant 0 : i32
          %dma_start3A_596 = tpu.memref_slice %dma_start3A_593[%dma_start3A_594, %dma_start3A_595] : memref<10000x64xf32, #tpu.memory_space<hbm>> -> memref<10000x64xf32, #tpu.memory_space<hbm>>
          tpu.enqueue_indirect_dma source(%dma_start3A_596 : memref<10000x64xf32, #tpu.memory_space<hbm>>) target(%arg11 : memref<80x64xf32, #tpu.memory_space<vmem>>) offsets(%dma_start3A_589 : memref<80xi32, #tpu.memory_space<vmem>>) semaphore(%arg21 : memref<!tpu.dma_semaphore, #tpu.memory_space<semaphore_mem>>)
        } else {
        }
        %dma_wait3A_463 = arith.constant 0 : i32
        %dma_wait3A_464 = arith.constant 0 : i32
        %dma_wait3A_465 = arith.constant 0 : i32
        %dma_wait3A_466 = tpu.memref_slice %arg7[%dma_wait3A_463, %dma_wait3A_464, %dma_wait3A_465] : memref<2x100x80xi32, #tpu.memory_space<vmem>> -> memref<1x1x80xi32, #tpu.memory_space<vmem>>
        %dma_wait3A_467 = tpu.memref_squeeze %dma_wait3A_466 : memref<1x1x80xi32, #tpu.memory_space<vmem>> -> memref<80xi32, #tpu.memory_space<vmem>>
        %dma_wait3A_468 = arith.constant 0 : i32
        %dma_wait3A_469 = arith.constant 0 : i32
        %dma_wait3A_470 = tpu.memref_slice %arg8[%dma_wait3A_468, %dma_wait3A_469] : memref<10000x64xf32, #tpu.memory_space<vmem_shared>> -> memref<10000x64xf32, #tpu.memory_space<vmem_shared>>
        tpu.wait_indirect_dma semaphore(%arg32 : memref<!tpu.dma_semaphore, #tpu.memory_space<semaphore_mem>>) src(%arg12 : memref<80x64xf32, #tpu.memory_space<vmem>>) dst(%dma_wait3A_470 : memref<10000x64xf32, #tpu.memory_space<vmem_shared>>)
        %add3A_471 = arith.constant 1 : i32
        %add3A_472 = arith.addi %add3A_230, %add3A_471 : i32
        %lt3A_473 = arith.constant 10 : i32
        %lt3A_474 = arith.cmpi slt, %add3A_472, %lt3A_473 : i32
        %convert_element_type3A_475 = arith.extui %lt3A_474 : i1 to i32
        %cond3A_476 = arith.constant 0 : i32
        %cond3A_477 = arith.cmpi ne, %convert_element_type3A_475, %cond3A_476 : i32
        scf.if %cond3A_477 {
          %add3A_583 = arith.constant 10 : i32
          %add3A_584 = arith.addi %mul3A_232, %add3A_583 : i32
          %add3A_585 = arith.constant 2 : i32
          %add3A_586 = arith.addi %add3A_584, %add3A_585 : i32
          %dma_start3A_587 = arith.constant 0 : i32
          %dma_start3A_588 = tpu.memref_slice %arg6[%rem3A_72, %add3A_586, %dma_start3A_587] : memref<2x100x80xi32, #tpu.memory_space<vmem>> -> memref<1x1x80xi32, #tpu.memory_space<vmem>>
          %dma_start3A_589 = tpu.memref_squeeze %dma_start3A_588 : memref<1x1x80xi32, #tpu.memory_space<vmem>> -> memref<80xi32, #tpu.memory_space<vmem>>
          %dma_start3A_590 = arith.constant 0 : i32
          %dma_start3A_591 = arith.constant 0 : i32
          %dma_start3A_592 = tpu.memref_slice %arg2[%arg0, %dma_start3A_590, %dma_start3A_591] : memref<2x10000x64xf32, #tpu.memory_space<hbm>> -> memref<1x10000x64xf32, #tpu.memory_space<hbm>>
          %dma_start3A_593 = tpu.memref_squeeze %dma_start3A_592 : memref<1x10000x64xf32, #tpu.memory_space<hbm>> -> memref<10000x64xf32, #tpu.memory_space<hbm>>
          %dma_start3A_594 = arith.constant 0 : i32
          %dma_start3A_595 = arith.constant 0 : i32
          %dma_start3A_596 = tpu.memref_slice %dma_start3A_593[%dma_start3A_594, %dma_start3A_595] : memref<10000x64xf32, #tpu.memory_space<hbm>> -> memref<10000x64xf32, #tpu.memory_space<hbm>>
          tpu.enqueue_indirect_dma source(%dma_start3A_596 : memref<10000x64xf32, #tpu.memory_space<hbm>>) target(%arg12 : memref<80x64xf32, #tpu.memory_space<vmem>>) offsets(%dma_start3A_589 : memref<80xi32, #tpu.memory_space<vmem>>) semaphore(%arg22 : memref<!tpu.dma_semaphore, #tpu.memory_space<semaphore_mem>>)
        } else {
        }
        %dma_wait3A_478 = arith.constant 0 : i32
        %dma_wait3A_479 = arith.constant 0 : i32
        %dma_wait3A_480 = arith.constant 0 : i32
        %dma_wait3A_481 = tpu.memref_slice %arg7[%dma_wait3A_478, %dma_wait3A_479, %dma_wait3A_480] : memref<2x100x80xi32, #tpu.memory_space<vmem>> -> memref<1x1x80xi32, #tpu.memory_space<vmem>>
        %dma_wait3A_482 = tpu.memref_squeeze %dma_wait3A_481 : memref<1x1x80xi32, #tpu.memory_space<vmem>> -> memref<80xi32, #tpu.memory_space<vmem>>
        %dma_wait3A_483 = arith.constant 0 : i32
        %dma_wait3A_484 = arith.constant 0 : i32
        %dma_wait3A_485 = tpu.memref_slice %arg8[%dma_wait3A_483, %dma_wait3A_484] : memref<10000x64xf32, #tpu.memory_space<vmem_shared>> -> memref<10000x64xf32, #tpu.memory_space<vmem_shared>>
        tpu.wait_indirect_dma semaphore(%arg33 : memref<!tpu.dma_semaphore, #tpu.memory_space<semaphore_mem>>) src(%arg13 : memref<80x64xf32, #tpu.memory_space<vmem>>) dst(%dma_wait3A_485 : memref<10000x64xf32, #tpu.memory_space<vmem_shared>>)
        %add3A_486 = arith.constant 1 : i32
        %add3A_487 = arith.addi %add3A_230, %add3A_486 : i32
        %lt3A_488 = arith.constant 10 : i32
        %lt3A_489 = arith.cmpi slt, %add3A_487, %lt3A_488 : i32
        %convert_element_type3A_490 = arith.extui %lt3A_489 : i1 to i32
        %cond3A_491 = arith.constant 0 : i32
        %cond3A_492 = arith.cmpi ne, %convert_element_type3A_490, %cond3A_491 : i32
        scf.if %cond3A_492 {
          %add3A_583 = arith.constant 10 : i32
          %add3A_584 = arith.addi %mul3A_232, %add3A_583 : i32
          %add3A_585 = arith.constant 3 : i32
          %add3A_586 = arith.addi %add3A_584, %add3A_585 : i32
          %dma_start3A_587 = arith.constant 0 : i32
          %dma_start3A_588 = tpu.memref_slice %arg6[%rem3A_72, %add3A_586, %dma_start3A_587] : memref<2x100x80xi32, #tpu.memory_space<vmem>> -> memref<1x1x80xi32, #tpu.memory_space<vmem>>
          %dma_start3A_589 = tpu.memref_squeeze %dma_start3A_588 : memref<1x1x80xi32, #tpu.memory_space<vmem>> -> memref<80xi32, #tpu.memory_space<vmem>>
          %dma_start3A_590 = arith.constant 0 : i32
          %dma_start3A_591 = arith.constant 0 : i32
          %dma_start3A_592 = tpu.memref_slice %arg2[%arg0, %dma_start3A_590, %dma_start3A_591] : memref<2x10000x64xf32, #tpu.memory_space<hbm>> -> memref<1x10000x64xf32, #tpu.memory_space<hbm>>
          %dma_start3A_593 = tpu.memref_squeeze %dma_start3A_592 : memref<1x10000x64xf32, #tpu.memory_space<hbm>> -> memref<10000x64xf32, #tpu.memory_space<hbm>>
          %dma_start3A_594 = arith.constant 0 : i32
          %dma_start3A_595 = arith.constant 0 : i32
          %dma_start3A_596 = tpu.memref_slice %dma_start3A_593[%dma_start3A_594, %dma_start3A_595] : memref<10000x64xf32, #tpu.memory_space<hbm>> -> memref<10000x64xf32, #tpu.memory_space<hbm>>
          tpu.enqueue_indirect_dma source(%dma_start3A_596 : memref<10000x64xf32, #tpu.memory_space<hbm>>) target(%arg13 : memref<80x64xf32, #tpu.memory_space<vmem>>) offsets(%dma_start3A_589 : memref<80xi32, #tpu.memory_space<vmem>>) semaphore(%arg23 : memref<!tpu.dma_semaphore, #tpu.memory_space<semaphore_mem>>)
        } else {
        }
        %dma_wait3A_493 = arith.constant 0 : i32
        %dma_wait3A_494 = arith.constant 0 : i32
        %dma_wait3A_495 = arith.constant 0 : i32
        %dma_wait3A_496 = tpu.memref_slice %arg7[%dma_wait3A_493, %dma_wait3A_494, %dma_wait3A_495] : memref<2x100x80xi32, #tpu.memory_space<vmem>> -> memref<1x1x80xi32, #tpu.memory_space<vmem>>
        %dma_wait3A_497 = tpu.memref_squeeze %dma_wait3A_496 : memref<1x1x80xi32, #tpu.memory_space<vmem>> -> memref<80xi32, #tpu.memory_space<vmem>>
        %dma_wait3A_498 = arith.constant 0 : i32
        %dma_wait3A_499 = arith.constant 0 : i32
        %dma_wait3A_500 = tpu.memref_slice %arg8[%dma_wait3A_498, %dma_wait3A_499] : memref<10000x64xf32, #tpu.memory_space<vmem_shared>> -> memref<10000x64xf32, #tpu.memory_space<vmem_shared>>
        tpu.wait_indirect_dma semaphore(%arg34 : memref<!tpu.dma_semaphore, #tpu.memory_space<semaphore_mem>>) src(%arg14 : memref<80x64xf32, #tpu.memory_space<vmem>>) dst(%dma_wait3A_500 : memref<10000x64xf32, #tpu.memory_space<vmem_shared>>)
        %add3A_501 = arith.constant 1 : i32
        %add3A_502 = arith.addi %add3A_230, %add3A_501 : i32
        %lt3A_503 = arith.constant 10 : i32
        %lt3A_504 = arith.cmpi slt, %add3A_502, %lt3A_503 : i32
        %convert_element_type3A_505 = arith.extui %lt3A_504 : i1 to i32
        %cond3A_506 = arith.constant 0 : i32
        %cond3A_507 = arith.cmpi ne, %convert_element_type3A_505, %cond3A_506 : i32
        scf.if %cond3A_507 {
          %add3A_583 = arith.constant 10 : i32
          %add3A_584 = arith.addi %mul3A_232, %add3A_583 : i32
          %add3A_585 = arith.constant 4 : i32
          %add3A_586 = arith.addi %add3A_584, %add3A_585 : i32
          %dma_start3A_587 = arith.constant 0 : i32
          %dma_start3A_588 = tpu.memref_slice %arg6[%rem3A_72, %add3A_586, %dma_start3A_587] : memref<2x100x80xi32, #tpu.memory_space<vmem>> -> memref<1x1x80xi32, #tpu.memory_space<vmem>>
          %dma_start3A_589 = tpu.memref_squeeze %dma_start3A_588 : memref<1x1x80xi32, #tpu.memory_space<vmem>> -> memref<80xi32, #tpu.memory_space<vmem>>
          %dma_start3A_590 = arith.constant 0 : i32
          %dma_start3A_591 = arith.constant 0 : i32
          %dma_start3A_592 = tpu.memref_slice %arg2[%arg0, %dma_start3A_590, %dma_start3A_591] : memref<2x10000x64xf32, #tpu.memory_space<hbm>> -> memref<1x10000x64xf32, #tpu.memory_space<hbm>>
          %dma_start3A_593 = tpu.memref_squeeze %dma_start3A_592 : memref<1x10000x64xf32, #tpu.memory_space<hbm>> -> memref<10000x64xf32, #tpu.memory_space<hbm>>
          %dma_start3A_594 = arith.constant 0 : i32
          %dma_start3A_595 = arith.constant 0 : i32
          %dma_start3A_596 = tpu.memref_slice %dma_start3A_593[%dma_start3A_594, %dma_start3A_595] : memref<10000x64xf32, #tpu.memory_space<hbm>> -> memref<10000x64xf32, #tpu.memory_space<hbm>>
          tpu.enqueue_indirect_dma source(%dma_start3A_596 : memref<10000x64xf32, #tpu.memory_space<hbm>>) target(%arg14 : memref<80x64xf32, #tpu.memory_space<vmem>>) offsets(%dma_start3A_589 : memref<80xi32, #tpu.memory_space<vmem>>) semaphore(%arg24 : memref<!tpu.dma_semaphore, #tpu.memory_space<semaphore_mem>>)
        } else {
        }
        %dma_wait3A_508 = arith.constant 0 : i32
        %dma_wait3A_509 = arith.constant 0 : i32
        %dma_wait3A_510 = arith.constant 0 : i32
        %dma_wait3A_511 = tpu.memref_slice %arg7[%dma_wait3A_508, %dma_wait3A_509, %dma_wait3A_510] : memref<2x100x80xi32, #tpu.memory_space<vmem>> -> memref<1x1x80xi32, #tpu.memory_space<vmem>>
        %dma_wait3A_512 = tpu.memref_squeeze %dma_wait3A_511 : memref<1x1x80xi32, #tpu.memory_space<vmem>> -> memref<80xi32, #tpu.memory_space<vmem>>
        %dma_wait3A_513 = arith.constant 0 : i32
        %dma_wait3A_514 = arith.constant 0 : i32
        %dma_wait3A_515 = tpu.memref_slice %arg8[%dma_wait3A_513, %dma_wait3A_514] : memref<10000x64xf32, #tpu.memory_space<vmem_shared>> -> memref<10000x64xf32, #tpu.memory_space<vmem_shared>>
        tpu.wait_indirect_dma semaphore(%arg35 : memref<!tpu.dma_semaphore, #tpu.memory_space<semaphore_mem>>) src(%arg15 : memref<80x64xf32, #tpu.memory_space<vmem>>) dst(%dma_wait3A_515 : memref<10000x64xf32, #tpu.memory_space<vmem_shared>>)
        %add3A_516 = arith.constant 1 : i32
        %add3A_517 = arith.addi %add3A_230, %add3A_516 : i32
        %lt3A_518 = arith.constant 10 : i32
        %lt3A_519 = arith.cmpi slt, %add3A_517, %lt3A_518 : i32
        %convert_element_type3A_520 = arith.extui %lt3A_519 : i1 to i32
        %cond3A_521 = arith.constant 0 : i32
        %cond3A_522 = arith.cmpi ne, %convert_element_type3A_520, %cond3A_521 : i32
        scf.if %cond3A_522 {
          %add3A_583 = arith.constant 10 : i32
          %add3A_584 = arith.addi %mul3A_232, %add3A_583 : i32
          %add3A_585 = arith.constant 5 : i32
          %add3A_586 = arith.addi %add3A_584, %add3A_585 : i32
          %dma_start3A_587 = arith.constant 0 : i32
          %dma_start3A_588 = tpu.memref_slice %arg6[%rem3A_72, %add3A_586, %dma_start3A_587] : memref<2x100x80xi32, #tpu.memory_space<vmem>> -> memref<1x1x80xi32, #tpu.memory_space<vmem>>
          %dma_start3A_589 = tpu.memref_squeeze %dma_start3A_588 : memref<1x1x80xi32, #tpu.memory_space<vmem>> -> memref<80xi32, #tpu.memory_space<vmem>>
          %dma_start3A_590 = arith.constant 0 : i32
          %dma_start3A_591 = arith.constant 0 : i32
          %dma_start3A_592 = tpu.memref_slice %arg2[%arg0, %dma_start3A_590, %dma_start3A_591] : memref<2x10000x64xf32, #tpu.memory_space<hbm>> -> memref<1x10000x64xf32, #tpu.memory_space<hbm>>
          %dma_start3A_593 = tpu.memref_squeeze %dma_start3A_592 : memref<1x10000x64xf32, #tpu.memory_space<hbm>> -> memref<10000x64xf32, #tpu.memory_space<hbm>>
          %dma_start3A_594 = arith.constant 0 : i32
          %dma_start3A_595 = arith.constant 0 : i32
          %dma_start3A_596 = tpu.memref_slice %dma_start3A_593[%dma_start3A_594, %dma_start3A_595] : memref<10000x64xf32, #tpu.memory_space<hbm>> -> memref<10000x64xf32, #tpu.memory_space<hbm>>
          tpu.enqueue_indirect_dma source(%dma_start3A_596 : memref<10000x64xf32, #tpu.memory_space<hbm>>) target(%arg15 : memref<80x64xf32, #tpu.memory_space<vmem>>) offsets(%dma_start3A_589 : memref<80xi32, #tpu.memory_space<vmem>>) semaphore(%arg25 : memref<!tpu.dma_semaphore, #tpu.memory_space<semaphore_mem>>)
        } else {
        }
        %dma_wait3A_523 = arith.constant 0 : i32
        %dma_wait3A_524 = arith.constant 0 : i32
        %dma_wait3A_525 = arith.constant 0 : i32
        %dma_wait3A_526 = tpu.memref_slice %arg7[%dma_wait3A_523, %dma_wait3A_524, %dma_wait3A_525] : memref<2x100x80xi32, #tpu.memory_space<vmem>> -> memref<1x1x80xi32, #tpu.memory_space<vmem>>
        %dma_wait3A_527 = tpu.memref_squeeze %dma_wait3A_526 : memref<1x1x80xi32, #tpu.memory_space<vmem>> -> memref<80xi32, #tpu.memory_space<vmem>>
        %dma_wait3A_528 = arith.constant 0 : i32
        %dma_wait3A_529 = arith.constant 0 : i32
        %dma_wait3A_530 = tpu.memref_slice %arg8[%dma_wait3A_528, %dma_wait3A_529] : memref<10000x64xf32, #tpu.memory_space<vmem_shared>> -> memref<10000x64xf32, #tpu.memory_space<vmem_shared>>
        tpu.wait_indirect_dma semaphore(%arg36 : memref<!tpu.dma_semaphore, #tpu.memory_space<semaphore_mem>>) src(%arg16 : memref<80x64xf32, #tpu.memory_space<vmem>>) dst(%dma_wait3A_530 : memref<10000x64xf32, #tpu.memory_space<vmem_shared>>)
        %add3A_531 = arith.constant 1 : i32
        %add3A_532 = arith.addi %add3A_230, %add3A_531 : i32
        %lt3A_533 = arith.constant 10 : i32
        %lt3A_534 = arith.cmpi slt, %add3A_532, %lt3A_533 : i32
        %convert_element_type3A_535 = arith.extui %lt3A_534 : i1 to i32
        %cond3A_536 = arith.constant 0 : i32
        %cond3A_537 = arith.cmpi ne, %convert_element_type3A_535, %cond3A_536 : i32
        scf.if %cond3A_537 {
          %add3A_583 = arith.constant 10 : i32
          %add3A_584 = arith.addi %mul3A_232, %add3A_583 : i32
          %add3A_585 = arith.constant 6 : i32
          %add3A_586 = arith.addi %add3A_584, %add3A_585 : i32
          %dma_start3A_587 = arith.constant 0 : i32
          %dma_start3A_588 = tpu.memref_slice %arg6[%rem3A_72, %add3A_586, %dma_start3A_587] : memref<2x100x80xi32, #tpu.memory_space<vmem>> -> memref<1x1x80xi32, #tpu.memory_space<vmem>>
          %dma_start3A_589 = tpu.memref_squeeze %dma_start3A_588 : memref<1x1x80xi32, #tpu.memory_space<vmem>> -> memref<80xi32, #tpu.memory_space<vmem>>
          %dma_start3A_590 = arith.constant 0 : i32
          %dma_start3A_591 = arith.constant 0 : i32
          %dma_start3A_592 = tpu.memref_slice %arg2[%arg0, %dma_start3A_590, %dma_start3A_591] : memref<2x10000x64xf32, #tpu.memory_space<hbm>> -> memref<1x10000x64xf32, #tpu.memory_space<hbm>>
          %dma_start3A_593 = tpu.memref_squeeze %dma_start3A_592 : memref<1x10000x64xf32, #tpu.memory_space<hbm>> -> memref<10000x64xf32, #tpu.memory_space<hbm>>
          %dma_start3A_594 = arith.constant 0 : i32
          %dma_start3A_595 = arith.constant 0 : i32
          %dma_start3A_596 = tpu.memref_slice %dma_start3A_593[%dma_start3A_594, %dma_start3A_595] : memref<10000x64xf32, #tpu.memory_space<hbm>> -> memref<10000x64xf32, #tpu.memory_space<hbm>>
          tpu.enqueue_indirect_dma source(%dma_start3A_596 : memref<10000x64xf32, #tpu.memory_space<hbm>>) target(%arg16 : memref<80x64xf32, #tpu.memory_space<vmem>>) offsets(%dma_start3A_589 : memref<80xi32, #tpu.memory_space<vmem>>) semaphore(%arg26 : memref<!tpu.dma_semaphore, #tpu.memory_space<semaphore_mem>>)
        } else {
        }
        %dma_wait3A_538 = arith.constant 0 : i32
        %dma_wait3A_539 = arith.constant 0 : i32
        %dma_wait3A_540 = arith.constant 0 : i32
        %dma_wait3A_541 = tpu.memref_slice %arg7[%dma_wait3A_538, %dma_wait3A_539, %dma_wait3A_540] : memref<2x100x80xi32, #tpu.memory_space<vmem>> -> memref<1x1x80xi32, #tpu.memory_space<vmem>>
        %dma_wait3A_542 = tpu.memref_squeeze %dma_wait3A_541 : memref<1x1x80xi32, #tpu.memory_space<vmem>> -> memref<80xi32, #tpu.memory_space<vmem>>
        %dma_wait3A_543 = arith.constant 0 : i32
        %dma_wait3A_544 = arith.constant 0 : i32
        %dma_wait3A_545 = tpu.memref_slice %arg8[%dma_wait3A_543, %dma_wait3A_544] : memref<10000x64xf32, #tpu.memory_space<vmem_shared>> -> memref<10000x64xf32, #tpu.memory_space<vmem_shared>>
        tpu.wait_indirect_dma semaphore(%arg37 : memref<!tpu.dma_semaphore, #tpu.memory_space<semaphore_mem>>) src(%arg17 : memref<80x64xf32, #tpu.memory_space<vmem>>) dst(%dma_wait3A_545 : memref<10000x64xf32, #tpu.memory_space<vmem_shared>>)
        %add3A_546 = arith.constant 1 : i32
        %add3A_547 = arith.addi %add3A_230, %add3A_546 : i32
        %lt3A_548 = arith.constant 10 : i32
        %lt3A_549 = arith.cmpi slt, %add3A_547, %lt3A_548 : i32
        %convert_element_type3A_550 = arith.extui %lt3A_549 : i1 to i32
        %cond3A_551 = arith.constant 0 : i32
        %cond3A_552 = arith.cmpi ne, %convert_element_type3A_550, %cond3A_551 : i32
        scf.if %cond3A_552 {
          %add3A_583 = arith.constant 10 : i32
          %add3A_584 = arith.addi %mul3A_232, %add3A_583 : i32
          %add3A_585 = arith.constant 7 : i32
          %add3A_586 = arith.addi %add3A_584, %add3A_585 : i32
          %dma_start3A_587 = arith.constant 0 : i32
          %dma_start3A_588 = tpu.memref_slice %arg6[%rem3A_72, %add3A_586, %dma_start3A_587] : memref<2x100x80xi32, #tpu.memory_space<vmem>> -> memref<1x1x80xi32, #tpu.memory_space<vmem>>
          %dma_start3A_589 = tpu.memref_squeeze %dma_start3A_588 : memref<1x1x80xi32, #tpu.memory_space<vmem>> -> memref<80xi32, #tpu.memory_space<vmem>>
          %dma_start3A_590 = arith.constant 0 : i32
          %dma_start3A_591 = arith.constant 0 : i32
          %dma_start3A_592 = tpu.memref_slice %arg2[%arg0, %dma_start3A_590, %dma_start3A_591] : memref<2x10000x64xf32, #tpu.memory_space<hbm>> -> memref<1x10000x64xf32, #tpu.memory_space<hbm>>
          %dma_start3A_593 = tpu.memref_squeeze %dma_start3A_592 : memref<1x10000x64xf32, #tpu.memory_space<hbm>> -> memref<10000x64xf32, #tpu.memory_space<hbm>>
          %dma_start3A_594 = arith.constant 0 : i32
          %dma_start3A_595 = arith.constant 0 : i32
          %dma_start3A_596 = tpu.memref_slice %dma_start3A_593[%dma_start3A_594, %dma_start3A_595] : memref<10000x64xf32, #tpu.memory_space<hbm>> -> memref<10000x64xf32, #tpu.memory_space<hbm>>
          tpu.enqueue_indirect_dma source(%dma_start3A_596 : memref<10000x64xf32, #tpu.memory_space<hbm>>) target(%arg17 : memref<80x64xf32, #tpu.memory_space<vmem>>) offsets(%dma_start3A_589 : memref<80xi32, #tpu.memory_space<vmem>>) semaphore(%arg27 : memref<!tpu.dma_semaphore, #tpu.memory_space<semaphore_mem>>)
        } else {
        }
        %dma_wait3A_553 = arith.constant 0 : i32
        %dma_wait3A_554 = arith.constant 0 : i32
        %dma_wait3A_555 = arith.constant 0 : i32
        %dma_wait3A_556 = tpu.memref_slice %arg7[%dma_wait3A_553, %dma_wait3A_554, %dma_wait3A_555] : memref<2x100x80xi32, #tpu.memory_space<vmem>> -> memref<1x1x80xi32, #tpu.memory_space<vmem>>
        %dma_wait3A_557 = tpu.memref_squeeze %dma_wait3A_556 : memref<1x1x80xi32, #tpu.memory_space<vmem>> -> memref<80xi32, #tpu.memory_space<vmem>>
        %dma_wait3A_558 = arith.constant 0 : i32
        %dma_wait3A_559 = arith.constant 0 : i32
        %dma_wait3A_560 = tpu.memref_slice %arg8[%dma_wait3A_558, %dma_wait3A_559] : memref<10000x64xf32, #tpu.memory_space<vmem_shared>> -> memref<10000x64xf32, #tpu.memory_space<vmem_shared>>
        tpu.wait_indirect_dma semaphore(%arg38 : memref<!tpu.dma_semaphore, #tpu.memory_space<semaphore_mem>>) src(%arg18 : memref<80x64xf32, #tpu.memory_space<vmem>>) dst(%dma_wait3A_560 : memref<10000x64xf32, #tpu.memory_space<vmem_shared>>)
        %add3A_561 = arith.constant 1 : i32
        %add3A_562 = arith.addi %add3A_230, %add3A_561 : i32
        %lt3A_563 = arith.constant 10 : i32
        %lt3A_564 = arith.cmpi slt, %add3A_562, %lt3A_563 : i32
        %convert_element_type3A_565 = arith.extui %lt3A_564 : i1 to i32
        %cond3A_566 = arith.constant 0 : i32
        %cond3A_567 = arith.cmpi ne, %convert_element_type3A_565, %cond3A_566 : i32
        scf.if %cond3A_567 {
          %add3A_583 = arith.constant 10 : i32
          %add3A_584 = arith.addi %mul3A_232, %add3A_583 : i32
          %add3A_585 = arith.constant 8 : i32
          %add3A_586 = arith.addi %add3A_584, %add3A_585 : i32
          %dma_start3A_587 = arith.constant 0 : i32
          %dma_start3A_588 = tpu.memref_slice %arg6[%rem3A_72, %add3A_586, %dma_start3A_587] : memref<2x100x80xi32, #tpu.memory_space<vmem>> -> memref<1x1x80xi32, #tpu.memory_space<vmem>>
          %dma_start3A_589 = tpu.memref_squeeze %dma_start3A_588 : memref<1x1x80xi32, #tpu.memory_space<vmem>> -> memref<80xi32, #tpu.memory_space<vmem>>
          %dma_start3A_590 = arith.constant 0 : i32
          %dma_start3A_591 = arith.constant 0 : i32
          %dma_start3A_592 = tpu.memref_slice %arg2[%arg0, %dma_start3A_590, %dma_start3A_591] : memref<2x10000x64xf32, #tpu.memory_space<hbm>> -> memref<1x10000x64xf32, #tpu.memory_space<hbm>>
          %dma_start3A_593 = tpu.memref_squeeze %dma_start3A_592 : memref<1x10000x64xf32, #tpu.memory_space<hbm>> -> memref<10000x64xf32, #tpu.memory_space<hbm>>
          %dma_start3A_594 = arith.constant 0 : i32
          %dma_start3A_595 = arith.constant 0 : i32
          %dma_start3A_596 = tpu.memref_slice %dma_start3A_593[%dma_start3A_594, %dma_start3A_595] : memref<10000x64xf32, #tpu.memory_space<hbm>> -> memref<10000x64xf32, #tpu.memory_space<hbm>>
          tpu.enqueue_indirect_dma source(%dma_start3A_596 : memref<10000x64xf32, #tpu.memory_space<hbm>>) target(%arg18 : memref<80x64xf32, #tpu.memory_space<vmem>>) offsets(%dma_start3A_589 : memref<80xi32, #tpu.memory_space<vmem>>) semaphore(%arg28 : memref<!tpu.dma_semaphore, #tpu.memory_space<semaphore_mem>>)
        } else {
        }
        %dma_wait3A_568 = arith.constant 0 : i32
        %dma_wait3A_569 = arith.constant 0 : i32
        %dma_wait3A_570 = arith.constant 0 : i32
        %dma_wait3A_571 = tpu.memref_slice %arg7[%dma_wait3A_568, %dma_wait3A_569, %dma_wait3A_570] : memref<2x100x80xi32, #tpu.memory_space<vmem>> -> memref<1x1x80xi32, #tpu.memory_space<vmem>>
        %dma_wait3A_572 = tpu.memref_squeeze %dma_wait3A_571 : memref<1x1x80xi32, #tpu.memory_space<vmem>> -> memref<80xi32, #tpu.memory_space<vmem>>
        %dma_wait3A_573 = arith.constant 0 : i32
        %dma_wait3A_574 = arith.constant 0 : i32
        %dma_wait3A_575 = tpu.memref_slice %arg8[%dma_wait3A_573, %dma_wait3A_574] : memref<10000x64xf32, #tpu.memory_space<vmem_shared>> -> memref<10000x64xf32, #tpu.memory_space<vmem_shared>>
        tpu.wait_indirect_dma semaphore(%arg39 : memref<!tpu.dma_semaphore, #tpu.memory_space<semaphore_mem>>) src(%arg19 : memref<80x64xf32, #tpu.memory_space<vmem>>) dst(%dma_wait3A_575 : memref<10000x64xf32, #tpu.memory_space<vmem_shared>>)
        %add3A_576 = arith.constant 1 : i32
        %add3A_577 = arith.addi %add3A_230, %add3A_576 : i32
        %lt3A_578 = arith.constant 10 : i32
        %lt3A_579 = arith.cmpi slt, %add3A_577, %lt3A_578 : i32
        %convert_element_type3A_580 = arith.extui %lt3A_579 : i1 to i32
        %cond3A_581 = arith.constant 0 : i32
        %cond3A_582 = arith.cmpi ne, %convert_element_type3A_580, %cond3A_581 : i32
        scf.if %cond3A_582 {
          %add3A_583 = arith.constant 10 : i32
          %add3A_584 = arith.addi %mul3A_232, %add3A_583 : i32
          %add3A_585 = arith.constant 9 : i32
          %add3A_586 = arith.addi %add3A_584, %add3A_585 : i32
          %dma_start3A_587 = arith.constant 0 : i32
          %dma_start3A_588 = tpu.memref_slice %arg6[%rem3A_72, %add3A_586, %dma_start3A_587] : memref<2x100x80xi32, #tpu.memory_space<vmem>> -> memref<1x1x80xi32, #tpu.memory_space<vmem>>
          %dma_start3A_589 = tpu.memref_squeeze %dma_start3A_588 : memref<1x1x80xi32, #tpu.memory_space<vmem>> -> memref<80xi32, #tpu.memory_space<vmem>>
          %dma_start3A_590 = arith.constant 0 : i32
          %dma_start3A_591 = arith.constant 0 : i32
          %dma_start3A_592 = tpu.memref_slice %arg2[%arg0, %dma_start3A_590, %dma_start3A_591] : memref<2x10000x64xf32, #tpu.memory_space<hbm>> -> memref<1x10000x64xf32, #tpu.memory_space<hbm>>
          %dma_start3A_593 = tpu.memref_squeeze %dma_start3A_592 : memref<1x10000x64xf32, #tpu.memory_space<hbm>> -> memref<10000x64xf32, #tpu.memory_space<hbm>>
          %dma_start3A_594 = arith.constant 0 : i32
          %dma_start3A_595 = arith.constant 0 : i32
          %dma_start3A_596 = tpu.memref_slice %dma_start3A_593[%dma_start3A_594, %dma_start3A_595] : memref<10000x64xf32, #tpu.memory_space<hbm>> -> memref<10000x64xf32, #tpu.memory_space<hbm>>
          tpu.enqueue_indirect_dma source(%dma_start3A_596 : memref<10000x64xf32, #tpu.memory_space<hbm>>) target(%arg19 : memref<80x64xf32, #tpu.memory_space<vmem>>) offsets(%dma_start3A_589 : memref<80xi32, #tpu.memory_space<vmem>>) semaphore(%arg29 : memref<!tpu.dma_semaphore, #tpu.memory_space<semaphore_mem>>)
        } else {
        }
      }
      %scan3A_225 = arith.constant 10 : i32
    }
    %scan3A_59 = arith.constant 5 : i32
    %barrier3A_60 = arith.constant 0 : index
    tpu.barrier barrier_id(%barrier3A_60)
    %lt3A = arith.constant 15 : i32
    %lt3A_61 = arith.cmpi slt, %arg1, %lt3A : i32
    %convert_element_type3A = arith.extui %lt3A_61 : i1 to i32
    %cond3A = arith.constant 0 : i32
    %cond3A_62 = arith.cmpi ne, %convert_element_type3A, %cond3A : i32
    scf.if %cond3A_62 {
      %mul3A = arith.constant 640 : i32
      %mul3A_68 = arith.muli %arg1, %mul3A : i32
      %mul3A_69 = arith.constant 640 : i32
      %mul3A_70 = arith.muli %arg1, %mul3A_69 : i32
      "tpu.region"() ({
        %run_scoped3A = tpu.sem_alloc : memref<!tpu.dma_semaphore, #tpu.memory_space<semaphore_mem>>
        %dma_start3A_71 = arith.constant 0 : i32
        %dma_start3A_72 = tpu.memref_slice %arg5[%arg0, %mul3A_70, %dma_start3A_71] : memref<2x10000x64xf32, #tpu.memory_space<hbm>> -> memref<1x640x64xf32, #tpu.memory_space<hbm>>
        %dma_start3A_73 = tpu.memref_squeeze %dma_start3A_72 : memref<1x640x64xf32, #tpu.memory_space<hbm>> -> memref<640x64xf32, #tpu.memory_space<hbm>>
        %dma_start3A_74 = arith.constant 0 : i32
        %dma_start3A_75 = tpu.memref_slice %arg8[%mul3A_68, %dma_start3A_74] : memref<10000x64xf32, #tpu.memory_space<vmem_shared>> -> memref<640x64xf32, #tpu.memory_space<vmem_shared>>
        tpu.enqueue_dma source(%dma_start3A_75 : memref<640x64xf32, #tpu.memory_space<vmem_shared>>) target(%dma_start3A_73 : memref<640x64xf32, #tpu.memory_space<hbm>>) target_semaphore(%run_scoped3A : memref<!tpu.dma_semaphore, #tpu.memory_space<semaphore_mem>>)
        %dma_wait3A = arith.constant 0 : i32
        %dma_wait3A_76 = tpu.memref_slice %arg5[%arg0, %mul3A_70, %dma_wait3A] : memref<2x10000x64xf32, #tpu.memory_space<hbm>> -> memref<1x640x64xf32, #tpu.memory_space<hbm>>
        %dma_wait3A_77 = tpu.memref_squeeze %dma_wait3A_76 : memref<1x640x64xf32, #tpu.memory_space<hbm>> -> memref<640x64xf32, #tpu.memory_space<hbm>>
        %dma_wait3A_78 = arith.constant 0 : i32
        %dma_wait3A_79 = tpu.memref_slice %arg8[%mul3A_68, %dma_wait3A_78] : memref<10000x64xf32, #tpu.memory_space<vmem_shared>> -> memref<640x64xf32, #tpu.memory_space<vmem_shared>>
        tpu.wait_dma2 semaphore(%run_scoped3A : memref<!tpu.dma_semaphore, #tpu.memory_space<semaphore_mem>>) src(%dma_wait3A_79 : memref<640x64xf32, #tpu.memory_space<vmem_shared>>) dst(%dma_wait3A_77 : memref<640x64xf32, #tpu.memory_space<hbm>>)
        tpu.yield
      }) : () -> ()
    } else {
    }
    %eq3A_63 = arith.constant 15 : i32
    %eq3A_64 = arith.cmpi eq, %arg1, %eq3A_63 : i32
    %convert_element_type3A_65 = arith.extui %eq3A_64 : i1 to i32
    %cond3A_66 = arith.constant 0 : i32
    %cond3A_67 = arith.cmpi ne, %convert_element_type3A_65, %cond3A_66 : i32
    scf.if %cond3A_67 {
      "tpu.region"() ({
        %run_scoped3A = tpu.sem_alloc : memref<!tpu.dma_semaphore, #tpu.memory_space<semaphore_mem>>
        %dma_start3A_68 = arith.constant 9600 : i32
        %dma_start3A_69 = arith.constant 0 : i32
        %dma_start3A_70 = tpu.memref_slice %arg5[%arg0, %dma_start3A_68, %dma_start3A_69] : memref<2x10000x64xf32, #tpu.memory_space<hbm>> -> memref<1x400x64xf32, #tpu.memory_space<hbm>>
        %dma_start3A_71 = tpu.memref_squeeze %dma_start3A_70 : memref<1x400x64xf32, #tpu.memory_space<hbm>> -> memref<400x64xf32, #tpu.memory_space<hbm>>
        %dma_start3A_72 = arith.constant 9600 : i32
        %dma_start3A_73 = arith.constant 0 : i32
        %dma_start3A_74 = tpu.memref_slice %arg8[%dma_start3A_72, %dma_start3A_73] : memref<10000x64xf32, #tpu.memory_space<vmem_shared>> -> memref<400x64xf32, #tpu.memory_space<vmem_shared>>
        tpu.enqueue_dma source(%dma_start3A_74 : memref<400x64xf32, #tpu.memory_space<vmem_shared>>) target(%dma_start3A_71 : memref<400x64xf32, #tpu.memory_space<hbm>>) target_semaphore(%run_scoped3A : memref<!tpu.dma_semaphore, #tpu.memory_space<semaphore_mem>>)
        %dma_wait3A = arith.constant 9600 : i32
        %dma_wait3A_75 = arith.constant 0 : i32
        %dma_wait3A_76 = tpu.memref_slice %arg5[%arg0, %dma_wait3A, %dma_wait3A_75] : memref<2x10000x64xf32, #tpu.memory_space<hbm>> -> memref<1x400x64xf32, #tpu.memory_space<hbm>>
        %dma_wait3A_77 = tpu.memref_squeeze %dma_wait3A_76 : memref<1x400x64xf32, #tpu.memory_space<hbm>> -> memref<400x64xf32, #tpu.memory_space<hbm>>
        %dma_wait3A_78 = arith.constant 9600 : i32
        %dma_wait3A_79 = arith.constant 0 : i32
        %dma_wait3A_80 = tpu.memref_slice %arg8[%dma_wait3A_78, %dma_wait3A_79] : memref<10000x64xf32, #tpu.memory_space<vmem_shared>> -> memref<400x64xf32, #tpu.memory_space<vmem_shared>>
        tpu.wait_dma2 semaphore(%run_scoped3A : memref<!tpu.dma_semaphore, #tpu.memory_space<semaphore_mem>>) src(%dma_wait3A_80 : memref<400x64xf32, #tpu.memory_space<vmem_shared>>) dst(%dma_wait3A_77 : memref<400x64xf32, #tpu.memory_space<hbm>>)
        tpu.yield
      }) : () -> ()
    } else {
    }
    return
  }
}

module attributes {stable_mosaic.version = 14 : i64} {
  func.func @_tc1_body(%arg0: i32, %arg1: memref<2000x116xf32, #tpu.memory_space<vmem>>, %arg2: memref<116x128xf32, #tpu.memory_space<vmem>>, %arg3: memref<2x2000x16xf32, #tpu.memory_space<vmem>>, %arg4: memref<2x2000x64xf32, #tpu.memory_space<vmem>>) attributes {dimension_semantics = [#tpu.dimension_semantics<arbitrary>], iteration_bounds = array<i64: 5>, scalar_prefetch = 0 : i64, scratch_operands = 0 : i64, tpu.core_type = #tpu.core_type<tc>, window_params = [{transform_indices = @transform_0, window_bounds = array<i64: 2000, 116>}, {pipeline_mode = #tpu.pipeline_mode<synchronous>, transform_indices = @transform_1, window_bounds = array<i64: 116, 128>}, {transform_indices = @transform_2, window_bounds = array<i64: 2, 2000, 16>}, {transform_indices = @transform_3, window_bounds = array<i64: 2, 2000, 64>}]} {
    %get3A = arith.constant 0 : index
    %get3A_0 = arith.constant 0 : index
    %get3A_1 = arith.constant 0 : index
    %get3A_2 = vector.load %arg3[%get3A, %get3A_0, %get3A_1] : memref<2x2000x16xf32, #tpu.memory_space<vmem>>, vector<1x2000x1xf32>
    %get3A_3 = vector.shape_cast %get3A_2 : vector<1x2000x1xf32> to vector<2000xf32>
    %get3A_4 = arith.constant 1 : index
    %get3A_5 = arith.constant 0 : index
    %get3A_6 = arith.constant 0 : index
    %get3A_7 = vector.load %arg3[%get3A_4, %get3A_5, %get3A_6] : memref<2x2000x16xf32, #tpu.memory_space<vmem>>, vector<1x2000x1xf32>
    %get3A_8 = vector.shape_cast %get3A_7 : vector<1x2000x1xf32> to vector<2000xf32>
    %add3A = arith.addf %get3A_3, %get3A_8 : vector<2000xf32>
    %add3A_9 = arith.constant 1.000000e+00 : f32
    %add3A_10 = vector.broadcast %add3A_9 : f32 to vector<2000xf32>
    %add3A_11 = arith.addf %add3A, %add3A_10 : vector<2000xf32>
    %rsqrt3A = math.rsqrt %add3A_11 : vector<2000xf32>
    %get3A_12 = arith.constant 0 : index
    %get3A_13 = arith.constant 0 : index
    %get3A_14 = vector.load %arg1[%get3A_12, %get3A_13] : memref<2000x116xf32, #tpu.memory_space<vmem>>, vector<2000x116xf32>
    %get3A_15 = arith.constant 0 : index
    %get3A_16 = arith.constant 0 : index
    %get3A_17 = vector.load %arg2[%get3A_15, %get3A_16] : memref<116x128xf32, #tpu.memory_space<vmem>>, vector<116x128xf32>
    %dot_general3A = arith.constant dense<0.000000e+00> : vector<2000x128xf32>
    %dot_general3A_18 = tpu.matmul %get3A_14, %get3A_17, %dot_general3A {dimension_numbers = #tpu.dot_dimension_numbers<[1], [0], [0], [1], [0, 0, 1, 1], [], []>, transpose_lhs_hint = false} : vector<2000x116xf32>, vector<116x128xf32>, vector<2000x128xf32> -> vector<2000x128xf32>
    %broadcast_in_dim3A = vector.shape_cast %rsqrt3A : vector<2000xf32> to vector<2000x1xf32>
    %mul3A = vector.broadcast %broadcast_in_dim3A : vector<2000x1xf32> to vector<2000x128xf32>
    %mul3A_19 = arith.mulf %dot_general3A_18, %mul3A : vector<2000x128xf32>
    %slice3A = vector.extract_strided_slice %mul3A_19 {offsets = [0, 0], sizes = [2000, 64], strides = [1, 1]} : vector<2000x128xf32> to vector<2000x64xf32>
    %swap3A = arith.constant 0 : index
    %swap3A_20 = arith.constant 0 : index
    %swap3A_21 = arith.constant 0 : index
    %swap3A_22 = vector.load %arg4[%swap3A, %swap3A_20, %swap3A_21] : memref<2x2000x64xf32, #tpu.memory_space<vmem>>, vector<1x2000x64xf32>
    %swap3A_23 = vector.shape_cast %swap3A_22 : vector<1x2000x64xf32> to vector<2000x64xf32>
    %swap3A_24 = vector.shape_cast %slice3A : vector<2000x64xf32> to vector<1x2000x64xf32>
    tpu.vector_store %arg4[%swap3A, %swap3A_20, %swap3A_21], %swap3A_24 {strides = array<i32>} : memref<2x2000x64xf32, #tpu.memory_space<vmem>>, vector<1x2000x64xf32>,
    %slice3A_25 = vector.extract_strided_slice %mul3A_19 {offsets = [0, 64], sizes = [2000, 64], strides = [1, 1]} : vector<2000x128xf32> to vector<2000x64xf32>
    %swap3A_26 = arith.constant 1 : index
    %swap3A_27 = arith.constant 0 : index
    %swap3A_28 = arith.constant 0 : index
    %swap3A_29 = vector.load %arg4[%swap3A_26, %swap3A_27, %swap3A_28] : memref<2x2000x64xf32, #tpu.memory_space<vmem>>, vector<1x2000x64xf32>
    %swap3A_30 = vector.shape_cast %swap3A_29 : vector<1x2000x64xf32> to vector<2000x64xf32>
    %swap3A_31 = vector.shape_cast %slice3A_25 : vector<2000x64xf32> to vector<1x2000x64xf32>
    tpu.vector_store %arg4[%swap3A_26, %swap3A_27, %swap3A_28], %swap3A_31 {strides = array<i32>} : memref<2x2000x64xf32, #tpu.memory_space<vmem>>, vector<1x2000x64xf32>,
    return
  }
  func.func @transform_0(%arg0: i32) -> (i32, i32) {
    %c0_i32 = arith.constant 0 : i32
    %c0_i32_0 = arith.constant 0 : i32
    return %arg0, %c0_i32 : i32, i32
  }
  func.func @transform_1(%arg0: i32) -> (i32, i32) {
    %c0_i32 = arith.constant 0 : i32
    %c0_i32_0 = arith.constant 0 : i32
    %c0_i32_1 = arith.constant 0 : i32
    return %c0_i32, %c0_i32_0 : i32, i32
  }
  func.func @transform_2(%arg0: i32) -> (i32, i32, i32) {
    %c0_i32 = arith.constant 0 : i32
    %c0_i32_0 = arith.constant 0 : i32
    %c0_i32_1 = arith.constant 0 : i32
    return %c0_i32, %arg0, %c0_i32_0 : i32, i32, i32
  }
  func.func @transform_3(%arg0: i32) -> (i32, i32, i32) {
    %c0_i32 = arith.constant 0 : i32
    %c0_i32_0 = arith.constant 0 : i32
    %c0_i32_1 = arith.constant 0 : i32
    return %c0_i32, %arg0, %c0_i32_0 : i32, i32, i32
  }
}

module attributes {stable_mosaic.version = 14 : i64} {
  func.func @_tc_mid_body(%arg0: i32, %arg1: memref<2x2000x64xf32, #tpu.memory_space<vmem>>, %arg2: memref<2x2000x64xf32, #tpu.memory_space<vmem>>, %arg3: memref<2x2000x16xf32, #tpu.memory_space<vmem>>, %arg4: memref<128x128xf32, #tpu.memory_space<vmem>>, %arg5: memref<1x128xf32, #tpu.memory_space<vmem>>, %arg6: memref<2x2000x64xf32, #tpu.memory_space<vmem>>) attributes {dimension_semantics = [#tpu.dimension_semantics<arbitrary>], iteration_bounds = array<i64: 5>, scalar_prefetch = 0 : i64, scratch_operands = 0 : i64, tpu.core_type = #tpu.core_type<tc>, window_params = [{transform_indices = @transform_0, window_bounds = array<i64: 2, 2000, 64>}, {transform_indices = @transform_1, window_bounds = array<i64: 2, 2000, 64>}, {transform_indices = @transform_2, window_bounds = array<i64: 2, 2000, 16>}, {pipeline_mode = #tpu.pipeline_mode<synchronous>, transform_indices = @transform_3, window_bounds = array<i64: 128, 128>}, {pipeline_mode = #tpu.pipeline_mode<synchronous>, transform_indices = @transform_4, window_bounds = array<i64: 1, 128>}, {transform_indices = @transform_5, window_bounds = array<i64: 2, 2000, 64>}]} {
    %get3A = arith.constant 0 : index
    %get3A_0 = arith.constant 0 : index
    %get3A_1 = arith.constant 0 : index
    %get3A_2 = vector.load %arg3[%get3A, %get3A_0, %get3A_1] : memref<2x2000x16xf32, #tpu.memory_space<vmem>>, vector<1x2000x1xf32>
    %get3A_3 = vector.shape_cast %get3A_2 : vector<1x2000x1xf32> to vector<2000xf32>
    %get3A_4 = arith.constant 1 : index
    %get3A_5 = arith.constant 0 : index
    %get3A_6 = arith.constant 0 : index
    %get3A_7 = vector.load %arg3[%get3A_4, %get3A_5, %get3A_6] : memref<2x2000x16xf32, #tpu.memory_space<vmem>>, vector<1x2000x1xf32>
    %get3A_8 = vector.shape_cast %get3A_7 : vector<1x2000x1xf32> to vector<2000xf32>
    %add3A = arith.addf %get3A_3, %get3A_8 : vector<2000xf32>
    %add3A_9 = arith.constant 1.000000e+00 : f32
    %add3A_10 = vector.broadcast %add3A_9 : f32 to vector<2000xf32>
    %add3A_11 = arith.addf %add3A, %add3A_10 : vector<2000xf32>
    %rsqrt3A = math.rsqrt %add3A_11 : vector<2000xf32>
    %get3A_12 = arith.constant 0 : index
    %get3A_13 = arith.constant 0 : index
    %get3A_14 = arith.constant 0 : index
    %get3A_15 = vector.load %arg1[%get3A_12, %get3A_13, %get3A_14] : memref<2x2000x64xf32, #tpu.memory_space<vmem>>, vector<1x2000x64xf32>
    %get3A_16 = vector.shape_cast %get3A_15 : vector<1x2000x64xf32> to vector<2000x64xf32>
    %get3A_17 = arith.constant 0 : index
    %get3A_18 = arith.constant 0 : index
    %get3A_19 = arith.constant 0 : index
    %get3A_20 = vector.load %arg2[%get3A_17, %get3A_18, %get3A_19] : memref<2x2000x64xf32, #tpu.memory_space<vmem>>, vector<1x2000x64xf32>
    %get3A_21 = vector.shape_cast %get3A_20 : vector<1x2000x64xf32> to vector<2000x64xf32>
    %add3A_22 = arith.addf %get3A_16, %get3A_21 : vector<2000x64xf32>
    %get3A_23 = arith.constant 1 : index
    %get3A_24 = arith.constant 0 : index
    %get3A_25 = arith.constant 0 : index
    %get3A_26 = vector.load %arg1[%get3A_23, %get3A_24, %get3A_25] : memref<2x2000x64xf32, #tpu.memory_space<vmem>>, vector<1x2000x64xf32>
    %get3A_27 = vector.shape_cast %get3A_26 : vector<1x2000x64xf32> to vector<2000x64xf32>
    %get3A_28 = arith.constant 1 : index
    %get3A_29 = arith.constant 0 : index
    %get3A_30 = arith.constant 0 : index
    %get3A_31 = vector.load %arg2[%get3A_28, %get3A_29, %get3A_30] : memref<2x2000x64xf32, #tpu.memory_space<vmem>>, vector<1x2000x64xf32>
    %get3A_32 = vector.shape_cast %get3A_31 : vector<1x2000x64xf32> to vector<2000x64xf32>
    %add3A_33 = arith.addf %get3A_27, %get3A_32 : vector<2000x64xf32>
    %concatenate3A = tpu.concatenate %add3A_22, %add3A_33 in 1 : vector<2000x64xf32>, vector<2000x64xf32> -> vector<2000x128xf32>
    %broadcast_in_dim3A = vector.shape_cast %rsqrt3A : vector<2000xf32> to vector<2000x1xf32>
    %mul3A = vector.broadcast %broadcast_in_dim3A : vector<2000x1xf32> to vector<2000x128xf32>
    %mul3A_34 = arith.mulf %mul3A, %concatenate3A : vector<2000x128xf32>
    %get3A_35 = arith.constant 0 : index
    %get3A_36 = arith.constant 0 : index
    %get3A_37 = vector.load %arg5[%get3A_35, %get3A_36] : memref<1x128xf32, #tpu.memory_space<vmem>>, vector<1x128xf32>
    %add3A_38 = vector.broadcast %get3A_37 : vector<1x128xf32> to vector<2000x128xf32>
    %add3A_39 = arith.addf %mul3A_34, %add3A_38 : vector<2000x128xf32>
    %max3A = arith.constant 0.000000e+00 : f32
    %max3A_40 = vector.broadcast %max3A : f32 to vector<2000x128xf32>
    %max3A_41 = arith.maximumf %add3A_39, %max3A_40 : vector<2000x128xf32>
    %get3A_42 = arith.constant 0 : index
    %get3A_43 = arith.constant 0 : index
    %get3A_44 = vector.load %arg4[%get3A_42, %get3A_43] : memref<128x128xf32, #tpu.memory_space<vmem>>, vector<128x128xf32>
    %dot_general3A = arith.constant dense<0.000000e+00> : vector<2000x128xf32>
    %dot_general3A_45 = tpu.matmul %max3A_41, %get3A_44, %dot_general3A {dimension_numbers = #tpu.dot_dimension_numbers<[1], [0], [0], [1], [0, 0, 1, 1], [], []>, transpose_lhs_hint = false} : vector<2000x128xf32>, vector<128x128xf32>, vector<2000x128xf32> -> vector<2000x128xf32>
    %broadcast_in_dim3A_46 = vector.shape_cast %rsqrt3A : vector<2000xf32> to vector<2000x1xf32>
    %mul3A_47 = vector.broadcast %broadcast_in_dim3A_46 : vector<2000x1xf32> to vector<2000x128xf32>
    %mul3A_48 = arith.mulf %dot_general3A_45, %mul3A_47 : vector<2000x128xf32>
    %slice3A = vector.extract_strided_slice %mul3A_48 {offsets = [0, 0], sizes = [2000, 64], strides = [1, 1]} : vector<2000x128xf32> to vector<2000x64xf32>
    %swap3A = arith.constant 0 : index
    %swap3A_49 = arith.constant 0 : index
    %swap3A_50 = arith.constant 0 : index
    %swap3A_51 = vector.load %arg6[%swap3A, %swap3A_49, %swap3A_50] : memref<2x2000x64xf32, #tpu.memory_space<vmem>>, vector<1x2000x64xf32>
    %swap3A_52 = vector.shape_cast %swap3A_51 : vector<1x2000x64xf32> to vector<2000x64xf32>
    %swap3A_53 = vector.shape_cast %slice3A : vector<2000x64xf32> to vector<1x2000x64xf32>
    tpu.vector_store %arg6[%swap3A, %swap3A_49, %swap3A_50], %swap3A_53 {strides = array<i32>} : memref<2x2000x64xf32, #tpu.memory_space<vmem>>, vector<1x2000x64xf32>,
    %slice3A_54 = vector.extract_strided_slice %mul3A_48 {offsets = [0, 64], sizes = [2000, 64], strides = [1, 1]} : vector<2000x128xf32> to vector<2000x64xf32>
    %swap3A_55 = arith.constant 1 : index
    %swap3A_56 = arith.constant 0 : index
    %swap3A_57 = arith.constant 0 : index
    %swap3A_58 = vector.load %arg6[%swap3A_55, %swap3A_56, %swap3A_57] : memref<2x2000x64xf32, #tpu.memory_space<vmem>>, vector<1x2000x64xf32>
    %swap3A_59 = vector.shape_cast %swap3A_58 : vector<1x2000x64xf32> to vector<2000x64xf32>
    %swap3A_60 = vector.shape_cast %slice3A_54 : vector<2000x64xf32> to vector<1x2000x64xf32>
    tpu.vector_store %arg6[%swap3A_55, %swap3A_56, %swap3A_57], %swap3A_60 {strides = array<i32>} : memref<2x2000x64xf32, #tpu.memory_space<vmem>>, vector<1x2000x64xf32>,
    return
  }
  func.func @transform_0(%arg0: i32) -> (i32, i32, i32) {
    %c0_i32 = arith.constant 0 : i32
    %c0_i32_0 = arith.constant 0 : i32
    %c0_i32_1 = arith.constant 0 : i32
    return %c0_i32, %arg0, %c0_i32_0 : i32, i32, i32
  }
  func.func @transform_1(%arg0: i32) -> (i32, i32, i32) {
    %c0_i32 = arith.constant 0 : i32
    %c0_i32_0 = arith.constant 0 : i32
    %c0_i32_1 = arith.constant 0 : i32
    return %c0_i32, %arg0, %c0_i32_0 : i32, i32, i32
  }
  func.func @transform_2(%arg0: i32) -> (i32, i32, i32) {
    %c0_i32 = arith.constant 0 : i32
    %c0_i32_0 = arith.constant 0 : i32
    %c0_i32_1 = arith.constant 0 : i32
    return %c0_i32, %arg0, %c0_i32_0 : i32, i32, i32
  }
  func.func @transform_3(%arg0: i32) -> (i32, i32) {
    %c0_i32 = arith.constant 0 : i32
    %c0_i32_0 = arith.constant 0 : i32
    %c0_i32_1 = arith.constant 0 : i32
    return %c0_i32, %c0_i32_0 : i32, i32
  }
  func.func @transform_4(%arg0: i32) -> (i32, i32) {
    %c0_i32 = arith.constant 0 : i32
    %c0_i32_0 = arith.constant 0 : i32
    %c0_i32_1 = arith.constant 0 : i32
    return %c0_i32, %c0_i32_0 : i32, i32
  }
  func.func @transform_5(%arg0: i32) -> (i32, i32, i32) {
    %c0_i32 = arith.constant 0 : i32
    %c0_i32_0 = arith.constant 0 : i32
    %c0_i32_1 = arith.constant 0 : i32
    return %c0_i32, %arg0, %c0_i32_0 : i32, i32, i32
  }
}

module attributes {stable_mosaic.version = 14 : i64} {
  func.func @_tc_mid_body(%arg0: i32, %arg1: memref<2x2000x64xf32, #tpu.memory_space<vmem>>, %arg2: memref<2x2000x64xf32, #tpu.memory_space<vmem>>, %arg3: memref<2x2000x16xf32, #tpu.memory_space<vmem>>, %arg4: memref<128x16xf32, #tpu.memory_space<vmem>>, %arg5: memref<1x128xf32, #tpu.memory_space<vmem>>, %arg6: memref<2000x16xf32, #tpu.memory_space<vmem>>) attributes {dimension_semantics = [#tpu.dimension_semantics<arbitrary>], iteration_bounds = array<i64: 5>, scalar_prefetch = 0 : i64, scratch_operands = 0 : i64, tpu.core_type = #tpu.core_type<tc>, window_params = [{transform_indices = @transform_0, window_bounds = array<i64: 2, 2000, 64>}, {transform_indices = @transform_1, window_bounds = array<i64: 2, 2000, 64>}, {transform_indices = @transform_2, window_bounds = array<i64: 2, 2000, 16>}, {pipeline_mode = #tpu.pipeline_mode<synchronous>, transform_indices = @transform_3, window_bounds = array<i64: 128, 16>}, {pipeline_mode = #tpu.pipeline_mode<synchronous>, transform_indices = @transform_4, window_bounds = array<i64: 1, 128>}, {transform_indices = @transform_5, window_bounds = array<i64: 2000, 16>}]} {
    %get3A = arith.constant 0 : index
    %get3A_0 = arith.constant 0 : index
    %get3A_1 = arith.constant 0 : index
    %get3A_2 = vector.load %arg3[%get3A, %get3A_0, %get3A_1] : memref<2x2000x16xf32, #tpu.memory_space<vmem>>, vector<1x2000x1xf32>
    %get3A_3 = vector.shape_cast %get3A_2 : vector<1x2000x1xf32> to vector<2000xf32>
    %get3A_4 = arith.constant 1 : index
    %get3A_5 = arith.constant 0 : index
    %get3A_6 = arith.constant 0 : index
    %get3A_7 = vector.load %arg3[%get3A_4, %get3A_5, %get3A_6] : memref<2x2000x16xf32, #tpu.memory_space<vmem>>, vector<1x2000x1xf32>
    %get3A_8 = vector.shape_cast %get3A_7 : vector<1x2000x1xf32> to vector<2000xf32>
    %add3A = arith.addf %get3A_3, %get3A_8 : vector<2000xf32>
    %add3A_9 = arith.constant 1.000000e+00 : f32
    %add3A_10 = vector.broadcast %add3A_9 : f32 to vector<2000xf32>
    %add3A_11 = arith.addf %add3A, %add3A_10 : vector<2000xf32>
    %rsqrt3A = math.rsqrt %add3A_11 : vector<2000xf32>
    %get3A_12 = arith.constant 0 : index
    %get3A_13 = arith.constant 0 : index
    %get3A_14 = arith.constant 0 : index
    %get3A_15 = vector.load %arg1[%get3A_12, %get3A_13, %get3A_14] : memref<2x2000x64xf32, #tpu.memory_space<vmem>>, vector<1x2000x64xf32>
    %get3A_16 = vector.shape_cast %get3A_15 : vector<1x2000x64xf32> to vector<2000x64xf32>
    %get3A_17 = arith.constant 0 : index
    %get3A_18 = arith.constant 0 : index
    %get3A_19 = arith.constant 0 : index
    %get3A_20 = vector.load %arg2[%get3A_17, %get3A_18, %get3A_19] : memref<2x2000x64xf32, #tpu.memory_space<vmem>>, vector<1x2000x64xf32>
    %get3A_21 = vector.shape_cast %get3A_20 : vector<1x2000x64xf32> to vector<2000x64xf32>
    %add3A_22 = arith.addf %get3A_16, %get3A_21 : vector<2000x64xf32>
    %get3A_23 = arith.constant 1 : index
    %get3A_24 = arith.constant 0 : index
    %get3A_25 = arith.constant 0 : index
    %get3A_26 = vector.load %arg1[%get3A_23, %get3A_24, %get3A_25] : memref<2x2000x64xf32, #tpu.memory_space<vmem>>, vector<1x2000x64xf32>
    %get3A_27 = vector.shape_cast %get3A_26 : vector<1x2000x64xf32> to vector<2000x64xf32>
    %get3A_28 = arith.constant 1 : index
    %get3A_29 = arith.constant 0 : index
    %get3A_30 = arith.constant 0 : index
    %get3A_31 = vector.load %arg2[%get3A_28, %get3A_29, %get3A_30] : memref<2x2000x64xf32, #tpu.memory_space<vmem>>, vector<1x2000x64xf32>
    %get3A_32 = vector.shape_cast %get3A_31 : vector<1x2000x64xf32> to vector<2000x64xf32>
    %add3A_33 = arith.addf %get3A_27, %get3A_32 : vector<2000x64xf32>
    %concatenate3A = tpu.concatenate %add3A_22, %add3A_33 in 1 : vector<2000x64xf32>, vector<2000x64xf32> -> vector<2000x128xf32>
    %broadcast_in_dim3A = vector.shape_cast %rsqrt3A : vector<2000xf32> to vector<2000x1xf32>
    %mul3A = vector.broadcast %broadcast_in_dim3A : vector<2000x1xf32> to vector<2000x128xf32>
    %mul3A_34 = arith.mulf %mul3A, %concatenate3A : vector<2000x128xf32>
    %get3A_35 = arith.constant 0 : index
    %get3A_36 = arith.constant 0 : index
    %get3A_37 = vector.load %arg5[%get3A_35, %get3A_36] : memref<1x128xf32, #tpu.memory_space<vmem>>, vector<1x128xf32>
    %add3A_38 = vector.broadcast %get3A_37 : vector<1x128xf32> to vector<2000x128xf32>
    %add3A_39 = arith.addf %mul3A_34, %add3A_38 : vector<2000x128xf32>
    %max3A = arith.constant 0.000000e+00 : f32
    %max3A_40 = vector.broadcast %max3A : f32 to vector<2000x128xf32>
    %max3A_41 = arith.maximumf %add3A_39, %max3A_40 : vector<2000x128xf32>
    %get3A_42 = arith.constant 0 : index
    %get3A_43 = arith.constant 0 : index
    %get3A_44 = vector.load %arg4[%get3A_42, %get3A_43] : memref<128x16xf32, #tpu.memory_space<vmem>>, vector<128x16xf32>
    %dot_general3A = arith.constant dense<0.000000e+00> : vector<2000x16xf32>
    %dot_general3A_45 = tpu.matmul %max3A_41, %get3A_44, %dot_general3A {dimension_numbers = #tpu.dot_dimension_numbers<[1], [0], [0], [1], [0, 0, 1, 1], [], []>, transpose_lhs_hint = false} : vector<2000x128xf32>, vector<128x16xf32>, vector<2000x16xf32> -> vector<2000x16xf32>
    %broadcast_in_dim3A_46 = vector.shape_cast %rsqrt3A : vector<2000xf32> to vector<2000x1xf32>
    %mul3A_47 = vector.broadcast %broadcast_in_dim3A_46 : vector<2000x1xf32> to vector<2000x16xf32>
    %mul3A_48 = arith.mulf %dot_general3A_45, %mul3A_47 : vector<2000x16xf32>
    %swap3A = arith.constant 0 : index
    %swap3A_49 = arith.constant 0 : index
    %swap3A_50 = vector.load %arg6[%swap3A, %swap3A_49] : memref<2000x16xf32, #tpu.memory_space<vmem>>, vector<2000x16xf32>
    tpu.vector_store %arg6[%swap3A, %swap3A_49], %mul3A_48 {strides = array<i32>} : memref<2000x16xf32, #tpu.memory_space<vmem>>, vector<2000x16xf32>,
    return
  }
  func.func @transform_0(%arg0: i32) -> (i32, i32, i32) {
    %c0_i32 = arith.constant 0 : i32
    %c0_i32_0 = arith.constant 0 : i32
    %c0_i32_1 = arith.constant 0 : i32
    return %c0_i32, %arg0, %c0_i32_0 : i32, i32, i32
  }
  func.func @transform_1(%arg0: i32) -> (i32, i32, i32) {
    %c0_i32 = arith.constant 0 : i32
    %c0_i32_0 = arith.constant 0 : i32
    %c0_i32_1 = arith.constant 0 : i32
    return %c0_i32, %arg0, %c0_i32_0 : i32, i32, i32
  }
  func.func @transform_2(%arg0: i32) -> (i32, i32, i32) {
    %c0_i32 = arith.constant 0 : i32
    %c0_i32_0 = arith.constant 0 : i32
    %c0_i32_1 = arith.constant 0 : i32
    return %c0_i32, %arg0, %c0_i32_0 : i32, i32, i32
  }
  func.func @transform_3(%arg0: i32) -> (i32, i32) {
    %c0_i32 = arith.constant 0 : i32
    %c0_i32_0 = arith.constant 0 : i32
    %c0_i32_1 = arith.constant 0 : i32
    return %c0_i32, %c0_i32_0 : i32, i32
  }
  func.func @transform_4(%arg0: i32) -> (i32, i32) {
    %c0_i32 = arith.constant 0 : i32
    %c0_i32_0 = arith.constant 0 : i32
    %c0_i32_1 = arith.constant 0 : i32
    return %c0_i32, %c0_i32_0 : i32, i32
  }
  func.func @transform_5(%arg0: i32) -> (i32, i32) {
    %c0_i32 = arith.constant 0 : i32
    %c0_i32_0 = arith.constant 0 : i32
    return %arg0, %c0_i32 : i32, i32
  }
}

module attributes {stable_mosaic.version = 14 : i64} {
  func.func @_tc4_body(%arg0: i32, %arg1: memref<2x2000x16xf32, #tpu.memory_space<vmem>>, %arg2: memref<2000x16xf32, #tpu.memory_space<vmem>>, %arg3: memref<2x2000x16xf32, #tpu.memory_space<vmem>>, %arg4: memref<1x2xf32, #tpu.memory_space<vmem>>, %arg5: memref<2000x2xf32, #tpu.memory_space<vmem>>) attributes {dimension_semantics = [#tpu.dimension_semantics<arbitrary>], iteration_bounds = array<i64: 5>, scalar_prefetch = 0 : i64, scratch_operands = 0 : i64, tpu.core_type = #tpu.core_type<tc>, window_params = [{transform_indices = @transform_0, window_bounds = array<i64: 2, 2000, 16>}, {transform_indices = @transform_1, window_bounds = array<i64: 2000, 16>}, {transform_indices = @transform_2, window_bounds = array<i64: 2, 2000, 16>}, {pipeline_mode = #tpu.pipeline_mode<synchronous>, transform_indices = @transform_3, window_bounds = array<i64: 1, 2>}, {transform_indices = @transform_4, window_bounds = array<i64: 2000, 2>}]} {
    %get3A = arith.constant 0 : index
    %get3A_0 = arith.constant 0 : index
    %get3A_1 = arith.constant 0 : index
    %get3A_2 = vector.load %arg3[%get3A, %get3A_0, %get3A_1] : memref<2x2000x16xf32, #tpu.memory_space<vmem>>, vector<1x2000x1xf32>
    %get3A_3 = vector.shape_cast %get3A_2 : vector<1x2000x1xf32> to vector<2000xf32>
    %get3A_4 = arith.constant 1 : index
    %get3A_5 = arith.constant 0 : index
    %get3A_6 = arith.constant 0 : index
    %get3A_7 = vector.load %arg3[%get3A_4, %get3A_5, %get3A_6] : memref<2x2000x16xf32, #tpu.memory_space<vmem>>, vector<1x2000x1xf32>
    %get3A_8 = vector.shape_cast %get3A_7 : vector<1x2000x1xf32> to vector<2000xf32>
    %add3A = arith.addf %get3A_3, %get3A_8 : vector<2000xf32>
    %add3A_9 = arith.constant 1.000000e+00 : f32
    %add3A_10 = vector.broadcast %add3A_9 : f32 to vector<2000xf32>
    %add3A_11 = arith.addf %add3A, %add3A_10 : vector<2000xf32>
    %rsqrt3A = math.rsqrt %add3A_11 : vector<2000xf32>
    %broadcast_in_dim3A = vector.shape_cast %rsqrt3A : vector<2000xf32> to vector<2000x1xf32>
    %get3A_12 = arith.constant 0 : index
    %get3A_13 = arith.constant 0 : index
    %get3A_14 = arith.constant 0 : index
    %get3A_15 = vector.load %arg1[%get3A_12, %get3A_13, %get3A_14] : memref<2x2000x16xf32, #tpu.memory_space<vmem>>, vector<1x2000x16xf32>
    %get3A_16 = vector.shape_cast %get3A_15 : vector<1x2000x16xf32> to vector<2000x16xf32>
    %get3A_17 = arith.constant 1 : index
    %get3A_18 = arith.constant 0 : index
    %get3A_19 = arith.constant 0 : index
    %get3A_20 = vector.load %arg1[%get3A_17, %get3A_18, %get3A_19] : memref<2x2000x16xf32, #tpu.memory_space<vmem>>, vector<1x2000x16xf32>
    %get3A_21 = vector.shape_cast %get3A_20 : vector<1x2000x16xf32> to vector<2000x16xf32>
    %add3A_22 = arith.addf %get3A_16, %get3A_21 : vector<2000x16xf32>
    %get3A_23 = arith.constant 0 : index
    %get3A_24 = arith.constant 0 : index
    %get3A_25 = vector.load %arg2[%get3A_23, %get3A_24] : memref<2000x16xf32, #tpu.memory_space<vmem>>, vector<2000x16xf32>
    %add3A_26 = arith.addf %add3A_22, %get3A_25 : vector<2000x16xf32>
    %mul3A = vector.broadcast %broadcast_in_dim3A : vector<2000x1xf32> to vector<2000x16xf32>
    %mul3A_27 = arith.mulf %mul3A, %add3A_26 : vector<2000x16xf32>
    %slice3A = vector.extract_strided_slice %mul3A_27 {offsets = [0, 0], sizes = [2000, 2], strides = [1, 1]} : vector<2000x16xf32> to vector<2000x2xf32>
    %get3A_28 = arith.constant 0 : index
    %get3A_29 = arith.constant 0 : index
    %get3A_30 = vector.load %arg4[%get3A_28, %get3A_29] : memref<1x2xf32, #tpu.memory_space<vmem>>, vector<1x2xf32>
    %add3A_31 = vector.broadcast %get3A_30 : vector<1x2xf32> to vector<2000x2xf32>
    %add3A_32 = arith.addf %slice3A, %add3A_31 : vector<2000x2xf32>
    %swap3A = arith.constant 0 : index
    %swap3A_33 = arith.constant 0 : index
    %swap3A_34 = vector.load %arg5[%swap3A, %swap3A_33] : memref<2000x2xf32, #tpu.memory_space<vmem>>, vector<2000x2xf32>
    tpu.vector_store %arg5[%swap3A, %swap3A_33], %add3A_32 {strides = array<i32>} : memref<2000x2xf32, #tpu.memory_space<vmem>>, vector<2000x2xf32>,
    return
  }
  func.func @transform_0(%arg0: i32) -> (i32, i32, i32) {
    %c0_i32 = arith.constant 0 : i32
    %c0_i32_0 = arith.constant 0 : i32
    %c0_i32_1 = arith.constant 0 : i32
    return %c0_i32, %arg0, %c0_i32_0 : i32, i32, i32
  }
  func.func @transform_1(%arg0: i32) -> (i32, i32) {
    %c0_i32 = arith.constant 0 : i32
    %c0_i32_0 = arith.constant 0 : i32
    return %arg0, %c0_i32 : i32, i32
  }
  func.func @transform_2(%arg0: i32) -> (i32, i32, i32) {
    %c0_i32 = arith.constant 0 : i32
    %c0_i32_0 = arith.constant 0 : i32
    %c0_i32_1 = arith.constant 0 : i32
    return %c0_i32, %arg0, %c0_i32_0 : i32, i32, i32
  }
  func.func @transform_3(%arg0: i32) -> (i32, i32) {
    %c0_i32 = arith.constant 0 : i32
    %c0_i32_0 = arith.constant 0 : i32
    %c0_i32_1 = arith.constant 0 : i32
    return %c0_i32, %c0_i32_0 : i32, i32
  }
  func.func @transform_4(%arg0: i32) -> (i32, i32) {
    %c0_i32 = arith.constant 0 : i32
    %c0_i32_0 = arith.constant 0 : i32
    return %arg0, %c0_i32 : i32, i32
  }
}

</mosaic_0001>

<sc_bundles>
// kernel: kernel.10.cloned.1.call-start
scs
__scs_entry_jumppad:
0x0: {  	(pc) =	sbr.rel $0x88, $3  }
0x1: {  	(tag) =	ssettag $0x0;
	lr =	simm.s32 $0x1  }
0x2: {  	[smem:$0x3F99] =	sst lr;
	_ =	strace $0xD0000000  }
0x3: {  	_ = 	snop  }
0x4: {  	_ = 	snop  }
0x5: {  	_ = 	snop  }
0x6: {  	_ = 	snop  }
0x7: {  	_ = 	snop  }
__scs_overlays_trampoline_lowered:
0x8: {  	[smem:$0x3FA8] =	sst s0  }
0x9: {  	[smem:$0x3FA9] =	sst s1  }
0xa: {  	[smem:$0x3FAA] =	sst s2  }
0xb: {  	[smem:$0x3FAB] =	sst s3  }
0xc: {  	[smem:$0x3FAC] =	sst s4  }
0xd: {  	[smem:$0x3FAD] =	sst s5  }
0xe: {  	[smem:$0x3FAE] =	sst s6  }
0xf: {  	[smem:$0x3FAF] =	sst s7  }
0x10: {  	[smem:$0x3FB0] =	sst s8  }
0x11: {  	[smem:$0x3FB1] =	sst s9;
	s0 =	simm.s32 @!p0 $0x0  }
0x12: {  	s1 =	sld [smem:$0x3F97];
	s0 =	simm.s32 @p0 $0x1  }
0x13: {  	[smem:$0x3FB2] =	sst s0;
	s0 =	simm.s32 @!p1 $0x0  }
0x14: {  	s2 =	sld [smem:$0x3F96];
	s0 =	simm.s32 @p1 $0x1  }
0x15: {  	[smem:$0x3FB3] =	sst s0;
	s0 =	simm.s32 @!p2 $0x0  }
0x16: {  	s3 =	sld [smem:$0x3FDB];
	s0 =	simm.s32 @p2 $0x1  }
0x17: {  	s4 =	simm.s32 $0x1BF5;
	[smem:$0x3FB5] =	sst s0  }
0x18: {  	s0 =	sld [smem:$0x3F98];
	_ =	swait.ge [sflag:s4], $0x0  }
0x19: {  	s7 =	sld [smem:$0x3F99]  }
0x1a: {  	s8 =	sadd.s32 $0xFFFFE003, lr  }
0x1b: {  	s9 =	sadd.s32 $0xFFFFFEF7, lr;
	s5 =	simm.s32 $0xFFFFFFFF;
	p2 =	slt.u32 s8, $0xFFFFF086  }
0x1c: {  	p1 =	slt.u32 s9, $0xF7A;
	s5 =	simm.s32 @!p2 $0x0  }
0x1d: {  	s5 =	simm.s32 @p1 $0x1;
	p0 =	seq.s32 s7, s2  }
0x1e: {  	s7 =	smul.u32 @!p0 $0xF7A, s2;
	p2 =	seq.s32 @!p0 s5, $0x0  }
0x1f: {  	s9 =	smul.u32 $0xF7A, s1;
	s8 =	simm.s32 @!p0 $0x1BF5;
	p2 =	por !p2, p0  }
0x20: {  	[sflag:s8] =	ssyncset.s32 @!p0 $0xFFFFF086;
	s6 =	sadd.s32 @!p0 s3, s7;
	s7 =	simm.s32 @!p0 $0x108  }
0x21: {  	s3 =	sadd.s32 s3, s9;
	s6 =	sadd.s32 @!p0 $0x88, s6;
	s7 =	simm.s32 @p2 $0x1082  }
0x22: {  	[simem:s7], [sflag:s8] =	dma.local @!p0 [hbm:s6], $0xF7A  }
0x23: {  	s9 =	sor.u32 $0xD0000000, s2;
	s6 =	simm.s32 $0x108;
	_ =	swait.ge @!p0 [sflag:s8], $0x0  }
0x24: {  	s3 =	sadd.s32 $0x88, s3;
	s6 =	simm.s32 @!p1 $0x1082;
	[sflag:s4] =	ssyncset.s32 $0xFFFFF086  }
0x25: {  	[simem:s6], [sflag:s4] =	dma.local [hbm:s3], $0xF7A  }
0x26: {  	[smem:$0x3F99] =	sst s1;
	(tag) =	ssettag s2;
	_ =	strace s9  }
0x27: {  	s1 =	sld [smem:$0x3FA9]  }
0x28: {  	s2 =	sld [smem:$0x3FAA]  }
0x29: {  	s4 =	sld [smem:$0x3FAC]  }
0x2a: {  	p0 =	seq.s32 s5, $0x0;
	s5 =	sld [smem:$0x3FAD]  }
0x2b: {  	s6 =	sld [smem:$0x3FAE]  }
0x2c: {  	s7 =	sld [smem:$0x3FAF]  }
0x2d: {  	s3 =	simm.s32 $0x108;
	s8 =	sld [smem:$0x3FB0]  }
0x2e: {  	s3 =	simm.s32 @!p0 $0x1082;
	s9 =	sld [smem:$0x3FB1]  }
0x2f: {  	lr =	sadd.s32 s0, s3;
	s0 =	sld [smem:$0x3FA8]  }
0x30: {  	s3 =	sld [smem:$0x3FAB]  }
0x31: {  	[smem:$0x3FB4] =	sst s10  }
0x32: {  	s10 =	sld [smem:$0x3FB2];
	_ =	sdelay $0x3  }
0x33: {  	p0 =	seq.s32 s10, $0x1;
	s10 =	sld [smem:$0x3FB4];
	_ =	sdelay $0x3  }
0x34: {  	[smem:$0x3FB4] =	sst s10  }
0x35: {  	s10 =	sld [smem:$0x3FB3];
	_ =	sdelay $0x3  }
0x36: {  	p1 =	seq.s32 s10, $0x1;
	s10 =	sld [smem:$0x3FB4];
	_ =	sdelay $0x3  }
0x37: {  	[smem:$0x3FB4] =	sst s10  }
0x38: {  	s10 =	sld [smem:$0x3FB5]  }
0x39: {  	_ = 	snop;
	(pc) =	sbr.ind lr, $3  }
0x3a: {  	_ = 	snop  }
0x3b: {  	_ = 	snop  }
0x3c: {  	p2 =	seq.s32 s10, $0x1;
	s10 =	sld [smem:$0x3FB4]  }
0x3d: {  	_ =	shalt  }
0x3e: {  	_ =	shalt  }
0x3f: {  	_ =	shalt  }
0x40: {  	_ =	shalt  }
0x41: {  	_ =	shalt  }
0x42: {  	_ =	shalt  }
0x43: {  	_ =	shalt  }
0x44: {  	_ =	shalt  }
0x45: {  	_ =	shalt  }
0x46: {  	_ =	shalt  }
0x47: {  	_ =	shalt  }
0x48: {  	_ =	shalt  }
0x49: {  	_ =	shalt  }
0x4a: {  	_ =	shalt  }
0x4b: {  	_ =	shalt  }
0x4c: {  	_ =	shalt  }
0x4d: {  	_ =	shalt  }
0x4e: {  	_ =	shalt  }
0x4f: {  	_ =	shalt  }
0x50: {  	_ =	shalt  }
0x51: {  	_ =	shalt  }
0x52: {  	_ =	shalt  }
0x53: {  	_ =	shalt  }
0x54: {  	_ =	shalt  }
0x55: {  	_ =	shalt  }
0x56: {  	_ =	shalt  }
0x57: {  	_ =	shalt  }
0x58: {  	_ =	shalt  }
0x59: {  	_ =	shalt  }
0x5a: {  	_ =	shalt  }
0x5b: {  	_ =	shalt  }
0x5c: {  	_ =	shalt  }
0x5d: {  	_ =	shalt  }
0x5e: {  	_ =	shalt  }
0x5f: {  	_ =	shalt  }
0x60: {  	_ =	shalt  }
0x61: {  	_ =	shalt  }
0x62: {  	_ =	shalt  }
0x63: {  	_ =	shalt  }
0x64: {  	_ =	shalt  }
0x65: {  	_ =	shalt  }
0x66: {  	_ =	shalt  }
0x67: {  	_ =	shalt  }
0x68: {  	_ =	shalt  }
0x69: {  	_ =	shalt  }
0x6a: {  	_ =	shalt  }
0x6b: {  	_ =	shalt  }
0x6c: {  	_ =	shalt  }
0x6d: {  	_ =	shalt  }
0x6e: {  	_ =	shalt  }
0x6f: {  	_ =	shalt  }
0x70: {  	_ =	shalt  }
0x71: {  	_ =	shalt  }
0x72: {  	_ =	shalt  }
0x73: {  	_ =	shalt  }
0x74: {  	_ =	shalt  }
0x75: {  	_ =	shalt  }
0x76: {  	_ =	shalt  }
0x77: {  	_ =	shalt  }
0x78: {  	_ =	shalt  }
0x79: {  	_ =	shalt  }
0x7a: {  	_ =	shalt  }
0x7b: {  	_ =	shalt  }
0x7c: {  	_ =	shalt  }
0x7d: {  	_ =	shalt  }
0x7e: {  	_ =	shalt  }
0x7f: {  	_ =	shalt  }
0x80: {  	_ =	shalt  }
0x81: {  	_ =	shalt  }
0x82: {  	_ =	shalt  }
0x83: {  	_ =	shalt  }
0x84: {  	_ =	shalt  }
0x85: {  	_ =	shalt  }
0x86: {  	_ =	shalt  }
0x87: {  	_ =	shalt  }
.Lfunc_end0:
.L_simem_size_0:
called_computation_lowered:
.L_overlay_start_0:
0x88: {  	s2 =	sld [smem:$0x3FD9]  }
0x89: {  	s3 =	sld [smem:$0x3FFE];
	_ =	sdelay $0x1  }
0x8a: {  	s1 =	srdreg.scid  }
0x8b: {  	s0 =	sand.u32 $0x1, s1  }
0x8c: {  	s16 =	sshll.u32 s0, $0xA;
	s2 =	sadd.s32 s3, s2  }
0x8d: {  	s2 =	sadd.s32 s2, s16  }
0x8e: {  	[smem:$0x3FC0] =	sst s2  }
0x8f: {  	_ = 	snop  }
0x90: {  	(tm) =	ssettm $0x1  }
0x91: {  	s17 =	sld [smem:$0x3FFB];
	_ =	sdelay $0x3  }
0x92: {  	_ =	strace s17  }
0x93: {  	s2 =	sld [smem:$0x3FFC];
	_ =	sdelay $0x3  }
0x94: {  	_ =	strace s2  }
0x95: {  	s2 =	sld [smem:$0x3FFD];
	_ =	sdelay $0x3  }
0x96: {  	_ =	strace s2  }
0x97: {  	_ =	strace $0x8FFFFFFF  }
0x98: {  	s18 =	sld [smem:$0x3FDB];
	_ =	sdelay $0x1  }
0x99: {  	s19 =	simm.s32 $_scs_section_size  }
0x9a: {  	s4 =	simm.s32 $_size__tile_overlayer_lowered;
	s5 =	simm.s32 $_tile_overlayer_lowered  }
0x9b: {  	s22 =	simm.s32 $0x1BFF;
	s21 =	sshll.u32 s5, $0x1;
	s2 =	sadd.s32 s19, s18  }
0x9c: {  	s6 =	simm.s32 $0x0;
	s20 =	sshll.u32 s4, $0x1;
	s4 =	sadd.s32 s21, s2  }
0x9d: {  	[timem:s6], [sflag:s22] =	dma.local [hbm:s4], s20  }
0x9e: {  	_ =	swait.ge [sflag:s22], s20  }
0x9f: {  	s3 =	ssub.s32 $0x0, s20;
	[sflag:s22] =	ssyncset.done $0x0  }
0xa0: {  	[sflag:s22] =	ssyncadd.s32 s3;
	_ =	sdelay $0x1  }
0xa1: {  	s23 =	simm.s32 $0x1B8B  }
0xa2: {  	_ =	swait.ge [sflag:s23], $0x1  }
0xa3: {  	[sflag:s23] =	ssyncset.done $0x0  }
0xa4: {  	s25 =	simm.s32 $0x1B8E;
	s24 =	sld [smem:$0x3FFE];
	[sflag:s23] =	ssyncadd.s32 $0xFFFFFFFF  }
0xa5: {  	s26 =	simm.s32 $execute0_lowered;
	[smem:$0x3FD2] =	sst s25  }
0xa6: {  	s4 =	sshll.u32 s26, $0x1;
	_ =	strace $0x80000046;
	[dreg:$0x1] =	wrdreg $0xFFFFFFFF  }
0xa7: {  	s28 =	simm.s32 $_size_execute0_lowered;
	s2 =	sadd.s32 s2, s4;
	[dreg:$0x0] =	wrdreg $0x0  }
0xa8: {  	s4 =	sshll.u32 s28, $0x1;
	[dreg:$0x2] =	wrdreg s2  }
0xa9: {  	[dreg:$0x3] =	wrdreg s4  }
0xaa: {  	[dreg:$0x4] =	wrdreg $0xC0  }
0xab: {  	_ =	task [dreg:s6], $0x5FFFF  }
0xac: {  	[dreg:$0x1] =	wrdreg $0xFFFFFFFF  }
0xad: {  	[dreg:$0x0] =	wrdreg $0x60  }
0xae: {  	[dreg:$0x2] =	wrdreg s24  }
0xaf: {  	[dreg:$0x3] =	wrdreg $0x1F400  }
0xb0: {  	[dreg:$0x4] =	wrdreg $0x9  }
0xb1: {  	_ =	task.clear_ibuf [dreg:s6], $0x5FFFF;
	_ =	strace $0x90000046  }
0xb2: {  	s29 =	simm.s32 $0x9;
	_ =	strace $0x80000048  }
0xb3: {  	_ =	swait.ge [sflag:s29], $0x1  }
0xb4: {  	[sflag:s29] =	ssyncadd.s32 $0xFFFFFFFF  }
0xb5: {  	_ =	strace $0x90000048  }
0xb6: {  	_ =	sfence  }
0xb7: {  	s30 =	sld [smem:$0x0];
	_ =	sdelay $0x2  }
0xb8: {  	s31 =	sshll.u32 s1, $0xD;
	s1 =	sshrl.u32 s1, $0x2  }
0xb9: {  	s3 =	sand.u32 $0x4000, s31;
	s1 =	sadd.s32 s1, s30  }
0xba: {  	s0 =	sor.u32 s3, s0;
	s1 =	sshll.u32 s1, $0x11  }
0xbb: {  	s0 =	sor.u32 s1, s0  }
0xbc: {  	s0 =	sadd.s32 $0x8F2B, s0  }
0xbd: {  	[sflag:s0] =	ssyncadd.remote.s32 $0x1  }
0xbe: {  	_ =	sfence.sel $0xFFFF  }
0xbf: {  	[dreg:$0x0] =	wrdreg $0xFFFFFFFF;
	(pc) =	sbr.abs _section_cstart, $3  }
0xc0: {  	[dreg:$0x1] =	wrdreg $0xFFFFFFFF  }
0xc1: {  	_ =	task.clear_ibuf [dreg:s6], $0x2FFFF;
	_ =	strace $0x9FFFFFFF  }
0xc2: {  	(tm) =	ssettm $0x7FFFFFFF  }
0xc3: {  	_ =	shalt  }
tec
execute0_lowered:
.L_overlay_start_1:
0x0: {  	(tag) =	ssettag $0x1  }
0x1: {  	s0 =	rddreg [dreg:$0x0]  }
0x2: {  	s1 =	rddreg [dreg:$0x1];
	s2 =	srdreg.scid;
	s4 =	simm.s32 $0x0  }
0x3: {  	s10 =	stileid.u32;
	s8 =	simm.s32 $0x5;
	s13 =	simm.s32 $0x4650  }
0x4: {  	s14 =	simm.s32 $0xC;
	s15 =	simm.s32 $0x1;
	s16 =	simm.s32 $0xB  }
0x5: {  	s17 =	simm.s32 $0x50;
	s18 =	simm.s32 $0x4B50;
	s19 =	simm.s32 $0x2  }
0x6: {  	s20 =	simm.s32 $0x3;
	s21 =	simm.s32 $0x4;
	s22 =	simm.s32 $0x6  }
0x7: {  	s23 =	simm.s32 $0x7;
	s28 =	simm.s32 $0x9;
	s29 =	simm.s32 $0xA  }
0x8: {  	s30 =	simm.s32 $0x0;
	s2 =	sand.u32 $0x1, s2;
	[smem:$0x7FF] =	sst s4  }
0x9: {  	s5 =	sadd.s32 $0x16400, s0;
	s0 =	sadd.s32 $0x29E00, s0;
	s26 =	smul.u32 $0x2800, s10  }
0xa: {  	p0 =	seq.s32 s10, $0xF;
	s12 =	smul.u32 $0xA000, s10;
	s3 =	sshll.u32 s2, $0x4  }
0xb: {  	_ =	strace $0x80000047;
	s24 =	ssub.s32 $0x2, s2;
	s2 =	smul.u32 $0x27100, s2  }
0xc: {  	s8 =	simm.s32 @!p0 $0x8;
	s3 =	sor.u32 s10, s3;
	s6 =	sshrl.u32 s24, $0x1  }
0xd: {  	s31 =	sshrl.u32 s12, $0x2;
	s4 =	smul.u32 $0x4E20, s3;
	s3 =	ssub.s32 s24, s6  }
0xe: {  	s9 =	sadd.s32 s26, s2;
	s2 =	sshrl.u32 s2, $0x3;
	s12 =	sadd.s32 s31, s1  }
0xf: {  	s9 =	sshrl.u32 s9, $0x3;
	s2 =	sadd.s32 s0, s2;
	s11 =	smax.u32 s3, $0x1  }
0x10: {  	s7 =	sshrl.u32 s4, $0x3;
	s0 =	sadd.s32 s0, s9;
	s10 =	sadd.s32 $0x4B00, s2  }
0x11: {  	s2 =	sadd.s32 $0x25800, s1;
	s25 =	sadd.s32 s5, s7;
	s7 =	simm.s32 $0x5  }
0x12: {  	[dreg:$0x4] =	wrdreg s0;
	s0 =	sadd.s32 s26, s1;
	s24 =	sshrl.u32 @p0 s2, $0x3  }
0x13: {  	v0 =	vimm.f32 $1.000000000e+00;
	v1 =	vimm.f32 $0.0e+00;
	s26 =	simm.s32 $0x8;
	[dreg:$0x3] =	wrdreg s25;
	s25 =	sshrl.u32 @!p0 s0, $0x3  }
.LBB2_1:
0x14: {  	s0 =	simm.s32 $0x0;
	s2 =	rddreg [dreg:$0x3]  }
0x15: {  	[tilespmem:s0], [sflag:$0xB] =	stream.linear.gather [hbm4b:s2+s0], $0xFA0, $0x38;
	[tilespmem:$0x5050] =	vst v63  }
0x16: {  	s0 =	simm.s32 $0x0  }
.LBB2_2:
0x17: {  	p1 =	sne.s32 s0, $0x13C0  }
.Ltmp0:
0x18: {  	_ = 	snop;
	(pc) =	sbr.rel @p1 .LBB2_2-.Ltmp0, $3  }
0x19: {  	_ =	sdelay $0x1  }
0x1a: {  	s2 =	sshra.s32 s0, $0x2  }
0x1b: {  	s0 =	sadd.s32 $0x40, s0;
	[tilespmem:s2+$0x4B50] =	vst v0  }
0x1c: {  	s0 =	simm.s32 $0x40;
	s2 =	simm.s32 $0x0  }
.LBB2_4:
0x1d: {  	p1 =	sne.s32 s0, $0x13C0;
	[tilespmem:s2+$0x4650] =	vst v1;
	s2 =	smov.u32 s0;
	s0 =	sadd.s32 $0x40, s0  }
.Ltmp1:
0x1e: {  	(pc) =	sbr.rel @p1 .LBB2_4-.Ltmp1, $2  }
0x1f: {  	_ =	sdelay $0x2  }
0x20: {  	s2 =	sshra.s32 s2, $0x2  }
0x21: {  	p1 =	sne.s32 s8, $0x1  }
.Ltmp2:
0x22: {  	_ = 	snop;
	(pc) =	sbr.rel @!p1 .LBB2_7-.Ltmp2, $4  }
0x23: {  	[tilespmem:s2+$0x4650] =	vst v1  }
0x24: {  	[spmem:s12] =	stream.linear.scatter [tilespmem:s13], [sflag:$0xC], $0x500, $0x38;
	[tilespmem:$0x5050] =	vst v63  }
0x25: {  	_ =	swait.ge [sflag:s14], $0x500  }
0x26: {  	s0 =	sadd.s32 $0xFFFFFFFF, s8;
	s2 =	smov.u32 s12;
	[sflag:s14] =	ssyncset.done $0x0  }
.LBB2_6:
0x27: {  	p1 =	sne.s32 s0, $0x1;
	[sflag:s14] =	ssyncadd.s32 $0xFFFFFB00;
	s2 =	sadd.s32 $0x500, s2  }
.Ltmp3:
0x28: {  	s0 =	sadd.s32 $0xFFFFFFFF, s0;
	(pc) =	sbr.rel @p1 .LBB2_6-.Ltmp3, $4  }
0x29: {  	_ = 	snop  }
0x2a: {  	[spmem:s2] =	stream.linear.scatter [tilespmem:s13], [sflag:$0xC], $0x500, $0x38;
	[tilespmem:$0x5050] =	vst v63  }
0x2b: {  	_ =	swait.ge [sflag:s14], $0x500  }
0x2c: {  	[sflag:s14] =	ssyncset.done $0x0  }
.LBB2_7:
0x2d: {  	[sflag:s14] =	ssyncadd.s32 $0xFFFFFB00  }
0x2e: {  	s31 =	simm.s32 $0x0;
	p1 =	por $0x0, $0x0;
	[bflag:$0x0] =	sbarrier.arrive $0xFFFF  }
.LBB2_9:
0x2f: {  	s0 =	smov.u32 s31  }
0x30: {  	s2 =	simm.s32 $0x1;
	s31 =	sadd.s32 $0x1, s31;
	p2 =	seq.s32 s0, $0x4  }
0x31: {  	s2 =	simm.s32 @!p1 $0x0;
	s0 =	sand.u32 $0x1, s0;
	s3 =	smul.u32 @!p2 $0xFA0, s31  }
0x32: {  	_ =	swait.ge [sflag:s16], $0xFA0;
	s2 =	smul.u32 $0x3E80, s2;
	s0 =	sxor.u32 @!p2 $0x1, s0  }
0x33: {  	[sflag:s16] =	ssyncset.done $0x0;
	s6 =	smul.u32 @!p2 $0x3E80, s0;
	s3 =	sadd.s32 @!p2 s4, s3  }
0x34: {  	[sflag:s16] =	ssyncadd.s32 $0xFFFFF060;
	s0 =	sshrl.u32 s2, $0x2;
	s2 =	sshrl.u32 @!p2 s3, $0x3  }
0x35: {  	s3 =	sshrl.u32 @!p2 s6, $0x2;
	s6 =	simm.s32 @!p2 $0x0;
	s2 =	sadd.s32 @!p2 s5, s2  }
0x36: {  	[tilespmem:s3], [sflag:$0xB] =	stream.linear.gather @!p2 [hbm4b:s2+s6], $0xFA0, $0x38;
	[tilespmem:$0x5050] =	vst v63  }
0x37: {  	s2 =	sadd.s32 $0x0, s0  }
0x38: {  	[spmem:s1] =	stream.indirect.scatter.add.f32 [tilespmem:s18], [sflag:$0x1], $0x10, s2, s17, $0xb8;
	[tilespmem:$0x5050] =	vst v63  }
0x39: {  	s6 =	sadd.s32 $0x50, s2  }
0x3a: {  	[spmem:s1] =	stream.indirect.scatter.add.f32 [tilespmem:s18], [sflag:$0x2], $0x10, s6, s17, $0xb8;
	[tilespmem:$0x5050] =	vst v63  }
0x3b: {  	s9 =	sadd.s32 $0xA0, s2  }
0x3c: {  	[spmem:s1] =	stream.indirect.scatter.add.f32 [tilespmem:s18], [sflag:$0x3], $0x10, s9, s17, $0xb8;
	[tilespmem:$0x5050] =	vst v63  }
0x3d: {  	s6 =	sadd.s32 $0xF0, s2  }
0x3e: {  	[spmem:s1] =	stream.indirect.scatter.add.f32 [tilespmem:s18], [sflag:$0x4], $0x10, s6, s17, $0xb8;
	[tilespmem:$0x5050] =	vst v63  }
0x3f: {  	s9 =	sadd.s32 $0x140, s2  }
0x40: {  	[spmem:s1] =	stream.indirect.scatter.add.f32 [tilespmem:s18], [sflag:$0x5], $0x10, s9, s17, $0xb8;
	[tilespmem:$0x5050] =	vst v63  }
0x41: {  	s6 =	sadd.s32 $0x190, s2  }
0x42: {  	[spmem:s1] =	stream.indirect.scatter.add.f32 [tilespmem:s18], [sflag:$0x6], $0x10, s6, s17, $0xb8;
	[tilespmem:$0x5050] =	vst v63  }
0x43: {  	s9 =	sadd.s32 $0x1E0, s2  }
0x44: {  	[spmem:s1] =	stream.indirect.scatter.add.f32 [tilespmem:s18], [sflag:$0x7], $0x10, s9, s17, $0xb8;
	[tilespmem:$0x5050] =	vst v63  }
0x45: {  	s6 =	sadd.s32 $0x230, s2  }
0x46: {  	[spmem:s1] =	stream.indirect.scatter.add.f32 [tilespmem:s18], [sflag:$0x8], $0x10, s6, s17, $0xb8;
	[tilespmem:$0x5050] =	vst v63  }
0x47: {  	s9 =	sadd.s32 $0x280, s2  }
0x48: {  	[spmem:s1] =	stream.indirect.scatter.add.f32 [tilespmem:s18], [sflag:$0x9], $0x10, s9, s17, $0xb8;
	[tilespmem:$0x5050] =	vst v63  }
0x49: {  	s2 =	sadd.s32 $0x2D0, s2  }
0x4a: {  	[spmem:s1] =	stream.indirect.scatter.add.f32 [tilespmem:s18], [sflag:$0xA], $0x10, s2, s17, $0xb8;
	[tilespmem:$0x5050] =	vst v63  }
0x4b: {  	_ =	swait.ge [sflag:s15], $0x500  }
0x4c: {  	[sflag:s15] =	ssyncset.done $0x0  }
0x4d: {  	[sflag:s15] =	ssyncadd.s32 $0xFFFFFB00  }
0x4e: {  	_ =	swait.ge [sflag:s19], $0x500  }
0x4f: {  	[sflag:s19] =	ssyncset.done $0x0  }
0x50: {  	[sflag:s19] =	ssyncadd.s32 $0xFFFFFB00  }
0x51: {  	_ =	swait.ge [sflag:s20], $0x500  }
0x52: {  	[sflag:s20] =	ssyncset.done $0x0  }
0x53: {  	[sflag:s20] =	ssyncadd.s32 $0xFFFFFB00  }
0x54: {  	_ =	swait.ge [sflag:s21], $0x500  }
0x55: {  	[sflag:s21] =	ssyncset.done $0x0  }
0x56: {  	[sflag:s21] =	ssyncadd.s32 $0xFFFFFB00  }
0x57: {  	_ =	swait.ge [sflag:s7], $0x500  }
0x58: {  	[sflag:s7] =	ssyncset.done $0x0  }
0x59: {  	[sflag:s7] =	ssyncadd.s32 $0xFFFFFB00  }
0x5a: {  	_ =	swait.ge [sflag:s22], $0x500  }
0x5b: {  	[sflag:s22] =	ssyncset.done $0x0  }
0x5c: {  	[sflag:s22] =	ssyncadd.s32 $0xFFFFFB00  }
0x5d: {  	_ =	swait.ge [sflag:s23], $0x500  }
0x5e: {  	[sflag:s23] =	ssyncset.done $0x0  }
0x5f: {  	[sflag:s23] =	ssyncadd.s32 $0xFFFFFB00  }
0x60: {  	_ =	swait.ge [sflag:s26], $0x500  }
0x61: {  	[sflag:s26] =	ssyncset.done $0x0  }
0x62: {  	[sflag:s26] =	ssyncadd.s32 $0xFFFFFB00  }
0x63: {  	_ =	swait.ge [sflag:s28], $0x500  }
0x64: {  	[sflag:s28] =	ssyncset.done $0x0  }
0x65: {  	[sflag:s28] =	ssyncadd.s32 $0xFFFFFB00  }
0x66: {  	_ =	swait.ge [sflag:s29], $0x500  }
0x67: {  	s3 =	simm.s32 $0x1900;
	s2 =	simm.s32 $0x320;
	[sflag:s29] =	ssyncset.done $0x0  }
.LBB2_10:
0x68: {  	s9 =	sadd.s32 s2, s0  }
0x69: {  	[sflag:s29] =	ssyncadd.s32 $0xFFFFFB00;
	s2 =	smov.u32 s3;
	s6 =	sadd.s32 $0xC80, s3  }
0x6a: {  	[spmem:s1] =	stream.indirect.scatter.add.f32 [tilespmem:s18], [sflag:$0x1], $0x10, s9, s17, $0xb8;
	[tilespmem:$0x5050] =	vst v63  }
0x6b: {  	p2 =	seq.s32 s3, $0x3200;
	s3 =	sadd.s32 $0x50, s9  }
0x6c: {  	[spmem:s1] =	stream.indirect.scatter.add.f32 [tilespmem:s18], [sflag:$0x2], $0x10, s3, s17, $0xb8;
	[tilespmem:$0x5050] =	vst v63  }
0x6d: {  	s3 =	sadd.s32 $0xA0, s9  }
0x6e: {  	[spmem:s1] =	stream.indirect.scatter.add.f32 [tilespmem:s18], [sflag:$0x3], $0x10, s3, s17, $0xb8;
	[tilespmem:$0x5050] =	vst v63  }
0x6f: {  	s3 =	sadd.s32 $0xF0, s9  }
0x70: {  	[spmem:s1] =	stream.indirect.scatter.add.f32 [tilespmem:s18], [sflag:$0x4], $0x10, s3, s17, $0xb8;
	[tilespmem:$0x5050] =	vst v63  }
0x71: {  	s3 =	sadd.s32 $0x140, s9  }
0x72: {  	[spmem:s1] =	stream.indirect.scatter.add.f32 [tilespmem:s18], [sflag:$0x5], $0x10, s3, s17, $0xb8;
	[tilespmem:$0x5050] =	vst v63  }
0x73: {  	s3 =	sadd.s32 $0x190, s9  }
0x74: {  	[spmem:s1] =	stream.indirect.scatter.add.f32 [tilespmem:s18], [sflag:$0x6], $0x10, s3, s17, $0xb8;
	[tilespmem:$0x5050] =	vst v63  }
0x75: {  	s3 =	sadd.s32 $0x1E0, s9  }
0x76: {  	[spmem:s1] =	stream.indirect.scatter.add.f32 [tilespmem:s18], [sflag:$0x7], $0x10, s3, s17, $0xb8;
	[tilespmem:$0x5050] =	vst v63  }
0x77: {  	s3 =	sadd.s32 $0x230, s9  }
0x78: {  	[spmem:s1] =	stream.indirect.scatter.add.f32 [tilespmem:s18], [sflag:$0x8], $0x10, s3, s17, $0xb8;
	[tilespmem:$0x5050] =	vst v63  }
0x79: {  	s3 =	sadd.s32 $0x280, s9  }
0x7a: {  	[spmem:s1] =	stream.indirect.scatter.add.f32 [tilespmem:s18], [sflag:$0x9], $0x10, s3, s17, $0xb8;
	[tilespmem:$0x5050] =	vst v63  }
0x7b: {  	s3 =	sadd.s32 $0x2D0, s9  }
0x7c: {  	[spmem:s1] =	stream.indirect.scatter.add.f32 [tilespmem:s18], [sflag:$0xA], $0x10, s3, s17, $0xb8;
	[tilespmem:$0x5050] =	vst v63  }
0x7d: {  	_ =	swait.ge [sflag:s15], $0x500  }
0x7e: {  	[sflag:s15] =	ssyncset.done $0x0  }
0x7f: {  	[sflag:s15] =	ssyncadd.s32 $0xFFFFFB00  }
0x80: {  	_ =	swait.ge [sflag:s19], $0x500  }
0x81: {  	[sflag:s19] =	ssyncset.done $0x0  }
0x82: {  	[sflag:s19] =	ssyncadd.s32 $0xFFFFFB00  }
0x83: {  	_ =	swait.ge [sflag:s20], $0x500  }
0x84: {  	[sflag:s20] =	ssyncset.done $0x0  }
0x85: {  	[sflag:s20] =	ssyncadd.s32 $0xFFFFFB00  }
0x86: {  	_ =	swait.ge [sflag:s21], $0x500  }
0x87: {  	[sflag:s21] =	ssyncset.done $0x0  }
0x88: {  	[sflag:s21] =	ssyncadd.s32 $0xFFFFFB00  }
0x89: {  	_ =	swait.ge [sflag:s7], $0x500  }
0x8a: {  	[sflag:s7] =	ssyncset.done $0x0  }
0x8b: {  	[sflag:s7] =	ssyncadd.s32 $0xFFFFFB00  }
0x8c: {  	_ =	swait.ge [sflag:s22], $0x500  }
0x8d: {  	[sflag:s22] =	ssyncset.done $0x0  }
0x8e: {  	[sflag:s22] =	ssyncadd.s32 $0xFFFFFB00  }
0x8f: {  	_ =	swait.ge [sflag:s23], $0x500  }
0x90: {  	[sflag:s23] =	ssyncset.done $0x0  }
0x91: {  	[sflag:s23] =	ssyncadd.s32 $0xFFFFFB00  }
0x92: {  	_ =	swait.ge [sflag:s26], $0x500  }
0x93: {  	[sflag:s26] =	ssyncset.done $0x0  }
0x94: {  	[sflag:s26] =	ssyncadd.s32 $0xFFFFFB00  }
.Ltmp4:
0x95: {  	_ =	swait.ge [sflag:s28], $0x500;
	(pc) =	sbr.rel @!p2 .LBB2_10-.Ltmp4, $4  }
0x96: {  	[sflag:s28] =	ssyncset.done $0x0  }
0x97: {  	[sflag:s28] =	ssyncadd.s32 $0xFFFFFB00  }
0x98: {  	_ =	swait.ge [sflag:s29], $0x500  }
0x99: {  	s2 =	sshra.s32 s2, $0x2;
	s3 =	smov.u32 s6;
	[sflag:s29] =	ssyncset.done $0x0  }
0x9a: {  	s0 =	sadd.s32 s2, s0;
	[sflag:s29] =	ssyncadd.s32 $0xFFFFFB00  }
0x9b: {  	[spmem:s1] =	stream.indirect.scatter.add.f32 [tilespmem:s18], [sflag:$0x1], $0x10, s0, s17, $0xb8;
	[tilespmem:$0x5050] =	vst v63  }
0x9c: {  	s2 =	sadd.s32 $0x50, s0  }
0x9d: {  	[spmem:s1] =	stream.indirect.scatter.add.f32 [tilespmem:s18], [sflag:$0x2], $0x10, s2, s17, $0xb8;
	[tilespmem:$0x5050] =	vst v63  }
0x9e: {  	s9 =	sadd.s32 $0xA0, s0  }
0x9f: {  	[spmem:s1] =	stream.indirect.scatter.add.f32 [tilespmem:s18], [sflag:$0x3], $0x10, s9, s17, $0xb8;
	[tilespmem:$0x5050] =	vst v63  }
0xa0: {  	s3 =	sadd.s32 $0xF0, s0  }
0xa1: {  	[spmem:s1] =	stream.indirect.scatter.add.f32 [tilespmem:s18], [sflag:$0x4], $0x10, s3, s17, $0xb8;
	[tilespmem:$0x5050] =	vst v63  }
0xa2: {  	s6 =	sadd.s32 $0x140, s0  }
0xa3: {  	[spmem:s1] =	stream.indirect.scatter.add.f32 [tilespmem:s18], [sflag:$0x5], $0x10, s6, s17, $0xb8;
	[tilespmem:$0x5050] =	vst v63  }
0xa4: {  	s9 =	sadd.s32 $0x190, s0  }
0xa5: {  	[spmem:s1] =	stream.indirect.scatter.add.f32 [tilespmem:s18], [sflag:$0x6], $0x10, s9, s17, $0xb8;
	[tilespmem:$0x5050] =	vst v63  }
0xa6: {  	s3 =	sadd.s32 $0x1E0, s0  }
0xa7: {  	[spmem:s1] =	stream.indirect.scatter.add.f32 [tilespmem:s18], [sflag:$0x7], $0x10, s3, s17, $0xb8;
	[tilespmem:$0x5050] =	vst v63  }
0xa8: {  	s6 =	sadd.s32 $0x230, s0  }
0xa9: {  	[spmem:s1] =	stream.indirect.scatter.add.f32 [tilespmem:s18], [sflag:$0x8], $0x10, s6, s17, $0xb8;
	[tilespmem:$0x5050] =	vst v63  }
0xaa: {  	s9 =	sadd.s32 $0x280, s0  }
0xab: {  	[spmem:s1] =	stream.indirect.scatter.add.f32 [tilespmem:s18], [sflag:$0x9], $0x10, s9, s17, $0xb8;
	[tilespmem:$0x5050] =	vst v63  }
0xac: {  	s0 =	sadd.s32 $0x2D0, s0  }
0xad: {  	[spmem:s1] =	stream.indirect.scatter.add.f32 [tilespmem:s18], [sflag:$0xA], $0x10, s0, s17, $0xb8;
	[tilespmem:$0x5050] =	vst v63  }
0xae: {  	_ =	swait.ge [sflag:s15], $0x500  }
0xaf: {  	[sflag:s15] =	ssyncset.done $0x0  }
0xb0: {  	[sflag:s15] =	ssyncadd.s32 $0xFFFFFB00  }
0xb1: {  	_ =	swait.ge [sflag:s19], $0x500  }
0xb2: {  	[sflag:s19] =	ssyncset.done $0x0  }
0xb3: {  	[sflag:s19] =	ssyncadd.s32 $0xFFFFFB00  }
0xb4: {  	_ =	swait.ge [sflag:s20], $0x500  }
0xb5: {  	[sflag:s20] =	ssyncset.done $0x0  }
0xb6: {  	[sflag:s20] =	ssyncadd.s32 $0xFFFFFB00  }
0xb7: {  	_ =	swait.ge [sflag:s21], $0x500  }
0xb8: {  	[sflag:s21] =	ssyncset.done $0x0  }
0xb9: {  	[sflag:s21] =	ssyncadd.s32 $0xFFFFFB00  }
0xba: {  	_ =	swait.ge [sflag:s7], $0x500  }
0xbb: {  	[sflag:s7] =	ssyncset.done $0x0  }
0xbc: {  	[sflag:s7] =	ssyncadd.s32 $0xFFFFFB00  }
0xbd: {  	_ =	swait.ge [sflag:s22], $0x500  }
0xbe: {  	[sflag:s22] =	ssyncset.done $0x0  }
0xbf: {  	[sflag:s22] =	ssyncadd.s32 $0xFFFFFB00  }
0xc0: {  	_ =	swait.ge [sflag:s23], $0x500  }
0xc1: {  	[sflag:s23] =	ssyncset.done $0x0  }
0xc2: {  	[sflag:s23] =	ssyncadd.s32 $0xFFFFFB00  }
0xc3: {  	_ =	swait.ge [sflag:s26], $0x500  }
0xc4: {  	[sflag:s26] =	ssyncset.done $0x0  }
0xc5: {  	[sflag:s26] =	ssyncadd.s32 $0xFFFFFB00  }
0xc6: {  	_ =	swait.ge [sflag:s28], $0x500  }
0xc7: {  	[sflag:s28] =	ssyncset.done $0x0  }
0xc8: {  	[sflag:s28] =	ssyncadd.s32 $0xFFFFFB00  }
0xc9: {  	_ =	swait.ge [sflag:s29], $0x500  }
0xca: {  	[sflag:s29] =	ssyncset.done $0x0  }
0xcb: {  	[sflag:s29] =	ssyncadd.s32 $0xFFFFFB00  }
0xcc: {  	p2 =	seq.s32 s31, $0x5  }
.Ltmp5:
0xcd: {  	_ = 	snop;
	(pc) =	sbr.rel @!p2 .LBB2_9-.Ltmp5, $2  }
0xce: {  	_ =	sdelay $0x2  }
0xcf: {  	p1 =	por !p1, !p1  }
0xd0: {  	[bflag:$0x0] =	sbarrier.arrive $0xFFFF;
	s0 =	simm.s32 @p0 $0x1FCC  }
0xd1: {  	[hbm:s10], [sflag:s0] =	dma.local @p0 [spmem:s24], $0x320  }
0xd2: {  	s0 =	simm.s32 @p0 $0xC  }
0xd3: {  	s2 =	stileid.u32;
	s30 =	sadd.s32 $0x1, s30;
	_ =	swait.ge @p0 [sflag:s0], $0x320  }
0xd4: {  	s2 =	sshll.u32 @!p0 s2, $0x6;
	p1 =	sne.s32 s30, s11;
	[sflag:s0] =	ssyncset.done @p0 $0x0  }
0xd5: {  	[sflag:s0] =	ssyncadd.s32 @p0 $0xFFFFFCE0;
	s0 =	sor.u32 @!p0 $0x1C0C, s2;
	s2 =	rddreg [dreg:$0x4]  }
0xd6: {  	[hbm:s2], [sflag:s0] =	dma.local @!p0 [spmem:s25], $0x500  }
.Ltmp6:
0xd7: {  	_ = 	snop;
	(pc) =	sbr.rel @p1 .LBB2_1-.Ltmp6, $4  }
0xd8: {  	s0 =	simm.s32 @!p0 $0xC  }
0xd9: {  	_ =	swait.ge @!p0 [sflag:s0], $0x500  }
0xda: {  	[sflag:s0] =	ssyncset.done @!p0 $0x0  }
0xdb: {  	[sflag:s0] =	ssyncadd.s32 @!p0 $0xFFFFFB00  }
0xdc: {  	_ =	sfence.sel $0x180000  }
0xdd: {  	[bflag:$0x0] =	sbarrier.arrive $0xFFFF  }
0xde: {  	_ =	strace $0x90000047  }
0xdf: {  	s0 =	stileid.u32;
	[bflag:$0x2] =	sbarrier.arrive $0xFFFF  }
0xe0: {  	p0 =	sne.s32 s0, $0x0;
	s0 =	rddreg [dreg:$0x2]  }
0xe1: {  	s0 =	sadd.s32 @!p0 $0x100000, s0  }
0xe2: {  	[sflag:s0] =	ssyncadd.tile.s32 @!p0 $0x1;
	_ =	shalt  }
.Lfunc_end2:
_tile_overlayer_lowered:
.L_overlay_start_2:
0xe3: {  	(tag) =	ssettag $0x2  }
0xe4: {  	s0 =	rddreg [dreg:$0x0];
	s2 =	stileid.u32  }
0xe5: {  	s1 =	rddreg [dreg:$0x1];
	p0 =	sne.s32 s2, $0x0  }
0xe6: {  	s3 =	rddreg [dreg:$0x2];
	[bflag:$0x3] =	sbarrier.arrive $0xFFFF;
	s2 =	simm.s32 @!p0 $0x1C0C  }
0xe7: {  	[timem:s3], [sflag:s2] =	dma.local @!p0 [hbm:s0], s1  }
0xe8: {  	s0 =	simm.s32 @!p0 $0xC  }
0xe9: {  	_ =	swait.ge @!p0 [sflag:s0], s1  }
0xea: {  	s1 =	ssub.s32 @!p0 $0x0, s1;
	[sflag:s0] =	ssyncset.done @!p0 $0x0  }
0xeb: {  	[sflag:s0] =	ssyncadd.s32 @!p0 s1  }
0xec: {  	[bflag:$0x3] =	sbarrier.arrive $0xFFFF  }
0xed: {  	_ =	shalt  }

// kernel: kernel.13.cloned.1.call-start
scs
__scs_entry_jumppad:
0x0: {  	(pc) =	sbr.rel $0x88, $3  }
0x1: {  	(tag) =	ssettag $0x0;
	lr =	simm.s32 $0x1  }
0x2: {  	[smem:$0x3F99] =	sst lr;
	_ =	strace $0xD0000000  }
0x3: {  	_ = 	snop  }
0x4: {  	_ = 	snop  }
0x5: {  	_ = 	snop  }
0x6: {  	_ = 	snop  }
0x7: {  	_ = 	snop  }
__scs_overlays_trampoline_lowered:
0x8: {  	[smem:$0x3FA8] =	sst s0  }
0x9: {  	[smem:$0x3FA9] =	sst s1  }
0xa: {  	[smem:$0x3FAA] =	sst s2  }
0xb: {  	[smem:$0x3FAB] =	sst s3  }
0xc: {  	[smem:$0x3FAC] =	sst s4  }
0xd: {  	[smem:$0x3FAD] =	sst s5  }
0xe: {  	[smem:$0x3FAE] =	sst s6  }
0xf: {  	[smem:$0x3FAF] =	sst s7  }
0x10: {  	[smem:$0x3FB0] =	sst s8  }
0x11: {  	[smem:$0x3FB1] =	sst s9;
	s0 =	simm.s32 @!p0 $0x0  }
0x12: {  	s1 =	sld [smem:$0x3F97];
	s0 =	simm.s32 @p0 $0x1  }
0x13: {  	[smem:$0x3FB2] =	sst s0;
	s0 =	simm.s32 @!p1 $0x0  }
0x14: {  	s2 =	sld [smem:$0x3F96];
	s0 =	simm.s32 @p1 $0x1  }
0x15: {  	[smem:$0x3FB3] =	sst s0;
	s0 =	simm.s32 @!p2 $0x0  }
0x16: {  	s3 =	sld [smem:$0x3FDB];
	s0 =	simm.s32 @p2 $0x1  }
0x17: {  	s4 =	simm.s32 $0x1BF5;
	[smem:$0x3FB5] =	sst s0  }
0x18: {  	s0 =	sld [smem:$0x3F98];
	_ =	swait.ge [sflag:s4], $0x0  }
0x19: {  	s7 =	sld [smem:$0x3F99]  }
0x1a: {  	s8 =	sadd.s32 $0xFFFFE003, lr  }
0x1b: {  	s9 =	sadd.s32 $0xFFFFFEF7, lr;
	s5 =	simm.s32 $0xFFFFFFFF;
	p2 =	slt.u32 s8, $0xFFFFF086  }
0x1c: {  	p1 =	slt.u32 s9, $0xF7A;
	s5 =	simm.s32 @!p2 $0x0  }
0x1d: {  	s5 =	simm.s32 @p1 $0x1;
	p0 =	seq.s32 s7, s2  }
0x1e: {  	s7 =	smul.u32 @!p0 $0xF7A, s2;
	p2 =	seq.s32 @!p0 s5, $0x0  }
0x1f: {  	s9 =	smul.u32 $0xF7A, s1;
	s8 =	simm.s32 @!p0 $0x1BF5;
	p2 =	por !p2, p0  }
0x20: {  	[sflag:s8] =	ssyncset.s32 @!p0 $0xFFFFF086;
	s6 =	sadd.s32 @!p0 s3, s7;
	s7 =	simm.s32 @!p0 $0x108  }
0x21: {  	s3 =	sadd.s32 s3, s9;
	s6 =	sadd.s32 @!p0 $0x88, s6;
	s7 =	simm.s32 @p2 $0x1082  }
0x22: {  	[simem:s7], [sflag:s8] =	dma.local @!p0 [hbm:s6], $0xF7A  }
0x23: {  	s9 =	sor.u32 $0xD0000000, s2;
	s6 =	simm.s32 $0x108;
	_ =	swait.ge @!p0 [sflag:s8], $0x0  }
0x24: {  	s3 =	sadd.s32 $0x88, s3;
	s6 =	simm.s32 @!p1 $0x1082;
	[sflag:s4] =	ssyncset.s32 $0xFFFFF086  }
0x25: {  	[simem:s6], [sflag:s4] =	dma.local [hbm:s3], $0xF7A  }
0x26: {  	[smem:$0x3F99] =	sst s1;
	(tag) =	ssettag s2;
	_ =	strace s9  }
0x27: {  	s1 =	sld [smem:$0x3FA9]  }
0x28: {  	s2 =	sld [smem:$0x3FAA]  }
0x29: {  	s4 =	sld [smem:$0x3FAC]  }
0x2a: {  	p0 =	seq.s32 s5, $0x0;
	s5 =	sld [smem:$0x3FAD]  }
0x2b: {  	s6 =	sld [smem:$0x3FAE]  }
0x2c: {  	s7 =	sld [smem:$0x3FAF]  }
0x2d: {  	s3 =	simm.s32 $0x108;
	s8 =	sld [smem:$0x3FB0]  }
0x2e: {  	s3 =	simm.s32 @!p0 $0x1082;
	s9 =	sld [smem:$0x3FB1]  }
0x2f: {  	lr =	sadd.s32 s0, s3;
	s0 =	sld [smem:$0x3FA8]  }
0x30: {  	s3 =	sld [smem:$0x3FAB]  }
0x31: {  	[smem:$0x3FB4] =	sst s10  }
0x32: {  	s10 =	sld [smem:$0x3FB2];
	_ =	sdelay $0x3  }
0x33: {  	p0 =	seq.s32 s10, $0x1;
	s10 =	sld [smem:$0x3FB4];
	_ =	sdelay $0x3  }
0x34: {  	[smem:$0x3FB4] =	sst s10  }
0x35: {  	s10 =	sld [smem:$0x3FB3];
	_ =	sdelay $0x3  }
0x36: {  	p1 =	seq.s32 s10, $0x1;
	s10 =	sld [smem:$0x3FB4];
	_ =	sdelay $0x3  }
0x37: {  	[smem:$0x3FB4] =	sst s10  }
0x38: {  	s10 =	sld [smem:$0x3FB5]  }
0x39: {  	_ = 	snop;
	(pc) =	sbr.ind lr, $3  }
0x3a: {  	_ = 	snop  }
0x3b: {  	_ = 	snop  }
0x3c: {  	p2 =	seq.s32 s10, $0x1;
	s10 =	sld [smem:$0x3FB4]  }
0x3d: {  	_ =	shalt  }
0x3e: {  	_ =	shalt  }
0x3f: {  	_ =	shalt  }
0x40: {  	_ =	shalt  }
0x41: {  	_ =	shalt  }
0x42: {  	_ =	shalt  }
0x43: {  	_ =	shalt  }
0x44: {  	_ =	shalt  }
0x45: {  	_ =	shalt  }
0x46: {  	_ =	shalt  }
0x47: {  	_ =	shalt  }
0x48: {  	_ =	shalt  }
0x49: {  	_ =	shalt  }
0x4a: {  	_ =	shalt  }
0x4b: {  	_ =	shalt  }
0x4c: {  	_ =	shalt  }
0x4d: {  	_ =	shalt  }
0x4e: {  	_ =	shalt  }
0x4f: {  	_ =	shalt  }
0x50: {  	_ =	shalt  }
0x51: {  	_ =	shalt  }
0x52: {  	_ =	shalt  }
0x53: {  	_ =	shalt  }
0x54: {  	_ =	shalt  }
0x55: {  	_ =	shalt  }
0x56: {  	_ =	shalt  }
0x57: {  	_ =	shalt  }
0x58: {  	_ =	shalt  }
0x59: {  	_ =	shalt  }
0x5a: {  	_ =	shalt  }
0x5b: {  	_ =	shalt  }
0x5c: {  	_ =	shalt  }
0x5d: {  	_ =	shalt  }
0x5e: {  	_ =	shalt  }
0x5f: {  	_ =	shalt  }
0x60: {  	_ =	shalt  }
0x61: {  	_ =	shalt  }
0x62: {  	_ =	shalt  }
0x63: {  	_ =	shalt  }
0x64: {  	_ =	shalt  }
0x65: {  	_ =	shalt  }
0x66: {  	_ =	shalt  }
0x67: {  	_ =	shalt  }
0x68: {  	_ =	shalt  }
0x69: {  	_ =	shalt  }
0x6a: {  	_ =	shalt  }
0x6b: {  	_ =	shalt  }
0x6c: {  	_ =	shalt  }
0x6d: {  	_ =	shalt  }
0x6e: {  	_ =	shalt  }
0x6f: {  	_ =	shalt  }
0x70: {  	_ =	shalt  }
0x71: {  	_ =	shalt  }
0x72: {  	_ =	shalt  }
0x73: {  	_ =	shalt  }
0x74: {  	_ =	shalt  }
0x75: {  	_ =	shalt  }
0x76: {  	_ =	shalt  }
0x77: {  	_ =	shalt  }
0x78: {  	_ =	shalt  }
0x79: {  	_ =	shalt  }
0x7a: {  	_ =	shalt  }
0x7b: {  	_ =	shalt  }
0x7c: {  	_ =	shalt  }
0x7d: {  	_ =	shalt  }
0x7e: {  	_ =	shalt  }
0x7f: {  	_ =	shalt  }
0x80: {  	_ =	shalt  }
0x81: {  	_ =	shalt  }
0x82: {  	_ =	shalt  }
0x83: {  	_ =	shalt  }
0x84: {  	_ =	shalt  }
0x85: {  	_ =	shalt  }
0x86: {  	_ =	shalt  }
0x87: {  	_ =	shalt  }
.Lfunc_end0:
.L_simem_size_0:
called_computation.1_lowered:
.L_overlay_start_0:
0x88: {  	s2 =	sld [smem:$0x3FD9]  }
0x89: {  	s3 =	sld [smem:$0x3FFE];
	_ =	sdelay $0x1  }
0x8a: {  	s1 =	srdreg.scid  }
0x8b: {  	s0 =	sand.u32 $0x1, s1  }
0x8c: {  	s16 =	sshll.u32 s0, $0xA;
	s2 =	sadd.s32 s3, s2  }
0x8d: {  	s2 =	sadd.s32 s2, s16  }
0x8e: {  	[smem:$0x3FC0] =	sst s2  }
0x8f: {  	_ = 	snop  }
0x90: {  	(tm) =	ssettm $0x1  }
0x91: {  	s17 =	sld [smem:$0x3FFB];
	_ =	sdelay $0x3  }
0x92: {  	_ =	strace s17  }
0x93: {  	s2 =	sld [smem:$0x3FFC];
	_ =	sdelay $0x3  }
0x94: {  	_ =	strace s2  }
0x95: {  	s2 =	sld [smem:$0x3FFD];
	_ =	sdelay $0x3  }
0x96: {  	_ =	strace s2  }
0x97: {  	_ =	strace $0x8FFFFFFF  }
0x98: {  	s18 =	sld [smem:$0x3FDB];
	_ =	sdelay $0x1  }
0x99: {  	s19 =	simm.s32 $_scs_section_size  }
0x9a: {  	s4 =	simm.s32 $_size__tile_overlayer_lowered;
	s5 =	simm.s32 $_tile_overlayer_lowered  }
0x9b: {  	s22 =	simm.s32 $0x1BFF;
	s21 =	sshll.u32 s5, $0x1;
	s2 =	sadd.s32 s19, s18  }
0x9c: {  	s6 =	simm.s32 $0x0;
	s20 =	sshll.u32 s4, $0x1;
	s4 =	sadd.s32 s21, s2  }
0x9d: {  	[timem:s6], [sflag:s22] =	dma.local [hbm:s4], s20  }
0x9e: {  	_ =	swait.ge [sflag:s22], s20  }
0x9f: {  	s3 =	ssub.s32 $0x0, s20;
	[sflag:s22] =	ssyncset.done $0x0  }
0xa0: {  	[sflag:s22] =	ssyncadd.s32 s3;
	_ =	sdelay $0x1  }
0xa1: {  	s23 =	simm.s32 $0x1B8B  }
0xa2: {  	_ =	swait.ge [sflag:s23], $0x1  }
0xa3: {  	[sflag:s23] =	ssyncset.done $0x0  }
0xa4: {  	s25 =	simm.s32 $0x1B8E;
	s24 =	sld [smem:$0x3FFE];
	[sflag:s23] =	ssyncadd.s32 $0xFFFFFFFF  }
0xa5: {  	s26 =	simm.s32 $execute0_lowered;
	[smem:$0x3FD2] =	sst s25  }
0xa6: {  	s4 =	sshll.u32 s26, $0x1;
	_ =	strace $0x80000049;
	[dreg:$0x1] =	wrdreg $0xFFFFFFFF  }
0xa7: {  	s28 =	simm.s32 $_size_execute0_lowered;
	s2 =	sadd.s32 s2, s4;
	[dreg:$0x0] =	wrdreg $0x0  }
0xa8: {  	s4 =	sshll.u32 s28, $0x1;
	[dreg:$0x2] =	wrdreg s2  }
0xa9: {  	[dreg:$0x3] =	wrdreg s4  }
0xaa: {  	[dreg:$0x4] =	wrdreg $0xC0  }
0xab: {  	_ =	task [dreg:s6], $0x5FFFF  }
0xac: {  	[dreg:$0x1] =	wrdreg $0xFFFFFFFF  }
0xad: {  	[dreg:$0x0] =	wrdreg $0x60  }
0xae: {  	[dreg:$0x2] =	wrdreg s24  }
0xaf: {  	[dreg:$0x3] =	wrdreg $0x7D000  }
0xb0: {  	[dreg:$0x4] =	wrdreg $0x9  }
0xb1: {  	_ =	task.clear_ibuf [dreg:s6], $0x5FFFF;
	_ =	strace $0x90000049  }
0xb2: {  	s29 =	simm.s32 $0x9;
	_ =	strace $0x8000004B  }
0xb3: {  	_ =	swait.ge [sflag:s29], $0x1  }
0xb4: {  	[sflag:s29] =	ssyncadd.s32 $0xFFFFFFFF  }
0xb5: {  	_ =	strace $0x9000004B  }
0xb6: {  	_ =	sfence  }
0xb7: {  	s30 =	sld [smem:$0x0];
	_ =	sdelay $0x2  }
0xb8: {  	s31 =	sshll.u32 s1, $0xD;
	s1 =	sshrl.u32 s1, $0x2  }
0xb9: {  	s3 =	sand.u32 $0x4000, s31;
	s1 =	sadd.s32 s1, s30  }
0xba: {  	s0 =	sor.u32 s3, s0;
	s1 =	sshll.u32 s1, $0x11  }
0xbb: {  	s0 =	sor.u32 s1, s0  }
0xbc: {  	s0 =	sadd.s32 $0x8F2B, s0  }
0xbd: {  	[sflag:s0] =	ssyncadd.remote.s32 $0x1  }
0xbe: {  	_ =	sfence.sel $0xFFFF  }
0xbf: {  	[dreg:$0x0] =	wrdreg $0xFFFFFFFF;
	(pc) =	sbr.abs _section_cstart, $3  }
0xc0: {  	[dreg:$0x1] =	wrdreg $0xFFFFFFFF  }
0xc1: {  	_ =	task.clear_ibuf [dreg:s6], $0x2FFFF;
	_ =	strace $0x9FFFFFFF  }
0xc2: {  	(tm) =	ssettm $0x7FFFFFFF  }
0xc3: {  	_ =	shalt  }
tec
execute0_lowered:
.L_overlay_start_1:
0x0: {  	(tag) =	ssettag $0x1  }
0x1: {  	s0 =	rddreg [dreg:$0x0];
	s2 =	srdreg.scid  }
0x2: {  	s1 =	rddreg [dreg:$0x1];
	s4 =	simm.s32 $0x0;
	s6 =	stileid.u32  }
0x3: {  	s31 =	simm.s32 $0x11940;
	s18 =	simm.s32 $0x16;
	s21 =	simm.s32 $0x50  }
0x4: {  	s10 =	simm.s32 $0xB;
	s15 =	simm.s32 $0xC;
	s20 =	simm.s32 $0x10  }
0x5: {  	s17 =	simm.s32 $0x11;
	s22 =	simm.s32 $0x12;
	s23 =	simm.s32 $0x13  }
0x6: {  	s19 =	simm.s32 $0x15540;
	s12 =	simm.s32 $0x1A540;
	s8 =	smul.u32 $0x9C40, s6  }
0x7: {  	s13 =	simm.s32 $0x1B940;
	s2 =	sand.u32 $0x1, s2;
	s28 =	smul.u32 $0xA000, s6  }
0x8: {  	[smem:$0x7FF] =	sst s4;
	p0 =	seq.s32 s6, $0xF;
	s6 =	smul.u32 $0x28000, s6  }
0x9: {  	s7 =	sadd.s32 $0x2A00, s0;
	s9 =	sadd.s32 $0x16400, s0;
	s3 =	smul.u32 $0x13880, s2  }
0xa: {  	_ =	strace $0x8000004A;
	s25 =	ssub.s32 $0x2, s2;
	[dreg:$0x3] =	wrdreg s7  }
0xb: {  	s2 =	smul.u32 $0x9C400, s2;
	[dreg:$0x5] =	wrdreg s9;
	s5 =	sshrl.u32 s25, $0x1  }
0xc: {  	[dreg:$0x4] =	wrdreg s8;
	s26 =	sshrl.u32 s8, $0x3;
	s30 =	sshrl.u32 s6, $0x2  }
0xd: {  	s6 =	simm.s32 $0xF;
	s8 =	simm.s32 $0x19140;
	s3 =	sadd.s32 s3, s0  }
0xe: {  	s0 =	sadd.s32 $0xF7200, s0;
	s4 =	ssub.s32 s25, s5;
	s7 =	sadd.s32 s7, s26  }
0xf: {  	s5 =	sadd.s32 s9, s26;
	s29 =	sadd.s32 s28, s2;
	s2 =	sshrl.u32 s2, $0x3  }
0x10: {  	s25 =	simm.s32 $0xA;
	s26 =	simm.s32 $0x14;
	[dreg:$0x6] =	wrdreg s7  }
0x11: {  	s9 =	simm.s32 $0x14140;
	[dreg:$0x7] =	wrdreg s5;
	s7 =	simm.s32 $0x5  }
0x12: {  	s11 =	sadd.s32 $0xD0000, s3;
	s3 =	sshrl.u32 s29, $0x3;
	s4 =	smax.u32 s4, $0x1  }
0x13: {  	s5 =	simm.s32 $0xE;
	s7 =	simm.s32 @!p0 $0x8;
	[dreg:$0xb] =	wrdreg s4  }
0x14: {  	s3 =	sadd.s32 s0, s3;
	s0 =	sadd.s32 s0, s2;
	[dreg:$0x8] =	wrdreg s7  }
.Ltmp0:
0x15: {  	[dreg:$0x9] =	wrdreg s3;
	s0 =	sadd.s32 $0x12C00, s0;
	(pc) =	sbr.rel .LBB2_1-.Ltmp0, $4  }
0x16: {  	s2 =	sadd.s32 s30, s1;
	[dreg:$0xa] =	wrdreg s0;
	s0 =	sadd.s32 $0x96000, s1  }
0x17: {  	s3 =	sadd.s32 s28, s1;
	[dreg:$0xc] =	wrdreg s2;
	s0 =	sshrl.u32 @p0 s0, $0x3  }
0x18: {  	s4 =	simm.s32 $0xD;
	[dreg:$0xd] =	wrdreg s0;
	s0 =	sshrl.u32 @!p0 s3, $0x3  }
0x19: {  	v0 =	vimm.f32 $0.0e+00;
	s2 =	simm.s32 $0x0;
	s7 =	simm.s32 $0x17D40;
	[dreg:$0xe] =	wrdreg s0  }
.LBB2_11:
0x1a: {  	[bflag:$0x0] =	sbarrier.arrive $0xFFFF  }
0x1b: {  	s16 =	rddreg [dreg:$0xa]  }
0x1c: {  	s0 =	simm.s32 @p0 $0x1FD6;
	s3 =	rddreg [dreg:$0xd]  }
0x1d: {  	[hbm:s16], [sflag:s0] =	dma.local @p0 [spmem:s3], $0xC80  }
0x1e: {  	s0 =	simm.s32 @p0 $0x16  }
0x1f: {  	s16 =	stileid.u32;
	_ =	swait.ge @p0 [sflag:s0], $0xC80  }
0x20: {  	s16 =	sshll.u32 @!p0 s16, $0x6;
	[sflag:s0] =	ssyncset.done @p0 $0x0;
	s3 =	rddreg [dreg:$0xe]  }
0x21: {  	[sflag:s0] =	ssyncadd.s32 @p0 $0xFFFFF380;
	s0 =	sor.u32 @!p0 $0x1C16, s16;
	s16 =	rddreg [dreg:$0x9]  }
0x22: {  	[hbm:s16], [sflag:s0] =	dma.local @!p0 [spmem:s3], $0x1400  }
0x23: {  	s0 =	simm.s32 @!p0 $0x16  }
0x24: {  	_ =	swait.ge @!p0 [sflag:s0], $0x1400  }
0x25: {  	s2 =	rddreg [dreg:$0xf]  }
0x26: {  	s30 =	rddreg [dreg:$0xb];
	s2 =	sadd.s32 $0x1, s2  }
0x27: {  	p1 =	sne.s32 s2, s30  }
.Ltmp1:
0x28: {  	_ = 	snop;
	(pc) =	sbr.rel @!p1 .LBB2_12-.Ltmp1, $3  }
0x29: {  	_ =	sdelay $0x1  }
0x2a: {  	[sflag:s0] =	ssyncset.done @!p0 $0x0  }
0x2b: {  	s31 =	simm.s32 $0x11940;
	[sflag:s0] =	ssyncadd.s32 @!p0 $0xFFFFEC00  }
.LBB2_1:
0x2c: {  	s0 =	simm.s32 $0x0;
	s16 =	rddreg [dreg:$0x6]  }
0x2d: {  	[tilespmem:s0], [sflag:$0x15] =	stream.linear.gather [hbm4b:s16+s0], $0x1F40, $0x38;
	[tilespmem:$0x1F540] =	vst v63  }
0x2e: {  	s30 =	rddreg [dreg:$0x7];
	s28 =	simm.s32 $0x3E80  }
0x2f: {  	[tilespmem:s28], [sflag:$0x15] =	stream.linear.gather [hbm4b:s30+s0], $0x1F40, $0x38;
	[tilespmem:$0x1F540] =	vst v63  }
0x30: {  	s29 =	simm.s32 $0x100;
	s28 =	simm.s32 $0x0  }
.LBB2_2:
0x31: {  	p1 =	sne.s32 s29, $0x4F00;
	[tilespmem:s28+$0x11970] =	vst v0;
	s30 =	smov.u32 s29;
	s29 =	sadd.s32 $0x100, s29  }
.Ltmp2:
0x32: {  	[tilespmem:s28+$0x11960] =	vst v0;
	(pc) =	sbr.rel @p1 .LBB2_2-.Ltmp2, $3  }
0x33: {  	[tilespmem:s28+$0x11940] =	vst v0  }
0x34: {  	[tilespmem:s28+$0x11950] =	vst v0;
	_ =	sdelay $0x1  }
0x35: {  	s28 =	sshra.s32 s30, $0x2  }
0x36: {  	[tilespmem:s28+$0x11970] =	vst v0;
	s0 =	rddreg [dreg:$0x8]  }
0x37: {  	[tilespmem:s28+$0x11960] =	vst v0;
	p1 =	sne.s32 s0, $0x1  }
.Ltmp3:
0x38: {  	[dreg:$0xf] =	wrdreg s2;
	[tilespmem:s28+$0x11940] =	vst v0;
	(pc) =	sbr.rel @!p1 .LBB2_5-.Ltmp3, $4  }
0x39: {  	[tilespmem:s28+$0x11950] =	vst v0;
	s29 =	rddreg [dreg:$0xc]  }
0x3a: {  	[spmem:s29] =	stream.linear.scatter [tilespmem:s31], [sflag:$0x16], $0x1400, $0x38;
	[tilespmem:$0x1F540] =	vst v63  }
0x3b: {  	_ =	swait.ge [sflag:s18], $0x1400  }
0x3c: {  	s28 =	sadd.s32 $0xFFFFFFFF, s0;
	[sflag:s18] =	ssyncset.done $0x0  }
.LBB2_4:
0x3d: {  	p1 =	sne.s32 s28, $0x1;
	[sflag:s18] =	ssyncadd.s32 $0xFFFFEC00;
	s29 =	sadd.s32 $0x1400, s29  }
.Ltmp4:
0x3e: {  	s28 =	sadd.s32 $0xFFFFFFFF, s28;
	(pc) =	sbr.rel @p1 .LBB2_4-.Ltmp4, $4  }
0x3f: {  	_ = 	snop  }
0x40: {  	[spmem:s29] =	stream.linear.scatter [tilespmem:s31], [sflag:$0x16], $0x1400, $0x38;
	[tilespmem:$0x1F540] =	vst v63  }
0x41: {  	_ =	swait.ge [sflag:s18], $0x1400  }
0x42: {  	[sflag:s18] =	ssyncset.done $0x0  }
.LBB2_5:
.Ltmp5:
0x43: {  	(pc) =	sbr.rel .LBB2_8-.Ltmp5, $4  }
0x44: {  	_ = 	snop  }
0x45: {  	[sflag:s18] =	ssyncadd.s32 $0xFFFFEC00  }
0x46: {  	[bflag:$0x0] =	sbarrier.arrive $0xFFFF  }
0x47: {  	s28 =	simm.s32 $0x0;
	p1 =	por $0x0, $0x0  }
.LBB2_10:
0x48: {  	_ =	swait.ge [sflag:s15], $0x1400  }
0x49: {  	[sflag:s15] =	ssyncset.done $0x0  }
0x4a: {  	[sflag:s15] =	ssyncadd.s32 $0xFFFFEC00  }
0x4b: {  	_ =	swait.ge [sflag:s4], $0x1400  }
0x4c: {  	[sflag:s4] =	ssyncset.done $0x0  }
0x4d: {  	[sflag:s4] =	ssyncadd.s32 $0xFFFFEC00  }
0x4e: {  	_ =	swait.ge [sflag:s5], $0x1400  }
0x4f: {  	[sflag:s5] =	ssyncset.done $0x0  }
0x50: {  	[sflag:s5] =	ssyncadd.s32 $0xFFFFEC00  }
0x51: {  	_ =	swait.ge [sflag:s6], $0x1400  }
0x52: {  	[sflag:s6] =	ssyncset.done $0x0  }
0x53: {  	[sflag:s6] =	ssyncadd.s32 $0xFFFFEC00  }
0x54: {  	_ =	swait.ge [sflag:s20], $0x1400  }
0x55: {  	[sflag:s20] =	ssyncset.done $0x0  }
0x56: {  	[sflag:s20] =	ssyncadd.s32 $0xFFFFEC00  }
0x57: {  	_ =	swait.ge [sflag:s17], $0x1400  }
0x58: {  	[sflag:s17] =	ssyncset.done $0x0  }
0x59: {  	[sflag:s17] =	ssyncadd.s32 $0xFFFFEC00  }
0x5a: {  	_ =	swait.ge [sflag:s22], $0x1400  }
0x5b: {  	[sflag:s22] =	ssyncset.done $0x0  }
0x5c: {  	[sflag:s22] =	ssyncadd.s32 $0xFFFFEC00  }
0x5d: {  	_ =	swait.ge [sflag:s23], $0x1400  }
0x5e: {  	[sflag:s23] =	ssyncset.done $0x0  }
0x5f: {  	[sflag:s23] =	ssyncadd.s32 $0xFFFFEC00  }
0x60: {  	_ =	swait.ge [sflag:s26], $0x1400  }
0x61: {  	[sflag:s26] =	ssyncset.done $0x0  }
0x62: {  	[sflag:s26] =	ssyncadd.s32 $0xFFFFEC00  }
.LBB2_7:
0x63: {  	s28 =	rddreg [dreg:$0x10]  }
0x64: {  	p2 =	seq.s32 s28, $0x5  }
.Ltmp6:
0x65: {  	_ = 	snop;
	(pc) =	sbr.rel @p2 .LBB2_11-.Ltmp6, $2  }
0x66: {  	_ =	sdelay $0x2  }
0x67: {  	p1 =	por !p1, !p1  }
.LBB2_8:
0x68: {  	s16 =	simm.s32 $0x15  }
0x69: {  	_ =	swait.ge [sflag:s16], $0x1F40  }
0x6a: {  	s0 =	sadd.s32 $0x1, s28;
	[sflag:s16] =	ssyncset.done $0x0  }
0x6b: {  	p2 =	seq.s32 s28, $0x4;
	[dreg:$0x10] =	wrdreg s0;
	[sflag:s16] =	ssyncadd.s32 $0xFFFFE0C0  }
0x6c: {  	s28 =	sand.u32 $0x1, s28;
	s29 =	smul.u32 @!p2 $0x1F40, s0;
	_ =	swait.ge [sflag:s16], $0x1F40  }
0x6d: {  	s30 =	sxor.u32 @!p2 $0x1, s28;
	s0 =	rddreg [dreg:$0x4]  }
0x6e: {  	s2 =	simm.s32 @!p2 $0x0;
	s30 =	smul.u32 @!p2 $0x1F40, s30;
	s29 =	sadd.s32 @!p2 s0, s29  }
0x6f: {  	[sflag:s16] =	ssyncset.done $0x0;
	s0 =	rddreg [dreg:$0x3];
	s29 =	sshrl.u32 @!p2 s29, $0x3  }
0x70: {  	[sflag:s16] =	ssyncadd.s32 $0xFFFFE0C0;
	s31 =	sadd.s32 @!p2 s0, s29;
	s0 =	rddreg [dreg:$0x5]  }
0x71: {  	[tilespmem:s30], [sflag:$0x15] =	stream.linear.gather @!p2 [hbm4b:s31+s2], $0x1F40, $0x38;
	[tilespmem:$0x1F540] =	vst v63  }
0x72: {  	s28 =	smul.u32 $0x1F40, s28;
	s30 =	sadd.s32 @!p2 $0x3E80, s30;
	s29 =	sadd.s32 @!p2 s0, s29  }
0x73: {  	[tilespmem:s30], [sflag:$0x15] =	stream.linear.gather @!p2 [hbm4b:s29+s2], $0x1F40, $0x38;
	[tilespmem:$0x1F540] =	vst v63  }
0x74: {  	s3 =	simm.s32 $0x12D40  }
0x75: {  	[tilespmem:s3], [sflag:$0x1] =	stream.indirect.gather [hbm4b:s11+s21], $0x40, s28, s21, $0xb8;
	[tilespmem:$0x1F540] =	vst v63  }
0x76: {  	s29 =	sadd.s32 $0x50, s28  }
0x77: {  	[tilespmem:s9], [sflag:$0x2] =	stream.indirect.gather [hbm4b:s11+s21], $0x40, s29, s21, $0xb8;
	[tilespmem:$0x1F540] =	vst v63  }
0x78: {  	s29 =	sadd.s32 $0xA0, s28  }
0x79: {  	[tilespmem:s19], [sflag:$0x3] =	stream.indirect.gather [hbm4b:s11+s21], $0x40, s29, s21, $0xb8;
	[tilespmem:$0x1F540] =	vst v63  }
0x7a: {  	s2 =	simm.s32 $0x16940;
	s29 =	sadd.s32 $0xF0, s28  }
0x7b: {  	[tilespmem:s2], [sflag:$0x4] =	stream.indirect.gather [hbm4b:s11+s21], $0x40, s29, s21, $0xb8;
	[tilespmem:$0x1F540] =	vst v63  }
0x7c: {  	s29 =	sadd.s32 $0x140, s28  }
0x7d: {  	[tilespmem:s7], [sflag:$0x5] =	stream.indirect.gather [hbm4b:s11+s21], $0x40, s29, s21, $0xb8;
	[tilespmem:$0x1F540] =	vst v63  }
0x7e: {  	s29 =	sadd.s32 $0x190, s28  }
0x7f: {  	[tilespmem:s8], [sflag:$0x6] =	stream.indirect.gather [hbm4b:s11+s21], $0x40, s29, s21, $0xb8;
	[tilespmem:$0x1F540] =	vst v63  }
0x80: {  	s29 =	sadd.s32 $0x1E0, s28  }
0x81: {  	[tilespmem:s12], [sflag:$0x7] =	stream.indirect.gather [hbm4b:s11+s21], $0x40, s29, s21, $0xb8;
	[tilespmem:$0x1F540] =	vst v63  }
0x82: {  	s30 =	sadd.s32 $0x230, s28;
	s29 =	simm.s32 $0x1  }
0x83: {  	[tilespmem:s13], [sflag:$0x8] =	stream.indirect.gather [hbm4b:s11+s21], $0x40, s30, s21, $0xb8;
	[tilespmem:$0x1F540] =	vst v63  }
0x84: {  	s14 =	simm.s32 $0x1CD40;
	s29 =	simm.s32 @!p1 $0x0;
	s30 =	sadd.s32 $0x280, s28  }
0x85: {  	[tilespmem:s14], [sflag:$0x9] =	stream.indirect.gather [hbm4b:s11+s21], $0x40, s30, s21, $0xb8;
	[tilespmem:$0x1F540] =	vst v63  }
0x86: {  	s24 =	simm.s32 $0x1E140;
	s29 =	smul.u32 $0x7D00, s29;
	s28 =	sadd.s32 $0x2D0, s28  }
0x87: {  	[tilespmem:s24], [sflag:$0xA] =	stream.indirect.gather [hbm4b:s11+s21], $0x40, s28, s21, $0xb8;
	[tilespmem:$0x1F540] =	vst v63  }
0x88: {  	s28 =	sshrl.u32 s29, $0x2  }
0x89: {  	s30 =	simm.s32 $0x0;
	s29 =	sadd.s32 $0x3E80, s28  }
.LBB2_9:
0x8a: {  	s0 =	simm.s32 $0x1  }
0x8b: {  	_ =	swait.ge [sflag:s0], $0x1400  }
0x8c: {  	s31 =	sshra.s32 s30, $0x2;
	[sflag:s0] =	ssyncset.done $0x0  }
0x8d: {  	s16 =	simm.s32 $0x2;
	[sflag:s0] =	ssyncadd.s32 $0xFFFFEC00;
	s0 =	sadd.s32 s31, s29  }
0x8e: {  	[spmem:s1] =	stream.indirect.scatter.add.f32 [tilespmem:s3], [sflag:$0xB], $0x40, s0, s21, $0xb8;
	[tilespmem:$0x1F540] =	vst v63  }
0x8f: {  	_ =	swait.ge [sflag:s16], $0x1400  }
0x90: {  	[sflag:s16] =	ssyncset.done $0x0  }
0x91: {  	[sflag:s16] =	ssyncadd.s32 $0xFFFFEC00;
	s16 =	sadd.s32 $0x50, s0  }
0x92: {  	[spmem:s1] =	stream.indirect.scatter.add.f32 [tilespmem:s9], [sflag:$0xC], $0x40, s16, s21, $0xb8;
	[tilespmem:$0x1F540] =	vst v63  }
0x93: {  	s16 =	simm.s32 $0x3  }
0x94: {  	_ =	swait.ge [sflag:s16], $0x1400  }
0x95: {  	[sflag:s16] =	ssyncset.done $0x0  }
0x96: {  	[sflag:s16] =	ssyncadd.s32 $0xFFFFEC00;
	s16 =	sadd.s32 $0xA0, s0  }
0x97: {  	[spmem:s1] =	stream.indirect.scatter.add.f32 [tilespmem:s19], [sflag:$0xD], $0x40, s16, s21, $0xb8;
	[tilespmem:$0x1F540] =	vst v63  }
0x98: {  	s16 =	simm.s32 $0x4  }
0x99: {  	_ =	swait.ge [sflag:s16], $0x1400  }
0x9a: {  	[sflag:s16] =	ssyncset.done $0x0  }
0x9b: {  	[sflag:s16] =	ssyncadd.s32 $0xFFFFEC00;
	s16 =	sadd.s32 $0xF0, s0  }
0x9c: {  	[spmem:s1] =	stream.indirect.scatter.add.f32 [tilespmem:s2], [sflag:$0xE], $0x40, s16, s21, $0xb8;
	[tilespmem:$0x1F540] =	vst v63  }
0x9d: {  	s16 =	simm.s32 $0x5  }
0x9e: {  	_ =	swait.ge [sflag:s16], $0x1400  }
0x9f: {  	[sflag:s16] =	ssyncset.done $0x0  }
0xa0: {  	[sflag:s16] =	ssyncadd.s32 $0xFFFFEC00;
	s16 =	sadd.s32 $0x140, s0  }
0xa1: {  	[spmem:s1] =	stream.indirect.scatter.add.f32 [tilespmem:s7], [sflag:$0xF], $0x40, s16, s21, $0xb8;
	[tilespmem:$0x1F540] =	vst v63  }
0xa2: {  	s16 =	simm.s32 $0x6  }
0xa3: {  	_ =	swait.ge [sflag:s16], $0x1400  }
0xa4: {  	[sflag:s16] =	ssyncset.done $0x0  }
0xa5: {  	[sflag:s16] =	ssyncadd.s32 $0xFFFFEC00;
	s16 =	sadd.s32 $0x190, s0  }
0xa6: {  	[spmem:s1] =	stream.indirect.scatter.add.f32 [tilespmem:s8], [sflag:$0x10], $0x40, s16, s21, $0xb8;
	[tilespmem:$0x1F540] =	vst v63  }
0xa7: {  	s16 =	simm.s32 $0x7  }
0xa8: {  	_ =	swait.ge [sflag:s16], $0x1400  }
0xa9: {  	[sflag:s16] =	ssyncset.done $0x0  }
0xaa: {  	[sflag:s16] =	ssyncadd.s32 $0xFFFFEC00;
	s16 =	sadd.s32 $0x1E0, s0  }
0xab: {  	[spmem:s1] =	stream.indirect.scatter.add.f32 [tilespmem:s12], [sflag:$0x11], $0x40, s16, s21, $0xb8;
	[tilespmem:$0x1F540] =	vst v63  }
0xac: {  	s16 =	simm.s32 $0x8  }
0xad: {  	_ =	swait.ge [sflag:s16], $0x1400  }
0xae: {  	[sflag:s16] =	ssyncset.done $0x0  }
0xaf: {  	[sflag:s16] =	ssyncadd.s32 $0xFFFFEC00;
	s16 =	sadd.s32 $0x230, s0  }
0xb0: {  	[spmem:s1] =	stream.indirect.scatter.add.f32 [tilespmem:s13], [sflag:$0x12], $0x40, s16, s21, $0xb8;
	[tilespmem:$0x1F540] =	vst v63  }
0xb1: {  	s16 =	simm.s32 $0x9  }
0xb2: {  	_ =	swait.ge [sflag:s16], $0x1400  }
0xb3: {  	[sflag:s16] =	ssyncset.done $0x0  }
0xb4: {  	[sflag:s16] =	ssyncadd.s32 $0xFFFFEC00;
	s16 =	sadd.s32 $0x280, s0  }
0xb5: {  	[spmem:s1] =	stream.indirect.scatter.add.f32 [tilespmem:s14], [sflag:$0x13], $0x40, s16, s21, $0xb8;
	[tilespmem:$0x1F540] =	vst v63  }
0xb6: {  	_ =	swait.ge [sflag:s25], $0x1400  }
0xb7: {  	p2 =	sne.s32 s30, $0x7080;
	[sflag:s25] =	ssyncset.done $0x0  }
.Ltmp7:
0xb8: {  	s0 =	sadd.s32 $0x2D0, s0;
	[sflag:s25] =	ssyncadd.s32 $0xFFFFEC00;
	(pc) =	sbr.rel @!p2 .LBB2_10-.Ltmp7, $4  }
0xb9: {  	[spmem:s1] =	stream.indirect.scatter.add.f32 [tilespmem:s24], [sflag:$0x14], $0x40, s0, s21, $0xb8;
	[tilespmem:$0x1F540] =	vst v63  }
0xba: {  	_ =	swait.ge [sflag:s10], $0x1400  }
0xbb: {  	[sflag:s10] =	ssyncset.done $0x0  }
0xbc: {  	[sflag:s10] =	ssyncadd.s32 $0xFFFFEC00  }
0xbd: {  	s0 =	sadd.s32 s31, s28  }
0xbe: {  	s16 =	sadd.s32 $0x320, s0  }
0xbf: {  	[tilespmem:s3], [sflag:$0x1] =	stream.indirect.gather [hbm4b:s11+s21], $0x40, s16, s21, $0xb8;
	[tilespmem:$0x1F540] =	vst v63  }
0xc0: {  	_ =	swait.ge [sflag:s15], $0x1400  }
0xc1: {  	[sflag:s15] =	ssyncset.done $0x0  }
0xc2: {  	s31 =	sadd.s32 $0x370, s0;
	[sflag:s15] =	ssyncadd.s32 $0xFFFFEC00  }
0xc3: {  	[tilespmem:s9], [sflag:$0x2] =	stream.indirect.gather [hbm4b:s11+s21], $0x40, s31, s21, $0xb8;
	[tilespmem:$0x1F540] =	vst v63  }
0xc4: {  	_ =	swait.ge [sflag:s4], $0x1400  }
0xc5: {  	[sflag:s4] =	ssyncset.done $0x0  }
0xc6: {  	s31 =	sadd.s32 $0x3C0, s0;
	[sflag:s4] =	ssyncadd.s32 $0xFFFFEC00  }
0xc7: {  	[tilespmem:s19], [sflag:$0x3] =	stream.indirect.gather [hbm4b:s11+s21], $0x40, s31, s21, $0xb8;
	[tilespmem:$0x1F540] =	vst v63  }
0xc8: {  	_ =	swait.ge [sflag:s5], $0x1400  }
0xc9: {  	[sflag:s5] =	ssyncset.done $0x0  }
0xca: {  	s31 =	sadd.s32 $0x410, s0;
	[sflag:s5] =	ssyncadd.s32 $0xFFFFEC00  }
0xcb: {  	[tilespmem:s2], [sflag:$0x4] =	stream.indirect.gather [hbm4b:s11+s21], $0x40, s31, s21, $0xb8;
	[tilespmem:$0x1F540] =	vst v63  }
0xcc: {  	_ =	swait.ge [sflag:s6], $0x1400  }
0xcd: {  	[sflag:s6] =	ssyncset.done $0x0  }
0xce: {  	s31 =	sadd.s32 $0x460, s0;
	[sflag:s6] =	ssyncadd.s32 $0xFFFFEC00  }
0xcf: {  	[tilespmem:s7], [sflag:$0x5] =	stream.indirect.gather [hbm4b:s11+s21], $0x40, s31, s21, $0xb8;
	[tilespmem:$0x1F540] =	vst v63  }
0xd0: {  	_ =	swait.ge [sflag:s20], $0x1400  }
0xd1: {  	[sflag:s20] =	ssyncset.done $0x0  }
0xd2: {  	s31 =	sadd.s32 $0x4B0, s0;
	[sflag:s20] =	ssyncadd.s32 $0xFFFFEC00  }
0xd3: {  	[tilespmem:s8], [sflag:$0x6] =	stream.indirect.gather [hbm4b:s11+s21], $0x40, s31, s21, $0xb8;
	[tilespmem:$0x1F540] =	vst v63  }
0xd4: {  	_ =	swait.ge [sflag:s17], $0x1400  }
0xd5: {  	[sflag:s17] =	ssyncset.done $0x0  }
0xd6: {  	s31 =	sadd.s32 $0x500, s0;
	[sflag:s17] =	ssyncadd.s32 $0xFFFFEC00  }
0xd7: {  	[tilespmem:s12], [sflag:$0x7] =	stream.indirect.gather [hbm4b:s11+s21], $0x40, s31, s21, $0xb8;
	[tilespmem:$0x1F540] =	vst v63  }
0xd8: {  	_ =	swait.ge [sflag:s22], $0x1400  }
0xd9: {  	[sflag:s22] =	ssyncset.done $0x0  }
0xda: {  	s31 =	sadd.s32 $0x550, s0;
	[sflag:s22] =	ssyncadd.s32 $0xFFFFEC00  }
0xdb: {  	[tilespmem:s13], [sflag:$0x8] =	stream.indirect.gather [hbm4b:s11+s21], $0x40, s31, s21, $0xb8;
	[tilespmem:$0x1F540] =	vst v63  }
0xdc: {  	_ =	swait.ge [sflag:s23], $0x1400  }
0xdd: {  	s14 =	simm.s32 $0x1CD40;
	s30 =	sadd.s32 $0xC80, s30;
	[sflag:s23] =	ssyncset.done $0x0  }
0xde: {  	p2 =	seq.s32 s30, $0x7D00;
	s31 =	sadd.s32 $0x5A0, s0;
	[sflag:s23] =	ssyncadd.s32 $0xFFFFEC00  }
0xdf: {  	[tilespmem:s14], [sflag:$0x9] =	stream.indirect.gather [hbm4b:s11+s21], $0x40, s31, s21, $0xb8;
	[tilespmem:$0x1F540] =	vst v63  }
.Ltmp8:
0xe0: {  	_ = 	snop;
	(pc) =	sbr.rel @!p2 .LBB2_9-.Ltmp8, $4  }
.Ltmp9:
0xe1: {  	_ =	swait.ge [sflag:s26], $0x1400;
	(pc) =	sbr.rel @p2 .LBB2_7-.Ltmp9, $4  }
0xe2: {  	[sflag:s26] =	ssyncset.done $0x0  }
0xe3: {  	s24 =	simm.s32 $0x1E140;
	s0 =	sadd.s32 $0x5F0, s0;
	[sflag:s26] =	ssyncadd.s32 $0xFFFFEC00  }
0xe4: {  	[tilespmem:s24], [sflag:$0xA] =	stream.indirect.gather [hbm4b:s11+s21], $0x40, s0, s21, $0xb8;
	[tilespmem:$0x1F540] =	vst v63  }
0xe5: {  	_ = 	snop  }
.LBB2_12:
0xe6: {  	_ =	sfence.sel $0x180000  }
0xe7: {  	[bflag:$0x0] =	sbarrier.arrive $0xFFFF  }
0xe8: {  	_ =	strace $0x9000004A  }
0xe9: {  	s0 =	stileid.u32;
	[bflag:$0x2] =	sbarrier.arrive $0xFFFF  }
0xea: {  	p0 =	sne.s32 s0, $0x0;
	s0 =	rddreg [dreg:$0x2]  }
0xeb: {  	s0 =	sadd.s32 @!p0 $0x100000, s0  }
0xec: {  	[sflag:s0] =	ssyncadd.tile.s32 @!p0 $0x1;
	_ =	shalt  }
.Lfunc_end2:
_tile_overlayer_lowered:
.L_overlay_start_2:
0xed: {  	(tag) =	ssettag $0x2  }
0xee: {  	s0 =	rddreg [dreg:$0x0];
	s2 =	stileid.u32  }
0xef: {  	s1 =	rddreg [dreg:$0x1];
	p0 =	sne.s32 s2, $0x0  }
0xf0: {  	s3 =	rddreg [dreg:$0x2];
	[bflag:$0x3] =	sbarrier.arrive $0xFFFF;
	s2 =	simm.s32 @!p0 $0x1C16  }
0xf1: {  	[timem:s3], [sflag:s2] =	dma.local @!p0 [hbm:s0], s1  }
0xf2: {  	s0 =	simm.s32 @!p0 $0x16  }
0xf3: {  	_ =	swait.ge @!p0 [sflag:s0], s1  }
0xf4: {  	s1 =	ssub.s32 @!p0 $0x0, s1;
	[sflag:s0] =	ssyncset.done @!p0 $0x0  }
0xf5: {  	[sflag:s0] =	ssyncadd.s32 @!p0 s1  }
0xf6: {  	[bflag:$0x3] =	sbarrier.arrive $0xFFFF  }
0xf7: {  	_ =	shalt  }

// kernel: kernel.16.cloned.1.call-start
scs
__scs_entry_jumppad:
0x0: {  	(pc) =	sbr.rel $0x88, $3  }
0x1: {  	(tag) =	ssettag $0x0;
	lr =	simm.s32 $0x1  }
0x2: {  	[smem:$0x3F99] =	sst lr;
	_ =	strace $0xD0000000  }
0x3: {  	_ = 	snop  }
0x4: {  	_ = 	snop  }
0x5: {  	_ = 	snop  }
0x6: {  	_ = 	snop  }
0x7: {  	_ = 	snop  }
__scs_overlays_trampoline_lowered:
0x8: {  	[smem:$0x3FA8] =	sst s0  }
0x9: {  	[smem:$0x3FA9] =	sst s1  }
0xa: {  	[smem:$0x3FAA] =	sst s2  }
0xb: {  	[smem:$0x3FAB] =	sst s3  }
0xc: {  	[smem:$0x3FAC] =	sst s4  }
0xd: {  	[smem:$0x3FAD] =	sst s5  }
0xe: {  	[smem:$0x3FAE] =	sst s6  }
0xf: {  	[smem:$0x3FAF] =	sst s7  }
0x10: {  	[smem:$0x3FB0] =	sst s8  }
0x11: {  	[smem:$0x3FB1] =	sst s9;
	s0 =	simm.s32 @!p0 $0x0  }
0x12: {  	s1 =	sld [smem:$0x3F97];
	s0 =	simm.s32 @p0 $0x1  }
0x13: {  	[smem:$0x3FB2] =	sst s0;
	s0 =	simm.s32 @!p1 $0x0  }
0x14: {  	s2 =	sld [smem:$0x3F96];
	s0 =	simm.s32 @p1 $0x1  }
0x15: {  	[smem:$0x3FB3] =	sst s0;
	s0 =	simm.s32 @!p2 $0x0  }
0x16: {  	s3 =	sld [smem:$0x3FDB];
	s0 =	simm.s32 @p2 $0x1  }
0x17: {  	s4 =	simm.s32 $0x1BF5;
	[smem:$0x3FB5] =	sst s0  }
0x18: {  	s0 =	sld [smem:$0x3F98];
	_ =	swait.ge [sflag:s4], $0x0  }
0x19: {  	s7 =	sld [smem:$0x3F99]  }
0x1a: {  	s8 =	sadd.s32 $0xFFFFE003, lr  }
0x1b: {  	s9 =	sadd.s32 $0xFFFFFEF7, lr;
	s5 =	simm.s32 $0xFFFFFFFF;
	p2 =	slt.u32 s8, $0xFFFFF086  }
0x1c: {  	p1 =	slt.u32 s9, $0xF7A;
	s5 =	simm.s32 @!p2 $0x0  }
0x1d: {  	s5 =	simm.s32 @p1 $0x1;
	p0 =	seq.s32 s7, s2  }
0x1e: {  	s7 =	smul.u32 @!p0 $0xF7A, s2;
	p2 =	seq.s32 @!p0 s5, $0x0  }
0x1f: {  	s9 =	smul.u32 $0xF7A, s1;
	s8 =	simm.s32 @!p0 $0x1BF5;
	p2 =	por !p2, p0  }
0x20: {  	[sflag:s8] =	ssyncset.s32 @!p0 $0xFFFFF086;
	s6 =	sadd.s32 @!p0 s3, s7;
	s7 =	simm.s32 @!p0 $0x108  }
0x21: {  	s3 =	sadd.s32 s3, s9;
	s6 =	sadd.s32 @!p0 $0x88, s6;
	s7 =	simm.s32 @p2 $0x1082  }
0x22: {  	[simem:s7], [sflag:s8] =	dma.local @!p0 [hbm:s6], $0xF7A  }
0x23: {  	s9 =	sor.u32 $0xD0000000, s2;
	s6 =	simm.s32 $0x108;
	_ =	swait.ge @!p0 [sflag:s8], $0x0  }
0x24: {  	s3 =	sadd.s32 $0x88, s3;
	s6 =	simm.s32 @!p1 $0x1082;
	[sflag:s4] =	ssyncset.s32 $0xFFFFF086  }
0x25: {  	[simem:s6], [sflag:s4] =	dma.local [hbm:s3], $0xF7A  }
0x26: {  	[smem:$0x3F99] =	sst s1;
	(tag) =	ssettag s2;
	_ =	strace s9  }
0x27: {  	s1 =	sld [smem:$0x3FA9]  }
0x28: {  	s2 =	sld [smem:$0x3FAA]  }
0x29: {  	s4 =	sld [smem:$0x3FAC]  }
0x2a: {  	p0 =	seq.s32 s5, $0x0;
	s5 =	sld [smem:$0x3FAD]  }
0x2b: {  	s6 =	sld [smem:$0x3FAE]  }
0x2c: {  	s7 =	sld [smem:$0x3FAF]  }
0x2d: {  	s3 =	simm.s32 $0x108;
	s8 =	sld [smem:$0x3FB0]  }
0x2e: {  	s3 =	simm.s32 @!p0 $0x1082;
	s9 =	sld [smem:$0x3FB1]  }
0x2f: {  	lr =	sadd.s32 s0, s3;
	s0 =	sld [smem:$0x3FA8]  }
0x30: {  	s3 =	sld [smem:$0x3FAB]  }
0x31: {  	[smem:$0x3FB4] =	sst s10  }
0x32: {  	s10 =	sld [smem:$0x3FB2];
	_ =	sdelay $0x3  }
0x33: {  	p0 =	seq.s32 s10, $0x1;
	s10 =	sld [smem:$0x3FB4];
	_ =	sdelay $0x3  }
0x34: {  	[smem:$0x3FB4] =	sst s10  }
0x35: {  	s10 =	sld [smem:$0x3FB3];
	_ =	sdelay $0x3  }
0x36: {  	p1 =	seq.s32 s10, $0x1;
	s10 =	sld [smem:$0x3FB4];
	_ =	sdelay $0x3  }
0x37: {  	[smem:$0x3FB4] =	sst s10  }
0x38: {  	s10 =	sld [smem:$0x3FB5]  }
0x39: {  	_ = 	snop;
	(pc) =	sbr.ind lr, $3  }
0x3a: {  	_ = 	snop  }
0x3b: {  	_ = 	snop  }
0x3c: {  	p2 =	seq.s32 s10, $0x1;
	s10 =	sld [smem:$0x3FB4]  }
0x3d: {  	_ =	shalt  }
0x3e: {  	_ =	shalt  }
0x3f: {  	_ =	shalt  }
0x40: {  	_ =	shalt  }
0x41: {  	_ =	shalt  }
0x42: {  	_ =	shalt  }
0x43: {  	_ =	shalt  }
0x44: {  	_ =	shalt  }
0x45: {  	_ =	shalt  }
0x46: {  	_ =	shalt  }
0x47: {  	_ =	shalt  }
0x48: {  	_ =	shalt  }
0x49: {  	_ =	shalt  }
0x4a: {  	_ =	shalt  }
0x4b: {  	_ =	shalt  }
0x4c: {  	_ =	shalt  }
0x4d: {  	_ =	shalt  }
0x4e: {  	_ =	shalt  }
0x4f: {  	_ =	shalt  }
0x50: {  	_ =	shalt  }
0x51: {  	_ =	shalt  }
0x52: {  	_ =	shalt  }
0x53: {  	_ =	shalt  }
0x54: {  	_ =	shalt  }
0x55: {  	_ =	shalt  }
0x56: {  	_ =	shalt  }
0x57: {  	_ =	shalt  }
0x58: {  	_ =	shalt  }
0x59: {  	_ =	shalt  }
0x5a: {  	_ =	shalt  }
0x5b: {  	_ =	shalt  }
0x5c: {  	_ =	shalt  }
0x5d: {  	_ =	shalt  }
0x5e: {  	_ =	shalt  }
0x5f: {  	_ =	shalt  }
0x60: {  	_ =	shalt  }
0x61: {  	_ =	shalt  }
0x62: {  	_ =	shalt  }
0x63: {  	_ =	shalt  }
0x64: {  	_ =	shalt  }
0x65: {  	_ =	shalt  }
0x66: {  	_ =	shalt  }
0x67: {  	_ =	shalt  }
0x68: {  	_ =	shalt  }
0x69: {  	_ =	shalt  }
0x6a: {  	_ =	shalt  }
0x6b: {  	_ =	shalt  }
0x6c: {  	_ =	shalt  }
0x6d: {  	_ =	shalt  }
0x6e: {  	_ =	shalt  }
0x6f: {  	_ =	shalt  }
0x70: {  	_ =	shalt  }
0x71: {  	_ =	shalt  }
0x72: {  	_ =	shalt  }
0x73: {  	_ =	shalt  }
0x74: {  	_ =	shalt  }
0x75: {  	_ =	shalt  }
0x76: {  	_ =	shalt  }
0x77: {  	_ =	shalt  }
0x78: {  	_ =	shalt  }
0x79: {  	_ =	shalt  }
0x7a: {  	_ =	shalt  }
0x7b: {  	_ =	shalt  }
0x7c: {  	_ =	shalt  }
0x7d: {  	_ =	shalt  }
0x7e: {  	_ =	shalt  }
0x7f: {  	_ =	shalt  }
0x80: {  	_ =	shalt  }
0x81: {  	_ =	shalt  }
0x82: {  	_ =	shalt  }
0x83: {  	_ =	shalt  }
0x84: {  	_ =	shalt  }
0x85: {  	_ =	shalt  }
0x86: {  	_ =	shalt  }
0x87: {  	_ =	shalt  }
.Lfunc_end0:
.L_simem_size_0:
called_computation.2_lowered:
.L_overlay_start_0:
0x88: {  	s2 =	sld [smem:$0x3FD9]  }
0x89: {  	s3 =	sld [smem:$0x3FFE];
	_ =	sdelay $0x1  }
0x8a: {  	s1 =	srdreg.scid  }
0x8b: {  	s0 =	sand.u32 $0x1, s1  }
0x8c: {  	s16 =	sshll.u32 s0, $0xA;
	s2 =	sadd.s32 s3, s2  }
0x8d: {  	s2 =	sadd.s32 s2, s16  }
0x8e: {  	[smem:$0x3FC0] =	sst s2  }
0x8f: {  	_ = 	snop  }
0x90: {  	(tm) =	ssettm $0x1  }
0x91: {  	s17 =	sld [smem:$0x3FFB];
	_ =	sdelay $0x3  }
0x92: {  	_ =	strace s17  }
0x93: {  	s2 =	sld [smem:$0x3FFC];
	_ =	sdelay $0x3  }
0x94: {  	_ =	strace s2  }
0x95: {  	s2 =	sld [smem:$0x3FFD];
	_ =	sdelay $0x3  }
0x96: {  	_ =	strace s2  }
0x97: {  	_ =	strace $0x8FFFFFFF  }
0x98: {  	s18 =	sld [smem:$0x3FDB];
	_ =	sdelay $0x1  }
0x99: {  	s19 =	simm.s32 $_scs_section_size  }
0x9a: {  	s4 =	simm.s32 $_size__tile_overlayer_lowered;
	s5 =	simm.s32 $_tile_overlayer_lowered  }
0x9b: {  	s22 =	simm.s32 $0x1BFF;
	s21 =	sshll.u32 s5, $0x1;
	s2 =	sadd.s32 s19, s18  }
0x9c: {  	s6 =	simm.s32 $0x0;
	s20 =	sshll.u32 s4, $0x1;
	s4 =	sadd.s32 s21, s2  }
0x9d: {  	[timem:s6], [sflag:s22] =	dma.local [hbm:s4], s20  }
0x9e: {  	_ =	swait.ge [sflag:s22], s20  }
0x9f: {  	s3 =	ssub.s32 $0x0, s20;
	[sflag:s22] =	ssyncset.done $0x0  }
0xa0: {  	[sflag:s22] =	ssyncadd.s32 s3;
	_ =	sdelay $0x1  }
0xa1: {  	s23 =	simm.s32 $0x1B8B  }
0xa2: {  	_ =	swait.ge [sflag:s23], $0x1  }
0xa3: {  	[sflag:s23] =	ssyncset.done $0x0  }
0xa4: {  	s25 =	simm.s32 $0x1B8E;
	s24 =	sld [smem:$0x3FFE];
	[sflag:s23] =	ssyncadd.s32 $0xFFFFFFFF  }
0xa5: {  	s26 =	simm.s32 $execute0_lowered;
	[smem:$0x3FD2] =	sst s25  }
0xa6: {  	s4 =	sshll.u32 s26, $0x1;
	_ =	strace $0x8000004C;
	[dreg:$0x1] =	wrdreg $0xFFFFFFFF  }
0xa7: {  	s28 =	simm.s32 $_size_execute0_lowered;
	s2 =	sadd.s32 s2, s4;
	[dreg:$0x0] =	wrdreg $0x0  }
0xa8: {  	s4 =	sshll.u32 s28, $0x1;
	[dreg:$0x2] =	wrdreg s2  }
0xa9: {  	[dreg:$0x3] =	wrdreg s4  }
0xaa: {  	[dreg:$0x4] =	wrdreg $0xC0  }
0xab: {  	_ =	task [dreg:s6], $0x5FFFF  }
0xac: {  	[dreg:$0x1] =	wrdreg $0xFFFFFFFF  }
0xad: {  	[dreg:$0x0] =	wrdreg $0x60  }
0xae: {  	[dreg:$0x2] =	wrdreg s24  }
0xaf: {  	[dreg:$0x3] =	wrdreg $0x7D000  }
0xb0: {  	[dreg:$0x4] =	wrdreg $0x9  }
0xb1: {  	_ =	task.clear_ibuf [dreg:s6], $0x5FFFF;
	_ =	strace $0x9000004C  }
0xb2: {  	s29 =	simm.s32 $0x9;
	_ =	strace $0x8000004E  }
0xb3: {  	_ =	swait.ge [sflag:s29], $0x1  }
0xb4: {  	[sflag:s29] =	ssyncadd.s32 $0xFFFFFFFF  }
0xb5: {  	_ =	strace $0x9000004E  }
0xb6: {  	_ =	sfence  }
0xb7: {  	s30 =	sld [smem:$0x0];
	_ =	sdelay $0x2  }
0xb8: {  	s31 =	sshll.u32 s1, $0xD;
	s1 =	sshrl.u32 s1, $0x2  }
0xb9: {  	s3 =	sand.u32 $0x4000, s31;
	s1 =	sadd.s32 s1, s30  }
0xba: {  	s0 =	sor.u32 s3, s0;
	s1 =	sshll.u32 s1, $0x11  }
0xbb: {  	s0 =	sor.u32 s1, s0  }
0xbc: {  	s0 =	sadd.s32 $0x8F2B, s0  }
0xbd: {  	[sflag:s0] =	ssyncadd.remote.s32 $0x1  }
0xbe: {  	_ =	sfence.sel $0xFFFF  }
0xbf: {  	[dreg:$0x0] =	wrdreg $0xFFFFFFFF;
	(pc) =	sbr.abs _section_cstart, $3  }
0xc0: {  	[dreg:$0x1] =	wrdreg $0xFFFFFFFF  }
0xc1: {  	_ =	task.clear_ibuf [dreg:s6], $0x2FFFF;
	_ =	strace $0x9FFFFFFF  }
0xc2: {  	(tm) =	ssettm $0x7FFFFFFF  }
0xc3: {  	_ =	shalt  }
tec
execute0_lowered:
.L_overlay_start_1:
0x0: {  	(tag) =	ssettag $0x1  }
0x1: {  	s0 =	rddreg [dreg:$0x0];
	s2 =	srdreg.scid  }
0x2: {  	s1 =	rddreg [dreg:$0x1];
	s4 =	simm.s32 $0x0;
	s6 =	stileid.u32  }
0x3: {  	s31 =	simm.s32 $0x11940;
	s18 =	simm.s32 $0x16;
	s21 =	simm.s32 $0x50  }
0x4: {  	s10 =	simm.s32 $0xB;
	s15 =	simm.s32 $0xC;
	s20 =	simm.s32 $0x10  }
0x5: {  	s17 =	simm.s32 $0x11;
	s22 =	simm.s32 $0x12;
	s23 =	simm.s32 $0x13  }
0x6: {  	s19 =	simm.s32 $0x15540;
	s12 =	simm.s32 $0x1A540;
	s8 =	smul.u32 $0x9C40, s6  }
0x7: {  	s13 =	simm.s32 $0x1B940;
	s2 =	sand.u32 $0x1, s2;
	s28 =	smul.u32 $0xA000, s6  }
0x8: {  	[smem:$0x7FF] =	sst s4;
	p0 =	seq.s32 s6, $0xF;
	s6 =	smul.u32 $0x28000, s6  }
0x9: {  	s7 =	sadd.s32 $0x2A00, s0;
	s9 =	sadd.s32 $0x16400, s0;
	s3 =	smul.u32 $0x13880, s2  }
0xa: {  	_ =	strace $0x8000004D;
	s25 =	ssub.s32 $0x2, s2;
	[dreg:$0x3] =	wrdreg s7  }
0xb: {  	s2 =	smul.u32 $0x9C400, s2;
	[dreg:$0x5] =	wrdreg s9;
	s5 =	sshrl.u32 s25, $0x1  }
0xc: {  	[dreg:$0x4] =	wrdreg s8;
	s26 =	sshrl.u32 s8, $0x3;
	s30 =	sshrl.u32 s6, $0x2  }
0xd: {  	s6 =	simm.s32 $0xF;
	s8 =	simm.s32 $0x19140;
	s3 =	sadd.s32 s3, s0  }
0xe: {  	s0 =	sadd.s32 $0xF7200, s0;
	s4 =	ssub.s32 s25, s5;
	s7 =	sadd.s32 s7, s26  }
0xf: {  	s5 =	sadd.s32 s9, s26;
	s29 =	sadd.s32 s28, s2;
	s2 =	sshrl.u32 s2, $0x3  }
0x10: {  	s25 =	simm.s32 $0xA;
	s26 =	simm.s32 $0x14;
	[dreg:$0x6] =	wrdreg s7  }
0x11: {  	s9 =	simm.s32 $0x14140;
	[dreg:$0x7] =	wrdreg s5;
	s7 =	simm.s32 $0x5  }
0x12: {  	s11 =	sadd.s32 $0xD0000, s3;
	s3 =	sshrl.u32 s29, $0x3;
	s4 =	smax.u32 s4, $0x1  }
0x13: {  	s5 =	simm.s32 $0xE;
	s7 =	simm.s32 @!p0 $0x8;
	[dreg:$0xb] =	wrdreg s4  }
0x14: {  	s3 =	sadd.s32 s0, s3;
	s0 =	sadd.s32 s0, s2;
	[dreg:$0x8] =	wrdreg s7  }
.Ltmp0:
0x15: {  	[dreg:$0x9] =	wrdreg s3;
	s0 =	sadd.s32 $0x12C00, s0;
	(pc) =	sbr.rel .LBB2_1-.Ltmp0, $4  }
0x16: {  	s2 =	sadd.s32 s30, s1;
	[dreg:$0xa] =	wrdreg s0;
	s0 =	sadd.s32 $0x96000, s1  }
0x17: {  	s3 =	sadd.s32 s28, s1;
	[dreg:$0xc] =	wrdreg s2;
	s0 =	sshrl.u32 @p0 s0, $0x3  }
0x18: {  	s4 =	simm.s32 $0xD;
	[dreg:$0xd] =	wrdreg s0;
	s0 =	sshrl.u32 @!p0 s3, $0x3  }
0x19: {  	v0 =	vimm.f32 $0.0e+00;
	s2 =	simm.s32 $0x0;
	s7 =	simm.s32 $0x17D40;
	[dreg:$0xe] =	wrdreg s0  }
.LBB2_11:
0x1a: {  	[bflag:$0x0] =	sbarrier.arrive $0xFFFF  }
0x1b: {  	s16 =	rddreg [dreg:$0xa]  }
0x1c: {  	s0 =	simm.s32 @p0 $0x1FD6;
	s3 =	rddreg [dreg:$0xd]  }
0x1d: {  	[hbm:s16], [sflag:s0] =	dma.local @p0 [spmem:s3], $0xC80  }
0x1e: {  	s0 =	simm.s32 @p0 $0x16  }
0x1f: {  	s16 =	stileid.u32;
	_ =	swait.ge @p0 [sflag:s0], $0xC80  }
0x20: {  	s16 =	sshll.u32 @!p0 s16, $0x6;
	[sflag:s0] =	ssyncset.done @p0 $0x0;
	s3 =	rddreg [dreg:$0xe]  }
0x21: {  	[sflag:s0] =	ssyncadd.s32 @p0 $0xFFFFF380;
	s0 =	sor.u32 @!p0 $0x1C16, s16;
	s16 =	rddreg [dreg:$0x9]  }
0x22: {  	[hbm:s16], [sflag:s0] =	dma.local @!p0 [spmem:s3], $0x1400  }
0x23: {  	s0 =	simm.s32 @!p0 $0x16  }
0x24: {  	_ =	swait.ge @!p0 [sflag:s0], $0x1400  }
0x25: {  	s2 =	rddreg [dreg:$0xf]  }
0x26: {  	s30 =	rddreg [dreg:$0xb];
	s2 =	sadd.s32 $0x1, s2  }
0x27: {  	p1 =	sne.s32 s2, s30  }
.Ltmp1:
0x28: {  	_ = 	snop;
	(pc) =	sbr.rel @!p1 .LBB2_12-.Ltmp1, $3  }
0x29: {  	_ =	sdelay $0x1  }
0x2a: {  	[sflag:s0] =	ssyncset.done @!p0 $0x0  }
0x2b: {  	s31 =	simm.s32 $0x11940;
	[sflag:s0] =	ssyncadd.s32 @!p0 $0xFFFFEC00  }
.LBB2_1:
0x2c: {  	s0 =	simm.s32 $0x0;
	s16 =	rddreg [dreg:$0x6]  }
0x2d: {  	[tilespmem:s0], [sflag:$0x15] =	stream.linear.gather [hbm4b:s16+s0], $0x1F40, $0x38;
	[tilespmem:$0x1F540] =	vst v63  }
0x2e: {  	s30 =	rddreg [dreg:$0x7];
	s28 =	simm.s32 $0x3E80  }
0x2f: {  	[tilespmem:s28], [sflag:$0x15] =	stream.linear.gather [hbm4b:s30+s0], $0x1F40, $0x38;
	[tilespmem:$0x1F540] =	vst v63  }
0x30: {  	s29 =	simm.s32 $0x100;
	s28 =	simm.s32 $0x0  }
.LBB2_2:
0x31: {  	p1 =	sne.s32 s29, $0x4F00;
	[tilespmem:s28+$0x11970] =	vst v0;
	s30 =	smov.u32 s29;
	s29 =	sadd.s32 $0x100, s29  }
.Ltmp2:
0x32: {  	[tilespmem:s28+$0x11960] =	vst v0;
	(pc) =	sbr.rel @p1 .LBB2_2-.Ltmp2, $3  }
0x33: {  	[tilespmem:s28+$0x11940] =	vst v0  }
0x34: {  	[tilespmem:s28+$0x11950] =	vst v0;
	_ =	sdelay $0x1  }
0x35: {  	s28 =	sshra.s32 s30, $0x2  }
0x36: {  	[tilespmem:s28+$0x11970] =	vst v0;
	s0 =	rddreg [dreg:$0x8]  }
0x37: {  	[tilespmem:s28+$0x11960] =	vst v0;
	p1 =	sne.s32 s0, $0x1  }
.Ltmp3:
0x38: {  	[dreg:$0xf] =	wrdreg s2;
	[tilespmem:s28+$0x11940] =	vst v0;
	(pc) =	sbr.rel @!p1 .LBB2_5-.Ltmp3, $4  }
0x39: {  	[tilespmem:s28+$0x11950] =	vst v0;
	s29 =	rddreg [dreg:$0xc]  }
0x3a: {  	[spmem:s29] =	stream.linear.scatter [tilespmem:s31], [sflag:$0x16], $0x1400, $0x38;
	[tilespmem:$0x1F540] =	vst v63  }
0x3b: {  	_ =	swait.ge [sflag:s18], $0x1400  }
0x3c: {  	s28 =	sadd.s32 $0xFFFFFFFF, s0;
	[sflag:s18] =	ssyncset.done $0x0  }
.LBB2_4:
0x3d: {  	p1 =	sne.s32 s28, $0x1;
	[sflag:s18] =	ssyncadd.s32 $0xFFFFEC00;
	s29 =	sadd.s32 $0x1400, s29  }
.Ltmp4:
0x3e: {  	s28 =	sadd.s32 $0xFFFFFFFF, s28;
	(pc) =	sbr.rel @p1 .LBB2_4-.Ltmp4, $4  }
0x3f: {  	_ = 	snop  }
0x40: {  	[spmem:s29] =	stream.linear.scatter [tilespmem:s31], [sflag:$0x16], $0x1400, $0x38;
	[tilespmem:$0x1F540] =	vst v63  }
0x41: {  	_ =	swait.ge [sflag:s18], $0x1400  }
0x42: {  	[sflag:s18] =	ssyncset.done $0x0  }
.LBB2_5:
.Ltmp5:
0x43: {  	(pc) =	sbr.rel .LBB2_8-.Ltmp5, $4  }
0x44: {  	_ = 	snop  }
0x45: {  	[sflag:s18] =	ssyncadd.s32 $0xFFFFEC00  }
0x46: {  	[bflag:$0x0] =	sbarrier.arrive $0xFFFF  }
0x47: {  	s28 =	simm.s32 $0x0;
	p1 =	por $0x0, $0x0  }
.LBB2_10:
0x48: {  	_ =	swait.ge [sflag:s15], $0x1400  }
0x49: {  	[sflag:s15] =	ssyncset.done $0x0  }
0x4a: {  	[sflag:s15] =	ssyncadd.s32 $0xFFFFEC00  }
0x4b: {  	_ =	swait.ge [sflag:s4], $0x1400  }
0x4c: {  	[sflag:s4] =	ssyncset.done $0x0  }
0x4d: {  	[sflag:s4] =	ssyncadd.s32 $0xFFFFEC00  }
0x4e: {  	_ =	swait.ge [sflag:s5], $0x1400  }
0x4f: {  	[sflag:s5] =	ssyncset.done $0x0  }
0x50: {  	[sflag:s5] =	ssyncadd.s32 $0xFFFFEC00  }
0x51: {  	_ =	swait.ge [sflag:s6], $0x1400  }
0x52: {  	[sflag:s6] =	ssyncset.done $0x0  }
0x53: {  	[sflag:s6] =	ssyncadd.s32 $0xFFFFEC00  }
0x54: {  	_ =	swait.ge [sflag:s20], $0x1400  }
0x55: {  	[sflag:s20] =	ssyncset.done $0x0  }
0x56: {  	[sflag:s20] =	ssyncadd.s32 $0xFFFFEC00  }
0x57: {  	_ =	swait.ge [sflag:s17], $0x1400  }
0x58: {  	[sflag:s17] =	ssyncset.done $0x0  }
0x59: {  	[sflag:s17] =	ssyncadd.s32 $0xFFFFEC00  }
0x5a: {  	_ =	swait.ge [sflag:s22], $0x1400  }
0x5b: {  	[sflag:s22] =	ssyncset.done $0x0  }
0x5c: {  	[sflag:s22] =	ssyncadd.s32 $0xFFFFEC00  }
0x5d: {  	_ =	swait.ge [sflag:s23], $0x1400  }
0x5e: {  	[sflag:s23] =	ssyncset.done $0x0  }
0x5f: {  	[sflag:s23] =	ssyncadd.s32 $0xFFFFEC00  }
0x60: {  	_ =	swait.ge [sflag:s26], $0x1400  }
0x61: {  	[sflag:s26] =	ssyncset.done $0x0  }
0x62: {  	[sflag:s26] =	ssyncadd.s32 $0xFFFFEC00  }
.LBB2_7:
0x63: {  	s28 =	rddreg [dreg:$0x10]  }
0x64: {  	p2 =	seq.s32 s28, $0x5  }
.Ltmp6:
0x65: {  	_ = 	snop;
	(pc) =	sbr.rel @p2 .LBB2_11-.Ltmp6, $2  }
0x66: {  	_ =	sdelay $0x2  }
0x67: {  	p1 =	por !p1, !p1  }
.LBB2_8:
0x68: {  	s16 =	simm.s32 $0x15  }
0x69: {  	_ =	swait.ge [sflag:s16], $0x1F40  }
0x6a: {  	s0 =	sadd.s32 $0x1, s28;
	[sflag:s16] =	ssyncset.done $0x0  }
0x6b: {  	p2 =	seq.s32 s28, $0x4;
	[dreg:$0x10] =	wrdreg s0;
	[sflag:s16] =	ssyncadd.s32 $0xFFFFE0C0  }
0x6c: {  	s28 =	sand.u32 $0x1, s28;
	s29 =	smul.u32 @!p2 $0x1F40, s0;
	_ =	swait.ge [sflag:s16], $0x1F40  }
0x6d: {  	s30 =	sxor.u32 @!p2 $0x1, s28;
	s0 =	rddreg [dreg:$0x4]  }
0x6e: {  	s2 =	simm.s32 @!p2 $0x0;
	s30 =	smul.u32 @!p2 $0x1F40, s30;
	s29 =	sadd.s32 @!p2 s0, s29  }
0x6f: {  	[sflag:s16] =	ssyncset.done $0x0;
	s0 =	rddreg [dreg:$0x3];
	s29 =	sshrl.u32 @!p2 s29, $0x3  }
0x70: {  	[sflag:s16] =	ssyncadd.s32 $0xFFFFE0C0;
	s31 =	sadd.s32 @!p2 s0, s29;
	s0 =	rddreg [dreg:$0x5]  }
0x71: {  	[tilespmem:s30], [sflag:$0x15] =	stream.linear.gather @!p2 [hbm4b:s31+s2], $0x1F40, $0x38;
	[tilespmem:$0x1F540] =	vst v63  }
0x72: {  	s28 =	smul.u32 $0x1F40, s28;
	s30 =	sadd.s32 @!p2 $0x3E80, s30;
	s29 =	sadd.s32 @!p2 s0, s29  }
0x73: {  	[tilespmem:s30], [sflag:$0x15] =	stream.linear.gather @!p2 [hbm4b:s29+s2], $0x1F40, $0x38;
	[tilespmem:$0x1F540] =	vst v63  }
0x74: {  	s3 =	simm.s32 $0x12D40  }
0x75: {  	[tilespmem:s3], [sflag:$0x1] =	stream.indirect.gather [hbm4b:s11+s21], $0x40, s28, s21, $0xb8;
	[tilespmem:$0x1F540] =	vst v63  }
0x76: {  	s29 =	sadd.s32 $0x50, s28  }
0x77: {  	[tilespmem:s9], [sflag:$0x2] =	stream.indirect.gather [hbm4b:s11+s21], $0x40, s29, s21, $0xb8;
	[tilespmem:$0x1F540] =	vst v63  }
0x78: {  	s29 =	sadd.s32 $0xA0, s28  }
0x79: {  	[tilespmem:s19], [sflag:$0x3] =	stream.indirect.gather [hbm4b:s11+s21], $0x40, s29, s21, $0xb8;
	[tilespmem:$0x1F540] =	vst v63  }
0x7a: {  	s2 =	simm.s32 $0x16940;
	s29 =	sadd.s32 $0xF0, s28  }
0x7b: {  	[tilespmem:s2], [sflag:$0x4] =	stream.indirect.gather [hbm4b:s11+s21], $0x40, s29, s21, $0xb8;
	[tilespmem:$0x1F540] =	vst v63  }
0x7c: {  	s29 =	sadd.s32 $0x140, s28  }
0x7d: {  	[tilespmem:s7], [sflag:$0x5] =	stream.indirect.gather [hbm4b:s11+s21], $0x40, s29, s21, $0xb8;
	[tilespmem:$0x1F540] =	vst v63  }
0x7e: {  	s29 =	sadd.s32 $0x190, s28  }
0x7f: {  	[tilespmem:s8], [sflag:$0x6] =	stream.indirect.gather [hbm4b:s11+s21], $0x40, s29, s21, $0xb8;
	[tilespmem:$0x1F540] =	vst v63  }
0x80: {  	s29 =	sadd.s32 $0x1E0, s28  }
0x81: {  	[tilespmem:s12], [sflag:$0x7] =	stream.indirect.gather [hbm4b:s11+s21], $0x40, s29, s21, $0xb8;
	[tilespmem:$0x1F540] =	vst v63  }
0x82: {  	s30 =	sadd.s32 $0x230, s28;
	s29 =	simm.s32 $0x1  }
0x83: {  	[tilespmem:s13], [sflag:$0x8] =	stream.indirect.gather [hbm4b:s11+s21], $0x40, s30, s21, $0xb8;
	[tilespmem:$0x1F540] =	vst v63  }
0x84: {  	s14 =	simm.s32 $0x1CD40;
	s29 =	simm.s32 @!p1 $0x0;
	s30 =	sadd.s32 $0x280, s28  }
0x85: {  	[tilespmem:s14], [sflag:$0x9] =	stream.indirect.gather [hbm4b:s11+s21], $0x40, s30, s21, $0xb8;
	[tilespmem:$0x1F540] =	vst v63  }
0x86: {  	s24 =	simm.s32 $0x1E140;
	s29 =	smul.u32 $0x7D00, s29;
	s28 =	sadd.s32 $0x2D0, s28  }
0x87: {  	[tilespmem:s24], [sflag:$0xA] =	stream.indirect.gather [hbm4b:s11+s21], $0x40, s28, s21, $0xb8;
	[tilespmem:$0x1F540] =	vst v63  }
0x88: {  	s28 =	sshrl.u32 s29, $0x2  }
0x89: {  	s30 =	simm.s32 $0x0;
	s29 =	sadd.s32 $0x3E80, s28  }
.LBB2_9:
0x8a: {  	s0 =	simm.s32 $0x1  }
0x8b: {  	_ =	swait.ge [sflag:s0], $0x1400  }
0x8c: {  	s31 =	sshra.s32 s30, $0x2;
	[sflag:s0] =	ssyncset.done $0x0  }
0x8d: {  	s16 =	simm.s32 $0x2;
	[sflag:s0] =	ssyncadd.s32 $0xFFFFEC00;
	s0 =	sadd.s32 s31, s29  }
0x8e: {  	[spmem:s1] =	stream.indirect.scatter.add.f32 [tilespmem:s3], [sflag:$0xB], $0x40, s0, s21, $0xb8;
	[tilespmem:$0x1F540] =	vst v63  }
0x8f: {  	_ =	swait.ge [sflag:s16], $0x1400  }
0x90: {  	[sflag:s16] =	ssyncset.done $0x0  }
0x91: {  	[sflag:s16] =	ssyncadd.s32 $0xFFFFEC00;
	s16 =	sadd.s32 $0x50, s0  }
0x92: {  	[spmem:s1] =	stream.indirect.scatter.add.f32 [tilespmem:s9], [sflag:$0xC], $0x40, s16, s21, $0xb8;
	[tilespmem:$0x1F540] =	vst v63  }
0x93: {  	s16 =	simm.s32 $0x3  }
0x94: {  	_ =	swait.ge [sflag:s16], $0x1400  }
0x95: {  	[sflag:s16] =	ssyncset.done $0x0  }
0x96: {  	[sflag:s16] =	ssyncadd.s32 $0xFFFFEC00;
	s16 =	sadd.s32 $0xA0, s0  }
0x97: {  	[spmem:s1] =	stream.indirect.scatter.add.f32 [tilespmem:s19], [sflag:$0xD], $0x40, s16, s21, $0xb8;
	[tilespmem:$0x1F540] =	vst v63  }
0x98: {  	s16 =	simm.s32 $0x4  }
0x99: {  	_ =	swait.ge [sflag:s16], $0x1400  }
0x9a: {  	[sflag:s16] =	ssyncset.done $0x0  }
0x9b: {  	[sflag:s16] =	ssyncadd.s32 $0xFFFFEC00;
	s16 =	sadd.s32 $0xF0, s0  }
0x9c: {  	[spmem:s1] =	stream.indirect.scatter.add.f32 [tilespmem:s2], [sflag:$0xE], $0x40, s16, s21, $0xb8;
	[tilespmem:$0x1F540] =	vst v63  }
0x9d: {  	s16 =	simm.s32 $0x5  }
0x9e: {  	_ =	swait.ge [sflag:s16], $0x1400  }
0x9f: {  	[sflag:s16] =	ssyncset.done $0x0  }
0xa0: {  	[sflag:s16] =	ssyncadd.s32 $0xFFFFEC00;
	s16 =	sadd.s32 $0x140, s0  }
0xa1: {  	[spmem:s1] =	stream.indirect.scatter.add.f32 [tilespmem:s7], [sflag:$0xF], $0x40, s16, s21, $0xb8;
	[tilespmem:$0x1F540] =	vst v63  }
0xa2: {  	s16 =	simm.s32 $0x6  }
0xa3: {  	_ =	swait.ge [sflag:s16], $0x1400  }
0xa4: {  	[sflag:s16] =	ssyncset.done $0x0  }
0xa5: {  	[sflag:s16] =	ssyncadd.s32 $0xFFFFEC00;
	s16 =	sadd.s32 $0x190, s0  }
0xa6: {  	[spmem:s1] =	stream.indirect.scatter.add.f32 [tilespmem:s8], [sflag:$0x10], $0x40, s16, s21, $0xb8;
	[tilespmem:$0x1F540] =	vst v63  }
0xa7: {  	s16 =	simm.s32 $0x7  }
0xa8: {  	_ =	swait.ge [sflag:s16], $0x1400  }
0xa9: {  	[sflag:s16] =	ssyncset.done $0x0  }
0xaa: {  	[sflag:s16] =	ssyncadd.s32 $0xFFFFEC00;
	s16 =	sadd.s32 $0x1E0, s0  }
0xab: {  	[spmem:s1] =	stream.indirect.scatter.add.f32 [tilespmem:s12], [sflag:$0x11], $0x40, s16, s21, $0xb8;
	[tilespmem:$0x1F540] =	vst v63  }
0xac: {  	s16 =	simm.s32 $0x8  }
0xad: {  	_ =	swait.ge [sflag:s16], $0x1400  }
0xae: {  	[sflag:s16] =	ssyncset.done $0x0  }
0xaf: {  	[sflag:s16] =	ssyncadd.s32 $0xFFFFEC00;
	s16 =	sadd.s32 $0x230, s0  }
0xb0: {  	[spmem:s1] =	stream.indirect.scatter.add.f32 [tilespmem:s13], [sflag:$0x12], $0x40, s16, s21, $0xb8;
	[tilespmem:$0x1F540] =	vst v63  }
0xb1: {  	s16 =	simm.s32 $0x9  }
0xb2: {  	_ =	swait.ge [sflag:s16], $0x1400  }
0xb3: {  	[sflag:s16] =	ssyncset.done $0x0  }
0xb4: {  	[sflag:s16] =	ssyncadd.s32 $0xFFFFEC00;
	s16 =	sadd.s32 $0x280, s0  }
0xb5: {  	[spmem:s1] =	stream.indirect.scatter.add.f32 [tilespmem:s14], [sflag:$0x13], $0x40, s16, s21, $0xb8;
	[tilespmem:$0x1F540] =	vst v63  }
0xb6: {  	_ =	swait.ge [sflag:s25], $0x1400  }
0xb7: {  	p2 =	sne.s32 s30, $0x7080;
	[sflag:s25] =	ssyncset.done $0x0  }
.Ltmp7:
0xb8: {  	s0 =	sadd.s32 $0x2D0, s0;
	[sflag:s25] =	ssyncadd.s32 $0xFFFFEC00;
	(pc) =	sbr.rel @!p2 .LBB2_10-.Ltmp7, $4  }
0xb9: {  	[spmem:s1] =	stream.indirect.scatter.add.f32 [tilespmem:s24], [sflag:$0x14], $0x40, s0, s21, $0xb8;
	[tilespmem:$0x1F540] =	vst v63  }
0xba: {  	_ =	swait.ge [sflag:s10], $0x1400  }
0xbb: {  	[sflag:s10] =	ssyncset.done $0x0  }
0xbc: {  	[sflag:s10] =	ssyncadd.s32 $0xFFFFEC00  }
0xbd: {  	s0 =	sadd.s32 s31, s28  }
0xbe: {  	s16 =	sadd.s32 $0x320, s0  }
0xbf: {  	[tilespmem:s3], [sflag:$0x1] =	stream.indirect.gather [hbm4b:s11+s21], $0x40, s16, s21, $0xb8;
	[tilespmem:$0x1F540] =	vst v63  }
0xc0: {  	_ =	swait.ge [sflag:s15], $0x1400  }
0xc1: {  	[sflag:s15] =	ssyncset.done $0x0  }
0xc2: {  	s31 =	sadd.s32 $0x370, s0;
	[sflag:s15] =	ssyncadd.s32 $0xFFFFEC00  }
0xc3: {  	[tilespmem:s9], [sflag:$0x2] =	stream.indirect.gather [hbm4b:s11+s21], $0x40, s31, s21, $0xb8;
	[tilespmem:$0x1F540] =	vst v63  }
0xc4: {  	_ =	swait.ge [sflag:s4], $0x1400  }
0xc5: {  	[sflag:s4] =	ssyncset.done $0x0  }
0xc6: {  	s31 =	sadd.s32 $0x3C0, s0;
	[sflag:s4] =	ssyncadd.s32 $0xFFFFEC00  }
0xc7: {  	[tilespmem:s19], [sflag:$0x3] =	stream.indirect.gather [hbm4b:s11+s21], $0x40, s31, s21, $0xb8;
	[tilespmem:$0x1F540] =	vst v63  }
0xc8: {  	_ =	swait.ge [sflag:s5], $0x1400  }
0xc9: {  	[sflag:s5] =	ssyncset.done $0x0  }
0xca: {  	s31 =	sadd.s32 $0x410, s0;
	[sflag:s5] =	ssyncadd.s32 $0xFFFFEC00  }
0xcb: {  	[tilespmem:s2], [sflag:$0x4] =	stream.indirect.gather [hbm4b:s11+s21], $0x40, s31, s21, $0xb8;
	[tilespmem:$0x1F540] =	vst v63  }
0xcc: {  	_ =	swait.ge [sflag:s6], $0x1400  }
0xcd: {  	[sflag:s6] =	ssyncset.done $0x0  }
0xce: {  	s31 =	sadd.s32 $0x460, s0;
	[sflag:s6] =	ssyncadd.s32 $0xFFFFEC00  }
0xcf: {  	[tilespmem:s7], [sflag:$0x5] =	stream.indirect.gather [hbm4b:s11+s21], $0x40, s31, s21, $0xb8;
	[tilespmem:$0x1F540] =	vst v63  }
0xd0: {  	_ =	swait.ge [sflag:s20], $0x1400  }
0xd1: {  	[sflag:s20] =	ssyncset.done $0x0  }
0xd2: {  	s31 =	sadd.s32 $0x4B0, s0;
	[sflag:s20] =	ssyncadd.s32 $0xFFFFEC00  }
0xd3: {  	[tilespmem:s8], [sflag:$0x6] =	stream.indirect.gather [hbm4b:s11+s21], $0x40, s31, s21, $0xb8;
	[tilespmem:$0x1F540] =	vst v63  }
0xd4: {  	_ =	swait.ge [sflag:s17], $0x1400  }
0xd5: {  	[sflag:s17] =	ssyncset.done $0x0  }
0xd6: {  	s31 =	sadd.s32 $0x500, s0;
	[sflag:s17] =	ssyncadd.s32 $0xFFFFEC00  }
0xd7: {  	[tilespmem:s12], [sflag:$0x7] =	stream.indirect.gather [hbm4b:s11+s21], $0x40, s31, s21, $0xb8;
	[tilespmem:$0x1F540] =	vst v63  }
0xd8: {  	_ =	swait.ge [sflag:s22], $0x1400  }
0xd9: {  	[sflag:s22] =	ssyncset.done $0x0  }
0xda: {  	s31 =	sadd.s32 $0x550, s0;
	[sflag:s22] =	ssyncadd.s32 $0xFFFFEC00  }
0xdb: {  	[tilespmem:s13], [sflag:$0x8] =	stream.indirect.gather [hbm4b:s11+s21], $0x40, s31, s21, $0xb8;
	[tilespmem:$0x1F540] =	vst v63  }
0xdc: {  	_ =	swait.ge [sflag:s23], $0x1400  }
0xdd: {  	s14 =	simm.s32 $0x1CD40;
	s30 =	sadd.s32 $0xC80, s30;
	[sflag:s23] =	ssyncset.done $0x0  }
0xde: {  	p2 =	seq.s32 s30, $0x7D00;
	s31 =	sadd.s32 $0x5A0, s0;
	[sflag:s23] =	ssyncadd.s32 $0xFFFFEC00  }
0xdf: {  	[tilespmem:s14], [sflag:$0x9] =	stream.indirect.gather [hbm4b:s11+s21], $0x40, s31, s21, $0xb8;
	[tilespmem:$0x1F540] =	vst v63  }
.Ltmp8:
0xe0: {  	_ = 	snop;
	(pc) =	sbr.rel @!p2 .LBB2_9-.Ltmp8, $4  }
.Ltmp9:
0xe1: {  	_ =	swait.ge [sflag:s26], $0x1400;
	(pc) =	sbr.rel @p2 .LBB2_7-.Ltmp9, $4  }
0xe2: {  	[sflag:s26] =	ssyncset.done $0x0  }
0xe3: {  	s24 =	simm.s32 $0x1E140;
	s0 =	sadd.s32 $0x5F0, s0;
	[sflag:s26] =	ssyncadd.s32 $0xFFFFEC00  }
0xe4: {  	[tilespmem:s24], [sflag:$0xA] =	stream.indirect.gather [hbm4b:s11+s21], $0x40, s0, s21, $0xb8;
	[tilespmem:$0x1F540] =	vst v63  }
0xe5: {  	_ = 	snop  }
.LBB2_12:
0xe6: {  	_ =	sfence.sel $0x180000  }
0xe7: {  	[bflag:$0x0] =	sbarrier.arrive $0xFFFF  }
0xe8: {  	_ =	strace $0x9000004D  }
0xe9: {  	s0 =	stileid.u32;
	[bflag:$0x2] =	sbarrier.arrive $0xFFFF  }
0xea: {  	p0 =	sne.s32 s0, $0x0;
	s0 =	rddreg [dreg:$0x2]  }
0xeb: {  	s0 =	sadd.s32 @!p0 $0x100000, s0  }
0xec: {  	[sflag:s0] =	ssyncadd.tile.s32 @!p0 $0x1;
	_ =	shalt  }
.Lfunc_end2:
_tile_overlayer_lowered:
.L_overlay_start_2:
0xed: {  	(tag) =	ssettag $0x2  }
0xee: {  	s0 =	rddreg [dreg:$0x0];
	s2 =	stileid.u32  }
0xef: {  	s1 =	rddreg [dreg:$0x1];
	p0 =	sne.s32 s2, $0x0  }
0xf0: {  	s3 =	rddreg [dreg:$0x2];
	[bflag:$0x3] =	sbarrier.arrive $0xFFFF;
	s2 =	simm.s32 @!p0 $0x1C16  }
0xf1: {  	[timem:s3], [sflag:s2] =	dma.local @!p0 [hbm:s0], s1  }
0xf2: {  	s0 =	simm.s32 @!p0 $0x16  }
0xf3: {  	_ =	swait.ge @!p0 [sflag:s0], s1  }
0xf4: {  	s1 =	ssub.s32 @!p0 $0x0, s1;
	[sflag:s0] =	ssyncset.done @!p0 $0x0  }
0xf5: {  	[sflag:s0] =	ssyncadd.s32 @!p0 s1  }
0xf6: {  	[bflag:$0x3] =	sbarrier.arrive $0xFFFF  }
0xf7: {  	_ =	shalt  }

// kernel: kernel.19.cloned.1.call-start
scs
__scs_entry_jumppad:
0x0: {  	(pc) =	sbr.rel $0x88, $3  }
0x1: {  	(tag) =	ssettag $0x0;
	lr =	simm.s32 $0x1  }
0x2: {  	[smem:$0x3F99] =	sst lr;
	_ =	strace $0xD0000000  }
0x3: {  	_ = 	snop  }
0x4: {  	_ = 	snop  }
0x5: {  	_ = 	snop  }
0x6: {  	_ = 	snop  }
0x7: {  	_ = 	snop  }
__scs_overlays_trampoline_lowered:
0x8: {  	[smem:$0x3FA8] =	sst s0  }
0x9: {  	[smem:$0x3FA9] =	sst s1  }
0xa: {  	[smem:$0x3FAA] =	sst s2  }
0xb: {  	[smem:$0x3FAB] =	sst s3  }
0xc: {  	[smem:$0x3FAC] =	sst s4  }
0xd: {  	[smem:$0x3FAD] =	sst s5  }
0xe: {  	[smem:$0x3FAE] =	sst s6  }
0xf: {  	[smem:$0x3FAF] =	sst s7  }
0x10: {  	[smem:$0x3FB0] =	sst s8  }
0x11: {  	[smem:$0x3FB1] =	sst s9;
	s0 =	simm.s32 @!p0 $0x0  }
0x12: {  	s1 =	sld [smem:$0x3F97];
	s0 =	simm.s32 @p0 $0x1  }
0x13: {  	[smem:$0x3FB2] =	sst s0;
	s0 =	simm.s32 @!p1 $0x0  }
0x14: {  	s2 =	sld [smem:$0x3F96];
	s0 =	simm.s32 @p1 $0x1  }
0x15: {  	[smem:$0x3FB3] =	sst s0;
	s0 =	simm.s32 @!p2 $0x0  }
0x16: {  	s3 =	sld [smem:$0x3FDB];
	s0 =	simm.s32 @p2 $0x1  }
0x17: {  	s4 =	simm.s32 $0x1BF5;
	[smem:$0x3FB5] =	sst s0  }
0x18: {  	s0 =	sld [smem:$0x3F98];
	_ =	swait.ge [sflag:s4], $0x0  }
0x19: {  	s7 =	sld [smem:$0x3F99]  }
0x1a: {  	s8 =	sadd.s32 $0xFFFFE003, lr  }
0x1b: {  	s9 =	sadd.s32 $0xFFFFFEF7, lr;
	s5 =	simm.s32 $0xFFFFFFFF;
	p2 =	slt.u32 s8, $0xFFFFF086  }
0x1c: {  	p1 =	slt.u32 s9, $0xF7A;
	s5 =	simm.s32 @!p2 $0x0  }
0x1d: {  	s5 =	simm.s32 @p1 $0x1;
	p0 =	seq.s32 s7, s2  }
0x1e: {  	s7 =	smul.u32 @!p0 $0xF7A, s2;
	p2 =	seq.s32 @!p0 s5, $0x0  }
0x1f: {  	s9 =	smul.u32 $0xF7A, s1;
	s8 =	simm.s32 @!p0 $0x1BF5;
	p2 =	por !p2, p0  }
0x20: {  	[sflag:s8] =	ssyncset.s32 @!p0 $0xFFFFF086;
	s6 =	sadd.s32 @!p0 s3, s7;
	s7 =	simm.s32 @!p0 $0x108  }
0x21: {  	s3 =	sadd.s32 s3, s9;
	s6 =	sadd.s32 @!p0 $0x88, s6;
	s7 =	simm.s32 @p2 $0x1082  }
0x22: {  	[simem:s7], [sflag:s8] =	dma.local @!p0 [hbm:s6], $0xF7A  }
0x23: {  	s9 =	sor.u32 $0xD0000000, s2;
	s6 =	simm.s32 $0x108;
	_ =	swait.ge @!p0 [sflag:s8], $0x0  }
0x24: {  	s3 =	sadd.s32 $0x88, s3;
	s6 =	simm.s32 @!p1 $0x1082;
	[sflag:s4] =	ssyncset.s32 $0xFFFFF086  }
0x25: {  	[simem:s6], [sflag:s4] =	dma.local [hbm:s3], $0xF7A  }
0x26: {  	[smem:$0x3F99] =	sst s1;
	(tag) =	ssettag s2;
	_ =	strace s9  }
0x27: {  	s1 =	sld [smem:$0x3FA9]  }
0x28: {  	s2 =	sld [smem:$0x3FAA]  }
0x29: {  	s4 =	sld [smem:$0x3FAC]  }
0x2a: {  	p0 =	seq.s32 s5, $0x0;
	s5 =	sld [smem:$0x3FAD]  }
0x2b: {  	s6 =	sld [smem:$0x3FAE]  }
0x2c: {  	s7 =	sld [smem:$0x3FAF]  }
0x2d: {  	s3 =	simm.s32 $0x108;
	s8 =	sld [smem:$0x3FB0]  }
0x2e: {  	s3 =	simm.s32 @!p0 $0x1082;
	s9 =	sld [smem:$0x3FB1]  }
0x2f: {  	lr =	sadd.s32 s0, s3;
	s0 =	sld [smem:$0x3FA8]  }
0x30: {  	s3 =	sld [smem:$0x3FAB]  }
0x31: {  	[smem:$0x3FB4] =	sst s10  }
0x32: {  	s10 =	sld [smem:$0x3FB2];
	_ =	sdelay $0x3  }
0x33: {  	p0 =	seq.s32 s10, $0x1;
	s10 =	sld [smem:$0x3FB4];
	_ =	sdelay $0x3  }
0x34: {  	[smem:$0x3FB4] =	sst s10  }
0x35: {  	s10 =	sld [smem:$0x3FB3];
	_ =	sdelay $0x3  }
0x36: {  	p1 =	seq.s32 s10, $0x1;
	s10 =	sld [smem:$0x3FB4];
	_ =	sdelay $0x3  }
0x37: {  	[smem:$0x3FB4] =	sst s10  }
0x38: {  	s10 =	sld [smem:$0x3FB5]  }
0x39: {  	_ = 	snop;
	(pc) =	sbr.ind lr, $3  }
0x3a: {  	_ = 	snop  }
0x3b: {  	_ = 	snop  }
0x3c: {  	p2 =	seq.s32 s10, $0x1;
	s10 =	sld [smem:$0x3FB4]  }
0x3d: {  	_ =	shalt  }
0x3e: {  	_ =	shalt  }
0x3f: {  	_ =	shalt  }
0x40: {  	_ =	shalt  }
0x41: {  	_ =	shalt  }
0x42: {  	_ =	shalt  }
0x43: {  	_ =	shalt  }
0x44: {  	_ =	shalt  }
0x45: {  	_ =	shalt  }
0x46: {  	_ =	shalt  }
0x47: {  	_ =	shalt  }
0x48: {  	_ =	shalt  }
0x49: {  	_ =	shalt  }
0x4a: {  	_ =	shalt  }
0x4b: {  	_ =	shalt  }
0x4c: {  	_ =	shalt  }
0x4d: {  	_ =	shalt  }
0x4e: {  	_ =	shalt  }
0x4f: {  	_ =	shalt  }
0x50: {  	_ =	shalt  }
0x51: {  	_ =	shalt  }
0x52: {  	_ =	shalt  }
0x53: {  	_ =	shalt  }
0x54: {  	_ =	shalt  }
0x55: {  	_ =	shalt  }
0x56: {  	_ =	shalt  }
0x57: {  	_ =	shalt  }
0x58: {  	_ =	shalt  }
0x59: {  	_ =	shalt  }
0x5a: {  	_ =	shalt  }
0x5b: {  	_ =	shalt  }
0x5c: {  	_ =	shalt  }
0x5d: {  	_ =	shalt  }
0x5e: {  	_ =	shalt  }
0x5f: {  	_ =	shalt  }
0x60: {  	_ =	shalt  }
0x61: {  	_ =	shalt  }
0x62: {  	_ =	shalt  }
0x63: {  	_ =	shalt  }
0x64: {  	_ =	shalt  }
0x65: {  	_ =	shalt  }
0x66: {  	_ =	shalt  }
0x67: {  	_ =	shalt  }
0x68: {  	_ =	shalt  }
0x69: {  	_ =	shalt  }
0x6a: {  	_ =	shalt  }
0x6b: {  	_ =	shalt  }
0x6c: {  	_ =	shalt  }
0x6d: {  	_ =	shalt  }
0x6e: {  	_ =	shalt  }
0x6f: {  	_ =	shalt  }
0x70: {  	_ =	shalt  }
0x71: {  	_ =	shalt  }
0x72: {  	_ =	shalt  }
0x73: {  	_ =	shalt  }
0x74: {  	_ =	shalt  }
0x75: {  	_ =	shalt  }
0x76: {  	_ =	shalt  }
0x77: {  	_ =	shalt  }
0x78: {  	_ =	shalt  }
0x79: {  	_ =	shalt  }
0x7a: {  	_ =	shalt  }
0x7b: {  	_ =	shalt  }
0x7c: {  	_ =	shalt  }
0x7d: {  	_ =	shalt  }
0x7e: {  	_ =	shalt  }
0x7f: {  	_ =	shalt  }
0x80: {  	_ =	shalt  }
0x81: {  	_ =	shalt  }
0x82: {  	_ =	shalt  }
0x83: {  	_ =	shalt  }
0x84: {  	_ =	shalt  }
0x85: {  	_ =	shalt  }
0x86: {  	_ =	shalt  }
0x87: {  	_ =	shalt  }
.Lfunc_end0:
.L_simem_size_0:
called_computation.3_lowered:
.L_overlay_start_0:
0x88: {  	s2 =	sld [smem:$0x3FD9]  }
0x89: {  	s3 =	sld [smem:$0x3FFE];
	_ =	sdelay $0x1  }
0x8a: {  	s1 =	srdreg.scid  }
0x8b: {  	s0 =	sand.u32 $0x1, s1  }
0x8c: {  	s16 =	sshll.u32 s0, $0xA;
	s2 =	sadd.s32 s3, s2  }
0x8d: {  	s2 =	sadd.s32 s2, s16  }
0x8e: {  	[smem:$0x3FC0] =	sst s2  }
0x8f: {  	_ = 	snop  }
0x90: {  	(tm) =	ssettm $0x1  }
0x91: {  	s17 =	sld [smem:$0x3FFB];
	_ =	sdelay $0x3  }
0x92: {  	_ =	strace s17  }
0x93: {  	s2 =	sld [smem:$0x3FFC];
	_ =	sdelay $0x3  }
0x94: {  	_ =	strace s2  }
0x95: {  	s2 =	sld [smem:$0x3FFD];
	_ =	sdelay $0x3  }
0x96: {  	_ =	strace s2  }
0x97: {  	_ =	strace $0x8FFFFFFF  }
0x98: {  	s18 =	sld [smem:$0x3FDB];
	_ =	sdelay $0x1  }
0x99: {  	s19 =	simm.s32 $_scs_section_size  }
0x9a: {  	s4 =	simm.s32 $_size__tile_overlayer_lowered;
	s5 =	simm.s32 $_tile_overlayer_lowered  }
0x9b: {  	s22 =	simm.s32 $0x1BFF;
	s21 =	sshll.u32 s5, $0x1;
	s2 =	sadd.s32 s19, s18  }
0x9c: {  	s6 =	simm.s32 $0x0;
	s20 =	sshll.u32 s4, $0x1;
	s4 =	sadd.s32 s21, s2  }
0x9d: {  	[timem:s6], [sflag:s22] =	dma.local [hbm:s4], s20  }
0x9e: {  	_ =	swait.ge [sflag:s22], s20  }
0x9f: {  	s3 =	ssub.s32 $0x0, s20;
	[sflag:s22] =	ssyncset.done $0x0  }
0xa0: {  	[sflag:s22] =	ssyncadd.s32 s3;
	_ =	sdelay $0x1  }
0xa1: {  	s23 =	simm.s32 $0x1B8B  }
0xa2: {  	_ =	swait.ge [sflag:s23], $0x1  }
0xa3: {  	[sflag:s23] =	ssyncset.done $0x0  }
0xa4: {  	s25 =	simm.s32 $0x1B8E;
	s24 =	sld [smem:$0x3FFE];
	[sflag:s23] =	ssyncadd.s32 $0xFFFFFFFF  }
0xa5: {  	s26 =	simm.s32 $execute0_lowered;
	[smem:$0x3FD2] =	sst s25  }
0xa6: {  	s4 =	sshll.u32 s26, $0x1;
	_ =	strace $0x8000004F;
	[dreg:$0x1] =	wrdreg $0xFFFFFFFF  }
0xa7: {  	s28 =	simm.s32 $_size_execute0_lowered;
	s2 =	sadd.s32 s2, s4;
	[dreg:$0x0] =	wrdreg $0x0  }
0xa8: {  	s4 =	sshll.u32 s28, $0x1;
	[dreg:$0x2] =	wrdreg s2  }
0xa9: {  	[dreg:$0x3] =	wrdreg s4  }
0xaa: {  	[dreg:$0x4] =	wrdreg $0xC0  }
0xab: {  	_ =	task [dreg:s6], $0x5FFFF  }
0xac: {  	[dreg:$0x1] =	wrdreg $0xFFFFFFFF  }
0xad: {  	[dreg:$0x0] =	wrdreg $0x60  }
0xae: {  	[dreg:$0x2] =	wrdreg s24  }
0xaf: {  	[dreg:$0x3] =	wrdreg $0x3E800  }
0xb0: {  	[dreg:$0x4] =	wrdreg $0x9  }
0xb1: {  	_ =	task.clear_ibuf [dreg:s6], $0x5FFFF;
	_ =	strace $0x9000004F  }
0xb2: {  	s29 =	simm.s32 $0x9;
	_ =	strace $0x80000051  }
0xb3: {  	_ =	swait.ge [sflag:s29], $0x1  }
0xb4: {  	[sflag:s29] =	ssyncadd.s32 $0xFFFFFFFF  }
0xb5: {  	_ =	strace $0x90000051  }
0xb6: {  	_ =	sfence  }
0xb7: {  	s30 =	sld [smem:$0x0];
	_ =	sdelay $0x2  }
0xb8: {  	s31 =	sshll.u32 s1, $0xD;
	s1 =	sshrl.u32 s1, $0x2  }
0xb9: {  	s3 =	sand.u32 $0x4000, s31;
	s1 =	sadd.s32 s1, s30  }
0xba: {  	s0 =	sor.u32 s3, s0;
	s1 =	sshll.u32 s1, $0x11  }
0xbb: {  	s0 =	sor.u32 s1, s0  }
0xbc: {  	s0 =	sadd.s32 $0x8F2B, s0  }
0xbd: {  	[sflag:s0] =	ssyncadd.remote.s32 $0x1  }
0xbe: {  	_ =	sfence.sel $0xFFFF  }
0xbf: {  	[dreg:$0x0] =	wrdreg $0xFFFFFFFF;
	(pc) =	sbr.abs _section_cstart, $3  }
0xc0: {  	[dreg:$0x1] =	wrdreg $0xFFFFFFFF  }
0xc1: {  	_ =	task.clear_ibuf [dreg:s6], $0x2FFFF;
	_ =	strace $0x9FFFFFFF  }
0xc2: {  	(tm) =	ssettm $0x7FFFFFFF  }
0xc3: {  	_ =	shalt  }
tec
execute0_lowered:
.L_overlay_start_1:
0x0: {  	(tag) =	ssettag $0x1  }
0x1: {  	s0 =	rddreg [dreg:$0x0]  }
0x2: {  	s1 =	rddreg [dreg:$0x1];
	s2 =	srdreg.scid  }
0x3: {  	s3 =	simm.s32 $0x0;
	s7 =	stileid.u32;
	s30 =	simm.s32 $0x6590  }
0x4: {  	s18 =	simm.s32 $0x16;
	s21 =	simm.s32 $0x50;
	s10 =	simm.s32 $0xB  }
0x5: {  	s15 =	simm.s32 $0xC;
	s20 =	simm.s32 $0x10;
	s17 =	simm.s32 $0x11  }
0x6: {  	s22 =	simm.s32 $0x12;
	s23 =	simm.s32 $0x13;
	s11 =	simm.s32 $0x6F90  }
0x7: {  	s19 =	simm.s32 $0x7490;
	s12 =	simm.s32 $0x8890;
	s13 =	simm.s32 $0x8D90  }
0x8: {  	s2 =	sand.u32 $0x1, s2;
	[smem:$0x7FF] =	sst s3;
	s4 =	sadd.s32 $0x29E00, s0  }
0x9: {  	s8 =	sadd.s32 $0x2A00, s0;
	s9 =	sadd.s32 $0x16400, s0;
	s0 =	sadd.s32 $0x81E00, s0  }
0xa: {  	s28 =	smul.u32 $0x2800, s7;
	p0 =	seq.s32 s7, $0xF;
	s24 =	sshll.u32 s2, $0x4  }
0xb: {  	_ =	strace $0x80000050;
	s25 =	ssub.s32 $0x2, s2;
	s2 =	smul.u32 $0x27100, s2  }
0xc: {  	[dreg:$0x3] =	wrdreg s8;
	s3 =	sor.u32 s7, s24;
	s7 =	smul.u32 $0xA000, s7  }
0xd: {  	[dreg:$0x5] =	wrdreg s9;
	s5 =	sshrl.u32 s25, $0x1;
	s6 =	smul.u32 $0x4E20, s3  }
0xe: {  	s3 =	ssub.s32 s25, s5;
	s29 =	sadd.s32 s28, s2;
	s2 =	sshrl.u32 s2, $0x3  }
0xf: {  	s5 =	sadd.s32 s28, s1;
	s25 =	simm.s32 $0xA;
	s31 =	sshrl.u32 s7, $0x2  }
0x10: {  	s3 =	smax.u32 s3, $0x1;
	[dreg:$0x4] =	wrdreg s6;
	s6 =	sshrl.u32 s6, $0x3  }
0x11: {  	[dreg:$0xb] =	wrdreg s3;
	s26 =	sadd.s32 s8, s6;
	s6 =	sadd.s32 s9, s6  }
0x12: {  	s7 =	simm.s32 $0xF;
	[dreg:$0x7] =	wrdreg s6;
	s6 =	simm.s32 $0x5  }
0x13: {  	s3 =	simm.s32 $0x7990;
	s8 =	simm.s32 $0x7E90;
	s6 =	simm.s32 @!p0 $0x8  }
0x14: {  	s9 =	simm.s32 $0x8390;
	[dreg:$0x8] =	wrdreg s6;
	s6 =	sshrl.u32 s29, $0x3  }
0x15: {  	[dreg:$0x6] =	wrdreg s26;
	s6 =	sadd.s32 s0, s6;
	s0 =	sadd.s32 s0, s2  }
.Ltmp0:
0x16: {  	[dreg:$0x9] =	wrdreg s6;
	s0 =	sadd.s32 $0x4B00, s0;
	(pc) =	sbr.rel .LBB2_1-.Ltmp0, $4  }
0x17: {  	s2 =	sadd.s32 s31, s1;
	[dreg:$0xa] =	wrdreg s0;
	s0 =	sadd.s32 $0x25800, s1  }
0x18: {  	s26 =	simm.s32 $0x14;
	[dreg:$0xc] =	wrdreg s2;
	s0 =	sshrl.u32 @p0 s0, $0x3  }
0x19: {  	s6 =	simm.s32 $0xE;
	[dreg:$0xd] =	wrdreg s0;
	s0 =	sshrl.u32 @!p0 s5, $0x3  }
0x1a: {  	v0 =	vimm.f32 $0.0e+00;
	s2 =	simm.s32 $0x0;
	s5 =	simm.s32 $0xD;
	[dreg:$0xe] =	wrdreg s0  }
.LBB2_11:
0x1b: {  	[bflag:$0x0] =	sbarrier.arrive $0xFFFF  }
0x1c: {  	s16 =	rddreg [dreg:$0xa]  }
0x1d: {  	s0 =	simm.s32 @p0 $0x1FD6;
	s2 =	rddreg [dreg:$0xd]  }
0x1e: {  	[hbm:s16], [sflag:s0] =	dma.local @p0 [spmem:s2], $0x320  }
0x1f: {  	s0 =	simm.s32 @p0 $0x16  }
0x20: {  	s16 =	stileid.u32;
	_ =	swait.ge @p0 [sflag:s0], $0x320  }
0x21: {  	s16 =	sshll.u32 @!p0 s16, $0x6;
	[sflag:s0] =	ssyncset.done @p0 $0x0;
	s2 =	rddreg [dreg:$0xe]  }
0x22: {  	[sflag:s0] =	ssyncadd.s32 @p0 $0xFFFFFCE0;
	s0 =	sor.u32 @!p0 $0x1C16, s16;
	s16 =	rddreg [dreg:$0x9]  }
0x23: {  	[hbm:s16], [sflag:s0] =	dma.local @!p0 [spmem:s2], $0x500  }
0x24: {  	s0 =	simm.s32 @!p0 $0x16  }
0x25: {  	_ =	swait.ge @!p0 [sflag:s0], $0x500  }
0x26: {  	s29 =	rddreg [dreg:$0xf]  }
0x27: {  	s31 =	rddreg [dreg:$0xb];
	s2 =	sadd.s32 $0x1, s29  }
0x28: {  	p1 =	sne.s32 s2, s31  }
.Ltmp1:
0x29: {  	_ = 	snop;
	(pc) =	sbr.rel @!p1 .LBB2_12-.Ltmp1, $3  }
0x2a: {  	_ =	sdelay $0x1  }
0x2b: {  	[sflag:s0] =	ssyncset.done @!p0 $0x0  }
0x2c: {  	s30 =	simm.s32 $0x6590;
	[sflag:s0] =	ssyncadd.s32 @!p0 $0xFFFFFB00  }
.LBB2_1:
0x2d: {  	s0 =	simm.s32 $0x0;
	s16 =	rddreg [dreg:$0x6]  }
0x2e: {  	[tilespmem:s0], [sflag:$0x15] =	stream.linear.gather [hbm4b:s16+s0], $0xFA0, $0x38;
	[tilespmem:$0x9C90] =	vst v63  }
0x2f: {  	s31 =	rddreg [dreg:$0x7];
	s28 =	simm.s32 $0x1F40  }
0x30: {  	[tilespmem:s28], [sflag:$0x15] =	stream.linear.gather [hbm4b:s31+s0], $0xFA0, $0x38;
	[tilespmem:$0x9C90] =	vst v63  }
0x31: {  	s29 =	simm.s32 $0x0;
	s28 =	simm.s32 $0x40  }
.LBB2_2:
0x32: {  	p1 =	sne.s32 s28, $0x13C0;
	[tilespmem:s29+$0x6590] =	vst v0;
	s29 =	smov.u32 s28;
	s28 =	sadd.s32 $0x40, s28  }
.Ltmp2:
0x33: {  	(pc) =	sbr.rel @p1 .LBB2_2-.Ltmp2, $2  }
0x34: {  	_ =	sdelay $0x2  }
0x35: {  	s29 =	sshra.s32 s29, $0x2  }
0x36: {  	s0 =	rddreg [dreg:$0x8]  }
0x37: {  	p1 =	sne.s32 s0, $0x1  }
.Ltmp3:
0x38: {  	_ = 	snop;
	(pc) =	sbr.rel @!p1 .LBB2_5-.Ltmp3, $4  }
0x39: {  	[tilespmem:s29+$0x6590] =	vst v0;
	s29 =	rddreg [dreg:$0xc]  }
0x3a: {  	[spmem:s29] =	stream.linear.scatter [tilespmem:s30], [sflag:$0x16], $0x500, $0x38;
	[tilespmem:$0x9C90] =	vst v63  }
0x3b: {  	_ =	swait.ge [sflag:s18], $0x500  }
0x3c: {  	s28 =	sadd.s32 $0xFFFFFFFF, s0;
	[sflag:s18] =	ssyncset.done $0x0  }
.LBB2_4:
0x3d: {  	p1 =	sne.s32 s28, $0x1;
	[sflag:s18] =	ssyncadd.s32 $0xFFFFFB00;
	s29 =	sadd.s32 $0x500, s29  }
.Ltmp4:
0x3e: {  	s28 =	sadd.s32 $0xFFFFFFFF, s28;
	(pc) =	sbr.rel @p1 .LBB2_4-.Ltmp4, $4  }
0x3f: {  	_ = 	snop  }
0x40: {  	[spmem:s29] =	stream.linear.scatter [tilespmem:s30], [sflag:$0x16], $0x500, $0x38;
	[tilespmem:$0x9C90] =	vst v63  }
0x41: {  	_ =	swait.ge [sflag:s18], $0x500  }
0x42: {  	[sflag:s18] =	ssyncset.done $0x0  }
.LBB2_5:
.Ltmp5:
0x43: {  	(pc) =	sbr.rel .LBB2_8-.Ltmp5, $4  }
0x44: {  	_ = 	snop  }
0x45: {  	[dreg:$0xf] =	wrdreg s2;
	[sflag:s18] =	ssyncadd.s32 $0xFFFFFB00  }
0x46: {  	[bflag:$0x0] =	sbarrier.arrive $0xFFFF  }
0x47: {  	s28 =	simm.s32 $0x0;
	p1 =	por $0x0, $0x0  }
.LBB2_10:
0x48: {  	_ =	swait.ge [sflag:s15], $0x500  }
0x49: {  	[sflag:s15] =	ssyncset.done $0x0  }
0x4a: {  	[sflag:s15] =	ssyncadd.s32 $0xFFFFFB00  }
0x4b: {  	_ =	swait.ge [sflag:s5], $0x500  }
0x4c: {  	[sflag:s5] =	ssyncset.done $0x0  }
0x4d: {  	[sflag:s5] =	ssyncadd.s32 $0xFFFFFB00  }
0x4e: {  	_ =	swait.ge [sflag:s6], $0x500  }
0x4f: {  	[sflag:s6] =	ssyncset.done $0x0  }
0x50: {  	[sflag:s6] =	ssyncadd.s32 $0xFFFFFB00  }
0x51: {  	_ =	swait.ge [sflag:s7], $0x500  }
0x52: {  	[sflag:s7] =	ssyncset.done $0x0  }
0x53: {  	[sflag:s7] =	ssyncadd.s32 $0xFFFFFB00  }
0x54: {  	_ =	swait.ge [sflag:s20], $0x500  }
0x55: {  	[sflag:s20] =	ssyncset.done $0x0  }
0x56: {  	[sflag:s20] =	ssyncadd.s32 $0xFFFFFB00  }
0x57: {  	_ =	swait.ge [sflag:s17], $0x500  }
0x58: {  	[sflag:s17] =	ssyncset.done $0x0  }
0x59: {  	[sflag:s17] =	ssyncadd.s32 $0xFFFFFB00  }
0x5a: {  	_ =	swait.ge [sflag:s22], $0x500  }
0x5b: {  	[sflag:s22] =	ssyncset.done $0x0  }
0x5c: {  	[sflag:s22] =	ssyncadd.s32 $0xFFFFFB00  }
0x5d: {  	_ =	swait.ge [sflag:s23], $0x500  }
0x5e: {  	[sflag:s23] =	ssyncset.done $0x0  }
0x5f: {  	[sflag:s23] =	ssyncadd.s32 $0xFFFFFB00  }
0x60: {  	_ =	swait.ge [sflag:s26], $0x500  }
0x61: {  	[sflag:s26] =	ssyncset.done $0x0  }
0x62: {  	[sflag:s26] =	ssyncadd.s32 $0xFFFFFB00  }
.LBB2_7:
0x63: {  	s28 =	rddreg [dreg:$0x10]  }
0x64: {  	p2 =	seq.s32 s28, $0x5  }
.Ltmp6:
0x65: {  	_ = 	snop;
	(pc) =	sbr.rel @p2 .LBB2_11-.Ltmp6, $2  }
0x66: {  	_ =	sdelay $0x2  }
0x67: {  	p1 =	por !p1, !p1  }
.LBB2_8:
0x68: {  	s16 =	simm.s32 $0x15  }
0x69: {  	_ =	swait.ge [sflag:s16], $0xFA0  }
0x6a: {  	s0 =	sadd.s32 $0x1, s28;
	[sflag:s16] =	ssyncset.done $0x0  }
0x6b: {  	p2 =	seq.s32 s28, $0x4;
	[dreg:$0x10] =	wrdreg s0;
	[sflag:s16] =	ssyncadd.s32 $0xFFFFF060  }
0x6c: {  	s28 =	sand.u32 $0x1, s28;
	s29 =	smul.u32 @!p2 $0xFA0, s0;
	_ =	swait.ge [sflag:s16], $0xFA0  }
0x6d: {  	s30 =	sxor.u32 @!p2 $0x1, s28;
	s0 =	rddreg [dreg:$0x4]  }
0x6e: {  	s2 =	simm.s32 @!p2 $0x0;
	s30 =	smul.u32 @!p2 $0xFA0, s30;
	s29 =	sadd.s32 @!p2 s0, s29  }
0x6f: {  	[sflag:s16] =	ssyncset.done $0x0;
	s0 =	rddreg [dreg:$0x3];
	s29 =	sshrl.u32 @!p2 s29, $0x3  }
0x70: {  	[sflag:s16] =	ssyncadd.s32 $0xFFFFF060;
	s31 =	sadd.s32 @!p2 s0, s29;
	s0 =	rddreg [dreg:$0x5]  }
0x71: {  	[tilespmem:s30], [sflag:$0x15] =	stream.linear.gather @!p2 [hbm4b:s31+s2], $0xFA0, $0x38;
	[tilespmem:$0x9C90] =	vst v63  }
0x72: {  	s28 =	smul.u32 $0xFA0, s28;
	s30 =	sadd.s32 @!p2 $0x1F40, s30;
	s29 =	sadd.s32 @!p2 s0, s29  }
0x73: {  	[tilespmem:s30], [sflag:$0x15] =	stream.linear.gather @!p2 [hbm4b:s29+s2], $0xFA0, $0x38;
	[tilespmem:$0x9C90] =	vst v63  }
0x74: {  	s2 =	simm.s32 $0x6A90  }
0x75: {  	[tilespmem:s2], [sflag:$0x1] =	stream.indirect.gather [hbm4b:s4+s21], $0x10, s28, s21, $0xb8;
	[tilespmem:$0x9C90] =	vst v63  }
0x76: {  	s29 =	sadd.s32 $0x50, s28  }
0x77: {  	[tilespmem:s11], [sflag:$0x2] =	stream.indirect.gather [hbm4b:s4+s21], $0x10, s29, s21, $0xb8;
	[tilespmem:$0x9C90] =	vst v63  }
0x78: {  	s29 =	sadd.s32 $0xA0, s28  }
0x79: {  	[tilespmem:s19], [sflag:$0x3] =	stream.indirect.gather [hbm4b:s4+s21], $0x10, s29, s21, $0xb8;
	[tilespmem:$0x9C90] =	vst v63  }
0x7a: {  	s29 =	sadd.s32 $0xF0, s28  }
0x7b: {  	[tilespmem:s3], [sflag:$0x4] =	stream.indirect.gather [hbm4b:s4+s21], $0x10, s29, s21, $0xb8;
	[tilespmem:$0x9C90] =	vst v63  }
0x7c: {  	s29 =	sadd.s32 $0x140, s28  }
0x7d: {  	[tilespmem:s8], [sflag:$0x5] =	stream.indirect.gather [hbm4b:s4+s21], $0x10, s29, s21, $0xb8;
	[tilespmem:$0x9C90] =	vst v63  }
0x7e: {  	s29 =	sadd.s32 $0x190, s28  }
0x7f: {  	[tilespmem:s9], [sflag:$0x6] =	stream.indirect.gather [hbm4b:s4+s21], $0x10, s29, s21, $0xb8;
	[tilespmem:$0x9C90] =	vst v63  }
0x80: {  	s29 =	sadd.s32 $0x1E0, s28  }
0x81: {  	[tilespmem:s12], [sflag:$0x7] =	stream.indirect.gather [hbm4b:s4+s21], $0x10, s29, s21, $0xb8;
	[tilespmem:$0x9C90] =	vst v63  }
0x82: {  	s30 =	sadd.s32 $0x230, s28;
	s29 =	simm.s32 $0x1  }
0x83: {  	[tilespmem:s13], [sflag:$0x8] =	stream.indirect.gather [hbm4b:s4+s21], $0x10, s30, s21, $0xb8;
	[tilespmem:$0x9C90] =	vst v63  }
0x84: {  	s14 =	simm.s32 $0x9290;
	s29 =	simm.s32 @!p1 $0x0;
	s30 =	sadd.s32 $0x280, s28  }
0x85: {  	[tilespmem:s14], [sflag:$0x9] =	stream.indirect.gather [hbm4b:s4+s21], $0x10, s30, s21, $0xb8;
	[tilespmem:$0x9C90] =	vst v63  }
0x86: {  	s24 =	simm.s32 $0x9790;
	s29 =	smul.u32 $0x3E80, s29;
	s28 =	sadd.s32 $0x2D0, s28  }
0x87: {  	[tilespmem:s24], [sflag:$0xA] =	stream.indirect.gather [hbm4b:s4+s21], $0x10, s28, s21, $0xb8;
	[tilespmem:$0x9C90] =	vst v63  }
0x88: {  	s28 =	sshrl.u32 s29, $0x2  }
0x89: {  	s30 =	simm.s32 $0x0;
	s29 =	sadd.s32 $0x1F40, s28  }
.LBB2_9:
0x8a: {  	s0 =	simm.s32 $0x1  }
0x8b: {  	_ =	swait.ge [sflag:s0], $0x500  }
0x8c: {  	s31 =	sshra.s32 s30, $0x2;
	[sflag:s0] =	ssyncset.done $0x0  }
0x8d: {  	s16 =	simm.s32 $0x2;
	[sflag:s0] =	ssyncadd.s32 $0xFFFFFB00;
	s0 =	sadd.s32 s31, s29  }
0x8e: {  	[spmem:s1] =	stream.indirect.scatter.add.f32 [tilespmem:s2], [sflag:$0xB], $0x10, s0, s21, $0xb8;
	[tilespmem:$0x9C90] =	vst v63  }
0x8f: {  	_ =	swait.ge [sflag:s16], $0x500  }
0x90: {  	[sflag:s16] =	ssyncset.done $0x0  }
0x91: {  	[sflag:s16] =	ssyncadd.s32 $0xFFFFFB00;
	s16 =	sadd.s32 $0x50, s0  }
0x92: {  	[spmem:s1] =	stream.indirect.scatter.add.f32 [tilespmem:s11], [sflag:$0xC], $0x10, s16, s21, $0xb8;
	[tilespmem:$0x9C90] =	vst v63  }
0x93: {  	s16 =	simm.s32 $0x3  }
0x94: {  	_ =	swait.ge [sflag:s16], $0x500  }
0x95: {  	[sflag:s16] =	ssyncset.done $0x0  }
0x96: {  	[sflag:s16] =	ssyncadd.s32 $0xFFFFFB00;
	s16 =	sadd.s32 $0xA0, s0  }
0x97: {  	[spmem:s1] =	stream.indirect.scatter.add.f32 [tilespmem:s19], [sflag:$0xD], $0x10, s16, s21, $0xb8;
	[tilespmem:$0x9C90] =	vst v63  }
0x98: {  	s16 =	simm.s32 $0x4  }
0x99: {  	_ =	swait.ge [sflag:s16], $0x500  }
0x9a: {  	[sflag:s16] =	ssyncset.done $0x0  }
0x9b: {  	[sflag:s16] =	ssyncadd.s32 $0xFFFFFB00;
	s16 =	sadd.s32 $0xF0, s0  }
0x9c: {  	[spmem:s1] =	stream.indirect.scatter.add.f32 [tilespmem:s3], [sflag:$0xE], $0x10, s16, s21, $0xb8;
	[tilespmem:$0x9C90] =	vst v63  }
0x9d: {  	s16 =	simm.s32 $0x5  }
0x9e: {  	_ =	swait.ge [sflag:s16], $0x500  }
0x9f: {  	[sflag:s16] =	ssyncset.done $0x0  }
0xa0: {  	[sflag:s16] =	ssyncadd.s32 $0xFFFFFB00;
	s16 =	sadd.s32 $0x140, s0  }
0xa1: {  	[spmem:s1] =	stream.indirect.scatter.add.f32 [tilespmem:s8], [sflag:$0xF], $0x10, s16, s21, $0xb8;
	[tilespmem:$0x9C90] =	vst v63  }
0xa2: {  	s16 =	simm.s32 $0x6  }
0xa3: {  	_ =	swait.ge [sflag:s16], $0x500  }
0xa4: {  	[sflag:s16] =	ssyncset.done $0x0  }
0xa5: {  	[sflag:s16] =	ssyncadd.s32 $0xFFFFFB00;
	s16 =	sadd.s32 $0x190, s0  }
0xa6: {  	[spmem:s1] =	stream.indirect.scatter.add.f32 [tilespmem:s9], [sflag:$0x10], $0x10, s16, s21, $0xb8;
	[tilespmem:$0x9C90] =	vst v63  }
0xa7: {  	s16 =	simm.s32 $0x7  }
0xa8: {  	_ =	swait.ge [sflag:s16], $0x500  }
0xa9: {  	[sflag:s16] =	ssyncset.done $0x0  }
0xaa: {  	[sflag:s16] =	ssyncadd.s32 $0xFFFFFB00;
	s16 =	sadd.s32 $0x1E0, s0  }
0xab: {  	[spmem:s1] =	stream.indirect.scatter.add.f32 [tilespmem:s12], [sflag:$0x11], $0x10, s16, s21, $0xb8;
	[tilespmem:$0x9C90] =	vst v63  }
0xac: {  	s16 =	simm.s32 $0x8  }
0xad: {  	_ =	swait.ge [sflag:s16], $0x500  }
0xae: {  	[sflag:s16] =	ssyncset.done $0x0  }
0xaf: {  	[sflag:s16] =	ssyncadd.s32 $0xFFFFFB00;
	s16 =	sadd.s32 $0x230, s0  }
0xb0: {  	[spmem:s1] =	stream.indirect.scatter.add.f32 [tilespmem:s13], [sflag:$0x12], $0x10, s16, s21, $0xb8;
	[tilespmem:$0x9C90] =	vst v63  }
0xb1: {  	s16 =	simm.s32 $0x9  }
0xb2: {  	_ =	swait.ge [sflag:s16], $0x500  }
0xb3: {  	[sflag:s16] =	ssyncset.done $0x0  }
0xb4: {  	[sflag:s16] =	ssyncadd.s32 $0xFFFFFB00;
	s16 =	sadd.s32 $0x280, s0  }
0xb5: {  	[spmem:s1] =	stream.indirect.scatter.add.f32 [tilespmem:s14], [sflag:$0x13], $0x10, s16, s21, $0xb8;
	[tilespmem:$0x9C90] =	vst v63  }
0xb6: {  	_ =	swait.ge [sflag:s25], $0x500  }
0xb7: {  	p2 =	sne.s32 s30, $0x3200;
	[sflag:s25] =	ssyncset.done $0x0  }
.Ltmp7:
0xb8: {  	s0 =	sadd.s32 $0x2D0, s0;
	[sflag:s25] =	ssyncadd.s32 $0xFFFFFB00;
	(pc) =	sbr.rel @!p2 .LBB2_10-.Ltmp7, $4  }
0xb9: {  	[spmem:s1] =	stream.indirect.scatter.add.f32 [tilespmem:s24], [sflag:$0x14], $0x10, s0, s21, $0xb8;
	[tilespmem:$0x9C90] =	vst v63  }
0xba: {  	_ =	swait.ge [sflag:s10], $0x500  }
0xbb: {  	[sflag:s10] =	ssyncset.done $0x0  }
0xbc: {  	[sflag:s10] =	ssyncadd.s32 $0xFFFFFB00  }
0xbd: {  	s0 =	sadd.s32 s31, s28  }
0xbe: {  	s16 =	sadd.s32 $0x320, s0  }
0xbf: {  	[tilespmem:s2], [sflag:$0x1] =	stream.indirect.gather [hbm4b:s4+s21], $0x10, s16, s21, $0xb8;
	[tilespmem:$0x9C90] =	vst v63  }
0xc0: {  	_ =	swait.ge [sflag:s15], $0x500  }
0xc1: {  	[sflag:s15] =	ssyncset.done $0x0  }
0xc2: {  	s31 =	sadd.s32 $0x370, s0;
	[sflag:s15] =	ssyncadd.s32 $0xFFFFFB00  }
0xc3: {  	[tilespmem:s11], [sflag:$0x2] =	stream.indirect.gather [hbm4b:s4+s21], $0x10, s31, s21, $0xb8;
	[tilespmem:$0x9C90] =	vst v63  }
0xc4: {  	_ =	swait.ge [sflag:s5], $0x500  }
0xc5: {  	[sflag:s5] =	ssyncset.done $0x0  }
0xc6: {  	s31 =	sadd.s32 $0x3C0, s0;
	[sflag:s5] =	ssyncadd.s32 $0xFFFFFB00  }
0xc7: {  	[tilespmem:s19], [sflag:$0x3] =	stream.indirect.gather [hbm4b:s4+s21], $0x10, s31, s21, $0xb8;
	[tilespmem:$0x9C90] =	vst v63  }
0xc8: {  	_ =	swait.ge [sflag:s6], $0x500  }
0xc9: {  	[sflag:s6] =	ssyncset.done $0x0  }
0xca: {  	s31 =	sadd.s32 $0x410, s0;
	[sflag:s6] =	ssyncadd.s32 $0xFFFFFB00  }
0xcb: {  	[tilespmem:s3], [sflag:$0x4] =	stream.indirect.gather [hbm4b:s4+s21], $0x10, s31, s21, $0xb8;
	[tilespmem:$0x9C90] =	vst v63  }
0xcc: {  	_ =	swait.ge [sflag:s7], $0x500  }
0xcd: {  	[sflag:s7] =	ssyncset.done $0x0  }
0xce: {  	s31 =	sadd.s32 $0x460, s0;
	[sflag:s7] =	ssyncadd.s32 $0xFFFFFB00  }
0xcf: {  	[tilespmem:s8], [sflag:$0x5] =	stream.indirect.gather [hbm4b:s4+s21], $0x10, s31, s21, $0xb8;
	[tilespmem:$0x9C90] =	vst v63  }
0xd0: {  	_ =	swait.ge [sflag:s20], $0x500  }
0xd1: {  	[sflag:s20] =	ssyncset.done $0x0  }
0xd2: {  	s31 =	sadd.s32 $0x4B0, s0;
	[sflag:s20] =	ssyncadd.s32 $0xFFFFFB00  }
0xd3: {  	[tilespmem:s9], [sflag:$0x6] =	stream.indirect.gather [hbm4b:s4+s21], $0x10, s31, s21, $0xb8;
	[tilespmem:$0x9C90] =	vst v63  }
0xd4: {  	_ =	swait.ge [sflag:s17], $0x500  }
0xd5: {  	[sflag:s17] =	ssyncset.done $0x0  }
0xd6: {  	s31 =	sadd.s32 $0x500, s0;
	[sflag:s17] =	ssyncadd.s32 $0xFFFFFB00  }
0xd7: {  	[tilespmem:s12], [sflag:$0x7] =	stream.indirect.gather [hbm4b:s4+s21], $0x10, s31, s21, $0xb8;
	[tilespmem:$0x9C90] =	vst v63  }
0xd8: {  	_ =	swait.ge [sflag:s22], $0x500  }
0xd9: {  	[sflag:s22] =	ssyncset.done $0x0  }
0xda: {  	s31 =	sadd.s32 $0x550, s0;
	[sflag:s22] =	ssyncadd.s32 $0xFFFFFB00  }
0xdb: {  	[tilespmem:s13], [sflag:$0x8] =	stream.indirect.gather [hbm4b:s4+s21], $0x10, s31, s21, $0xb8;
	[tilespmem:$0x9C90] =	vst v63  }
0xdc: {  	_ =	swait.ge [sflag:s23], $0x500  }
0xdd: {  	s14 =	simm.s32 $0x9290;
	s30 =	sadd.s32 $0xC80, s30;
	[sflag:s23] =	ssyncset.done $0x0  }
0xde: {  	p2 =	seq.s32 s30, $0x3E80;
	s31 =	sadd.s32 $0x5A0, s0;
	[sflag:s23] =	ssyncadd.s32 $0xFFFFFB00  }
0xdf: {  	[tilespmem:s14], [sflag:$0x9] =	stream.indirect.gather [hbm4b:s4+s21], $0x10, s31, s21, $0xb8;
	[tilespmem:$0x9C90] =	vst v63  }
.Ltmp8:
0xe0: {  	_ = 	snop;
	(pc) =	sbr.rel @!p2 .LBB2_9-.Ltmp8, $4  }
.Ltmp9:
0xe1: {  	_ =	swait.ge [sflag:s26], $0x500;
	(pc) =	sbr.rel @p2 .LBB2_7-.Ltmp9, $4  }
0xe2: {  	[sflag:s26] =	ssyncset.done $0x0  }
0xe3: {  	s24 =	simm.s32 $0x9790;
	s0 =	sadd.s32 $0x5F0, s0;
	[sflag:s26] =	ssyncadd.s32 $0xFFFFFB00  }
0xe4: {  	[tilespmem:s24], [sflag:$0xA] =	stream.indirect.gather [hbm4b:s4+s21], $0x10, s0, s21, $0xb8;
	[tilespmem:$0x9C90] =	vst v63  }
0xe5: {  	_ = 	snop  }
.LBB2_12:
0xe6: {  	_ =	sfence.sel $0x180000  }
0xe7: {  	[bflag:$0x0] =	sbarrier.arrive $0xFFFF  }
0xe8: {  	_ =	strace $0x90000050  }
0xe9: {  	s0 =	stileid.u32;
	[bflag:$0x2] =	sbarrier.arrive $0xFFFF  }
0xea: {  	p0 =	sne.s32 s0, $0x0;
	s0 =	rddreg [dreg:$0x2]  }
0xeb: {  	s0 =	sadd.s32 @!p0 $0x100000, s0  }
0xec: {  	[sflag:s0] =	ssyncadd.tile.s32 @!p0 $0x1;
	_ =	shalt  }
.Lfunc_end2:
_tile_overlayer_lowered:
.L_overlay_start_2:
0xed: {  	(tag) =	ssettag $0x2  }
0xee: {  	s0 =	rddreg [dreg:$0x0];
	s2 =	stileid.u32  }
0xef: {  	s1 =	rddreg [dreg:$0x1];
	p0 =	sne.s32 s2, $0x0  }
0xf0: {  	s3 =	rddreg [dreg:$0x2];
	[bflag:$0x3] =	sbarrier.arrive $0xFFFF;
	s2 =	simm.s32 @!p0 $0x1C16  }
0xf1: {  	[timem:s3], [sflag:s2] =	dma.local @!p0 [hbm:s0], s1  }
0xf2: {  	s0 =	simm.s32 @!p0 $0x16  }
0xf3: {  	_ =	swait.ge @!p0 [sflag:s0], s1  }
0xf4: {  	s1 =	ssub.s32 @!p0 $0x0, s1;
	[sflag:s0] =	ssyncset.done @!p0 $0x0  }
0xf5: {  	[sflag:s0] =	ssyncadd.s32 @!p0 s1  }
0xf6: {  	[bflag:$0x3] =	sbarrier.arrive $0xFFFF  }
0xf7: {  	_ =	shalt  }

</sc_bundles>
